<compile_context>
chip_gen: v7x
topology: tpu7x:2x2x1
jax: 0.10.2.dev20260603
libtpu: 0.0.44.dev20260713+nightly
codegen_flags: <defaults>
</compile_context>

<pallas_src>
import functools

import jax
import jax.numpy as jnp
from jax import lax
from jax.experimental import pallas as pl
from jax.experimental.pallas import tpu as pltpu
from jax.experimental.pallas import tpu_sc as plsc

N = 4096
LAT = 128
HEADS = 2
DH = LAT // HEADS
TASKS = 8
BLK = 512
NBLK = N // BLK
BLKG = 1024
DHE = DH + 8
LOG2E = 1.4426950408889634
CH = 1024
NCH = N // CH
NEG = -1e30

_SC_CORES = 2
_SC_SUBCORES = 16
_NW = _SC_CORES * _SC_SUBCORES
BPW = N // _NW


def _full(shape):
    return pl.BlockSpec(shape, lambda i: tuple(0 for _ in shape))


def _rows(shape):
    return pl.BlockSpec(shape, lambda i: (i,) + tuple(0 for _ in shape[1:]))


_SMEM = pl.BlockSpec(memory_space=pltpu.SMEM)
_PARALLEL = pltpu.CompilerParams(dimension_semantics=("parallel",))


def _sc_permute(src, idx2d, direction):
    mesh = plsc.VectorSubcoreMesh(core_axis_name="c", subcore_axis_name="s",
                                  num_cores=_SC_CORES,
                                  num_subcores=_SC_SUBCORES)

    @functools.partial(
        pl.kernel, mesh=mesh,
        out_type=jax.ShapeDtypeStruct((N, LAT), jnp.float32),
        scratch_types=[pltpu.VMEM((BPW,), jnp.int32),
                       pltpu.VMEM((BPW, LAT), jnp.float32),
                       pltpu.SemaphoreType.DMA],
    )
    def k(src_hbm, idx_hbm, out_hbm, idx_v, rows_v, sem):
        wid = lax.axis_index("s") * _SC_CORES + lax.axis_index("c")
        base = wid * BPW
        pltpu.sync_copy(idx_hbm.at[wid], idx_v)
        if direction == "scatter":
            pltpu.sync_copy(src_hbm.at[pl.ds(base, BPW)], rows_v)
            pltpu.async_copy(rows_v, out_hbm.at[idx_v], sem).wait()
        else:
            pltpu.async_copy(src_hbm.at[idx_v], rows_v, sem).wait()
            pltpu.sync_copy(rows_v, out_hbm.at[pl.ds(base, BPW)])

    return k(src, idx2d)


def _set_mlp_body(xb, yb, w0x, w0y, b0, w1, b1, out):
    h = (jnp.dot(xb[...], w0x[...], preferred_element_type=jnp.float32)
         + jnp.dot(yb[...], w0y[...], preferred_element_type=jnp.float32)
         + b0[...])
    h = jnp.maximum(h, 0.0)
    out[...] = jnp.dot(h, w1[...], preferred_element_type=jnp.float32) + b1[...]


def _set_mlp(x, y, w0x, w0y, b0, w1, b1):
    return pl.pallas_call(
        _set_mlp_body,
        grid=(NBLK,),
        in_specs=[_rows((BLK, x.shape[1])), _rows((BLK, y.shape[1])),
                  _full(w0x.shape), _full(w0y.shape), _full((1, LAT)),
                  _full((LAT, LAT)), _full((1, LAT))],
        out_specs=_rows((BLK, LAT)),
        out_shape=jax.ShapeDtypeStruct((N, LAT), jnp.float32),
        compiler_params=_PARALLEL,
    )(x, y, w0x, w0y, b0, w1, b1)


def _pt_qkv_body(tfl, tfh, sb, labb, wq, wk, wv, qo, kto, vo, kacc, vacc):
    b = pl.program_id(0)
    tl = tfl[b]
    th = tfh[b]
    s = sb[...]
    lab = labb[...]
    oh = (lab == jax.lax.broadcasted_iota(jnp.int32, (1, TASKS), 1)
          ).astype(jnp.float32)
    qo[...] = jnp.zeros((BLK, LAT), jnp.float32)
    kacc[...] = jnp.zeros((BLK, LAT), jnp.float32)
    vacc[...] = jnp.zeros((BLK, LAT), jnp.float32)
    for t in range(TASKS):
        @pl.when((t >= tl) & (t <= th))
        def _(t=t):
            m = oh[:, t:t + 1]
            qo[...] += m * jnp.dot(s, wq[t], preferred_element_type=jnp.float32)
            kacc[...] += m * jnp.dot(s, wk[t], preferred_element_type=jnp.float32)
            vacc[...] += m * jnp.dot(s, wv[t], preferred_element_type=jnp.float32)
    kto[0] = kacc[...].T
    ones = jnp.ones((BLK, 8), jnp.float32)
    v = vacc[...]
    vo[0] = jnp.concatenate([v[:, :DH], ones], axis=1)
    vo[1] = jnp.concatenate([v[:, DH:], ones], axis=1)


def _pt_qkv(s, lab_col, tfl, tfh, wq, wk, wv):
    out = jax.ShapeDtypeStruct((N, LAT), jnp.float32)
    out_kt = jax.ShapeDtypeStruct((NCH, LAT, CH), jnp.float32)
    out_v = jax.ShapeDtypeStruct((HEADS, N, DHE), jnp.float32)
    cpb = CH // BLK
    return pl.pallas_call(
        _pt_qkv_body,
        grid=(NBLK,),
        in_specs=[_SMEM, _SMEM, _rows((BLK, LAT)), _rows((BLK, 1)),
                  _full((TASKS, LAT, LAT)), _full((TASKS, LAT, LAT)),
                  _full((TASKS, LAT, LAT))],
        out_specs=[_rows((BLK, LAT)),
                   pl.BlockSpec((1, LAT, BLK),
                                lambda i: (i // cpb, 0, i % cpb)),
                   pl.BlockSpec((HEADS, BLK, DHE), lambda i: (0, i, 0))],
        out_shape=[out, out_kt, out_v],
        scratch_shapes=[pltpu.VMEM((BLK, LAT), jnp.float32),
                        pltpu.VMEM((BLK, LAT), jnp.float32)],
        compiler_params=_PARALLEL,
    )(tfl, tfh, s, lab_col, wq, wk, wv)


def _pt_attn_body(tfl, tfh, blo, bhi, sb, qb, labb, labch, kf, vf,
                  wo, gamma, beta, out, acc_ref, m_ref, l_ref, proj_ref):
    b = pl.program_id(0)
    lo = blo[b]
    hi = bhi[b]
    tl = tfl[b]
    th = tfh[b]
    q = qb[...]
    lab = labb[...]
    j0 = b // (CH // BLK)
    madd0 = jnp.where(lab == labch[j0], 0.0, NEG)
    kt0 = kf[j0]
    for h in range(HEADS):
        qh = q[:, h * DH:(h + 1) * DH] * (0.125 * LOG2E)
        logits = lax.dot_general(
            qh, kt0[h * DH:(h + 1) * DH, :], (((1,), (0,)), ((), ())),
            preferred_element_type=jnp.float32) + madd0
        m = jnp.max(logits, 1, keepdims=True)
        p = jnp.exp2(logits - m)
        m_ref[:, h:h + 1] = m
        avd = jnp.dot(p, vf[h, pl.ds(j0 * CH, CH), :],
                      preferred_element_type=jnp.float32)
        l_ref[:, h:h + 1] = avd[:, DH:DH + 1]
        acc_ref[:, h * DH:(h + 1) * DH] = avd[:, :DH]
    for j in range(NCH):
        @pl.when((j >= lo) & (j <= hi) & (j != j0))
        def _(j=j):
            madd = jnp.where(lab == labch[j], 0.0, NEG)
            for h in range(HEADS):
                qh = q[:, h * DH:(h + 1) * DH] * (0.125 * LOG2E)
                kth = kf[j, h * DH:(h + 1) * DH, :]
                logits = lax.dot_general(
                    qh, kth, (((1,), (0,)), ((), ())),
                    preferred_element_type=jnp.float32) + madd
                mprev = m_ref[:, h:h + 1]
                mnew = jnp.maximum(mprev, jnp.max(logits, 1, keepdims=True))
                p = jnp.exp2(logits - mnew)
                scale = jnp.exp2(mprev - mnew)
                avd = jnp.dot(p, vf[h, j * CH:(j + 1) * CH, :],
                              preferred_element_type=jnp.float32)
                l_ref[:, h:h + 1] = (l_ref[:, h:h + 1] * scale
                                     + avd[:, DH:DH + 1])
                acc_ref[:, h * DH:(h + 1) * DH] = (
                    acc_ref[:, h * DH:(h + 1) * DH] * scale + avd[:, :DH])
                m_ref[:, h:h + 1] = mnew
    denom = jnp.concatenate(
        [jnp.broadcast_to(l_ref[:, h:h + 1], (BLK, DH)) for h in range(HEADS)],
        axis=1)
    o = acc_ref[...] / denom
    oh = (lab == jax.lax.broadcasted_iota(jnp.int32, (1, TASKS), 1)
          ).astype(jnp.float32)
    proj_ref[...] = jnp.zeros((BLK, LAT), jnp.float32)
    for t in range(TASKS):
        @pl.when((t >= tl) & (t <= th))
        def _(t=t):
            proj_ref[...] += oh[:, t:t + 1] * jnp.dot(
                o, wo[t], preferred_element_type=jnp.float32)
    gamma_b = jnp.dot(oh, gamma[...], preferred_element_type=jnp.float32)
    beta_b = jnp.dot(oh, beta[...], preferred_element_type=jnp.float32)
    hr = sb[...] + proj_ref[...]
    mu = jnp.mean(hr, axis=1, keepdims=True)
    var = jnp.mean((hr - mu) ** 2, axis=1, keepdims=True)
    out[...] = (hr - mu) * lax.rsqrt(var + 1e-5) * gamma_b + beta_b


def _pt_attn_body_fused(tfl, tfh, blo, bhi, sb, qb, labb, labch, kf, vf,
                        wo, gamma, beta, gwq, gwk, gwv,
                        out, qo2, kto2, vo2,
                        acc_ref, m_ref, l_ref, proj_ref):
    _pt_attn_body(tfl, tfh, blo, bhi, sb, qb, labb, labch, kf, vf,
                  wo, gamma, beta, out, acc_ref, m_ref, l_ref, proj_ref)
    res = out[...]
    qo2[...] = jnp.dot(res, gwq[...], preferred_element_type=jnp.float32)
    kto2[...] = jnp.dot(res, gwk[...], preferred_element_type=jnp.float32).T
    v2 = jnp.dot(res, gwv[...], preferred_element_type=jnp.float32)
    ones = jnp.ones((BLK, 8), jnp.float32)
    vo2[0] = jnp.concatenate([v2[:, :DH], ones], axis=1)
    vo2[1] = jnp.concatenate([v2[:, DH:], ones], axis=1)


def _pt_attn_layer(s, lab_col, lab_chunks, tfl, tfh, blo, bhi,
                   wq, wk, wv, wo, gamma, beta, fuse_w=None):
    q, k, v = _pt_qkv(s, lab_col, tfl, tfh, wq, wk, wv)
    out = jax.ShapeDtypeStruct((N, LAT), jnp.float32)
    in_specs = [_SMEM, _SMEM, _SMEM, _SMEM,
                _rows((BLK, LAT)), _rows((BLK, LAT)), _rows((BLK, 1)),
                _full((NCH, 1, CH)), _full((NCH, LAT, CH)),
                _full((HEADS, N, DHE)),
                _full((TASKS, LAT, LAT)), _full((TASKS, LAT)),
                _full((TASKS, LAT))]
    scratch = [pltpu.VMEM((BLK, LAT), jnp.float32),
               pltpu.VMEM((BLK, HEADS), jnp.float32),
               pltpu.VMEM((BLK, HEADS), jnp.float32),
               pltpu.VMEM((BLK, LAT), jnp.float32)]
    args = (tfl, tfh, blo, bhi, s, q, lab_col, lab_chunks, k, v,
            wo, gamma, beta)
    if fuse_w is None:
        return pl.pallas_call(
            _pt_attn_body,
            grid=(NBLK,),
            in_specs=in_specs,
            out_specs=_rows((BLK, LAT)),
            out_shape=out,
            scratch_shapes=scratch,
            compiler_params=_PARALLEL,
        )(*args)
    return pl.pallas_call(
        _pt_attn_body_fused,
        grid=(NBLK,),
        in_specs=in_specs + [_full((LAT, LAT))] * 3,
        out_specs=[_rows((BLK, LAT)), _rows((BLK, LAT)),
                   pl.BlockSpec((LAT, BLK), lambda i: (0, i)),
                   pl.BlockSpec((HEADS, BLK, DHE), lambda i: (0, i, 0))],
        out_shape=[out, out,
                   jax.ShapeDtypeStruct((LAT, N), jnp.float32),
                   jax.ShapeDtypeStruct((HEADS, N, DHE), jnp.float32)],
        scratch_shapes=scratch,
        compiler_params=_PARALLEL,
    )(*(args + tuple(fuse_w)))


def _g_attn_body(sb, qb, ktf, vf, wo, gamma, beta, out):
    q = qb[...]
    kt = ktf[...]
    outs = []
    for h in range(HEADS):
        qh = q[:, h * DH:(h + 1) * DH] * (0.125 * LOG2E)
        kth = kt[h * DH:(h + 1) * DH, :]
        logits = lax.dot_general(
            qh, kth, (((1,), (0,)), ((), ())),
            preferred_element_type=jnp.float32)
        m = jnp.max(logits, axis=1, keepdims=True)
        e = jnp.exp2(logits - m)
        avd = jnp.dot(e, vf[h], preferred_element_type=jnp.float32)
        outs.append(avd[:, :DH] / avd[:, DH:DH + 1])
    o = jnp.concatenate(outs, axis=1)
    proj = jnp.dot(o, wo[...], preferred_element_type=jnp.float32)
    hr = sb[...] + proj
    mu = jnp.mean(hr, axis=1, keepdims=True)
    var = jnp.mean((hr - mu) ** 2, axis=1, keepdims=True)
    out[...] = (hr - mu) * lax.rsqrt(var + 1e-5) * gamma[...] + beta[...]


def _g_attn_body_fused(sb, qb, ktf, vf, wo, gamma, beta, gwq, gwk, gwv,
                       out, qo2, kto2, vo2):
    _g_attn_body(sb, qb, ktf, vf, wo, gamma, beta, out)
    res = out[...]
    qo2[...] = jnp.dot(res, gwq[...], preferred_element_type=jnp.float32)
    kto2[...] = jnp.dot(res, gwk[...], preferred_element_type=jnp.float32).T
    v2 = jnp.dot(res, gwv[...], preferred_element_type=jnp.float32)
    ones = jnp.ones((BLKG, 8), jnp.float32)
    vo2[0] = jnp.concatenate([v2[:, :DH], ones], axis=1)
    vo2[1] = jnp.concatenate([v2[:, DH:], ones], axis=1)


def _g_attn_call(s, q, kt, v, wo, gamma, beta, fuse_w=None):
    out = jax.ShapeDtypeStruct((N, LAT), jnp.float32)
    in_specs = [_rows((BLKG, LAT)), _rows((BLKG, LAT)),
                _full((LAT, N)), _full((HEADS, N, DHE)),
                _full((LAT, LAT)), _full((1, LAT)), _full((1, LAT))]
    if fuse_w is None:
        return pl.pallas_call(
            _g_attn_body,
            grid=(N // BLKG,),
            in_specs=in_specs,
            out_specs=_rows((BLKG, LAT)),
            out_shape=out,
            compiler_params=_PARALLEL,
        )(s, q, kt, v, wo, gamma, beta)
    return pl.pallas_call(
        _g_attn_body_fused,
        grid=(N // BLKG,),
        in_specs=in_specs + [_full((LAT, LAT))] * 3,
        out_specs=[_rows((BLKG, LAT)), _rows((BLKG, LAT)),
                   pl.BlockSpec((LAT, BLKG), lambda i: (0, i)),
                   pl.BlockSpec((HEADS, BLKG, DHE), lambda i: (0, i, 0))],
        out_shape=[out, out,
                   jax.ShapeDtypeStruct((LAT, N), jnp.float32),
                   jax.ShapeDtypeStruct((HEADS, N, DHE), jnp.float32)],
        compiler_params=_PARALLEL,
    )(s, q, kt, v, wo, gamma, beta, *fuse_w)


def _head_body(tf, w0, b0, w1, b1, wmu, bmu, wsig, bsig, muo, sigo):
    m = jnp.mean(tf[...], axis=0, keepdims=True)
    h = jnp.maximum(jnp.dot(m, w0[...], preferred_element_type=jnp.float32)
                    + b0[...], 0.0)
    h = jnp.dot(h, w1[...], preferred_element_type=jnp.float32) + b1[...]
    muo[...] = jnp.dot(h, wmu[...], preferred_element_type=jnp.float32) + bmu[...]
    z = jnp.dot(h, wsig[...], preferred_element_type=jnp.float32) + bsig[...]
    sigo[...] = 0.1 + 0.9 * jax.nn.sigmoid(z)


def _head(t, w0, b0, w1, b1, wmu, bmu, wsig, bsig):
    out = jax.ShapeDtypeStruct((1, LAT), jnp.float32)
    return pl.pallas_call(
        _head_body,
        grid=(1,),
        in_specs=[_full((N, LAT))] + [_full((LAT, LAT)), _full((1, LAT))] * 4,
        out_specs=[_full((1, LAT))] * 2,
        out_shape=[out, out],
    )(t, w0, b0, w1, b1, wmu, bmu, wsig, bsig)


def kernel(x, y, task_labels, set_W0, set_b0, set_W1, set_b1,
           pt_Wq, pt_Wk, pt_Wv, pt_Wo, pt_gamma, pt_beta,
           g_Wq, g_Wk, g_Wv, g_Wo, g_gamma, g_beta,
           am_W0, am_b0, am_W1, am_b1, am_Wmu, am_bmu, am_Wsig, am_bsig):
    r = lambda b: b.reshape(1, LAT)

    lab = task_labels.astype(jnp.int32)
    tids = jnp.arange(TASKS, dtype=jnp.int32)
    oh = (lab[:, None] == tids[None, :]).astype(jnp.int32)
    counts = oh.sum(0)
    ends = jnp.cumsum(counts)
    starts = ends - counts
    cc = jnp.cumsum(oh, axis=0)
    rank = ((oh * starts[None, :]).sum(1) + (oh * cc).sum(1) - 1
            ).astype(jnp.int32)
    pos = jnp.arange(N, dtype=jnp.int32)
    lab_sorted = (pos[:, None] >= ends[None, :]).sum(1).astype(jnp.int32)
    lab_col = lab_sorted.reshape(N, 1)
    lab_chunks = lab_sorted.reshape(NCH, 1, CH)
    tfl = lab_sorted[::BLK]
    tfh = lab_sorted[BLK - 1::BLK]
    ohl = (tfl[:, None] == tids[None, :]).astype(jnp.int32)
    ohh = (tfh[:, None] == tids[None, :]).astype(jnp.int32)
    kstart = (ohl * starts[None, :]).sum(1)
    kend = (ohh * ends[None, :]).sum(1)
    blo = (kstart // CH).astype(jnp.int32)
    bhi = ((kend - 1) // CH).astype(jnp.int32)
    idx2d = rank.reshape(_NW, BPW)

    s = _set_mlp(x, y, set_W0[:x.shape[1]], set_W0[x.shape[1]:],
                 r(set_b0), set_W1, r(set_b1))

    sl = _sc_permute(s, idx2d, "scatter")
    sl = _pt_attn_layer(sl, lab_col, lab_chunks, tfl, tfh, blo, bhi,
                        pt_Wq[:, 0], pt_Wk[:, 0], pt_Wv[:, 0],
                        pt_Wo[:, 0], pt_gamma[:, 0], pt_beta[:, 0])
    sl, gq, gkt, gv = _pt_attn_layer(
        sl, lab_col, lab_chunks, tfl, tfh, blo, bhi,
        pt_Wq[:, 1], pt_Wk[:, 1], pt_Wv[:, 1],
        pt_Wo[:, 1], pt_gamma[:, 1], pt_beta[:, 1],
        fuse_w=(g_Wq[0], g_Wk[0], g_Wv[0]))

    t, gq2, gkt2, gv2 = _g_attn_call(
        sl, gq, gkt, gv, g_Wo[0], r(g_gamma[0]), r(g_beta[0]),
        fuse_w=(g_Wq[1], g_Wk[1], g_Wv[1]))
    t = _g_attn_call(t, gq2, gkt2, gv2, g_Wo[1], r(g_gamma[1]), r(g_beta[1]))

    mu, sig = _head(t, am_W0, r(am_b0), am_W1, r(am_b1),
                    am_Wmu, r(am_bmu), am_Wsig, r(am_bsig))
    s_local = _sc_permute(sl, idx2d, "gather")
    temp = _sc_permute(t, idx2d, "gather")
    return mu.reshape(LAT), sig.reshape(LAT), s_local, temp

# --- scband reference (transcript-rebuilt; emitter-appended) ---
"""Pipeline reference for scband-latent-encoder-16123307229383 (READ-ONLY COPY).

The authoritative reference and input builder live on the scoring server;
editing this copy changes nothing except your own understanding.
"""

import jax, jax.numpy as jnp
import numpy as np

N = 4096
INPUT_DIM = 512
NUM_CLASSES = 16
LATENT = 128
NUM_LAYERS = 2
NUM_HEADS = 2
NUM_TASKS = 8


def _mlp(h, Ws, bs):
    for i in range(len(Ws)):
        h = h @ Ws[i] + bs[i]
        if i < len(Ws) - 1:
            h = jax.nn.relu(h)
    return h


def _attn(q, k, v, Wq, Wk, Wv, Wo, gamma, beta, mask=None):
    n, d = q.shape
    dh = d // NUM_HEADS
    Q = (q @ Wq).reshape(n, NUM_HEADS, dh).transpose(1, 0, 2)
    K = (k @ Wk).reshape(n, NUM_HEADS, dh).transpose(1, 0, 2)
    V = (v @ Wv).reshape(n, NUM_HEADS, dh).transpose(1, 0, 2)
    logits = jnp.einsum('hqd,hkd->hqk', Q, K) / jnp.sqrt(dh)
    if mask is not None:
        logits = jnp.where(mask[None, None, :], logits, -jnp.inf)
    A = jax.nn.softmax(logits, axis=-1)
    O = jnp.einsum('hqk,hkd->hqd', A, V).transpose(1, 0, 2).reshape(n, d) @ Wo
    h = q + O
    mu = h.mean(-1, keepdims=True)
    var = ((h - mu) ** 2).mean(-1, keepdims=True)
    return (h - mu) / jnp.sqrt(var + 1e-5) * gamma + beta


def setup_inputs(seed: int = 0):
    key = jax.random.key(seed)
    k = lambda i: jax.random.fold_in(key, i)
    inp = {}
    inp['x'] = jax.random.normal(k(0), (N, INPUT_DIM), jnp.float32)
    inp['y'] = jax.random.normal(k(1), (N, NUM_CLASSES), jnp.float32)
    inp['task_labels'] = jax.random.randint(k(2), (N,), 0, NUM_TASKS, dtype=jnp.int32)
    s0 = 1.0 / np.sqrt(INPUT_DIM + NUM_CLASSES)
    s1 = 1.0 / np.sqrt(LATENT)
    inp['set_W0'] = jax.random.normal(k(3), (INPUT_DIM + NUM_CLASSES, LATENT), jnp.float32) * s0
    inp['set_b0'] = jnp.zeros((LATENT,), jnp.float32)
    inp['set_W1'] = jax.random.normal(k(4), (LATENT, LATENT), jnp.float32) * s1
    inp['set_b1'] = jnp.zeros((LATENT,), jnp.float32)
    for j, nm in enumerate(['pt_Wq', 'pt_Wk', 'pt_Wv', 'pt_Wo']):
        inp[nm] = jax.random.normal(k(5 + j), (NUM_TASKS, NUM_LAYERS, LATENT, LATENT), jnp.float32) * s1
    inp['pt_gamma'] = jnp.ones((NUM_TASKS, NUM_LAYERS, LATENT), jnp.float32)
    inp['pt_beta'] = jnp.zeros((NUM_TASKS, NUM_LAYERS, LATENT), jnp.float32)
    for j, nm in enumerate(['g_Wq', 'g_Wk', 'g_Wv', 'g_Wo']):
        inp[nm] = jax.random.normal(k(9 + j), (NUM_LAYERS, LATENT, LATENT), jnp.float32) * s1
    inp['g_gamma'] = jnp.ones((NUM_LAYERS, LATENT), jnp.float32)
    inp['g_beta'] = jnp.zeros((NUM_LAYERS, LATENT), jnp.float32)
    inp['am_W0'] = jax.random.normal(k(13), (LATENT, LATENT), jnp.float32) * s1
    inp['am_b0'] = jnp.zeros((LATENT,), jnp.float32)
    inp['am_W1'] = jax.random.normal(k(14), (LATENT, LATENT), jnp.float32) * s1
    inp['am_b1'] = jnp.zeros((LATENT,), jnp.float32)
    inp['am_Wmu'] = jax.random.normal(k(15), (LATENT, LATENT), jnp.float32) * s1
    inp['am_bmu'] = jnp.zeros((LATENT,), jnp.float32)
    inp['am_Wsig'] = jax.random.normal(k(16), (LATENT, LATENT), jnp.float32) * s1
    inp['am_bsig'] = jnp.zeros((LATENT,), jnp.float32)
    return inp


def reference(x, y, task_labels, set_W0, set_b0, set_W1, set_b1, pt_Wq, pt_Wk, pt_Wv, pt_Wo, pt_gamma, pt_beta, g_Wq, g_Wk, g_Wv, g_Wo, g_gamma, g_beta, am_W0, am_b0, am_W1, am_b1, am_Wmu, am_bmu, am_Wsig, am_bsig):
    d = jnp.concatenate([x, y], axis=-1)
    s = _mlp(d, [set_W0, set_W1], [set_b0, set_b1])
    temp = jnp.zeros_like(s)
    for label in range(NUM_TASKS):
        mask = task_labels == label
        sl = s
        for l in range(NUM_LAYERS):
            sl = _attn(sl, sl, sl, pt_Wq[label, l], pt_Wk[label, l], pt_Wv[label, l], pt_Wo[label, l], pt_gamma[label, l], pt_beta[label, l], mask=mask)
        temp = jnp.where(mask[:, None], sl, temp)
    s_local = temp
    for l in range(NUM_LAYERS):
        temp = _attn(temp, temp, temp, g_Wq[l], g_Wk[l], g_Wv[l], g_Wo[l], g_gamma[l], g_beta[l])
    h = _mlp(temp.mean(0), [am_W0, am_W1], [am_b0, am_b1])
    q_mu = h @ am_Wmu + am_bmu
    q_sigma = 0.1 + 0.9 * jax.nn.sigmoid(h @ am_Wsig + am_bsig)
    return (q_mu, q_sigma, s_local, temp)

if __name__ == "__main__":
    import jax
    _d = setup_inputs()
    print(jax.jit(kernel)(*tuple(_d.values())))

</pallas_src>

<mosaic_0001>
#map = affine_map<(d0, d1) -> (0, 0)>
module attributes {stable_mosaic.version = 14 : i64} {
  func.func @k(%arg0: i32, %arg1: i32, %arg2: memref<4096x128xf32, #tpu.memory_space<hbm>>, %arg3: memref<32x128xi32, #tpu.memory_space<hbm>>, %arg4: memref<4096x128xf32, #tpu.memory_space<hbm>>, %arg5: memref<128xi32, #tpu.memory_space<vmem>>, %arg6: memref<128x128xf32, #tpu.memory_space<vmem>>, %arg7: memref<!tpu.dma_semaphore, #tpu.memory_space<semaphore_mem>>) attributes {dimension_semantics = [#tpu.dimension_semantics<core_parallel>, #tpu.dimension_semantics<subcore_parallel>], iteration_bounds = array<i64: 2, 16>, scalar_prefetch = 0 : i64, scratch_operands = 3 : i64, tpu.core_type = #tpu.core_type<sc_vector_subcore>, window_params = [{transform_indices = #map}, {transform_indices = #map}, {transform_indices = #map}]} {
    %mul3A = arith.constant 2 : i32
    %mul3A_0 = arith.muli %arg1, %mul3A : i32
    %add3A = arith.addi %mul3A_0, %arg0 : i32
    %mul3A_1 = arith.constant 128 : i32
    %mul3A_2 = arith.muli %add3A, %mul3A_1 : i32
    "tpu.region"() ({
      %run_scoped3A = tpu.sem_alloc : memref<!tpu.dma_semaphore, #tpu.memory_space<semaphore_mem>>
      %dma_start3A_7 = arith.constant 0 : i32
      %dma_start3A_8 = tpu.memref_slice %arg3[%add3A, %dma_start3A_7] : memref<32x128xi32, #tpu.memory_space<hbm>> -> memref<1x128xi32, #tpu.memory_space<hbm>>
      %dma_start3A_9 = tpu.memref_squeeze %dma_start3A_8 : memref<1x128xi32, #tpu.memory_space<hbm>> -> memref<128xi32, #tpu.memory_space<hbm>>
      %dma_start3A_10 = arith.constant 0 : i32
      %dma_start3A_11 = tpu.memref_slice %arg3[%add3A, %dma_start3A_10] : memref<32x128xi32, #tpu.memory_space<hbm>> -> memref<1x128xi32, #tpu.memory_space<hbm>>
      %dma_start3A_12 = tpu.memref_squeeze %dma_start3A_11 : memref<1x128xi32, #tpu.memory_space<hbm>> -> memref<128xi32, #tpu.memory_space<hbm>>
      tpu.enqueue_dma source(%dma_start3A_12 : memref<128xi32, #tpu.memory_space<hbm>>) target(%arg5 : memref<128xi32, #tpu.memory_space<vmem>>) target_semaphore(%run_scoped3A : memref<!tpu.dma_semaphore, #tpu.memory_space<semaphore_mem>>)
      %dma_wait3A_13 = arith.constant 0 : i32
      %dma_wait3A_14 = tpu.memref_slice %arg3[%add3A, %dma_wait3A_13] : memref<32x128xi32, #tpu.memory_space<hbm>> -> memref<1x128xi32, #tpu.memory_space<hbm>>
      %dma_wait3A_15 = tpu.memref_squeeze %dma_wait3A_14 : memref<1x128xi32, #tpu.memory_space<hbm>> -> memref<128xi32, #tpu.memory_space<hbm>>
      %dma_wait3A_16 = arith.constant 0 : i32
      %dma_wait3A_17 = tpu.memref_slice %arg3[%add3A, %dma_wait3A_16] : memref<32x128xi32, #tpu.memory_space<hbm>> -> memref<1x128xi32, #tpu.memory_space<hbm>>
      %dma_wait3A_18 = tpu.memref_squeeze %dma_wait3A_17 : memref<1x128xi32, #tpu.memory_space<hbm>> -> memref<128xi32, #tpu.memory_space<hbm>>
      tpu.wait_dma2 semaphore(%run_scoped3A : memref<!tpu.dma_semaphore, #tpu.memory_space<semaphore_mem>>) src(%dma_wait3A_18 : memref<128xi32, #tpu.memory_space<hbm>>) dst(%arg5 : memref<128xi32, #tpu.memory_space<vmem>>)
      tpu.yield
    }) : () -> ()
    "tpu.region"() ({
      %run_scoped3A = tpu.sem_alloc : memref<!tpu.dma_semaphore, #tpu.memory_space<semaphore_mem>>
      %dma_start3A_7 = arith.constant 0 : i32
      %dma_start3A_8 = tpu.memref_slice %arg2[%mul3A_2, %dma_start3A_7] : memref<4096x128xf32, #tpu.memory_space<hbm>> -> memref<128x128xf32, #tpu.memory_space<hbm>>
      %dma_start3A_9 = arith.constant 0 : i32
      %dma_start3A_10 = tpu.memref_slice %arg2[%mul3A_2, %dma_start3A_9] : memref<4096x128xf32, #tpu.memory_space<hbm>> -> memref<128x128xf32, #tpu.memory_space<hbm>>
      tpu.enqueue_dma source(%dma_start3A_10 : memref<128x128xf32, #tpu.memory_space<hbm>>) target(%arg6 : memref<128x128xf32, #tpu.memory_space<vmem>>) target_semaphore(%run_scoped3A : memref<!tpu.dma_semaphore, #tpu.memory_space<semaphore_mem>>)
      %dma_wait3A_11 = arith.constant 0 : i32
      %dma_wait3A_12 = tpu.memref_slice %arg2[%mul3A_2, %dma_wait3A_11] : memref<4096x128xf32, #tpu.memory_space<hbm>> -> memref<128x128xf32, #tpu.memory_space<hbm>>
      %dma_wait3A_13 = arith.constant 0 : i32
      %dma_wait3A_14 = tpu.memref_slice %arg2[%mul3A_2, %dma_wait3A_13] : memref<4096x128xf32, #tpu.memory_space<hbm>> -> memref<128x128xf32, #tpu.memory_space<hbm>>
      tpu.wait_dma2 semaphore(%run_scoped3A : memref<!tpu.dma_semaphore, #tpu.memory_space<semaphore_mem>>) src(%dma_wait3A_14 : memref<128x128xf32, #tpu.memory_space<hbm>>) dst(%arg6 : memref<128x128xf32, #tpu.memory_space<vmem>>)
      tpu.yield
    }) : () -> ()
    %dma_start3A = arith.constant 0 : i32
    %dma_start3A_3 = arith.constant 0 : i32
    %dma_start3A_4 = tpu.memref_slice %arg4[%dma_start3A, %dma_start3A_3] : memref<4096x128xf32, #tpu.memory_space<hbm>> -> memref<4096x128xf32, #tpu.memory_space<hbm>>
    tpu.enqueue_indirect_dma source(%arg6 : memref<128x128xf32, #tpu.memory_space<vmem>>) target(%dma_start3A_4 : memref<4096x128xf32, #tpu.memory_space<hbm>>) offsets(%arg5 : memref<128xi32, #tpu.memory_space<vmem>>) semaphore(%arg7 : memref<!tpu.dma_semaphore, #tpu.memory_space<semaphore_mem>>)
    %dma_wait3A = arith.constant 0 : i32
    %dma_wait3A_5 = arith.constant 0 : i32
    %dma_wait3A_6 = tpu.memref_slice %arg4[%dma_wait3A, %dma_wait3A_5] : memref<4096x128xf32, #tpu.memory_space<hbm>> -> memref<4096x128xf32, #tpu.memory_space<hbm>>
    tpu.wait_indirect_dma semaphore(%arg7 : memref<!tpu.dma_semaphore, #tpu.memory_space<semaphore_mem>>) src(%arg6 : memref<128x128xf32, #tpu.memory_space<vmem>>) dst(%dma_wait3A_6 : memref<4096x128xf32, #tpu.memory_space<hbm>>)
    return
  }
}

#map = affine_map<(d0, d1) -> (0, 0)>
module attributes {stable_mosaic.version = 14 : i64} {
  func.func @k(%arg0: i32, %arg1: i32, %arg2: memref<4096x128xf32, #tpu.memory_space<hbm>>, %arg3: memref<32x128xi32, #tpu.memory_space<hbm>>, %arg4: memref<4096x128xf32, #tpu.memory_space<hbm>>, %arg5: memref<128xi32, #tpu.memory_space<vmem>>, %arg6: memref<128x128xf32, #tpu.memory_space<vmem>>, %arg7: memref<!tpu.dma_semaphore, #tpu.memory_space<semaphore_mem>>) attributes {dimension_semantics = [#tpu.dimension_semantics<core_parallel>, #tpu.dimension_semantics<subcore_parallel>], iteration_bounds = array<i64: 2, 16>, scalar_prefetch = 0 : i64, scratch_operands = 3 : i64, tpu.core_type = #tpu.core_type<sc_vector_subcore>, window_params = [{transform_indices = #map}, {transform_indices = #map}, {transform_indices = #map}]} {
    %mul3A = arith.constant 2 : i32
    %mul3A_0 = arith.muli %arg1, %mul3A : i32
    %add3A = arith.addi %mul3A_0, %arg0 : i32
    %mul3A_1 = arith.constant 128 : i32
    %mul3A_2 = arith.muli %add3A, %mul3A_1 : i32
    "tpu.region"() ({
      %run_scoped3A = tpu.sem_alloc : memref<!tpu.dma_semaphore, #tpu.memory_space<semaphore_mem>>
      %dma_start3A_7 = arith.constant 0 : i32
      %dma_start3A_8 = tpu.memref_slice %arg3[%add3A, %dma_start3A_7] : memref<32x128xi32, #tpu.memory_space<hbm>> -> memref<1x128xi32, #tpu.memory_space<hbm>>
      %dma_start3A_9 = tpu.memref_squeeze %dma_start3A_8 : memref<1x128xi32, #tpu.memory_space<hbm>> -> memref<128xi32, #tpu.memory_space<hbm>>
      %dma_start3A_10 = arith.constant 0 : i32
      %dma_start3A_11 = tpu.memref_slice %arg3[%add3A, %dma_start3A_10] : memref<32x128xi32, #tpu.memory_space<hbm>> -> memref<1x128xi32, #tpu.memory_space<hbm>>
      %dma_start3A_12 = tpu.memref_squeeze %dma_start3A_11 : memref<1x128xi32, #tpu.memory_space<hbm>> -> memref<128xi32, #tpu.memory_space<hbm>>
      tpu.enqueue_dma source(%dma_start3A_12 : memref<128xi32, #tpu.memory_space<hbm>>) target(%arg5 : memref<128xi32, #tpu.memory_space<vmem>>) target_semaphore(%run_scoped3A : memref<!tpu.dma_semaphore, #tpu.memory_space<semaphore_mem>>)
      %dma_wait3A_13 = arith.constant 0 : i32
      %dma_wait3A_14 = tpu.memref_slice %arg3[%add3A, %dma_wait3A_13] : memref<32x128xi32, #tpu.memory_space<hbm>> -> memref<1x128xi32, #tpu.memory_space<hbm>>
      %dma_wait3A_15 = tpu.memref_squeeze %dma_wait3A_14 : memref<1x128xi32, #tpu.memory_space<hbm>> -> memref<128xi32, #tpu.memory_space<hbm>>
      %dma_wait3A_16 = arith.constant 0 : i32
      %dma_wait3A_17 = tpu.memref_slice %arg3[%add3A, %dma_wait3A_16] : memref<32x128xi32, #tpu.memory_space<hbm>> -> memref<1x128xi32, #tpu.memory_space<hbm>>
      %dma_wait3A_18 = tpu.memref_squeeze %dma_wait3A_17 : memref<1x128xi32, #tpu.memory_space<hbm>> -> memref<128xi32, #tpu.memory_space<hbm>>
      tpu.wait_dma2 semaphore(%run_scoped3A : memref<!tpu.dma_semaphore, #tpu.memory_space<semaphore_mem>>) src(%dma_wait3A_18 : memref<128xi32, #tpu.memory_space<hbm>>) dst(%arg5 : memref<128xi32, #tpu.memory_space<vmem>>)
      tpu.yield
    }) : () -> ()
    %dma_start3A = arith.constant 0 : i32
    %dma_start3A_3 = arith.constant 0 : i32
    %dma_start3A_4 = tpu.memref_slice %arg2[%dma_start3A, %dma_start3A_3] : memref<4096x128xf32, #tpu.memory_space<hbm>> -> memref<4096x128xf32, #tpu.memory_space<hbm>>
    tpu.enqueue_indirect_dma source(%dma_start3A_4 : memref<4096x128xf32, #tpu.memory_space<hbm>>) target(%arg6 : memref<128x128xf32, #tpu.memory_space<vmem>>) offsets(%arg5 : memref<128xi32, #tpu.memory_space<vmem>>) semaphore(%arg7 : memref<!tpu.dma_semaphore, #tpu.memory_space<semaphore_mem>>)
    %dma_wait3A = arith.constant 0 : i32
    %dma_wait3A_5 = arith.constant 0 : i32
    %dma_wait3A_6 = tpu.memref_slice %arg2[%dma_wait3A, %dma_wait3A_5] : memref<4096x128xf32, #tpu.memory_space<hbm>> -> memref<4096x128xf32, #tpu.memory_space<hbm>>
    tpu.wait_indirect_dma semaphore(%arg7 : memref<!tpu.dma_semaphore, #tpu.memory_space<semaphore_mem>>) src(%dma_wait3A_6 : memref<4096x128xf32, #tpu.memory_space<hbm>>) dst(%arg6 : memref<128x128xf32, #tpu.memory_space<vmem>>)
    "tpu.region"() ({
      %run_scoped3A = tpu.sem_alloc : memref<!tpu.dma_semaphore, #tpu.memory_space<semaphore_mem>>
      %dma_start3A_7 = arith.constant 0 : i32
      %dma_start3A_8 = tpu.memref_slice %arg4[%mul3A_2, %dma_start3A_7] : memref<4096x128xf32, #tpu.memory_space<hbm>> -> memref<128x128xf32, #tpu.memory_space<hbm>>
      %dma_start3A_9 = arith.constant 0 : i32
      %dma_start3A_10 = tpu.memref_slice %arg4[%mul3A_2, %dma_start3A_9] : memref<4096x128xf32, #tpu.memory_space<hbm>> -> memref<128x128xf32, #tpu.memory_space<hbm>>
      tpu.enqueue_dma source(%arg6 : memref<128x128xf32, #tpu.memory_space<vmem>>) target(%dma_start3A_10 : memref<128x128xf32, #tpu.memory_space<hbm>>) target_semaphore(%run_scoped3A : memref<!tpu.dma_semaphore, #tpu.memory_space<semaphore_mem>>)
      %dma_wait3A_11 = arith.constant 0 : i32
      %dma_wait3A_12 = tpu.memref_slice %arg4[%mul3A_2, %dma_wait3A_11] : memref<4096x128xf32, #tpu.memory_space<hbm>> -> memref<128x128xf32, #tpu.memory_space<hbm>>
      %dma_wait3A_13 = arith.constant 0 : i32
      %dma_wait3A_14 = tpu.memref_slice %arg4[%mul3A_2, %dma_wait3A_13] : memref<4096x128xf32, #tpu.memory_space<hbm>> -> memref<128x128xf32, #tpu.memory_space<hbm>>
      tpu.wait_dma2 semaphore(%run_scoped3A : memref<!tpu.dma_semaphore, #tpu.memory_space<semaphore_mem>>) src(%arg6 : memref<128x128xf32, #tpu.memory_space<vmem>>) dst(%dma_wait3A_14 : memref<128x128xf32, #tpu.memory_space<hbm>>)
      tpu.yield
    }) : () -> ()
    return
  }
}

#map = affine_map<(d0, d1) -> (0, 0)>
module attributes {stable_mosaic.version = 14 : i64} {
  func.func @k(%arg0: i32, %arg1: i32, %arg2: memref<4096x128xf32, #tpu.memory_space<hbm>>, %arg3: memref<32x128xi32, #tpu.memory_space<hbm>>, %arg4: memref<4096x128xf32, #tpu.memory_space<hbm>>, %arg5: memref<128xi32, #tpu.memory_space<vmem>>, %arg6: memref<128x128xf32, #tpu.memory_space<vmem>>, %arg7: memref<!tpu.dma_semaphore, #tpu.memory_space<semaphore_mem>>) attributes {dimension_semantics = [#tpu.dimension_semantics<core_parallel>, #tpu.dimension_semantics<subcore_parallel>], iteration_bounds = array<i64: 2, 16>, scalar_prefetch = 0 : i64, scratch_operands = 3 : i64, tpu.core_type = #tpu.core_type<sc_vector_subcore>, window_params = [{transform_indices = #map}, {transform_indices = #map}, {transform_indices = #map}]} {
    %mul3A = arith.constant 2 : i32
    %mul3A_0 = arith.muli %arg1, %mul3A : i32
    %add3A = arith.addi %mul3A_0, %arg0 : i32
    %mul3A_1 = arith.constant 128 : i32
    %mul3A_2 = arith.muli %add3A, %mul3A_1 : i32
    "tpu.region"() ({
      %run_scoped3A = tpu.sem_alloc : memref<!tpu.dma_semaphore, #tpu.memory_space<semaphore_mem>>
      %dma_start3A_7 = arith.constant 0 : i32
      %dma_start3A_8 = tpu.memref_slice %arg3[%add3A, %dma_start3A_7] : memref<32x128xi32, #tpu.memory_space<hbm>> -> memref<1x128xi32, #tpu.memory_space<hbm>>
      %dma_start3A_9 = tpu.memref_squeeze %dma_start3A_8 : memref<1x128xi32, #tpu.memory_space<hbm>> -> memref<128xi32, #tpu.memory_space<hbm>>
      %dma_start3A_10 = arith.constant 0 : i32
      %dma_start3A_11 = tpu.memref_slice %arg3[%add3A, %dma_start3A_10] : memref<32x128xi32, #tpu.memory_space<hbm>> -> memref<1x128xi32, #tpu.memory_space<hbm>>
      %dma_start3A_12 = tpu.memref_squeeze %dma_start3A_11 : memref<1x128xi32, #tpu.memory_space<hbm>> -> memref<128xi32, #tpu.memory_space<hbm>>
      tpu.enqueue_dma source(%dma_start3A_12 : memref<128xi32, #tpu.memory_space<hbm>>) target(%arg5 : memref<128xi32, #tpu.memory_space<vmem>>) target_semaphore(%run_scoped3A : memref<!tpu.dma_semaphore, #tpu.memory_space<semaphore_mem>>)
      %dma_wait3A_13 = arith.constant 0 : i32
      %dma_wait3A_14 = tpu.memref_slice %arg3[%add3A, %dma_wait3A_13] : memref<32x128xi32, #tpu.memory_space<hbm>> -> memref<1x128xi32, #tpu.memory_space<hbm>>
      %dma_wait3A_15 = tpu.memref_squeeze %dma_wait3A_14 : memref<1x128xi32, #tpu.memory_space<hbm>> -> memref<128xi32, #tpu.memory_space<hbm>>
      %dma_wait3A_16 = arith.constant 0 : i32
      %dma_wait3A_17 = tpu.memref_slice %arg3[%add3A, %dma_wait3A_16] : memref<32x128xi32, #tpu.memory_space<hbm>> -> memref<1x128xi32, #tpu.memory_space<hbm>>
      %dma_wait3A_18 = tpu.memref_squeeze %dma_wait3A_17 : memref<1x128xi32, #tpu.memory_space<hbm>> -> memref<128xi32, #tpu.memory_space<hbm>>
      tpu.wait_dma2 semaphore(%run_scoped3A : memref<!tpu.dma_semaphore, #tpu.memory_space<semaphore_mem>>) src(%dma_wait3A_18 : memref<128xi32, #tpu.memory_space<hbm>>) dst(%arg5 : memref<128xi32, #tpu.memory_space<vmem>>)
      tpu.yield
    }) : () -> ()
    %dma_start3A = arith.constant 0 : i32
    %dma_start3A_3 = arith.constant 0 : i32
    %dma_start3A_4 = tpu.memref_slice %arg2[%dma_start3A, %dma_start3A_3] : memref<4096x128xf32, #tpu.memory_space<hbm>> -> memref<4096x128xf32, #tpu.memory_space<hbm>>
    tpu.enqueue_indirect_dma source(%dma_start3A_4 : memref<4096x128xf32, #tpu.memory_space<hbm>>) target(%arg6 : memref<128x128xf32, #tpu.memory_space<vmem>>) offsets(%arg5 : memref<128xi32, #tpu.memory_space<vmem>>) semaphore(%arg7 : memref<!tpu.dma_semaphore, #tpu.memory_space<semaphore_mem>>)
    %dma_wait3A = arith.constant 0 : i32
    %dma_wait3A_5 = arith.constant 0 : i32
    %dma_wait3A_6 = tpu.memref_slice %arg2[%dma_wait3A, %dma_wait3A_5] : memref<4096x128xf32, #tpu.memory_space<hbm>> -> memref<4096x128xf32, #tpu.memory_space<hbm>>
    tpu.wait_indirect_dma semaphore(%arg7 : memref<!tpu.dma_semaphore, #tpu.memory_space<semaphore_mem>>) src(%dma_wait3A_6 : memref<4096x128xf32, #tpu.memory_space<hbm>>) dst(%arg6 : memref<128x128xf32, #tpu.memory_space<vmem>>)
    "tpu.region"() ({
      %run_scoped3A = tpu.sem_alloc : memref<!tpu.dma_semaphore, #tpu.memory_space<semaphore_mem>>
      %dma_start3A_7 = arith.constant 0 : i32
      %dma_start3A_8 = tpu.memref_slice %arg4[%mul3A_2, %dma_start3A_7] : memref<4096x128xf32, #tpu.memory_space<hbm>> -> memref<128x128xf32, #tpu.memory_space<hbm>>
      %dma_start3A_9 = arith.constant 0 : i32
      %dma_start3A_10 = tpu.memref_slice %arg4[%mul3A_2, %dma_start3A_9] : memref<4096x128xf32, #tpu.memory_space<hbm>> -> memref<128x128xf32, #tpu.memory_space<hbm>>
      tpu.enqueue_dma source(%arg6 : memref<128x128xf32, #tpu.memory_space<vmem>>) target(%dma_start3A_10 : memref<128x128xf32, #tpu.memory_space<hbm>>) target_semaphore(%run_scoped3A : memref<!tpu.dma_semaphore, #tpu.memory_space<semaphore_mem>>)
      %dma_wait3A_11 = arith.constant 0 : i32
      %dma_wait3A_12 = tpu.memref_slice %arg4[%mul3A_2, %dma_wait3A_11] : memref<4096x128xf32, #tpu.memory_space<hbm>> -> memref<128x128xf32, #tpu.memory_space<hbm>>
      %dma_wait3A_13 = arith.constant 0 : i32
      %dma_wait3A_14 = tpu.memref_slice %arg4[%mul3A_2, %dma_wait3A_13] : memref<4096x128xf32, #tpu.memory_space<hbm>> -> memref<128x128xf32, #tpu.memory_space<hbm>>
      tpu.wait_dma2 semaphore(%run_scoped3A : memref<!tpu.dma_semaphore, #tpu.memory_space<semaphore_mem>>) src(%arg6 : memref<128x128xf32, #tpu.memory_space<vmem>>) dst(%dma_wait3A_14 : memref<128x128xf32, #tpu.memory_space<hbm>>)
      tpu.yield
    }) : () -> ()
    return
  }
}

module attributes {stable_mosaic.version = 14 : i64} {
  func.func @_set_mlp_body(%arg0: i32, %arg1: memref<512x512xf32, #tpu.memory_space<vmem>>, %arg2: memref<512x16xf32, #tpu.memory_space<vmem>>, %arg3: memref<512x128xf32, #tpu.memory_space<vmem>>, %arg4: memref<16x128xf32, #tpu.memory_space<vmem>>, %arg5: memref<1x128xf32, #tpu.memory_space<vmem>>, %arg6: memref<128x128xf32, #tpu.memory_space<vmem>>, %arg7: memref<1x128xf32, #tpu.memory_space<vmem>>, %arg8: memref<512x128xf32, #tpu.memory_space<vmem>>) attributes {dimension_semantics = [#tpu.dimension_semantics<parallel>], iteration_bounds = array<i64: 8>, scalar_prefetch = 0 : i64, scratch_operands = 0 : i64, tpu.core_type = #tpu.core_type<tc>, window_params = [{transform_indices = @transform_0, window_bounds = array<i64: 512, 512>}, {transform_indices = @transform_1, window_bounds = array<i64: 512, 16>}, {pipeline_mode = #tpu.pipeline_mode<synchronous>, transform_indices = @transform_2, window_bounds = array<i64: 512, 128>}, {pipeline_mode = #tpu.pipeline_mode<synchronous>, transform_indices = @transform_3, window_bounds = array<i64: 16, 128>}, {pipeline_mode = #tpu.pipeline_mode<synchronous>, transform_indices = @transform_4, window_bounds = array<i64: 1, 128>}, {pipeline_mode = #tpu.pipeline_mode<synchronous>, transform_indices = @transform_5, window_bounds = array<i64: 128, 128>}, {pipeline_mode = #tpu.pipeline_mode<synchronous>, transform_indices = @transform_6, window_bounds = array<i64: 1, 128>}, {transform_indices = @transform_7, window_bounds = array<i64: 512, 128>}]} {
    %get3A = arith.constant 0 : index
    %get3A_0 = arith.constant 0 : index
    %get3A_1 = vector.load %arg1[%get3A, %get3A_0] : memref<512x512xf32, #tpu.memory_space<vmem>>, vector<512x512xf32>
    %get3A_2 = arith.constant 0 : index
    %get3A_3 = arith.constant 0 : index
    %get3A_4 = vector.load %arg3[%get3A_2, %get3A_3] : memref<512x128xf32, #tpu.memory_space<vmem>>, vector<512x128xf32>
    %dot_general3A = arith.constant dense<0.000000e+00> : vector<512x128xf32>
    %dot_general3A_5 = tpu.matmul %get3A_1, %get3A_4, %dot_general3A {dimension_numbers = #tpu.dot_dimension_numbers<[1], [0], [0], [1], [0, 0, 1, 1], [], []>, transpose_lhs_hint = false} : vector<512x512xf32>, vector<512x128xf32>, vector<512x128xf32> -> vector<512x128xf32>
    %get3A_6 = arith.constant 0 : index
    %get3A_7 = arith.constant 0 : index
    %get3A_8 = vector.load %arg2[%get3A_6, %get3A_7] : memref<512x16xf32, #tpu.memory_space<vmem>>, vector<512x16xf32>
    %get3A_9 = arith.constant 0 : index
    %get3A_10 = arith.constant 0 : index
    %get3A_11 = vector.load %arg4[%get3A_9, %get3A_10] : memref<16x128xf32, #tpu.memory_space<vmem>>, vector<16x128xf32>
    %dot_general3A_12 = arith.constant dense<0.000000e+00> : vector<512x128xf32>
    %dot_general3A_13 = tpu.matmul %get3A_8, %get3A_11, %dot_general3A_12 {dimension_numbers = #tpu.dot_dimension_numbers<[1], [0], [0], [1], [0, 0, 1, 1], [], []>, transpose_lhs_hint = false} : vector<512x16xf32>, vector<16x128xf32>, vector<512x128xf32> -> vector<512x128xf32>
    %add3A = arith.addf %dot_general3A_5, %dot_general3A_13 : vector<512x128xf32>
    %get3A_14 = arith.constant 0 : index
    %get3A_15 = arith.constant 0 : index
    %get3A_16 = vector.load %arg5[%get3A_14, %get3A_15] : memref<1x128xf32, #tpu.memory_space<vmem>>, vector<1x128xf32>
    %add3A_17 = vector.broadcast %get3A_16 : vector<1x128xf32> to vector<512x128xf32>
    %add3A_18 = arith.addf %add3A, %add3A_17 : vector<512x128xf32>
    %max3A = arith.constant 0.000000e+00 : f32
    %max3A_19 = vector.broadcast %max3A : f32 to vector<512x128xf32>
    %max3A_20 = arith.maximumf %add3A_18, %max3A_19 : vector<512x128xf32>
    %get3A_21 = arith.constant 0 : index
    %get3A_22 = arith.constant 0 : index
    %get3A_23 = vector.load %arg6[%get3A_21, %get3A_22] : memref<128x128xf32, #tpu.memory_space<vmem>>, vector<128x128xf32>
    %dot_general3A_24 = arith.constant dense<0.000000e+00> : vector<512x128xf32>
    %dot_general3A_25 = tpu.matmul %max3A_20, %get3A_23, %dot_general3A_24 {dimension_numbers = #tpu.dot_dimension_numbers<[1], [0], [0], [1], [0, 0, 1, 1], [], []>, transpose_lhs_hint = false} : vector<512x128xf32>, vector<128x128xf32>, vector<512x128xf32> -> vector<512x128xf32>
    %get3A_26 = arith.constant 0 : index
    %get3A_27 = arith.constant 0 : index
    %get3A_28 = vector.load %arg7[%get3A_26, %get3A_27] : memref<1x128xf32, #tpu.memory_space<vmem>>, vector<1x128xf32>
    %add3A_29 = vector.broadcast %get3A_28 : vector<1x128xf32> to vector<512x128xf32>
    %add3A_30 = arith.addf %dot_general3A_25, %add3A_29 : vector<512x128xf32>
    %swap3A = arith.constant 0 : index
    %swap3A_31 = arith.constant 0 : index
    %swap3A_32 = vector.load %arg8[%swap3A, %swap3A_31] : memref<512x128xf32, #tpu.memory_space<vmem>>, vector<512x128xf32>
    tpu.vector_store %arg8[%swap3A, %swap3A_31], %add3A_30 {strides = array<i32>} : memref<512x128xf32, #tpu.memory_space<vmem>>, vector<512x128xf32>,
    return
  }
  func.func @transform_0(%arg0: i32) -> (i32, i32) {
    %c0_i32 = arith.constant 0 : i32
    %c0_i32_0 = arith.constant 0 : i32
    return %arg0, %c0_i32 : i32, i32
  }
  func.func @transform_1(%arg0: i32) -> (i32, i32) {
    %c0_i32 = arith.constant 0 : i32
    %c0_i32_0 = arith.constant 0 : i32
    return %arg0, %c0_i32 : i32, i32
  }
  func.func @transform_2(%arg0: i32) -> (i32, i32) {
    %c0_i32 = arith.constant 0 : i32
    %c0_i32_0 = arith.constant 0 : i32
    %c0_i32_1 = arith.constant 0 : i32
    return %c0_i32, %c0_i32_0 : i32, i32
  }
  func.func @transform_3(%arg0: i32) -> (i32, i32) {
    %c0_i32 = arith.constant 0 : i32
    %c0_i32_0 = arith.constant 0 : i32
    %c0_i32_1 = arith.constant 0 : i32
    return %c0_i32, %c0_i32_0 : i32, i32
  }
  func.func @transform_4(%arg0: i32) -> (i32, i32) {
    %c0_i32 = arith.constant 0 : i32
    %c0_i32_0 = arith.constant 0 : i32
    %c0_i32_1 = arith.constant 0 : i32
    return %c0_i32, %c0_i32_0 : i32, i32
  }
  func.func @transform_5(%arg0: i32) -> (i32, i32) {
    %c0_i32 = arith.constant 0 : i32
    %c0_i32_0 = arith.constant 0 : i32
    %c0_i32_1 = arith.constant 0 : i32
    return %c0_i32, %c0_i32_0 : i32, i32
  }
  func.func @transform_6(%arg0: i32) -> (i32, i32) {
    %c0_i32 = arith.constant 0 : i32
    %c0_i32_0 = arith.constant 0 : i32
    %c0_i32_1 = arith.constant 0 : i32
    return %c0_i32, %c0_i32_0 : i32, i32
  }
  func.func @transform_7(%arg0: i32) -> (i32, i32) {
    %c0_i32 = arith.constant 0 : i32
    %c0_i32_0 = arith.constant 0 : i32
    return %arg0, %c0_i32 : i32, i32
  }
}

module attributes {stable_mosaic.version = 14 : i64} {
  func.func @_pt_qkv_body(%arg0: i32, %arg1: memref<8xi32, #tpu.memory_space<smem>>, %arg2: memref<8xi32, #tpu.memory_space<smem>>, %arg3: memref<512x128xf32, #tpu.memory_space<vmem>>, %arg4: memref<512x1xi32, #tpu.memory_space<vmem>>, %arg5: memref<8x128x128xf32, #tpu.memory_space<vmem>>, %arg6: memref<8x128x128xf32, #tpu.memory_space<vmem>>, %arg7: memref<8x128x128xf32, #tpu.memory_space<vmem>>, %arg8: memref<512x128xf32, #tpu.memory_space<vmem>>, %arg9: memref<1x128x512xf32, #tpu.memory_space<vmem>>, %arg10: memref<2x512x72xf32, #tpu.memory_space<vmem>>, %arg11: memref<512x128xf32, #tpu.memory_space<vmem>>, %arg12: memref<512x128xf32, #tpu.memory_space<vmem>>) attributes {dimension_semantics = [#tpu.dimension_semantics<parallel>], iteration_bounds = array<i64: 8>, scalar_prefetch = 0 : i64, scratch_operands = 2 : i64, tpu.core_type = #tpu.core_type<tc>, window_params = [{transform_indices = @transform_0, window_bounds = array<i64: 8>}, {transform_indices = @transform_1, window_bounds = array<i64: 8>}, {transform_indices = @transform_2, window_bounds = array<i64: 512, 128>}, {transform_indices = @transform_3, window_bounds = array<i64: 512, 1>}, {pipeline_mode = #tpu.pipeline_mode<synchronous>, transform_indices = @transform_4, window_bounds = array<i64: 8, 128, 128>}, {pipeline_mode = #tpu.pipeline_mode<synchronous>, transform_indices = @transform_5, window_bounds = array<i64: 8, 128, 128>}, {pipeline_mode = #tpu.pipeline_mode<synchronous>, transform_indices = @transform_6, window_bounds = array<i64: 8, 128, 128>}, {transform_indices = @transform_7, window_bounds = array<i64: 512, 128>}, {transform_indices = @transform_8, window_bounds = array<i64: 1, 128, 512>}, {transform_indices = @transform_9, window_bounds = array<i64: 2, 512, 72>}]} {
    %get3A = arith.index_cast %arg0 : i32 to index
    %get3A_0 = memref.load %arg1[%get3A] : memref<8xi32, #tpu.memory_space<smem>>
    %get3A_1 = arith.index_cast %arg0 : i32 to index
    %get3A_2 = memref.load %arg2[%get3A_1] : memref<8xi32, #tpu.memory_space<smem>>
    %get3A_3 = arith.constant 0 : index
    %get3A_4 = arith.constant 0 : index
    %get3A_5 = vector.load %arg3[%get3A_3, %get3A_4] : memref<512x128xf32, #tpu.memory_space<vmem>>, vector<512x128xf32>
    %get3A_6 = arith.constant 0 : index
    %get3A_7 = arith.constant 0 : index
    %get3A_8 = vector.load %arg4[%get3A_6, %get3A_7] : memref<512x1xi32, #tpu.memory_space<vmem>>, vector<512x1xi32>
    %iota3A = tpu.iota {dimensions = array<i32: 1>} : vector<1x8xi32>
    %eq3A = vector.broadcast %get3A_8 : vector<512x1xi32> to vector<512x8xi32>
    %eq3A_9 = vector.broadcast %iota3A : vector<1x8xi32> to vector<512x8xi32>
    %eq3A_10 = arith.cmpi eq, %eq3A, %eq3A_9 : vector<512x8xi32>
    %convert_element_type3A = arith.extui %eq3A_10 : vector<512x8xi1> to vector<512x8xi32>
    %convert_element_type3A_11 = arith.sitofp %convert_element_type3A : vector<512x8xi32> to vector<512x8xf32>
    %broadcast_in_dim3A = arith.constant 0.000000e+00 : f32
    %broadcast_in_dim3A_12 = vector.broadcast %broadcast_in_dim3A : f32 to vector<512x128xf32>
    %swap3A = arith.constant 0 : index
    %swap3A_13 = arith.constant 0 : index
    %swap3A_14 = vector.load %arg8[%swap3A, %swap3A_13] : memref<512x128xf32, #tpu.memory_space<vmem>>, vector<512x128xf32>
    tpu.vector_store %arg8[%swap3A, %swap3A_13], %broadcast_in_dim3A_12 {strides = array<i32>} : memref<512x128xf32, #tpu.memory_space<vmem>>, vector<512x128xf32>,
    %broadcast_in_dim3A_15 = arith.constant 0.000000e+00 : f32
    %broadcast_in_dim3A_16 = vector.broadcast %broadcast_in_dim3A_15 : f32 to vector<512x128xf32>
    %swap3A_17 = arith.constant 0 : index
    %swap3A_18 = arith.constant 0 : index
    %swap3A_19 = vector.load %arg11[%swap3A_17, %swap3A_18] : memref<512x128xf32, #tpu.memory_space<vmem>>, vector<512x128xf32>
    tpu.vector_store %arg11[%swap3A_17, %swap3A_18], %broadcast_in_dim3A_16 {strides = array<i32>} : memref<512x128xf32, #tpu.memory_space<vmem>>, vector<512x128xf32>,
    %broadcast_in_dim3A_20 = arith.constant 0.000000e+00 : f32
    %broadcast_in_dim3A_21 = vector.broadcast %broadcast_in_dim3A_20 : f32 to vector<512x128xf32>
    %swap3A_22 = arith.constant 0 : index
    %swap3A_23 = arith.constant 0 : index
    %swap3A_24 = vector.load %arg12[%swap3A_22, %swap3A_23] : memref<512x128xf32, #tpu.memory_space<vmem>>, vector<512x128xf32>
    tpu.vector_store %arg12[%swap3A_22, %swap3A_23], %broadcast_in_dim3A_21 {strides = array<i32>} : memref<512x128xf32, #tpu.memory_space<vmem>>, vector<512x128xf32>,
    %le3A = arith.constant 0 : i32
    %le3A_25 = arith.cmpi sle, %get3A_0, %le3A : i32
    %ge3A = arith.constant 0 : i32
    %ge3A_26 = arith.cmpi sge, %get3A_2, %ge3A : i32
    %and3A = arith.andi %le3A_25, %ge3A_26 : i1
    %convert_element_type3A_27 = arith.extui %and3A : i1 to i32
    %cond3A = arith.constant 0 : i32
    %cond3A_28 = arith.cmpi ne, %convert_element_type3A_27, %cond3A : i32
    scf.if %cond3A_28 {
      %slice3A_113 = vector.extract_strided_slice %convert_element_type3A_11 {offsets = [0, 0], sizes = [512, 1], strides = [1, 1]} : vector<512x8xf32> to vector<512x1xf32>
      %get3A_114 = arith.constant 0 : index
      %get3A_115 = arith.constant 0 : index
      %get3A_116 = vector.load %arg8[%get3A_114, %get3A_115] : memref<512x128xf32, #tpu.memory_space<vmem>>, vector<512x128xf32>
      %get3A_117 = arith.constant 0 : index
      %get3A_118 = arith.constant 0 : index
      %get3A_119 = arith.constant 0 : index
      %get3A_120 = vector.load %arg5[%get3A_117, %get3A_118, %get3A_119] : memref<8x128x128xf32, #tpu.memory_space<vmem>>, vector<1x128x128xf32>
      %get3A_121 = vector.shape_cast %get3A_120 : vector<1x128x128xf32> to vector<128x128xf32>
      %dot_general3A = arith.constant dense<0.000000e+00> : vector<512x128xf32>
      %dot_general3A_122 = tpu.matmul %get3A_5, %get3A_121, %dot_general3A {dimension_numbers = #tpu.dot_dimension_numbers<[1], [0], [0], [1], [0, 0, 1, 1], [], []>, transpose_lhs_hint = false} : vector<512x128xf32>, vector<128x128xf32>, vector<512x128xf32> -> vector<512x128xf32>
      %mul3A = vector.broadcast %slice3A_113 : vector<512x1xf32> to vector<512x128xf32>
      %mul3A_123 = arith.mulf %mul3A, %dot_general3A_122 : vector<512x128xf32>
      %add3A = arith.addf %get3A_116, %mul3A_123 : vector<512x128xf32>
      %swap3A_124 = arith.constant 0 : index
      %swap3A_125 = arith.constant 0 : index
      %swap3A_126 = vector.load %arg8[%swap3A_124, %swap3A_125] : memref<512x128xf32, #tpu.memory_space<vmem>>, vector<512x128xf32>
      tpu.vector_store %arg8[%swap3A_124, %swap3A_125], %add3A {strides = array<i32>} : memref<512x128xf32, #tpu.memory_space<vmem>>, vector<512x128xf32>,
      %get3A_127 = arith.constant 0 : index
      %get3A_128 = arith.constant 0 : index
      %get3A_129 = vector.load %arg11[%get3A_127, %get3A_128] : memref<512x128xf32, #tpu.memory_space<vmem>>, vector<512x128xf32>
      %get3A_130 = arith.constant 0 : index
      %get3A_131 = arith.constant 0 : index
      %get3A_132 = arith.constant 0 : index
      %get3A_133 = vector.load %arg6[%get3A_130, %get3A_131, %get3A_132] : memref<8x128x128xf32, #tpu.memory_space<vmem>>, vector<1x128x128xf32>
      %get3A_134 = vector.shape_cast %get3A_133 : vector<1x128x128xf32> to vector<128x128xf32>
      %dot_general3A_135 = arith.constant dense<0.000000e+00> : vector<512x128xf32>
      %dot_general3A_136 = tpu.matmul %get3A_5, %get3A_134, %dot_general3A_135 {dimension_numbers = #tpu.dot_dimension_numbers<[1], [0], [0], [1], [0, 0, 1, 1], [], []>, transpose_lhs_hint = false} : vector<512x128xf32>, vector<128x128xf32>, vector<512x128xf32> -> vector<512x128xf32>
      %mul3A_137 = vector.broadcast %slice3A_113 : vector<512x1xf32> to vector<512x128xf32>
      %mul3A_138 = arith.mulf %mul3A_137, %dot_general3A_136 : vector<512x128xf32>
      %add3A_139 = arith.addf %get3A_129, %mul3A_138 : vector<512x128xf32>
      %swap3A_140 = arith.constant 0 : index
      %swap3A_141 = arith.constant 0 : index
      %swap3A_142 = vector.load %arg11[%swap3A_140, %swap3A_141] : memref<512x128xf32, #tpu.memory_space<vmem>>, vector<512x128xf32>
      tpu.vector_store %arg11[%swap3A_140, %swap3A_141], %add3A_139 {strides = array<i32>} : memref<512x128xf32, #tpu.memory_space<vmem>>, vector<512x128xf32>,
      %get3A_143 = arith.constant 0 : index
      %get3A_144 = arith.constant 0 : index
      %get3A_145 = vector.load %arg12[%get3A_143, %get3A_144] : memref<512x128xf32, #tpu.memory_space<vmem>>, vector<512x128xf32>
      %get3A_146 = arith.constant 0 : index
      %get3A_147 = arith.constant 0 : index
      %get3A_148 = arith.constant 0 : index
      %get3A_149 = vector.load %arg7[%get3A_146, %get3A_147, %get3A_148] : memref<8x128x128xf32, #tpu.memory_space<vmem>>, vector<1x128x128xf32>
      %get3A_150 = vector.shape_cast %get3A_149 : vector<1x128x128xf32> to vector<128x128xf32>
      %dot_general3A_151 = arith.constant dense<0.000000e+00> : vector<512x128xf32>
      %dot_general3A_152 = tpu.matmul %get3A_5, %get3A_150, %dot_general3A_151 {dimension_numbers = #tpu.dot_dimension_numbers<[1], [0], [0], [1], [0, 0, 1, 1], [], []>, transpose_lhs_hint = false} : vector<512x128xf32>, vector<128x128xf32>, vector<512x128xf32> -> vector<512x128xf32>
      %mul3A_153 = vector.broadcast %slice3A_113 : vector<512x1xf32> to vector<512x128xf32>
      %mul3A_154 = arith.mulf %mul3A_153, %dot_general3A_152 : vector<512x128xf32>
      %add3A_155 = arith.addf %get3A_145, %mul3A_154 : vector<512x128xf32>
      %swap3A_156 = arith.constant 0 : index
      %swap3A_157 = arith.constant 0 : index
      %swap3A_158 = vector.load %arg12[%swap3A_156, %swap3A_157] : memref<512x128xf32, #tpu.memory_space<vmem>>, vector<512x128xf32>
      tpu.vector_store %arg12[%swap3A_156, %swap3A_157], %add3A_155 {strides = array<i32>} : memref<512x128xf32, #tpu.memory_space<vmem>>, vector<512x128xf32>,
    } else {
    }
    %le3A_29 = arith.constant 1 : i32
    %le3A_30 = arith.cmpi sle, %get3A_0, %le3A_29 : i32
    %ge3A_31 = arith.constant 1 : i32
    %ge3A_32 = arith.cmpi sge, %get3A_2, %ge3A_31 : i32
    %and3A_33 = arith.andi %le3A_30, %ge3A_32 : i1
    %convert_element_type3A_34 = arith.extui %and3A_33 : i1 to i32
    %cond3A_35 = arith.constant 0 : i32
    %cond3A_36 = arith.cmpi ne, %convert_element_type3A_34, %cond3A_35 : i32
    scf.if %cond3A_36 {
      %slice3A_113 = vector.extract_strided_slice %convert_element_type3A_11 {offsets = [0, 1], sizes = [512, 1], strides = [1, 1]} : vector<512x8xf32> to vector<512x1xf32>
      %get3A_114 = arith.constant 0 : index
      %get3A_115 = arith.constant 0 : index
      %get3A_116 = vector.load %arg8[%get3A_114, %get3A_115] : memref<512x128xf32, #tpu.memory_space<vmem>>, vector<512x128xf32>
      %get3A_117 = arith.constant 1 : index
      %get3A_118 = arith.constant 0 : index
      %get3A_119 = arith.constant 0 : index
      %get3A_120 = vector.load %arg5[%get3A_117, %get3A_118, %get3A_119] : memref<8x128x128xf32, #tpu.memory_space<vmem>>, vector<1x128x128xf32>
      %get3A_121 = vector.shape_cast %get3A_120 : vector<1x128x128xf32> to vector<128x128xf32>
      %dot_general3A = arith.constant dense<0.000000e+00> : vector<512x128xf32>
      %dot_general3A_122 = tpu.matmul %get3A_5, %get3A_121, %dot_general3A {dimension_numbers = #tpu.dot_dimension_numbers<[1], [0], [0], [1], [0, 0, 1, 1], [], []>, transpose_lhs_hint = false} : vector<512x128xf32>, vector<128x128xf32>, vector<512x128xf32> -> vector<512x128xf32>
      %mul3A = vector.broadcast %slice3A_113 : vector<512x1xf32> to vector<512x128xf32>
      %mul3A_123 = arith.mulf %mul3A, %dot_general3A_122 : vector<512x128xf32>
      %add3A = arith.addf %get3A_116, %mul3A_123 : vector<512x128xf32>
      %swap3A_124 = arith.constant 0 : index
      %swap3A_125 = arith.constant 0 : index
      %swap3A_126 = vector.load %arg8[%swap3A_124, %swap3A_125] : memref<512x128xf32, #tpu.memory_space<vmem>>, vector<512x128xf32>
      tpu.vector_store %arg8[%swap3A_124, %swap3A_125], %add3A {strides = array<i32>} : memref<512x128xf32, #tpu.memory_space<vmem>>, vector<512x128xf32>,
      %get3A_127 = arith.constant 0 : index
      %get3A_128 = arith.constant 0 : index
      %get3A_129 = vector.load %arg11[%get3A_127, %get3A_128] : memref<512x128xf32, #tpu.memory_space<vmem>>, vector<512x128xf32>
      %get3A_130 = arith.constant 1 : index
      %get3A_131 = arith.constant 0 : index
      %get3A_132 = arith.constant 0 : index
      %get3A_133 = vector.load %arg6[%get3A_130, %get3A_131, %get3A_132] : memref<8x128x128xf32, #tpu.memory_space<vmem>>, vector<1x128x128xf32>
      %get3A_134 = vector.shape_cast %get3A_133 : vector<1x128x128xf32> to vector<128x128xf32>
      %dot_general3A_135 = arith.constant dense<0.000000e+00> : vector<512x128xf32>
      %dot_general3A_136 = tpu.matmul %get3A_5, %get3A_134, %dot_general3A_135 {dimension_numbers = #tpu.dot_dimension_numbers<[1], [0], [0], [1], [0, 0, 1, 1], [], []>, transpose_lhs_hint = false} : vector<512x128xf32>, vector<128x128xf32>, vector<512x128xf32> -> vector<512x128xf32>
      %mul3A_137 = vector.broadcast %slice3A_113 : vector<512x1xf32> to vector<512x128xf32>
      %mul3A_138 = arith.mulf %mul3A_137, %dot_general3A_136 : vector<512x128xf32>
      %add3A_139 = arith.addf %get3A_129, %mul3A_138 : vector<512x128xf32>
      %swap3A_140 = arith.constant 0 : index
      %swap3A_141 = arith.constant 0 : index
      %swap3A_142 = vector.load %arg11[%swap3A_140, %swap3A_141] : memref<512x128xf32, #tpu.memory_space<vmem>>, vector<512x128xf32>
      tpu.vector_store %arg11[%swap3A_140, %swap3A_141], %add3A_139 {strides = array<i32>} : memref<512x128xf32, #tpu.memory_space<vmem>>, vector<512x128xf32>,
      %get3A_143 = arith.constant 0 : index
      %get3A_144 = arith.constant 0 : index
      %get3A_145 = vector.load %arg12[%get3A_143, %get3A_144] : memref<512x128xf32, #tpu.memory_space<vmem>>, vector<512x128xf32>
      %get3A_146 = arith.constant 1 : index
      %get3A_147 = arith.constant 0 : index
      %get3A_148 = arith.constant 0 : index
      %get3A_149 = vector.load %arg7[%get3A_146, %get3A_147, %get3A_148] : memref<8x128x128xf32, #tpu.memory_space<vmem>>, vector<1x128x128xf32>
      %get3A_150 = vector.shape_cast %get3A_149 : vector<1x128x128xf32> to vector<128x128xf32>
      %dot_general3A_151 = arith.constant dense<0.000000e+00> : vector<512x128xf32>
      %dot_general3A_152 = tpu.matmul %get3A_5, %get3A_150, %dot_general3A_151 {dimension_numbers = #tpu.dot_dimension_numbers<[1], [0], [0], [1], [0, 0, 1, 1], [], []>, transpose_lhs_hint = false} : vector<512x128xf32>, vector<128x128xf32>, vector<512x128xf32> -> vector<512x128xf32>
      %mul3A_153 = vector.broadcast %slice3A_113 : vector<512x1xf32> to vector<512x128xf32>
      %mul3A_154 = arith.mulf %mul3A_153, %dot_general3A_152 : vector<512x128xf32>
      %add3A_155 = arith.addf %get3A_145, %mul3A_154 : vector<512x128xf32>
      %swap3A_156 = arith.constant 0 : index
      %swap3A_157 = arith.constant 0 : index
      %swap3A_158 = vector.load %arg12[%swap3A_156, %swap3A_157] : memref<512x128xf32, #tpu.memory_space<vmem>>, vector<512x128xf32>
      tpu.vector_store %arg12[%swap3A_156, %swap3A_157], %add3A_155 {strides = array<i32>} : memref<512x128xf32, #tpu.memory_space<vmem>>, vector<512x128xf32>,
    } else {
    }
    %le3A_37 = arith.constant 2 : i32
    %le3A_38 = arith.cmpi sle, %get3A_0, %le3A_37 : i32
    %ge3A_39 = arith.constant 2 : i32
    %ge3A_40 = arith.cmpi sge, %get3A_2, %ge3A_39 : i32
    %and3A_41 = arith.andi %le3A_38, %ge3A_40 : i1
    %convert_element_type3A_42 = arith.extui %and3A_41 : i1 to i32
    %cond3A_43 = arith.constant 0 : i32
    %cond3A_44 = arith.cmpi ne, %convert_element_type3A_42, %cond3A_43 : i32
    scf.if %cond3A_44 {
      %slice3A_113 = vector.extract_strided_slice %convert_element_type3A_11 {offsets = [0, 2], sizes = [512, 1], strides = [1, 1]} : vector<512x8xf32> to vector<512x1xf32>
      %get3A_114 = arith.constant 0 : index
      %get3A_115 = arith.constant 0 : index
      %get3A_116 = vector.load %arg8[%get3A_114, %get3A_115] : memref<512x128xf32, #tpu.memory_space<vmem>>, vector<512x128xf32>
      %get3A_117 = arith.constant 2 : index
      %get3A_118 = arith.constant 0 : index
      %get3A_119 = arith.constant 0 : index
      %get3A_120 = vector.load %arg5[%get3A_117, %get3A_118, %get3A_119] : memref<8x128x128xf32, #tpu.memory_space<vmem>>, vector<1x128x128xf32>
      %get3A_121 = vector.shape_cast %get3A_120 : vector<1x128x128xf32> to vector<128x128xf32>
      %dot_general3A = arith.constant dense<0.000000e+00> : vector<512x128xf32>
      %dot_general3A_122 = tpu.matmul %get3A_5, %get3A_121, %dot_general3A {dimension_numbers = #tpu.dot_dimension_numbers<[1], [0], [0], [1], [0, 0, 1, 1], [], []>, transpose_lhs_hint = false} : vector<512x128xf32>, vector<128x128xf32>, vector<512x128xf32> -> vector<512x128xf32>
      %mul3A = vector.broadcast %slice3A_113 : vector<512x1xf32> to vector<512x128xf32>
      %mul3A_123 = arith.mulf %mul3A, %dot_general3A_122 : vector<512x128xf32>
      %add3A = arith.addf %get3A_116, %mul3A_123 : vector<512x128xf32>
      %swap3A_124 = arith.constant 0 : index
      %swap3A_125 = arith.constant 0 : index
      %swap3A_126 = vector.load %arg8[%swap3A_124, %swap3A_125] : memref<512x128xf32, #tpu.memory_space<vmem>>, vector<512x128xf32>
      tpu.vector_store %arg8[%swap3A_124, %swap3A_125], %add3A {strides = array<i32>} : memref<512x128xf32, #tpu.memory_space<vmem>>, vector<512x128xf32>,
      %get3A_127 = arith.constant 0 : index
      %get3A_128 = arith.constant 0 : index
      %get3A_129 = vector.load %arg11[%get3A_127, %get3A_128] : memref<512x128xf32, #tpu.memory_space<vmem>>, vector<512x128xf32>
      %get3A_130 = arith.constant 2 : index
      %get3A_131 = arith.constant 0 : index
      %get3A_132 = arith.constant 0 : index
      %get3A_133 = vector.load %arg6[%get3A_130, %get3A_131, %get3A_132] : memref<8x128x128xf32, #tpu.memory_space<vmem>>, vector<1x128x128xf32>
      %get3A_134 = vector.shape_cast %get3A_133 : vector<1x128x128xf32> to vector<128x128xf32>
      %dot_general3A_135 = arith.constant dense<0.000000e+00> : vector<512x128xf32>
      %dot_general3A_136 = tpu.matmul %get3A_5, %get3A_134, %dot_general3A_135 {dimension_numbers = #tpu.dot_dimension_numbers<[1], [0], [0], [1], [0, 0, 1, 1], [], []>, transpose_lhs_hint = false} : vector<512x128xf32>, vector<128x128xf32>, vector<512x128xf32> -> vector<512x128xf32>
      %mul3A_137 = vector.broadcast %slice3A_113 : vector<512x1xf32> to vector<512x128xf32>
      %mul3A_138 = arith.mulf %mul3A_137, %dot_general3A_136 : vector<512x128xf32>
      %add3A_139 = arith.addf %get3A_129, %mul3A_138 : vector<512x128xf32>
      %swap3A_140 = arith.constant 0 : index
      %swap3A_141 = arith.constant 0 : index
      %swap3A_142 = vector.load %arg11[%swap3A_140, %swap3A_141] : memref<512x128xf32, #tpu.memory_space<vmem>>, vector<512x128xf32>
      tpu.vector_store %arg11[%swap3A_140, %swap3A_141], %add3A_139 {strides = array<i32>} : memref<512x128xf32, #tpu.memory_space<vmem>>, vector<512x128xf32>,
      %get3A_143 = arith.constant 0 : index
      %get3A_144 = arith.constant 0 : index
      %get3A_145 = vector.load %arg12[%get3A_143, %get3A_144] : memref<512x128xf32, #tpu.memory_space<vmem>>, vector<512x128xf32>
      %get3A_146 = arith.constant 2 : index
      %get3A_147 = arith.constant 0 : index
      %get3A_148 = arith.constant 0 : index
      %get3A_149 = vector.load %arg7[%get3A_146, %get3A_147, %get3A_148] : memref<8x128x128xf32, #tpu.memory_space<vmem>>, vector<1x128x128xf32>
      %get3A_150 = vector.shape_cast %get3A_149 : vector<1x128x128xf32> to vector<128x128xf32>
      %dot_general3A_151 = arith.constant dense<0.000000e+00> : vector<512x128xf32>
      %dot_general3A_152 = tpu.matmul %get3A_5, %get3A_150, %dot_general3A_151 {dimension_numbers = #tpu.dot_dimension_numbers<[1], [0], [0], [1], [0, 0, 1, 1], [], []>, transpose_lhs_hint = false} : vector<512x128xf32>, vector<128x128xf32>, vector<512x128xf32> -> vector<512x128xf32>
      %mul3A_153 = vector.broadcast %slice3A_113 : vector<512x1xf32> to vector<512x128xf32>
      %mul3A_154 = arith.mulf %mul3A_153, %dot_general3A_152 : vector<512x128xf32>
      %add3A_155 = arith.addf %get3A_145, %mul3A_154 : vector<512x128xf32>
      %swap3A_156 = arith.constant 0 : index
      %swap3A_157 = arith.constant 0 : index
      %swap3A_158 = vector.load %arg12[%swap3A_156, %swap3A_157] : memref<512x128xf32, #tpu.memory_space<vmem>>, vector<512x128xf32>
      tpu.vector_store %arg12[%swap3A_156, %swap3A_157], %add3A_155 {strides = array<i32>} : memref<512x128xf32, #tpu.memory_space<vmem>>, vector<512x128xf32>,
    } else {
    }
    %le3A_45 = arith.constant 3 : i32
    %le3A_46 = arith.cmpi sle, %get3A_0, %le3A_45 : i32
    %ge3A_47 = arith.constant 3 : i32
    %ge3A_48 = arith.cmpi sge, %get3A_2, %ge3A_47 : i32
    %and3A_49 = arith.andi %le3A_46, %ge3A_48 : i1
    %convert_element_type3A_50 = arith.extui %and3A_49 : i1 to i32
    %cond3A_51 = arith.constant 0 : i32
    %cond3A_52 = arith.cmpi ne, %convert_element_type3A_50, %cond3A_51 : i32
    scf.if %cond3A_52 {
      %slice3A_113 = vector.extract_strided_slice %convert_element_type3A_11 {offsets = [0, 3], sizes = [512, 1], strides = [1, 1]} : vector<512x8xf32> to vector<512x1xf32>
      %get3A_114 = arith.constant 0 : index
      %get3A_115 = arith.constant 0 : index
      %get3A_116 = vector.load %arg8[%get3A_114, %get3A_115] : memref<512x128xf32, #tpu.memory_space<vmem>>, vector<512x128xf32>
      %get3A_117 = arith.constant 3 : index
      %get3A_118 = arith.constant 0 : index
      %get3A_119 = arith.constant 0 : index
      %get3A_120 = vector.load %arg5[%get3A_117, %get3A_118, %get3A_119] : memref<8x128x128xf32, #tpu.memory_space<vmem>>, vector<1x128x128xf32>
      %get3A_121 = vector.shape_cast %get3A_120 : vector<1x128x128xf32> to vector<128x128xf32>
      %dot_general3A = arith.constant dense<0.000000e+00> : vector<512x128xf32>
      %dot_general3A_122 = tpu.matmul %get3A_5, %get3A_121, %dot_general3A {dimension_numbers = #tpu.dot_dimension_numbers<[1], [0], [0], [1], [0, 0, 1, 1], [], []>, transpose_lhs_hint = false} : vector<512x128xf32>, vector<128x128xf32>, vector<512x128xf32> -> vector<512x128xf32>
      %mul3A = vector.broadcast %slice3A_113 : vector<512x1xf32> to vector<512x128xf32>
      %mul3A_123 = arith.mulf %mul3A, %dot_general3A_122 : vector<512x128xf32>
      %add3A = arith.addf %get3A_116, %mul3A_123 : vector<512x128xf32>
      %swap3A_124 = arith.constant 0 : index
      %swap3A_125 = arith.constant 0 : index
      %swap3A_126 = vector.load %arg8[%swap3A_124, %swap3A_125] : memref<512x128xf32, #tpu.memory_space<vmem>>, vector<512x128xf32>
      tpu.vector_store %arg8[%swap3A_124, %swap3A_125], %add3A {strides = array<i32>} : memref<512x128xf32, #tpu.memory_space<vmem>>, vector<512x128xf32>,
      %get3A_127 = arith.constant 0 : index
      %get3A_128 = arith.constant 0 : index
      %get3A_129 = vector.load %arg11[%get3A_127, %get3A_128] : memref<512x128xf32, #tpu.memory_space<vmem>>, vector<512x128xf32>
      %get3A_130 = arith.constant 3 : index
      %get3A_131 = arith.constant 0 : index
      %get3A_132 = arith.constant 0 : index
      %get3A_133 = vector.load %arg6[%get3A_130, %get3A_131, %get3A_132] : memref<8x128x128xf32, #tpu.memory_space<vmem>>, vector<1x128x128xf32>
      %get3A_134 = vector.shape_cast %get3A_133 : vector<1x128x128xf32> to vector<128x128xf32>
      %dot_general3A_135 = arith.constant dense<0.000000e+00> : vector<512x128xf32>
      %dot_general3A_136 = tpu.matmul %get3A_5, %get3A_134, %dot_general3A_135 {dimension_numbers = #tpu.dot_dimension_numbers<[1], [0], [0], [1], [0, 0, 1, 1], [], []>, transpose_lhs_hint = false} : vector<512x128xf32>, vector<128x128xf32>, vector<512x128xf32> -> vector<512x128xf32>
      %mul3A_137 = vector.broadcast %slice3A_113 : vector<512x1xf32> to vector<512x128xf32>
      %mul3A_138 = arith.mulf %mul3A_137, %dot_general3A_136 : vector<512x128xf32>
      %add3A_139 = arith.addf %get3A_129, %mul3A_138 : vector<512x128xf32>
      %swap3A_140 = arith.constant 0 : index
      %swap3A_141 = arith.constant 0 : index
      %swap3A_142 = vector.load %arg11[%swap3A_140, %swap3A_141] : memref<512x128xf32, #tpu.memory_space<vmem>>, vector<512x128xf32>
      tpu.vector_store %arg11[%swap3A_140, %swap3A_141], %add3A_139 {strides = array<i32>} : memref<512x128xf32, #tpu.memory_space<vmem>>, vector<512x128xf32>,
      %get3A_143 = arith.constant 0 : index
      %get3A_144 = arith.constant 0 : index
      %get3A_145 = vector.load %arg12[%get3A_143, %get3A_144] : memref<512x128xf32, #tpu.memory_space<vmem>>, vector<512x128xf32>
      %get3A_146 = arith.constant 3 : index
      %get3A_147 = arith.constant 0 : index
      %get3A_148 = arith.constant 0 : index
      %get3A_149 = vector.load %arg7[%get3A_146, %get3A_147, %get3A_148] : memref<8x128x128xf32, #tpu.memory_space<vmem>>, vector<1x128x128xf32>
      %get3A_150 = vector.shape_cast %get3A_149 : vector<1x128x128xf32> to vector<128x128xf32>
      %dot_general3A_151 = arith.constant dense<0.000000e+00> : vector<512x128xf32>
      %dot_general3A_152 = tpu.matmul %get3A_5, %get3A_150, %dot_general3A_151 {dimension_numbers = #tpu.dot_dimension_numbers<[1], [0], [0], [1], [0, 0, 1, 1], [], []>, transpose_lhs_hint = false} : vector<512x128xf32>, vector<128x128xf32>, vector<512x128xf32> -> vector<512x128xf32>
      %mul3A_153 = vector.broadcast %slice3A_113 : vector<512x1xf32> to vector<512x128xf32>
      %mul3A_154 = arith.mulf %mul3A_153, %dot_general3A_152 : vector<512x128xf32>
      %add3A_155 = arith.addf %get3A_145, %mul3A_154 : vector<512x128xf32>
      %swap3A_156 = arith.constant 0 : index
      %swap3A_157 = arith.constant 0 : index
      %swap3A_158 = vector.load %arg12[%swap3A_156, %swap3A_157] : memref<512x128xf32, #tpu.memory_space<vmem>>, vector<512x128xf32>
      tpu.vector_store %arg12[%swap3A_156, %swap3A_157], %add3A_155 {strides = array<i32>} : memref<512x128xf32, #tpu.memory_space<vmem>>, vector<512x128xf32>,
    } else {
    }
    %le3A_53 = arith.constant 4 : i32
    %le3A_54 = arith.cmpi sle, %get3A_0, %le3A_53 : i32
    %ge3A_55 = arith.constant 4 : i32
    %ge3A_56 = arith.cmpi sge, %get3A_2, %ge3A_55 : i32
    %and3A_57 = arith.andi %le3A_54, %ge3A_56 : i1
    %convert_element_type3A_58 = arith.extui %and3A_57 : i1 to i32
    %cond3A_59 = arith.constant 0 : i32
    %cond3A_60 = arith.cmpi ne, %convert_element_type3A_58, %cond3A_59 : i32
    scf.if %cond3A_60 {
      %slice3A_113 = vector.extract_strided_slice %convert_element_type3A_11 {offsets = [0, 4], sizes = [512, 1], strides = [1, 1]} : vector<512x8xf32> to vector<512x1xf32>
      %get3A_114 = arith.constant 0 : index
      %get3A_115 = arith.constant 0 : index
      %get3A_116 = vector.load %arg8[%get3A_114, %get3A_115] : memref<512x128xf32, #tpu.memory_space<vmem>>, vector<512x128xf32>
      %get3A_117 = arith.constant 4 : index
      %get3A_118 = arith.constant 0 : index
      %get3A_119 = arith.constant 0 : index
      %get3A_120 = vector.load %arg5[%get3A_117, %get3A_118, %get3A_119] : memref<8x128x128xf32, #tpu.memory_space<vmem>>, vector<1x128x128xf32>
      %get3A_121 = vector.shape_cast %get3A_120 : vector<1x128x128xf32> to vector<128x128xf32>
      %dot_general3A = arith.constant dense<0.000000e+00> : vector<512x128xf32>
      %dot_general3A_122 = tpu.matmul %get3A_5, %get3A_121, %dot_general3A {dimension_numbers = #tpu.dot_dimension_numbers<[1], [0], [0], [1], [0, 0, 1, 1], [], []>, transpose_lhs_hint = false} : vector<512x128xf32>, vector<128x128xf32>, vector<512x128xf32> -> vector<512x128xf32>
      %mul3A = vector.broadcast %slice3A_113 : vector<512x1xf32> to vector<512x128xf32>
      %mul3A_123 = arith.mulf %mul3A, %dot_general3A_122 : vector<512x128xf32>
      %add3A = arith.addf %get3A_116, %mul3A_123 : vector<512x128xf32>
      %swap3A_124 = arith.constant 0 : index
      %swap3A_125 = arith.constant 0 : index
      %swap3A_126 = vector.load %arg8[%swap3A_124, %swap3A_125] : memref<512x128xf32, #tpu.memory_space<vmem>>, vector<512x128xf32>
      tpu.vector_store %arg8[%swap3A_124, %swap3A_125], %add3A {strides = array<i32>} : memref<512x128xf32, #tpu.memory_space<vmem>>, vector<512x128xf32>,
      %get3A_127 = arith.constant 0 : index
      %get3A_128 = arith.constant 0 : index
      %get3A_129 = vector.load %arg11[%get3A_127, %get3A_128] : memref<512x128xf32, #tpu.memory_space<vmem>>, vector<512x128xf32>
      %get3A_130 = arith.constant 4 : index
      %get3A_131 = arith.constant 0 : index
      %get3A_132 = arith.constant 0 : index
      %get3A_133 = vector.load %arg6[%get3A_130, %get3A_131, %get3A_132] : memref<8x128x128xf32, #tpu.memory_space<vmem>>, vector<1x128x128xf32>
      %get3A_134 = vector.shape_cast %get3A_133 : vector<1x128x128xf32> to vector<128x128xf32>
      %dot_general3A_135 = arith.constant dense<0.000000e+00> : vector<512x128xf32>
      %dot_general3A_136 = tpu.matmul %get3A_5, %get3A_134, %dot_general3A_135 {dimension_numbers = #tpu.dot_dimension_numbers<[1], [0], [0], [1], [0, 0, 1, 1], [], []>, transpose_lhs_hint = false} : vector<512x128xf32>, vector<128x128xf32>, vector<512x128xf32> -> vector<512x128xf32>
      %mul3A_137 = vector.broadcast %slice3A_113 : vector<512x1xf32> to vector<512x128xf32>
      %mul3A_138 = arith.mulf %mul3A_137, %dot_general3A_136 : vector<512x128xf32>
      %add3A_139 = arith.addf %get3A_129, %mul3A_138 : vector<512x128xf32>
      %swap3A_140 = arith.constant 0 : index
      %swap3A_141 = arith.constant 0 : index
      %swap3A_142 = vector.load %arg11[%swap3A_140, %swap3A_141] : memref<512x128xf32, #tpu.memory_space<vmem>>, vector<512x128xf32>
      tpu.vector_store %arg11[%swap3A_140, %swap3A_141], %add3A_139 {strides = array<i32>} : memref<512x128xf32, #tpu.memory_space<vmem>>, vector<512x128xf32>,
      %get3A_143 = arith.constant 0 : index
      %get3A_144 = arith.constant 0 : index
      %get3A_145 = vector.load %arg12[%get3A_143, %get3A_144] : memref<512x128xf32, #tpu.memory_space<vmem>>, vector<512x128xf32>
      %get3A_146 = arith.constant 4 : index
      %get3A_147 = arith.constant 0 : index
      %get3A_148 = arith.constant 0 : index
      %get3A_149 = vector.load %arg7[%get3A_146, %get3A_147, %get3A_148] : memref<8x128x128xf32, #tpu.memory_space<vmem>>, vector<1x128x128xf32>
      %get3A_150 = vector.shape_cast %get3A_149 : vector<1x128x128xf32> to vector<128x128xf32>
      %dot_general3A_151 = arith.constant dense<0.000000e+00> : vector<512x128xf32>
      %dot_general3A_152 = tpu.matmul %get3A_5, %get3A_150, %dot_general3A_151 {dimension_numbers = #tpu.dot_dimension_numbers<[1], [0], [0], [1], [0, 0, 1, 1], [], []>, transpose_lhs_hint = false} : vector<512x128xf32>, vector<128x128xf32>, vector<512x128xf32> -> vector<512x128xf32>
      %mul3A_153 = vector.broadcast %slice3A_113 : vector<512x1xf32> to vector<512x128xf32>
      %mul3A_154 = arith.mulf %mul3A_153, %dot_general3A_152 : vector<512x128xf32>
      %add3A_155 = arith.addf %get3A_145, %mul3A_154 : vector<512x128xf32>
      %swap3A_156 = arith.constant 0 : index
      %swap3A_157 = arith.constant 0 : index
      %swap3A_158 = vector.load %arg12[%swap3A_156, %swap3A_157] : memref<512x128xf32, #tpu.memory_space<vmem>>, vector<512x128xf32>
      tpu.vector_store %arg12[%swap3A_156, %swap3A_157], %add3A_155 {strides = array<i32>} : memref<512x128xf32, #tpu.memory_space<vmem>>, vector<512x128xf32>,
    } else {
    }
    %le3A_61 = arith.constant 5 : i32
    %le3A_62 = arith.cmpi sle, %get3A_0, %le3A_61 : i32
    %ge3A_63 = arith.constant 5 : i32
    %ge3A_64 = arith.cmpi sge, %get3A_2, %ge3A_63 : i32
    %and3A_65 = arith.andi %le3A_62, %ge3A_64 : i1
    %convert_element_type3A_66 = arith.extui %and3A_65 : i1 to i32
    %cond3A_67 = arith.constant 0 : i32
    %cond3A_68 = arith.cmpi ne, %convert_element_type3A_66, %cond3A_67 : i32
    scf.if %cond3A_68 {
      %slice3A_113 = vector.extract_strided_slice %convert_element_type3A_11 {offsets = [0, 5], sizes = [512, 1], strides = [1, 1]} : vector<512x8xf32> to vector<512x1xf32>
      %get3A_114 = arith.constant 0 : index
      %get3A_115 = arith.constant 0 : index
      %get3A_116 = vector.load %arg8[%get3A_114, %get3A_115] : memref<512x128xf32, #tpu.memory_space<vmem>>, vector<512x128xf32>
      %get3A_117 = arith.constant 5 : index
      %get3A_118 = arith.constant 0 : index
      %get3A_119 = arith.constant 0 : index
      %get3A_120 = vector.load %arg5[%get3A_117, %get3A_118, %get3A_119] : memref<8x128x128xf32, #tpu.memory_space<vmem>>, vector<1x128x128xf32>
      %get3A_121 = vector.shape_cast %get3A_120 : vector<1x128x128xf32> to vector<128x128xf32>
      %dot_general3A = arith.constant dense<0.000000e+00> : vector<512x128xf32>
      %dot_general3A_122 = tpu.matmul %get3A_5, %get3A_121, %dot_general3A {dimension_numbers = #tpu.dot_dimension_numbers<[1], [0], [0], [1], [0, 0, 1, 1], [], []>, transpose_lhs_hint = false} : vector<512x128xf32>, vector<128x128xf32>, vector<512x128xf32> -> vector<512x128xf32>
      %mul3A = vector.broadcast %slice3A_113 : vector<512x1xf32> to vector<512x128xf32>
      %mul3A_123 = arith.mulf %mul3A, %dot_general3A_122 : vector<512x128xf32>
      %add3A = arith.addf %get3A_116, %mul3A_123 : vector<512x128xf32>
      %swap3A_124 = arith.constant 0 : index
      %swap3A_125 = arith.constant 0 : index
      %swap3A_126 = vector.load %arg8[%swap3A_124, %swap3A_125] : memref<512x128xf32, #tpu.memory_space<vmem>>, vector<512x128xf32>
      tpu.vector_store %arg8[%swap3A_124, %swap3A_125], %add3A {strides = array<i32>} : memref<512x128xf32, #tpu.memory_space<vmem>>, vector<512x128xf32>,
      %get3A_127 = arith.constant 0 : index
      %get3A_128 = arith.constant 0 : index
      %get3A_129 = vector.load %arg11[%get3A_127, %get3A_128] : memref<512x128xf32, #tpu.memory_space<vmem>>, vector<512x128xf32>
      %get3A_130 = arith.constant 5 : index
      %get3A_131 = arith.constant 0 : index
      %get3A_132 = arith.constant 0 : index
      %get3A_133 = vector.load %arg6[%get3A_130, %get3A_131, %get3A_132] : memref<8x128x128xf32, #tpu.memory_space<vmem>>, vector<1x128x128xf32>
      %get3A_134 = vector.shape_cast %get3A_133 : vector<1x128x128xf32> to vector<128x128xf32>
      %dot_general3A_135 = arith.constant dense<0.000000e+00> : vector<512x128xf32>
      %dot_general3A_136 = tpu.matmul %get3A_5, %get3A_134, %dot_general3A_135 {dimension_numbers = #tpu.dot_dimension_numbers<[1], [0], [0], [1], [0, 0, 1, 1], [], []>, transpose_lhs_hint = false} : vector<512x128xf32>, vector<128x128xf32>, vector<512x128xf32> -> vector<512x128xf32>
      %mul3A_137 = vector.broadcast %slice3A_113 : vector<512x1xf32> to vector<512x128xf32>
      %mul3A_138 = arith.mulf %mul3A_137, %dot_general3A_136 : vector<512x128xf32>
      %add3A_139 = arith.addf %get3A_129, %mul3A_138 : vector<512x128xf32>
      %swap3A_140 = arith.constant 0 : index
      %swap3A_141 = arith.constant 0 : index
      %swap3A_142 = vector.load %arg11[%swap3A_140, %swap3A_141] : memref<512x128xf32, #tpu.memory_space<vmem>>, vector<512x128xf32>
      tpu.vector_store %arg11[%swap3A_140, %swap3A_141], %add3A_139 {strides = array<i32>} : memref<512x128xf32, #tpu.memory_space<vmem>>, vector<512x128xf32>,
      %get3A_143 = arith.constant 0 : index
      %get3A_144 = arith.constant 0 : index
      %get3A_145 = vector.load %arg12[%get3A_143, %get3A_144] : memref<512x128xf32, #tpu.memory_space<vmem>>, vector<512x128xf32>
      %get3A_146 = arith.constant 5 : index
      %get3A_147 = arith.constant 0 : index
      %get3A_148 = arith.constant 0 : index
      %get3A_149 = vector.load %arg7[%get3A_146, %get3A_147, %get3A_148] : memref<8x128x128xf32, #tpu.memory_space<vmem>>, vector<1x128x128xf32>
      %get3A_150 = vector.shape_cast %get3A_149 : vector<1x128x128xf32> to vector<128x128xf32>
      %dot_general3A_151 = arith.constant dense<0.000000e+00> : vector<512x128xf32>
      %dot_general3A_152 = tpu.matmul %get3A_5, %get3A_150, %dot_general3A_151 {dimension_numbers = #tpu.dot_dimension_numbers<[1], [0], [0], [1], [0, 0, 1, 1], [], []>, transpose_lhs_hint = false} : vector<512x128xf32>, vector<128x128xf32>, vector<512x128xf32> -> vector<512x128xf32>
      %mul3A_153 = vector.broadcast %slice3A_113 : vector<512x1xf32> to vector<512x128xf32>
      %mul3A_154 = arith.mulf %mul3A_153, %dot_general3A_152 : vector<512x128xf32>
      %add3A_155 = arith.addf %get3A_145, %mul3A_154 : vector<512x128xf32>
      %swap3A_156 = arith.constant 0 : index
      %swap3A_157 = arith.constant 0 : index
      %swap3A_158 = vector.load %arg12[%swap3A_156, %swap3A_157] : memref<512x128xf32, #tpu.memory_space<vmem>>, vector<512x128xf32>
      tpu.vector_store %arg12[%swap3A_156, %swap3A_157], %add3A_155 {strides = array<i32>} : memref<512x128xf32, #tpu.memory_space<vmem>>, vector<512x128xf32>,
    } else {
    }
    %le3A_69 = arith.constant 6 : i32
    %le3A_70 = arith.cmpi sle, %get3A_0, %le3A_69 : i32
    %ge3A_71 = arith.constant 6 : i32
    %ge3A_72 = arith.cmpi sge, %get3A_2, %ge3A_71 : i32
    %and3A_73 = arith.andi %le3A_70, %ge3A_72 : i1
    %convert_element_type3A_74 = arith.extui %and3A_73 : i1 to i32
    %cond3A_75 = arith.constant 0 : i32
    %cond3A_76 = arith.cmpi ne, %convert_element_type3A_74, %cond3A_75 : i32
    scf.if %cond3A_76 {
      %slice3A_113 = vector.extract_strided_slice %convert_element_type3A_11 {offsets = [0, 6], sizes = [512, 1], strides = [1, 1]} : vector<512x8xf32> to vector<512x1xf32>
      %get3A_114 = arith.constant 0 : index
      %get3A_115 = arith.constant 0 : index
      %get3A_116 = vector.load %arg8[%get3A_114, %get3A_115] : memref<512x128xf32, #tpu.memory_space<vmem>>, vector<512x128xf32>
      %get3A_117 = arith.constant 6 : index
      %get3A_118 = arith.constant 0 : index
      %get3A_119 = arith.constant 0 : index
      %get3A_120 = vector.load %arg5[%get3A_117, %get3A_118, %get3A_119] : memref<8x128x128xf32, #tpu.memory_space<vmem>>, vector<1x128x128xf32>
      %get3A_121 = vector.shape_cast %get3A_120 : vector<1x128x128xf32> to vector<128x128xf32>
      %dot_general3A = arith.constant dense<0.000000e+00> : vector<512x128xf32>
      %dot_general3A_122 = tpu.matmul %get3A_5, %get3A_121, %dot_general3A {dimension_numbers = #tpu.dot_dimension_numbers<[1], [0], [0], [1], [0, 0, 1, 1], [], []>, transpose_lhs_hint = false} : vector<512x128xf32>, vector<128x128xf32>, vector<512x128xf32> -> vector<512x128xf32>
      %mul3A = vector.broadcast %slice3A_113 : vector<512x1xf32> to vector<512x128xf32>
      %mul3A_123 = arith.mulf %mul3A, %dot_general3A_122 : vector<512x128xf32>
      %add3A = arith.addf %get3A_116, %mul3A_123 : vector<512x128xf32>
      %swap3A_124 = arith.constant 0 : index
      %swap3A_125 = arith.constant 0 : index
      %swap3A_126 = vector.load %arg8[%swap3A_124, %swap3A_125] : memref<512x128xf32, #tpu.memory_space<vmem>>, vector<512x128xf32>
      tpu.vector_store %arg8[%swap3A_124, %swap3A_125], %add3A {strides = array<i32>} : memref<512x128xf32, #tpu.memory_space<vmem>>, vector<512x128xf32>,
      %get3A_127 = arith.constant 0 : index
      %get3A_128 = arith.constant 0 : index
      %get3A_129 = vector.load %arg11[%get3A_127, %get3A_128] : memref<512x128xf32, #tpu.memory_space<vmem>>, vector<512x128xf32>
      %get3A_130 = arith.constant 6 : index
      %get3A_131 = arith.constant 0 : index
      %get3A_132 = arith.constant 0 : index
      %get3A_133 = vector.load %arg6[%get3A_130, %get3A_131, %get3A_132] : memref<8x128x128xf32, #tpu.memory_space<vmem>>, vector<1x128x128xf32>
      %get3A_134 = vector.shape_cast %get3A_133 : vector<1x128x128xf32> to vector<128x128xf32>
      %dot_general3A_135 = arith.constant dense<0.000000e+00> : vector<512x128xf32>
      %dot_general3A_136 = tpu.matmul %get3A_5, %get3A_134, %dot_general3A_135 {dimension_numbers = #tpu.dot_dimension_numbers<[1], [0], [0], [1], [0, 0, 1, 1], [], []>, transpose_lhs_hint = false} : vector<512x128xf32>, vector<128x128xf32>, vector<512x128xf32> -> vector<512x128xf32>
      %mul3A_137 = vector.broadcast %slice3A_113 : vector<512x1xf32> to vector<512x128xf32>
      %mul3A_138 = arith.mulf %mul3A_137, %dot_general3A_136 : vector<512x128xf32>
      %add3A_139 = arith.addf %get3A_129, %mul3A_138 : vector<512x128xf32>
      %swap3A_140 = arith.constant 0 : index
      %swap3A_141 = arith.constant 0 : index
      %swap3A_142 = vector.load %arg11[%swap3A_140, %swap3A_141] : memref<512x128xf32, #tpu.memory_space<vmem>>, vector<512x128xf32>
      tpu.vector_store %arg11[%swap3A_140, %swap3A_141], %add3A_139 {strides = array<i32>} : memref<512x128xf32, #tpu.memory_space<vmem>>, vector<512x128xf32>,
      %get3A_143 = arith.constant 0 : index
      %get3A_144 = arith.constant 0 : index
      %get3A_145 = vector.load %arg12[%get3A_143, %get3A_144] : memref<512x128xf32, #tpu.memory_space<vmem>>, vector<512x128xf32>
      %get3A_146 = arith.constant 6 : index
      %get3A_147 = arith.constant 0 : index
      %get3A_148 = arith.constant 0 : index
      %get3A_149 = vector.load %arg7[%get3A_146, %get3A_147, %get3A_148] : memref<8x128x128xf32, #tpu.memory_space<vmem>>, vector<1x128x128xf32>
      %get3A_150 = vector.shape_cast %get3A_149 : vector<1x128x128xf32> to vector<128x128xf32>
      %dot_general3A_151 = arith.constant dense<0.000000e+00> : vector<512x128xf32>
      %dot_general3A_152 = tpu.matmul %get3A_5, %get3A_150, %dot_general3A_151 {dimension_numbers = #tpu.dot_dimension_numbers<[1], [0], [0], [1], [0, 0, 1, 1], [], []>, transpose_lhs_hint = false} : vector<512x128xf32>, vector<128x128xf32>, vector<512x128xf32> -> vector<512x128xf32>
      %mul3A_153 = vector.broadcast %slice3A_113 : vector<512x1xf32> to vector<512x128xf32>
      %mul3A_154 = arith.mulf %mul3A_153, %dot_general3A_152 : vector<512x128xf32>
      %add3A_155 = arith.addf %get3A_145, %mul3A_154 : vector<512x128xf32>
      %swap3A_156 = arith.constant 0 : index
      %swap3A_157 = arith.constant 0 : index
      %swap3A_158 = vector.load %arg12[%swap3A_156, %swap3A_157] : memref<512x128xf32, #tpu.memory_space<vmem>>, vector<512x128xf32>
      tpu.vector_store %arg12[%swap3A_156, %swap3A_157], %add3A_155 {strides = array<i32>} : memref<512x128xf32, #tpu.memory_space<vmem>>, vector<512x128xf32>,
    } else {
    }
    %le3A_77 = arith.constant 7 : i32
    %le3A_78 = arith.cmpi sle, %get3A_0, %le3A_77 : i32
    %ge3A_79 = arith.constant 7 : i32
    %ge3A_80 = arith.cmpi sge, %get3A_2, %ge3A_79 : i32
    %and3A_81 = arith.andi %le3A_78, %ge3A_80 : i1
    %convert_element_type3A_82 = arith.extui %and3A_81 : i1 to i32
    %cond3A_83 = arith.constant 0 : i32
    %cond3A_84 = arith.cmpi ne, %convert_element_type3A_82, %cond3A_83 : i32
    scf.if %cond3A_84 {
      %slice3A_113 = vector.extract_strided_slice %convert_element_type3A_11 {offsets = [0, 7], sizes = [512, 1], strides = [1, 1]} : vector<512x8xf32> to vector<512x1xf32>
      %get3A_114 = arith.constant 0 : index
      %get3A_115 = arith.constant 0 : index
      %get3A_116 = vector.load %arg8[%get3A_114, %get3A_115] : memref<512x128xf32, #tpu.memory_space<vmem>>, vector<512x128xf32>
      %get3A_117 = arith.constant 7 : index
      %get3A_118 = arith.constant 0 : index
      %get3A_119 = arith.constant 0 : index
      %get3A_120 = vector.load %arg5[%get3A_117, %get3A_118, %get3A_119] : memref<8x128x128xf32, #tpu.memory_space<vmem>>, vector<1x128x128xf32>
      %get3A_121 = vector.shape_cast %get3A_120 : vector<1x128x128xf32> to vector<128x128xf32>
      %dot_general3A = arith.constant dense<0.000000e+00> : vector<512x128xf32>
      %dot_general3A_122 = tpu.matmul %get3A_5, %get3A_121, %dot_general3A {dimension_numbers = #tpu.dot_dimension_numbers<[1], [0], [0], [1], [0, 0, 1, 1], [], []>, transpose_lhs_hint = false} : vector<512x128xf32>, vector<128x128xf32>, vector<512x128xf32> -> vector<512x128xf32>
      %mul3A = vector.broadcast %slice3A_113 : vector<512x1xf32> to vector<512x128xf32>
      %mul3A_123 = arith.mulf %mul3A, %dot_general3A_122 : vector<512x128xf32>
      %add3A = arith.addf %get3A_116, %mul3A_123 : vector<512x128xf32>
      %swap3A_124 = arith.constant 0 : index
      %swap3A_125 = arith.constant 0 : index
      %swap3A_126 = vector.load %arg8[%swap3A_124, %swap3A_125] : memref<512x128xf32, #tpu.memory_space<vmem>>, vector<512x128xf32>
      tpu.vector_store %arg8[%swap3A_124, %swap3A_125], %add3A {strides = array<i32>} : memref<512x128xf32, #tpu.memory_space<vmem>>, vector<512x128xf32>,
      %get3A_127 = arith.constant 0 : index
      %get3A_128 = arith.constant 0 : index
      %get3A_129 = vector.load %arg11[%get3A_127, %get3A_128] : memref<512x128xf32, #tpu.memory_space<vmem>>, vector<512x128xf32>
      %get3A_130 = arith.constant 7 : index
      %get3A_131 = arith.constant 0 : index
      %get3A_132 = arith.constant 0 : index
      %get3A_133 = vector.load %arg6[%get3A_130, %get3A_131, %get3A_132] : memref<8x128x128xf32, #tpu.memory_space<vmem>>, vector<1x128x128xf32>
      %get3A_134 = vector.shape_cast %get3A_133 : vector<1x128x128xf32> to vector<128x128xf32>
      %dot_general3A_135 = arith.constant dense<0.000000e+00> : vector<512x128xf32>
      %dot_general3A_136 = tpu.matmul %get3A_5, %get3A_134, %dot_general3A_135 {dimension_numbers = #tpu.dot_dimension_numbers<[1], [0], [0], [1], [0, 0, 1, 1], [], []>, transpose_lhs_hint = false} : vector<512x128xf32>, vector<128x128xf32>, vector<512x128xf32> -> vector<512x128xf32>
      %mul3A_137 = vector.broadcast %slice3A_113 : vector<512x1xf32> to vector<512x128xf32>
      %mul3A_138 = arith.mulf %mul3A_137, %dot_general3A_136 : vector<512x128xf32>
      %add3A_139 = arith.addf %get3A_129, %mul3A_138 : vector<512x128xf32>
      %swap3A_140 = arith.constant 0 : index
      %swap3A_141 = arith.constant 0 : index
      %swap3A_142 = vector.load %arg11[%swap3A_140, %swap3A_141] : memref<512x128xf32, #tpu.memory_space<vmem>>, vector<512x128xf32>
      tpu.vector_store %arg11[%swap3A_140, %swap3A_141], %add3A_139 {strides = array<i32>} : memref<512x128xf32, #tpu.memory_space<vmem>>, vector<512x128xf32>,
      %get3A_143 = arith.constant 0 : index
      %get3A_144 = arith.constant 0 : index
      %get3A_145 = vector.load %arg12[%get3A_143, %get3A_144] : memref<512x128xf32, #tpu.memory_space<vmem>>, vector<512x128xf32>
      %get3A_146 = arith.constant 7 : index
      %get3A_147 = arith.constant 0 : index
      %get3A_148 = arith.constant 0 : index
      %get3A_149 = vector.load %arg7[%get3A_146, %get3A_147, %get3A_148] : memref<8x128x128xf32, #tpu.memory_space<vmem>>, vector<1x128x128xf32>
      %get3A_150 = vector.shape_cast %get3A_149 : vector<1x128x128xf32> to vector<128x128xf32>
      %dot_general3A_151 = arith.constant dense<0.000000e+00> : vector<512x128xf32>
      %dot_general3A_152 = tpu.matmul %get3A_5, %get3A_150, %dot_general3A_151 {dimension_numbers = #tpu.dot_dimension_numbers<[1], [0], [0], [1], [0, 0, 1, 1], [], []>, transpose_lhs_hint = false} : vector<512x128xf32>, vector<128x128xf32>, vector<512x128xf32> -> vector<512x128xf32>
      %mul3A_153 = vector.broadcast %slice3A_113 : vector<512x1xf32> to vector<512x128xf32>
      %mul3A_154 = arith.mulf %mul3A_153, %dot_general3A_152 : vector<512x128xf32>
      %add3A_155 = arith.addf %get3A_145, %mul3A_154 : vector<512x128xf32>
      %swap3A_156 = arith.constant 0 : index
      %swap3A_157 = arith.constant 0 : index
      %swap3A_158 = vector.load %arg12[%swap3A_156, %swap3A_157] : memref<512x128xf32, #tpu.memory_space<vmem>>, vector<512x128xf32>
      tpu.vector_store %arg12[%swap3A_156, %swap3A_157], %add3A_155 {strides = array<i32>} : memref<512x128xf32, #tpu.memory_space<vmem>>, vector<512x128xf32>,
    } else {
    }
    %get3A_85 = arith.constant 0 : index
    %get3A_86 = arith.constant 0 : index
    %get3A_87 = vector.load %arg11[%get3A_85, %get3A_86] : memref<512x128xf32, #tpu.memory_space<vmem>>, vector<512x128xf32>
    %transpose3A = tpu.transpose %get3A_87, [1, 0] : vector<512x128xf32> -> vector<128x512xf32>
    %swap3A_88 = arith.constant 0 : index
    %swap3A_89 = arith.constant 0 : index
    %swap3A_90 = arith.constant 0 : index
    %swap3A_91 = vector.load %arg9[%swap3A_88, %swap3A_89, %swap3A_90] : memref<1x128x512xf32, #tpu.memory_space<vmem>>, vector<1x128x512xf32>
    %swap3A_92 = vector.shape_cast %swap3A_91 : vector<1x128x512xf32> to vector<128x512xf32>
    %swap3A_93 = vector.shape_cast %transpose3A : vector<128x512xf32> to vector<1x128x512xf32>
    tpu.vector_store %arg9[%swap3A_88, %swap3A_89, %swap3A_90], %swap3A_93 {strides = array<i32>} : memref<1x128x512xf32, #tpu.memory_space<vmem>>, vector<1x128x512xf32>,
    %broadcast_in_dim3A_94 = arith.constant 1.000000e+00 : f32
    %broadcast_in_dim3A_95 = vector.broadcast %broadcast_in_dim3A_94 : f32 to vector<512x8xf32>
    %get3A_96 = arith.constant 0 : index
    %get3A_97 = arith.constant 0 : index
    %get3A_98 = vector.load %arg12[%get3A_96, %get3A_97] : memref<512x128xf32, #tpu.memory_space<vmem>>, vector<512x128xf32>
    %slice3A = vector.extract_strided_slice %get3A_98 {offsets = [0, 0], sizes = [512, 64], strides = [1, 1]} : vector<512x128xf32> to vector<512x64xf32>
    %concatenate3A = tpu.concatenate %slice3A, %broadcast_in_dim3A_95 in 1 : vector<512x64xf32>, vector<512x8xf32> -> vector<512x72xf32>
    %swap3A_99 = arith.constant 0 : index
    %swap3A_100 = arith.constant 0 : index
    %swap3A_101 = arith.constant 0 : index
    %swap3A_102 = vector.load %arg10[%swap3A_99, %swap3A_100, %swap3A_101] : memref<2x512x72xf32, #tpu.memory_space<vmem>>, vector<1x512x72xf32>
    %swap3A_103 = vector.shape_cast %swap3A_102 : vector<1x512x72xf32> to vector<512x72xf32>
    %swap3A_104 = vector.shape_cast %concatenate3A : vector<512x72xf32> to vector<1x512x72xf32>
    tpu.vector_store %arg10[%swap3A_99, %swap3A_100, %swap3A_101], %swap3A_104 {strides = array<i32>} : memref<2x512x72xf32, #tpu.memory_space<vmem>>, vector<1x512x72xf32>,
    %slice3A_105 = vector.extract_strided_slice %get3A_98 {offsets = [0, 64], sizes = [512, 64], strides = [1, 1]} : vector<512x128xf32> to vector<512x64xf32>
    %concatenate3A_106 = tpu.concatenate %slice3A_105, %broadcast_in_dim3A_95 in 1 : vector<512x64xf32>, vector<512x8xf32> -> vector<512x72xf32>
    %swap3A_107 = arith.constant 1 : index
    %swap3A_108 = arith.constant 0 : index
    %swap3A_109 = arith.constant 0 : index
    %swap3A_110 = vector.load %arg10[%swap3A_107, %swap3A_108, %swap3A_109] : memref<2x512x72xf32, #tpu.memory_space<vmem>>, vector<1x512x72xf32>
    %swap3A_111 = vector.shape_cast %swap3A_110 : vector<1x512x72xf32> to vector<512x72xf32>
    %swap3A_112 = vector.shape_cast %concatenate3A_106 : vector<512x72xf32> to vector<1x512x72xf32>
    tpu.vector_store %arg10[%swap3A_107, %swap3A_108, %swap3A_109], %swap3A_112 {strides = array<i32>} : memref<2x512x72xf32, #tpu.memory_space<vmem>>, vector<1x512x72xf32>,
    return
  }
  func.func @transform_0(%arg0: i32) -> i32 {
    %c0_i32 = arith.constant 0 : i32
    %c0_i32_0 = arith.constant 0 : i32
    return %c0_i32 : i32
  }
  func.func @transform_1(%arg0: i32) -> i32 {
    %c0_i32 = arith.constant 0 : i32
    %c0_i32_0 = arith.constant 0 : i32
    return %c0_i32 : i32
  }
  func.func @transform_2(%arg0: i32) -> (i32, i32) {
    %c0_i32 = arith.constant 0 : i32
    %c0_i32_0 = arith.constant 0 : i32
    return %arg0, %c0_i32 : i32, i32
  }
  func.func @transform_3(%arg0: i32) -> (i32, i32) {
    %c0_i32 = arith.constant 0 : i32
    %c0_i32_0 = arith.constant 0 : i32
    return %arg0, %c0_i32 : i32, i32
  }
  func.func @transform_4(%arg0: i32) -> (i32, i32, i32) {
    %c0_i32 = arith.constant 0 : i32
    %c0_i32_0 = arith.constant 0 : i32
    %c0_i32_1 = arith.constant 0 : i32
    %c0_i32_2 = arith.constant 0 : i32
    return %c0_i32, %c0_i32_0, %c0_i32_1 : i32, i32, i32
  }
  func.func @transform_5(%arg0: i32) -> (i32, i32, i32) {
    %c0_i32 = arith.constant 0 : i32
    %c0_i32_0 = arith.constant 0 : i32
    %c0_i32_1 = arith.constant 0 : i32
    %c0_i32_2 = arith.constant 0 : i32
    return %c0_i32, %c0_i32_0, %c0_i32_1 : i32, i32, i32
  }
  func.func @transform_6(%arg0: i32) -> (i32, i32, i32) {
    %c0_i32 = arith.constant 0 : i32
    %c0_i32_0 = arith.constant 0 : i32
    %c0_i32_1 = arith.constant 0 : i32
    %c0_i32_2 = arith.constant 0 : i32
    return %c0_i32, %c0_i32_0, %c0_i32_1 : i32, i32, i32
  }
  func.func @transform_7(%arg0: i32) -> (i32, i32) {
    %c0_i32 = arith.constant 0 : i32
    %c0_i32_0 = arith.constant 0 : i32
    return %arg0, %c0_i32 : i32, i32
  }
  func.func @transform_8(%arg0: i32) -> (i32, i32, i32) {
    %jit3A = arith.constant 2 : i32
    %div3A = arith.divsi %arg0, %jit3A : i32
    %sign3A = arith.constant 0 : i32
    %sign3A_0 = arith.cmpi sgt, %arg0, %sign3A : i32
    %sign3A_1 = arith.extui %sign3A_0 : i1 to i32
    %sign3A_2 = arith.constant 0 : i32
    %sign3A_3 = arith.cmpi slt, %arg0, %sign3A_2 : i32
    %sign3A_4 = arith.extui %sign3A_3 : i1 to i32
    %sign3A_5 = arith.subi %sign3A_1, %sign3A_4 : i32
    %sign3A_6 = arith.constant 0 : i32
    %sign3A_7 = arith.cmpi sgt, %jit3A, %sign3A_6 : i32
    %sign3A_8 = arith.extui %sign3A_7 : i1 to i32
    %sign3A_9 = arith.constant 0 : i32
    %sign3A_10 = arith.cmpi slt, %jit3A, %sign3A_9 : i32
    %sign3A_11 = arith.extui %sign3A_10 : i1 to i32
    %sign3A_12 = arith.subi %sign3A_8, %sign3A_11 : i32
    %ne3A = arith.cmpi ne, %sign3A_5, %sign3A_12 : i32
    %rem3A = arith.remsi %arg0, %jit3A : i32
    %ne3A_13 = arith.constant 0 : i32
    %ne3A_14 = arith.cmpi ne, %rem3A, %ne3A_13 : i32
    %and3A = arith.andi %ne3A, %ne3A_14 : i1
    %sub3A = arith.constant 1 : i32
    %sub3A_15 = arith.subi %div3A, %sub3A : i32
    %select_n3A = arith.select %and3A, %sub3A_15, %div3A : i32
    %jit3A_16 = arith.constant 2 : i32
    %eq3A = arith.constant 0 : i32
    %eq3A_17 = arith.cmpi eq, %jit3A_16, %eq3A : i32
    %jit3A_18 = arith.constant 1 : i32
    %select_n3A_19 = arith.select %eq3A_17, %jit3A_18, %jit3A_16 : i32
    %rem3A_20 = arith.remsi %arg0, %select_n3A_19 : i32
    %ne3A_21 = arith.constant 0 : i32
    %ne3A_22 = arith.cmpi ne, %rem3A_20, %ne3A_21 : i32
    %lt3A = arith.constant 0 : i32
    %lt3A_23 = arith.cmpi slt, %rem3A_20, %lt3A : i32
    %lt3A_24 = arith.constant 0 : i32
    %lt3A_25 = arith.cmpi slt, %select_n3A_19, %lt3A_24 : i32
    %ne3A_26 = arith.xori %lt3A_23, %lt3A_25 : i1
    %and3A_27 = arith.andi %ne3A_26, %ne3A_22 : i1
    %add3A = arith.addi %rem3A_20, %select_n3A_19 : i32
    %select_n3A_28 = arith.select %and3A_27, %add3A, %rem3A_20 : i32
    %c0_i32 = arith.constant 0 : i32
    %c0_i32_29 = arith.constant 0 : i32
    return %select_n3A, %c0_i32, %select_n3A_28 : i32, i32, i32
  }
  func.func @transform_9(%arg0: i32) -> (i32, i32, i32) {
    %c0_i32 = arith.constant 0 : i32
    %c0_i32_0 = arith.constant 0 : i32
    %c0_i32_1 = arith.constant 0 : i32
    return %c0_i32, %arg0, %c0_i32_0 : i32, i32, i32
  }
}

module attributes {stable_mosaic.version = 14 : i64} {
  func.func @_pt_attn_body_fused(%arg0: i32, %arg1: memref<8xi32, #tpu.memory_space<smem>>, %arg2: memref<8xi32, #tpu.memory_space<smem>>, %arg3: memref<8xi32, #tpu.memory_space<smem>>, %arg4: memref<8xi32, #tpu.memory_space<smem>>, %arg5: memref<512x128xf32, #tpu.memory_space<vmem>>, %arg6: memref<512x128xf32, #tpu.memory_space<vmem>>, %arg7: memref<512x1xi32, #tpu.memory_space<vmem>>, %arg8: memref<4x1x1024xi32, #tpu.memory_space<vmem>>, %arg9: memref<4x128x1024xf32, #tpu.memory_space<vmem>>, %arg10: memref<2x4096x72xf32, #tpu.memory_space<vmem>>, %arg11: memref<8x128x128xf32, #tpu.memory_space<vmem>>, %arg12: memref<8x128xf32, #tpu.memory_space<vmem>>, %arg13: memref<8x128xf32, #tpu.memory_space<vmem>>, %arg14: memref<128x128xf32, #tpu.memory_space<vmem>>, %arg15: memref<128x128xf32, #tpu.memory_space<vmem>>, %arg16: memref<128x128xf32, #tpu.memory_space<vmem>>, %arg17: memref<512x128xf32, #tpu.memory_space<vmem>>, %arg18: memref<512x128xf32, #tpu.memory_space<vmem>>, %arg19: memref<128x512xf32, #tpu.memory_space<vmem>>, %arg20: memref<2x512x72xf32, #tpu.memory_space<vmem>>, %arg21: memref<512x128xf32, #tpu.memory_space<vmem>>, %arg22: memref<512x2xf32, #tpu.memory_space<vmem>>, %arg23: memref<512x2xf32, #tpu.memory_space<vmem>>, %arg24: memref<512x128xf32, #tpu.memory_space<vmem>>) attributes {dimension_semantics = [#tpu.dimension_semantics<parallel>], iteration_bounds = array<i64: 8>, scalar_prefetch = 0 : i64, scratch_operands = 4 : i64, tpu.core_type = #tpu.core_type<tc>, window_params = [{transform_indices = @transform_0, window_bounds = array<i64: 8>}, {transform_indices = @transform_1, window_bounds = array<i64: 8>}, {transform_indices = @transform_2, window_bounds = array<i64: 8>}, {transform_indices = @transform_3, window_bounds = array<i64: 8>}, {transform_indices = @transform_4, window_bounds = array<i64: 512, 128>}, {transform_indices = @transform_5, window_bounds = array<i64: 512, 128>}, {transform_indices = @transform_6, window_bounds = array<i64: 512, 1>}, {pipeline_mode = #tpu.pipeline_mode<synchronous>, transform_indices = @transform_7, window_bounds = array<i64: 4, 1, 1024>}, {pipeline_mode = #tpu.pipeline_mode<synchronous>, transform_indices = @transform_8, window_bounds = array<i64: 4, 128, 1024>}, {pipeline_mode = #tpu.pipeline_mode<synchronous>, transform_indices = @transform_9, window_bounds = array<i64: 2, 4096, 72>}, {pipeline_mode = #tpu.pipeline_mode<synchronous>, transform_indices = @transform_10, window_bounds = array<i64: 8, 128, 128>}, {pipeline_mode = #tpu.pipeline_mode<synchronous>, transform_indices = @transform_11, window_bounds = array<i64: 8, 128>}, {pipeline_mode = #tpu.pipeline_mode<synchronous>, transform_indices = @transform_12, window_bounds = array<i64: 8, 128>}, {pipeline_mode = #tpu.pipeline_mode<synchronous>, transform_indices = @transform_13, window_bounds = array<i64: 128, 128>}, {pipeline_mode = #tpu.pipeline_mode<synchronous>, transform_indices = @transform_14, window_bounds = array<i64: 128, 128>}, {pipeline_mode = #tpu.pipeline_mode<synchronous>, transform_indices = @transform_15, window_bounds = array<i64: 128, 128>}, {transform_indices = @transform_16, window_bounds = array<i64: 512, 128>}, {transform_indices = @transform_17, window_bounds = array<i64: 512, 128>}, {transform_indices = @transform_18, window_bounds = array<i64: 128, 512>}, {transform_indices = @transform_19, window_bounds = array<i64: 2, 512, 72>}]} {
    %get3A = arith.index_cast %arg0 : i32 to index
    %get3A_0 = memref.load %arg3[%get3A] : memref<8xi32, #tpu.memory_space<smem>>
    %get3A_1 = arith.index_cast %arg0 : i32 to index
    %get3A_2 = memref.load %arg4[%get3A_1] : memref<8xi32, #tpu.memory_space<smem>>
    %get3A_3 = arith.index_cast %arg0 : i32 to index
    %get3A_4 = memref.load %arg1[%get3A_3] : memref<8xi32, #tpu.memory_space<smem>>
    %get3A_5 = arith.index_cast %arg0 : i32 to index
    %get3A_6 = memref.load %arg2[%get3A_5] : memref<8xi32, #tpu.memory_space<smem>>
    %get3A_7 = arith.constant 0 : index
    %get3A_8 = arith.constant 0 : index
    %get3A_9 = vector.load %arg6[%get3A_7, %get3A_8] : memref<512x128xf32, #tpu.memory_space<vmem>>, vector<512x128xf32>
    %get3A_10 = arith.constant 0 : index
    %get3A_11 = arith.constant 0 : index
    %get3A_12 = vector.load %arg7[%get3A_10, %get3A_11] : memref<512x1xi32, #tpu.memory_space<vmem>>, vector<512x1xi32>
    %jit3A = arith.constant 2 : i32
    %div3A = arith.divsi %arg0, %jit3A : i32
    %sign3A = arith.constant 0 : i32
    %sign3A_13 = arith.cmpi sgt, %arg0, %sign3A : i32
    %sign3A_14 = arith.extui %sign3A_13 : i1 to i32
    %sign3A_15 = arith.constant 0 : i32
    %sign3A_16 = arith.cmpi slt, %arg0, %sign3A_15 : i32
    %sign3A_17 = arith.extui %sign3A_16 : i1 to i32
    %sign3A_18 = arith.subi %sign3A_14, %sign3A_17 : i32
    %sign3A_19 = arith.constant 0 : i32
    %sign3A_20 = arith.cmpi sgt, %jit3A, %sign3A_19 : i32
    %sign3A_21 = arith.extui %sign3A_20 : i1 to i32
    %sign3A_22 = arith.constant 0 : i32
    %sign3A_23 = arith.cmpi slt, %jit3A, %sign3A_22 : i32
    %sign3A_24 = arith.extui %sign3A_23 : i1 to i32
    %sign3A_25 = arith.subi %sign3A_21, %sign3A_24 : i32
    %ne3A = arith.cmpi ne, %sign3A_18, %sign3A_25 : i32
    %rem3A = arith.remsi %arg0, %jit3A : i32
    %ne3A_26 = arith.constant 0 : i32
    %ne3A_27 = arith.cmpi ne, %rem3A, %ne3A_26 : i32
    %and3A = arith.andi %ne3A, %ne3A_27 : i1
    %sub3A = arith.constant 1 : i32
    %sub3A_28 = arith.subi %div3A, %sub3A : i32
    %select_n3A = arith.select %and3A, %sub3A_28, %div3A : i32
    %get3A_29 = arith.index_cast %select_n3A : i32 to index
    %get3A_30 = arith.constant 0 : index
    %get3A_31 = arith.constant 0 : index
    %get3A_32 = vector.load %arg8[%get3A_29, %get3A_30, %get3A_31] : memref<4x1x1024xi32, #tpu.memory_space<vmem>>, vector<1x1x1024xi32>
    %get3A_33 = vector.shape_cast %get3A_32 : vector<1x1x1024xi32> to vector<1x1024xi32>
    %eq3A = vector.broadcast %get3A_12 : vector<512x1xi32> to vector<512x1024xi32>
    %eq3A_34 = vector.broadcast %get3A_33 : vector<1x1024xi32> to vector<512x1024xi32>
    %eq3A_35 = arith.cmpi eq, %eq3A, %eq3A_34 : vector<512x1024xi32>
    %jit3A_36 = arith.constant 0.000000e+00 : f32
    %jit3A_37 = arith.constant -1.000000e+30 : f32
    %broadcast_in_dim3A = vector.broadcast %jit3A_36 : f32 to vector<512x1024xf32>
    %broadcast_in_dim3A_38 = vector.broadcast %jit3A_37 : f32 to vector<512x1024xf32>
    %select_n3A_39 = arith.select %eq3A_35, %broadcast_in_dim3A, %broadcast_in_dim3A_38 : vector<512x1024xi1>, vector<512x1024xf32>
    %get3A_40 = arith.index_cast %select_n3A : i32 to index
    %get3A_41 = arith.constant 0 : index
    %get3A_42 = arith.constant 0 : index
    %get3A_43 = vector.load %arg9[%get3A_40, %get3A_41, %get3A_42] : memref<4x128x1024xf32, #tpu.memory_space<vmem>>, vector<1x128x1024xf32>
    %get3A_44 = vector.shape_cast %get3A_43 : vector<1x128x1024xf32> to vector<128x1024xf32>
    %slice3A = vector.extract_strided_slice %get3A_9 {offsets = [0, 0], sizes = [512, 64], strides = [1, 1]} : vector<512x128xf32> to vector<512x64xf32>
    %mul3A = arith.constant 0.180336878 : f32
    %mul3A_45 = vector.broadcast %mul3A : f32 to vector<512x64xf32>
    %mul3A_46 = arith.mulf %slice3A, %mul3A_45 : vector<512x64xf32>
    %slice3A_47 = vector.extract_strided_slice %get3A_44 {offsets = [0, 0], sizes = [64, 1024], strides = [1, 1]} : vector<128x1024xf32> to vector<64x1024xf32>
    %dot_general3A = arith.constant dense<0.000000e+00> : vector<512x1024xf32>
    %dot_general3A_48 = tpu.matmul %mul3A_46, %slice3A_47, %dot_general3A {dimension_numbers = #tpu.dot_dimension_numbers<[1], [0], [0], [1], [0, 0, 1, 1], [], []>, transpose_lhs_hint = false} : vector<512x64xf32>, vector<64x1024xf32>, vector<512x1024xf32> -> vector<512x1024xf32>
    %add3A = arith.addf %dot_general3A_48, %select_n3A_39 : vector<512x1024xf32>
    %reduce_max3A = arith.constant dense<0xFF800000> : vector<512xf32>
    %reduce_max3A_49 = vector.multi_reduction <maximumf>, %add3A, %reduce_max3A [1] : vector<512x1024xf32> to vector<512xf32>
    %broadcast_in_dim3A_50 = vector.shape_cast %reduce_max3A_49 : vector<512xf32> to vector<512x1xf32>
    %sub3A_51 = vector.broadcast %broadcast_in_dim3A_50 : vector<512x1xf32> to vector<512x1024xf32>
    %sub3A_52 = arith.subf %add3A, %sub3A_51 : vector<512x1024xf32>
    %exp23A = math.exp2 %sub3A_52 : vector<512x1024xf32>
    %swap3A = arith.constant 0 : index
    %swap3A_53 = arith.constant 0 : index
    %swap3A_54 = vector.load %arg22[%swap3A, %swap3A_53] : memref<512x2xf32, #tpu.memory_space<vmem>>, vector<512x1xf32>
    tpu.vector_store %arg22[%swap3A, %swap3A_53], %broadcast_in_dim3A_50 {strides = array<i32>} : memref<512x2xf32, #tpu.memory_space<vmem>>, vector<512x1xf32>,
    %mul3A_55 = arith.constant 1024 : i32
    %mul3A_56 = arith.muli %select_n3A, %mul3A_55 : i32
    %get3A_57 = arith.constant 0 : index
    %get3A_58 = arith.index_cast %mul3A_56 : i32 to index
    %get3A_59 = arith.constant 0 : index
    %get3A_60 = vector.load %arg10[%get3A_57, %get3A_58, %get3A_59] : memref<2x4096x72xf32, #tpu.memory_space<vmem>>, vector<1x1024x72xf32>
    %get3A_61 = vector.shape_cast %get3A_60 : vector<1x1024x72xf32> to vector<1024x72xf32>
    %dot_general3A_62 = arith.constant dense<0.000000e+00> : vector<512x72xf32>
    %dot_general3A_63 = tpu.matmul %exp23A, %get3A_61, %dot_general3A_62 {dimension_numbers = #tpu.dot_dimension_numbers<[1], [0], [0], [1], [0, 0, 1, 1], [], []>, transpose_lhs_hint = false} : vector<512x1024xf32>, vector<1024x72xf32>, vector<512x72xf32> -> vector<512x72xf32>
    %slice3A_64 = vector.extract_strided_slice %dot_general3A_63 {offsets = [0, 64], sizes = [512, 1], strides = [1, 1]} : vector<512x72xf32> to vector<512x1xf32>
    %swap3A_65 = arith.constant 0 : index
    %swap3A_66 = arith.constant 0 : index
    %swap3A_67 = vector.load %arg23[%swap3A_65, %swap3A_66] : memref<512x2xf32, #tpu.memory_space<vmem>>, vector<512x1xf32>
    tpu.vector_store %arg23[%swap3A_65, %swap3A_66], %slice3A_64 {strides = array<i32>} : memref<512x2xf32, #tpu.memory_space<vmem>>, vector<512x1xf32>,
    %slice3A_68 = vector.extract_strided_slice %dot_general3A_63 {offsets = [0, 0], sizes = [512, 64], strides = [1, 1]} : vector<512x72xf32> to vector<512x64xf32>
    %swap3A_69 = arith.constant 0 : index
    %swap3A_70 = arith.constant 0 : index
    %swap3A_71 = vector.load %arg21[%swap3A_69, %swap3A_70] : memref<512x128xf32, #tpu.memory_space<vmem>>, vector<512x64xf32>
    tpu.vector_store %arg21[%swap3A_69, %swap3A_70], %slice3A_68 {strides = array<i32>} : memref<512x128xf32, #tpu.memory_space<vmem>>, vector<512x64xf32>,
    %slice3A_72 = vector.extract_strided_slice %get3A_9 {offsets = [0, 64], sizes = [512, 64], strides = [1, 1]} : vector<512x128xf32> to vector<512x64xf32>
    %mul3A_73 = arith.constant 0.180336878 : f32
    %mul3A_74 = vector.broadcast %mul3A_73 : f32 to vector<512x64xf32>
    %mul3A_75 = arith.mulf %slice3A_72, %mul3A_74 : vector<512x64xf32>
    %slice3A_76 = vector.extract_strided_slice %get3A_44 {offsets = [64, 0], sizes = [64, 1024], strides = [1, 1]} : vector<128x1024xf32> to vector<64x1024xf32>
    %dot_general3A_77 = arith.constant dense<0.000000e+00> : vector<512x1024xf32>
    %dot_general3A_78 = tpu.matmul %mul3A_75, %slice3A_76, %dot_general3A_77 {dimension_numbers = #tpu.dot_dimension_numbers<[1], [0], [0], [1], [0, 0, 1, 1], [], []>, transpose_lhs_hint = false} : vector<512x64xf32>, vector<64x1024xf32>, vector<512x1024xf32> -> vector<512x1024xf32>
    %add3A_79 = arith.addf %dot_general3A_78, %select_n3A_39 : vector<512x1024xf32>
    %reduce_max3A_80 = arith.constant dense<0xFF800000> : vector<512xf32>
    %reduce_max3A_81 = vector.multi_reduction <maximumf>, %add3A_79, %reduce_max3A_80 [1] : vector<512x1024xf32> to vector<512xf32>
    %broadcast_in_dim3A_82 = vector.shape_cast %reduce_max3A_81 : vector<512xf32> to vector<512x1xf32>
    %sub3A_83 = vector.broadcast %broadcast_in_dim3A_82 : vector<512x1xf32> to vector<512x1024xf32>
    %sub3A_84 = arith.subf %add3A_79, %sub3A_83 : vector<512x1024xf32>
    %exp23A_85 = math.exp2 %sub3A_84 : vector<512x1024xf32>
    %swap3A_86 = arith.constant 0 : index
    %swap3A_87 = arith.constant 1 : index
    %swap3A_88 = vector.load %arg22[%swap3A_86, %swap3A_87] : memref<512x2xf32, #tpu.memory_space<vmem>>, vector<512x1xf32>
    tpu.vector_store %arg22[%swap3A_86, %swap3A_87], %broadcast_in_dim3A_82 {strides = array<i32>} : memref<512x2xf32, #tpu.memory_space<vmem>>, vector<512x1xf32>,
    %mul3A_89 = arith.constant 1024 : i32
    %mul3A_90 = arith.muli %select_n3A, %mul3A_89 : i32
    %get3A_91 = arith.constant 1 : index
    %get3A_92 = arith.index_cast %mul3A_90 : i32 to index
    %get3A_93 = arith.constant 0 : index
    %get3A_94 = vector.load %arg10[%get3A_91, %get3A_92, %get3A_93] : memref<2x4096x72xf32, #tpu.memory_space<vmem>>, vector<1x1024x72xf32>
    %get3A_95 = vector.shape_cast %get3A_94 : vector<1x1024x72xf32> to vector<1024x72xf32>
    %dot_general3A_96 = arith.constant dense<0.000000e+00> : vector<512x72xf32>
    %dot_general3A_97 = tpu.matmul %exp23A_85, %get3A_95, %dot_general3A_96 {dimension_numbers = #tpu.dot_dimension_numbers<[1], [0], [0], [1], [0, 0, 1, 1], [], []>, transpose_lhs_hint = false} : vector<512x1024xf32>, vector<1024x72xf32>, vector<512x72xf32> -> vector<512x72xf32>
    %slice3A_98 = vector.extract_strided_slice %dot_general3A_97 {offsets = [0, 64], sizes = [512, 1], strides = [1, 1]} : vector<512x72xf32> to vector<512x1xf32>
    %swap3A_99 = arith.constant 0 : index
    %swap3A_100 = arith.constant 1 : index
    %swap3A_101 = vector.load %arg23[%swap3A_99, %swap3A_100] : memref<512x2xf32, #tpu.memory_space<vmem>>, vector<512x1xf32>
    tpu.vector_store %arg23[%swap3A_99, %swap3A_100], %slice3A_98 {strides = array<i32>} : memref<512x2xf32, #tpu.memory_space<vmem>>, vector<512x1xf32>,
    %slice3A_102 = vector.extract_strided_slice %dot_general3A_97 {offsets = [0, 0], sizes = [512, 64], strides = [1, 1]} : vector<512x72xf32> to vector<512x64xf32>
    %swap3A_103 = arith.constant 0 : index
    %swap3A_104 = arith.constant 64 : index
    %swap3A_105 = vector.load %arg21[%swap3A_103, %swap3A_104] : memref<512x128xf32, #tpu.memory_space<vmem>>, vector<512x64xf32>
    tpu.vector_store %arg21[%swap3A_103, %swap3A_104], %slice3A_102 {strides = array<i32>} : memref<512x128xf32, #tpu.memory_space<vmem>>, vector<512x64xf32>,
    %le3A = arith.constant 0 : i32
    %le3A_106 = arith.cmpi sle, %get3A_0, %le3A : i32
    %ge3A = arith.constant 0 : i32
    %ge3A_107 = arith.cmpi sge, %get3A_2, %ge3A : i32
    %and3A_108 = arith.andi %le3A_106, %ge3A_107 : i1
    %ne3A_109 = arith.constant 0 : i32
    %ne3A_110 = arith.cmpi ne, %select_n3A, %ne3A_109 : i32
    %and3A_111 = arith.andi %and3A_108, %ne3A_110 : i1
    %convert_element_type3A = arith.extui %and3A_111 : i1 to i32
    %cond3A = arith.constant 0 : i32
    %cond3A_112 = arith.cmpi ne, %convert_element_type3A, %cond3A : i32
    scf.if %cond3A_112 {
      %get3A_318 = arith.constant 0 : index
      %get3A_319 = arith.constant 0 : index
      %get3A_320 = arith.constant 0 : index
      %get3A_321 = vector.load %arg8[%get3A_318, %get3A_319, %get3A_320] : memref<4x1x1024xi32, #tpu.memory_space<vmem>>, vector<1x1x1024xi32>
      %get3A_322 = vector.shape_cast %get3A_321 : vector<1x1x1024xi32> to vector<1x1024xi32>
      %eq3A_323 = vector.broadcast %get3A_12 : vector<512x1xi32> to vector<512x1024xi32>
      %eq3A_324 = vector.broadcast %get3A_322 : vector<1x1024xi32> to vector<512x1024xi32>
      %eq3A_325 = arith.cmpi eq, %eq3A_323, %eq3A_324 : vector<512x1024xi32>
      %jit3A_326 = arith.constant 0.000000e+00 : f32
      %jit3A_327 = arith.constant -1.000000e+30 : f32
      %broadcast_in_dim3A_328 = vector.broadcast %jit3A_326 : f32 to vector<512x1024xf32>
      %broadcast_in_dim3A_329 = vector.broadcast %jit3A_327 : f32 to vector<512x1024xf32>
      %select_n3A_330 = arith.select %eq3A_325, %broadcast_in_dim3A_328, %broadcast_in_dim3A_329 : vector<512x1024xi1>, vector<512x1024xf32>
      %slice3A_331 = vector.extract_strided_slice %get3A_9 {offsets = [0, 0], sizes = [512, 64], strides = [1, 1]} : vector<512x128xf32> to vector<512x64xf32>
      %mul3A_332 = arith.constant 0.180336878 : f32
      %mul3A_333 = vector.broadcast %mul3A_332 : f32 to vector<512x64xf32>
      %mul3A_334 = arith.mulf %slice3A_331, %mul3A_333 : vector<512x64xf32>
      %get3A_335 = arith.constant 0 : index
      %get3A_336 = arith.constant 0 : index
      %get3A_337 = arith.constant 0 : index
      %get3A_338 = vector.load %arg9[%get3A_335, %get3A_336, %get3A_337] : memref<4x128x1024xf32, #tpu.memory_space<vmem>>, vector<1x64x1024xf32>
      %get3A_339 = vector.shape_cast %get3A_338 : vector<1x64x1024xf32> to vector<64x1024xf32>
      %dot_general3A_340 = arith.constant dense<0.000000e+00> : vector<512x1024xf32>
      %dot_general3A_341 = tpu.matmul %mul3A_334, %get3A_339, %dot_general3A_340 {dimension_numbers = #tpu.dot_dimension_numbers<[1], [0], [0], [1], [0, 0, 1, 1], [], []>, transpose_lhs_hint = false} : vector<512x64xf32>, vector<64x1024xf32>, vector<512x1024xf32> -> vector<512x1024xf32>
      %add3A_342 = arith.addf %dot_general3A_341, %select_n3A_330 : vector<512x1024xf32>
      %get3A_343 = arith.constant 0 : index
      %get3A_344 = arith.constant 0 : index
      %get3A_345 = vector.load %arg22[%get3A_343, %get3A_344] : memref<512x2xf32, #tpu.memory_space<vmem>>, vector<512x1xf32>
      %reduce_max3A_346 = arith.constant dense<0xFF800000> : vector<512xf32>
      %reduce_max3A_347 = vector.multi_reduction <maximumf>, %add3A_342, %reduce_max3A_346 [1] : vector<512x1024xf32> to vector<512xf32>
      %broadcast_in_dim3A_348 = vector.shape_cast %reduce_max3A_347 : vector<512xf32> to vector<512x1xf32>
      %max3A = arith.maximumf %get3A_345, %broadcast_in_dim3A_348 : vector<512x1xf32>
      %sub3A_349 = vector.broadcast %max3A : vector<512x1xf32> to vector<512x1024xf32>
      %sub3A_350 = arith.subf %add3A_342, %sub3A_349 : vector<512x1024xf32>
      %exp23A_351 = math.exp2 %sub3A_350 : vector<512x1024xf32>
      %sub3A_352 = arith.subf %get3A_345, %max3A : vector<512x1xf32>
      %exp23A_353 = math.exp2 %sub3A_352 : vector<512x1xf32>
      %get3A_354 = arith.constant 0 : index
      %get3A_355 = arith.constant 0 : index
      %get3A_356 = arith.constant 0 : index
      %get3A_357 = vector.load %arg10[%get3A_354, %get3A_355, %get3A_356] : memref<2x4096x72xf32, #tpu.memory_space<vmem>>, vector<1x1024x72xf32>
      %get3A_358 = vector.shape_cast %get3A_357 : vector<1x1024x72xf32> to vector<1024x72xf32>
      %dot_general3A_359 = arith.constant dense<0.000000e+00> : vector<512x72xf32>
      %dot_general3A_360 = tpu.matmul %exp23A_351, %get3A_358, %dot_general3A_359 {dimension_numbers = #tpu.dot_dimension_numbers<[1], [0], [0], [1], [0, 0, 1, 1], [], []>, transpose_lhs_hint = false} : vector<512x1024xf32>, vector<1024x72xf32>, vector<512x72xf32> -> vector<512x72xf32>
      %get3A_361 = arith.constant 0 : index
      %get3A_362 = arith.constant 0 : index
      %get3A_363 = vector.load %arg23[%get3A_361, %get3A_362] : memref<512x2xf32, #tpu.memory_space<vmem>>, vector<512x1xf32>
      %mul3A_364 = arith.mulf %get3A_363, %exp23A_353 : vector<512x1xf32>
      %slice3A_365 = vector.extract_strided_slice %dot_general3A_360 {offsets = [0, 64], sizes = [512, 1], strides = [1, 1]} : vector<512x72xf32> to vector<512x1xf32>
      %add3A_366 = arith.addf %mul3A_364, %slice3A_365 : vector<512x1xf32>
      %swap3A_367 = arith.constant 0 : index
      %swap3A_368 = arith.constant 0 : index
      %swap3A_369 = vector.load %arg23[%swap3A_367, %swap3A_368] : memref<512x2xf32, #tpu.memory_space<vmem>>, vector<512x1xf32>
      tpu.vector_store %arg23[%swap3A_367, %swap3A_368], %add3A_366 {strides = array<i32>} : memref<512x2xf32, #tpu.memory_space<vmem>>, vector<512x1xf32>,
      %get3A_370 = arith.constant 0 : index
      %get3A_371 = arith.constant 0 : index
      %get3A_372 = vector.load %arg21[%get3A_370, %get3A_371] : memref<512x128xf32, #tpu.memory_space<vmem>>, vector<512x64xf32>
      %mul3A_373 = vector.broadcast %exp23A_353 : vector<512x1xf32> to vector<512x64xf32>
      %mul3A_374 = arith.mulf %get3A_372, %mul3A_373 : vector<512x64xf32>
      %slice3A_375 = vector.extract_strided_slice %dot_general3A_360 {offsets = [0, 0], sizes = [512, 64], strides = [1, 1]} : vector<512x72xf32> to vector<512x64xf32>
      %add3A_376 = arith.addf %mul3A_374, %slice3A_375 : vector<512x64xf32>
      %swap3A_377 = arith.constant 0 : index
      %swap3A_378 = arith.constant 0 : index
      %swap3A_379 = vector.load %arg21[%swap3A_377, %swap3A_378] : memref<512x128xf32, #tpu.memory_space<vmem>>, vector<512x64xf32>
      tpu.vector_store %arg21[%swap3A_377, %swap3A_378], %add3A_376 {strides = array<i32>} : memref<512x128xf32, #tpu.memory_space<vmem>>, vector<512x64xf32>,
      %swap3A_380 = arith.constant 0 : index
      %swap3A_381 = arith.constant 0 : index
      %swap3A_382 = vector.load %arg22[%swap3A_380, %swap3A_381] : memref<512x2xf32, #tpu.memory_space<vmem>>, vector<512x1xf32>
      tpu.vector_store %arg22[%swap3A_380, %swap3A_381], %max3A {strides = array<i32>} : memref<512x2xf32, #tpu.memory_space<vmem>>, vector<512x1xf32>,
      %slice3A_383 = vector.extract_strided_slice %get3A_9 {offsets = [0, 64], sizes = [512, 64], strides = [1, 1]} : vector<512x128xf32> to vector<512x64xf32>
      %mul3A_384 = arith.constant 0.180336878 : f32
      %mul3A_385 = vector.broadcast %mul3A_384 : f32 to vector<512x64xf32>
      %mul3A_386 = arith.mulf %slice3A_383, %mul3A_385 : vector<512x64xf32>
      %get3A_387 = arith.constant 0 : index
      %get3A_388 = arith.constant 64 : index
      %get3A_389 = arith.constant 0 : index
      %get3A_390 = vector.load %arg9[%get3A_387, %get3A_388, %get3A_389] : memref<4x128x1024xf32, #tpu.memory_space<vmem>>, vector<1x64x1024xf32>
      %get3A_391 = vector.shape_cast %get3A_390 : vector<1x64x1024xf32> to vector<64x1024xf32>
      %dot_general3A_392 = arith.constant dense<0.000000e+00> : vector<512x1024xf32>
      %dot_general3A_393 = tpu.matmul %mul3A_386, %get3A_391, %dot_general3A_392 {dimension_numbers = #tpu.dot_dimension_numbers<[1], [0], [0], [1], [0, 0, 1, 1], [], []>, transpose_lhs_hint = false} : vector<512x64xf32>, vector<64x1024xf32>, vector<512x1024xf32> -> vector<512x1024xf32>
      %add3A_394 = arith.addf %dot_general3A_393, %select_n3A_330 : vector<512x1024xf32>
      %get3A_395 = arith.constant 0 : index
      %get3A_396 = arith.constant 1 : index
      %get3A_397 = vector.load %arg22[%get3A_395, %get3A_396] : memref<512x2xf32, #tpu.memory_space<vmem>>, vector<512x1xf32>
      %reduce_max3A_398 = arith.constant dense<0xFF800000> : vector<512xf32>
      %reduce_max3A_399 = vector.multi_reduction <maximumf>, %add3A_394, %reduce_max3A_398 [1] : vector<512x1024xf32> to vector<512xf32>
      %broadcast_in_dim3A_400 = vector.shape_cast %reduce_max3A_399 : vector<512xf32> to vector<512x1xf32>
      %max3A_401 = arith.maximumf %get3A_397, %broadcast_in_dim3A_400 : vector<512x1xf32>
      %sub3A_402 = vector.broadcast %max3A_401 : vector<512x1xf32> to vector<512x1024xf32>
      %sub3A_403 = arith.subf %add3A_394, %sub3A_402 : vector<512x1024xf32>
      %exp23A_404 = math.exp2 %sub3A_403 : vector<512x1024xf32>
      %sub3A_405 = arith.subf %get3A_397, %max3A_401 : vector<512x1xf32>
      %exp23A_406 = math.exp2 %sub3A_405 : vector<512x1xf32>
      %get3A_407 = arith.constant 1 : index
      %get3A_408 = arith.constant 0 : index
      %get3A_409 = arith.constant 0 : index
      %get3A_410 = vector.load %arg10[%get3A_407, %get3A_408, %get3A_409] : memref<2x4096x72xf32, #tpu.memory_space<vmem>>, vector<1x1024x72xf32>
      %get3A_411 = vector.shape_cast %get3A_410 : vector<1x1024x72xf32> to vector<1024x72xf32>
      %dot_general3A_412 = arith.constant dense<0.000000e+00> : vector<512x72xf32>
      %dot_general3A_413 = tpu.matmul %exp23A_404, %get3A_411, %dot_general3A_412 {dimension_numbers = #tpu.dot_dimension_numbers<[1], [0], [0], [1], [0, 0, 1, 1], [], []>, transpose_lhs_hint = false} : vector<512x1024xf32>, vector<1024x72xf32>, vector<512x72xf32> -> vector<512x72xf32>
      %get3A_414 = arith.constant 0 : index
      %get3A_415 = arith.constant 1 : index
      %get3A_416 = vector.load %arg23[%get3A_414, %get3A_415] : memref<512x2xf32, #tpu.memory_space<vmem>>, vector<512x1xf32>
      %mul3A_417 = arith.mulf %get3A_416, %exp23A_406 : vector<512x1xf32>
      %slice3A_418 = vector.extract_strided_slice %dot_general3A_413 {offsets = [0, 64], sizes = [512, 1], strides = [1, 1]} : vector<512x72xf32> to vector<512x1xf32>
      %add3A_419 = arith.addf %mul3A_417, %slice3A_418 : vector<512x1xf32>
      %swap3A_420 = arith.constant 0 : index
      %swap3A_421 = arith.constant 1 : index
      %swap3A_422 = vector.load %arg23[%swap3A_420, %swap3A_421] : memref<512x2xf32, #tpu.memory_space<vmem>>, vector<512x1xf32>
      tpu.vector_store %arg23[%swap3A_420, %swap3A_421], %add3A_419 {strides = array<i32>} : memref<512x2xf32, #tpu.memory_space<vmem>>, vector<512x1xf32>,
      %get3A_423 = arith.constant 0 : index
      %get3A_424 = arith.constant 64 : index
      %get3A_425 = vector.load %arg21[%get3A_423, %get3A_424] : memref<512x128xf32, #tpu.memory_space<vmem>>, vector<512x64xf32>
      %mul3A_426 = vector.broadcast %exp23A_406 : vector<512x1xf32> to vector<512x64xf32>
      %mul3A_427 = arith.mulf %get3A_425, %mul3A_426 : vector<512x64xf32>
      %slice3A_428 = vector.extract_strided_slice %dot_general3A_413 {offsets = [0, 0], sizes = [512, 64], strides = [1, 1]} : vector<512x72xf32> to vector<512x64xf32>
      %add3A_429 = arith.addf %mul3A_427, %slice3A_428 : vector<512x64xf32>
      %swap3A_430 = arith.constant 0 : index
      %swap3A_431 = arith.constant 64 : index
      %swap3A_432 = vector.load %arg21[%swap3A_430, %swap3A_431] : memref<512x128xf32, #tpu.memory_space<vmem>>, vector<512x64xf32>
      tpu.vector_store %arg21[%swap3A_430, %swap3A_431], %add3A_429 {strides = array<i32>} : memref<512x128xf32, #tpu.memory_space<vmem>>, vector<512x64xf32>,
      %swap3A_433 = arith.constant 0 : index
      %swap3A_434 = arith.constant 1 : index
      %swap3A_435 = vector.load %arg22[%swap3A_433, %swap3A_434] : memref<512x2xf32, #tpu.memory_space<vmem>>, vector<512x1xf32>
      tpu.vector_store %arg22[%swap3A_433, %swap3A_434], %max3A_401 {strides = array<i32>} : memref<512x2xf32, #tpu.memory_space<vmem>>, vector<512x1xf32>,
    } else {
    }
    %le3A_113 = arith.constant 1 : i32
    %le3A_114 = arith.cmpi sle, %get3A_0, %le3A_113 : i32
    %ge3A_115 = arith.constant 1 : i32
    %ge3A_116 = arith.cmpi sge, %get3A_2, %ge3A_115 : i32
    %and3A_117 = arith.andi %le3A_114, %ge3A_116 : i1
    %ne3A_118 = arith.constant 1 : i32
    %ne3A_119 = arith.cmpi ne, %select_n3A, %ne3A_118 : i32
    %and3A_120 = arith.andi %and3A_117, %ne3A_119 : i1
    %convert_element_type3A_121 = arith.extui %and3A_120 : i1 to i32
    %cond3A_122 = arith.constant 0 : i32
    %cond3A_123 = arith.cmpi ne, %convert_element_type3A_121, %cond3A_122 : i32
    scf.if %cond3A_123 {
      %get3A_318 = arith.constant 1 : index
      %get3A_319 = arith.constant 0 : index
      %get3A_320 = arith.constant 0 : index
      %get3A_321 = vector.load %arg8[%get3A_318, %get3A_319, %get3A_320] : memref<4x1x1024xi32, #tpu.memory_space<vmem>>, vector<1x1x1024xi32>
      %get3A_322 = vector.shape_cast %get3A_321 : vector<1x1x1024xi32> to vector<1x1024xi32>
      %eq3A_323 = vector.broadcast %get3A_12 : vector<512x1xi32> to vector<512x1024xi32>
      %eq3A_324 = vector.broadcast %get3A_322 : vector<1x1024xi32> to vector<512x1024xi32>
      %eq3A_325 = arith.cmpi eq, %eq3A_323, %eq3A_324 : vector<512x1024xi32>
      %jit3A_326 = arith.constant 0.000000e+00 : f32
      %jit3A_327 = arith.constant -1.000000e+30 : f32
      %broadcast_in_dim3A_328 = vector.broadcast %jit3A_326 : f32 to vector<512x1024xf32>
      %broadcast_in_dim3A_329 = vector.broadcast %jit3A_327 : f32 to vector<512x1024xf32>
      %select_n3A_330 = arith.select %eq3A_325, %broadcast_in_dim3A_328, %broadcast_in_dim3A_329 : vector<512x1024xi1>, vector<512x1024xf32>
      %slice3A_331 = vector.extract_strided_slice %get3A_9 {offsets = [0, 0], sizes = [512, 64], strides = [1, 1]} : vector<512x128xf32> to vector<512x64xf32>
      %mul3A_332 = arith.constant 0.180336878 : f32
      %mul3A_333 = vector.broadcast %mul3A_332 : f32 to vector<512x64xf32>
      %mul3A_334 = arith.mulf %slice3A_331, %mul3A_333 : vector<512x64xf32>
      %get3A_335 = arith.constant 1 : index
      %get3A_336 = arith.constant 0 : index
      %get3A_337 = arith.constant 0 : index
      %get3A_338 = vector.load %arg9[%get3A_335, %get3A_336, %get3A_337] : memref<4x128x1024xf32, #tpu.memory_space<vmem>>, vector<1x64x1024xf32>
      %get3A_339 = vector.shape_cast %get3A_338 : vector<1x64x1024xf32> to vector<64x1024xf32>
      %dot_general3A_340 = arith.constant dense<0.000000e+00> : vector<512x1024xf32>
      %dot_general3A_341 = tpu.matmul %mul3A_334, %get3A_339, %dot_general3A_340 {dimension_numbers = #tpu.dot_dimension_numbers<[1], [0], [0], [1], [0, 0, 1, 1], [], []>, transpose_lhs_hint = false} : vector<512x64xf32>, vector<64x1024xf32>, vector<512x1024xf32> -> vector<512x1024xf32>
      %add3A_342 = arith.addf %dot_general3A_341, %select_n3A_330 : vector<512x1024xf32>
      %get3A_343 = arith.constant 0 : index
      %get3A_344 = arith.constant 0 : index
      %get3A_345 = vector.load %arg22[%get3A_343, %get3A_344] : memref<512x2xf32, #tpu.memory_space<vmem>>, vector<512x1xf32>
      %reduce_max3A_346 = arith.constant dense<0xFF800000> : vector<512xf32>
      %reduce_max3A_347 = vector.multi_reduction <maximumf>, %add3A_342, %reduce_max3A_346 [1] : vector<512x1024xf32> to vector<512xf32>
      %broadcast_in_dim3A_348 = vector.shape_cast %reduce_max3A_347 : vector<512xf32> to vector<512x1xf32>
      %max3A = arith.maximumf %get3A_345, %broadcast_in_dim3A_348 : vector<512x1xf32>
      %sub3A_349 = vector.broadcast %max3A : vector<512x1xf32> to vector<512x1024xf32>
      %sub3A_350 = arith.subf %add3A_342, %sub3A_349 : vector<512x1024xf32>
      %exp23A_351 = math.exp2 %sub3A_350 : vector<512x1024xf32>
      %sub3A_352 = arith.subf %get3A_345, %max3A : vector<512x1xf32>
      %exp23A_353 = math.exp2 %sub3A_352 : vector<512x1xf32>
      %get3A_354 = arith.constant 0 : index
      %get3A_355 = arith.constant 1024 : index
      %get3A_356 = arith.constant 0 : index
      %get3A_357 = vector.load %arg10[%get3A_354, %get3A_355, %get3A_356] : memref<2x4096x72xf32, #tpu.memory_space<vmem>>, vector<1x1024x72xf32>
      %get3A_358 = vector.shape_cast %get3A_357 : vector<1x1024x72xf32> to vector<1024x72xf32>
      %dot_general3A_359 = arith.constant dense<0.000000e+00> : vector<512x72xf32>
      %dot_general3A_360 = tpu.matmul %exp23A_351, %get3A_358, %dot_general3A_359 {dimension_numbers = #tpu.dot_dimension_numbers<[1], [0], [0], [1], [0, 0, 1, 1], [], []>, transpose_lhs_hint = false} : vector<512x1024xf32>, vector<1024x72xf32>, vector<512x72xf32> -> vector<512x72xf32>
      %get3A_361 = arith.constant 0 : index
      %get3A_362 = arith.constant 0 : index
      %get3A_363 = vector.load %arg23[%get3A_361, %get3A_362] : memref<512x2xf32, #tpu.memory_space<vmem>>, vector<512x1xf32>
      %mul3A_364 = arith.mulf %get3A_363, %exp23A_353 : vector<512x1xf32>
      %slice3A_365 = vector.extract_strided_slice %dot_general3A_360 {offsets = [0, 64], sizes = [512, 1], strides = [1, 1]} : vector<512x72xf32> to vector<512x1xf32>
      %add3A_366 = arith.addf %mul3A_364, %slice3A_365 : vector<512x1xf32>
      %swap3A_367 = arith.constant 0 : index
      %swap3A_368 = arith.constant 0 : index
      %swap3A_369 = vector.load %arg23[%swap3A_367, %swap3A_368] : memref<512x2xf32, #tpu.memory_space<vmem>>, vector<512x1xf32>
      tpu.vector_store %arg23[%swap3A_367, %swap3A_368], %add3A_366 {strides = array<i32>} : memref<512x2xf32, #tpu.memory_space<vmem>>, vector<512x1xf32>,
      %get3A_370 = arith.constant 0 : index
      %get3A_371 = arith.constant 0 : index
      %get3A_372 = vector.load %arg21[%get3A_370, %get3A_371] : memref<512x128xf32, #tpu.memory_space<vmem>>, vector<512x64xf32>
      %mul3A_373 = vector.broadcast %exp23A_353 : vector<512x1xf32> to vector<512x64xf32>
      %mul3A_374 = arith.mulf %get3A_372, %mul3A_373 : vector<512x64xf32>
      %slice3A_375 = vector.extract_strided_slice %dot_general3A_360 {offsets = [0, 0], sizes = [512, 64], strides = [1, 1]} : vector<512x72xf32> to vector<512x64xf32>
      %add3A_376 = arith.addf %mul3A_374, %slice3A_375 : vector<512x64xf32>
      %swap3A_377 = arith.constant 0 : index
      %swap3A_378 = arith.constant 0 : index
      %swap3A_379 = vector.load %arg21[%swap3A_377, %swap3A_378] : memref<512x128xf32, #tpu.memory_space<vmem>>, vector<512x64xf32>
      tpu.vector_store %arg21[%swap3A_377, %swap3A_378], %add3A_376 {strides = array<i32>} : memref<512x128xf32, #tpu.memory_space<vmem>>, vector<512x64xf32>,
      %swap3A_380 = arith.constant 0 : index
      %swap3A_381 = arith.constant 0 : index
      %swap3A_382 = vector.load %arg22[%swap3A_380, %swap3A_381] : memref<512x2xf32, #tpu.memory_space<vmem>>, vector<512x1xf32>
      tpu.vector_store %arg22[%swap3A_380, %swap3A_381], %max3A {strides = array<i32>} : memref<512x2xf32, #tpu.memory_space<vmem>>, vector<512x1xf32>,
      %slice3A_383 = vector.extract_strided_slice %get3A_9 {offsets = [0, 64], sizes = [512, 64], strides = [1, 1]} : vector<512x128xf32> to vector<512x64xf32>
      %mul3A_384 = arith.constant 0.180336878 : f32
      %mul3A_385 = vector.broadcast %mul3A_384 : f32 to vector<512x64xf32>
      %mul3A_386 = arith.mulf %slice3A_383, %mul3A_385 : vector<512x64xf32>
      %get3A_387 = arith.constant 1 : index
      %get3A_388 = arith.constant 64 : index
      %get3A_389 = arith.constant 0 : index
      %get3A_390 = vector.load %arg9[%get3A_387, %get3A_388, %get3A_389] : memref<4x128x1024xf32, #tpu.memory_space<vmem>>, vector<1x64x1024xf32>
      %get3A_391 = vector.shape_cast %get3A_390 : vector<1x64x1024xf32> to vector<64x1024xf32>
      %dot_general3A_392 = arith.constant dense<0.000000e+00> : vector<512x1024xf32>
      %dot_general3A_393 = tpu.matmul %mul3A_386, %get3A_391, %dot_general3A_392 {dimension_numbers = #tpu.dot_dimension_numbers<[1], [0], [0], [1], [0, 0, 1, 1], [], []>, transpose_lhs_hint = false} : vector<512x64xf32>, vector<64x1024xf32>, vector<512x1024xf32> -> vector<512x1024xf32>
      %add3A_394 = arith.addf %dot_general3A_393, %select_n3A_330 : vector<512x1024xf32>
      %get3A_395 = arith.constant 0 : index
      %get3A_396 = arith.constant 1 : index
      %get3A_397 = vector.load %arg22[%get3A_395, %get3A_396] : memref<512x2xf32, #tpu.memory_space<vmem>>, vector<512x1xf32>
      %reduce_max3A_398 = arith.constant dense<0xFF800000> : vector<512xf32>
      %reduce_max3A_399 = vector.multi_reduction <maximumf>, %add3A_394, %reduce_max3A_398 [1] : vector<512x1024xf32> to vector<512xf32>
      %broadcast_in_dim3A_400 = vector.shape_cast %reduce_max3A_399 : vector<512xf32> to vector<512x1xf32>
      %max3A_401 = arith.maximumf %get3A_397, %broadcast_in_dim3A_400 : vector<512x1xf32>
      %sub3A_402 = vector.broadcast %max3A_401 : vector<512x1xf32> to vector<512x1024xf32>
      %sub3A_403 = arith.subf %add3A_394, %sub3A_402 : vector<512x1024xf32>
      %exp23A_404 = math.exp2 %sub3A_403 : vector<512x1024xf32>
      %sub3A_405 = arith.subf %get3A_397, %max3A_401 : vector<512x1xf32>
      %exp23A_406 = math.exp2 %sub3A_405 : vector<512x1xf32>
      %get3A_407 = arith.constant 1 : index
      %get3A_408 = arith.constant 1024 : index
      %get3A_409 = arith.constant 0 : index
      %get3A_410 = vector.load %arg10[%get3A_407, %get3A_408, %get3A_409] : memref<2x4096x72xf32, #tpu.memory_space<vmem>>, vector<1x1024x72xf32>
      %get3A_411 = vector.shape_cast %get3A_410 : vector<1x1024x72xf32> to vector<1024x72xf32>
      %dot_general3A_412 = arith.constant dense<0.000000e+00> : vector<512x72xf32>
      %dot_general3A_413 = tpu.matmul %exp23A_404, %get3A_411, %dot_general3A_412 {dimension_numbers = #tpu.dot_dimension_numbers<[1], [0], [0], [1], [0, 0, 1, 1], [], []>, transpose_lhs_hint = false} : vector<512x1024xf32>, vector<1024x72xf32>, vector<512x72xf32> -> vector<512x72xf32>
      %get3A_414 = arith.constant 0 : index
      %get3A_415 = arith.constant 1 : index
      %get3A_416 = vector.load %arg23[%get3A_414, %get3A_415] : memref<512x2xf32, #tpu.memory_space<vmem>>, vector<512x1xf32>
      %mul3A_417 = arith.mulf %get3A_416, %exp23A_406 : vector<512x1xf32>
      %slice3A_418 = vector.extract_strided_slice %dot_general3A_413 {offsets = [0, 64], sizes = [512, 1], strides = [1, 1]} : vector<512x72xf32> to vector<512x1xf32>
      %add3A_419 = arith.addf %mul3A_417, %slice3A_418 : vector<512x1xf32>
      %swap3A_420 = arith.constant 0 : index
      %swap3A_421 = arith.constant 1 : index
      %swap3A_422 = vector.load %arg23[%swap3A_420, %swap3A_421] : memref<512x2xf32, #tpu.memory_space<vmem>>, vector<512x1xf32>
      tpu.vector_store %arg23[%swap3A_420, %swap3A_421], %add3A_419 {strides = array<i32>} : memref<512x2xf32, #tpu.memory_space<vmem>>, vector<512x1xf32>,
      %get3A_423 = arith.constant 0 : index
      %get3A_424 = arith.constant 64 : index
      %get3A_425 = vector.load %arg21[%get3A_423, %get3A_424] : memref<512x128xf32, #tpu.memory_space<vmem>>, vector<512x64xf32>
      %mul3A_426 = vector.broadcast %exp23A_406 : vector<512x1xf32> to vector<512x64xf32>
      %mul3A_427 = arith.mulf %get3A_425, %mul3A_426 : vector<512x64xf32>
      %slice3A_428 = vector.extract_strided_slice %dot_general3A_413 {offsets = [0, 0], sizes = [512, 64], strides = [1, 1]} : vector<512x72xf32> to vector<512x64xf32>
      %add3A_429 = arith.addf %mul3A_427, %slice3A_428 : vector<512x64xf32>
      %swap3A_430 = arith.constant 0 : index
      %swap3A_431 = arith.constant 64 : index
      %swap3A_432 = vector.load %arg21[%swap3A_430, %swap3A_431] : memref<512x128xf32, #tpu.memory_space<vmem>>, vector<512x64xf32>
      tpu.vector_store %arg21[%swap3A_430, %swap3A_431], %add3A_429 {strides = array<i32>} : memref<512x128xf32, #tpu.memory_space<vmem>>, vector<512x64xf32>,
      %swap3A_433 = arith.constant 0 : index
      %swap3A_434 = arith.constant 1 : index
      %swap3A_435 = vector.load %arg22[%swap3A_433, %swap3A_434] : memref<512x2xf32, #tpu.memory_space<vmem>>, vector<512x1xf32>
      tpu.vector_store %arg22[%swap3A_433, %swap3A_434], %max3A_401 {strides = array<i32>} : memref<512x2xf32, #tpu.memory_space<vmem>>, vector<512x1xf32>,
    } else {
    }
    %le3A_124 = arith.constant 2 : i32
    %le3A_125 = arith.cmpi sle, %get3A_0, %le3A_124 : i32
    %ge3A_126 = arith.constant 2 : i32
    %ge3A_127 = arith.cmpi sge, %get3A_2, %ge3A_126 : i32
    %and3A_128 = arith.andi %le3A_125, %ge3A_127 : i1
    %ne3A_129 = arith.constant 2 : i32
    %ne3A_130 = arith.cmpi ne, %select_n3A, %ne3A_129 : i32
    %and3A_131 = arith.andi %and3A_128, %ne3A_130 : i1
    %convert_element_type3A_132 = arith.extui %and3A_131 : i1 to i32
    %cond3A_133 = arith.constant 0 : i32
    %cond3A_134 = arith.cmpi ne, %convert_element_type3A_132, %cond3A_133 : i32
    scf.if %cond3A_134 {
      %get3A_318 = arith.constant 2 : index
      %get3A_319 = arith.constant 0 : index
      %get3A_320 = arith.constant 0 : index
      %get3A_321 = vector.load %arg8[%get3A_318, %get3A_319, %get3A_320] : memref<4x1x1024xi32, #tpu.memory_space<vmem>>, vector<1x1x1024xi32>
      %get3A_322 = vector.shape_cast %get3A_321 : vector<1x1x1024xi32> to vector<1x1024xi32>
      %eq3A_323 = vector.broadcast %get3A_12 : vector<512x1xi32> to vector<512x1024xi32>
      %eq3A_324 = vector.broadcast %get3A_322 : vector<1x1024xi32> to vector<512x1024xi32>
      %eq3A_325 = arith.cmpi eq, %eq3A_323, %eq3A_324 : vector<512x1024xi32>
      %jit3A_326 = arith.constant 0.000000e+00 : f32
      %jit3A_327 = arith.constant -1.000000e+30 : f32
      %broadcast_in_dim3A_328 = vector.broadcast %jit3A_326 : f32 to vector<512x1024xf32>
      %broadcast_in_dim3A_329 = vector.broadcast %jit3A_327 : f32 to vector<512x1024xf32>
      %select_n3A_330 = arith.select %eq3A_325, %broadcast_in_dim3A_328, %broadcast_in_dim3A_329 : vector<512x1024xi1>, vector<512x1024xf32>
      %slice3A_331 = vector.extract_strided_slice %get3A_9 {offsets = [0, 0], sizes = [512, 64], strides = [1, 1]} : vector<512x128xf32> to vector<512x64xf32>
      %mul3A_332 = arith.constant 0.180336878 : f32
      %mul3A_333 = vector.broadcast %mul3A_332 : f32 to vector<512x64xf32>
      %mul3A_334 = arith.mulf %slice3A_331, %mul3A_333 : vector<512x64xf32>
      %get3A_335 = arith.constant 2 : index
      %get3A_336 = arith.constant 0 : index
      %get3A_337 = arith.constant 0 : index
      %get3A_338 = vector.load %arg9[%get3A_335, %get3A_336, %get3A_337] : memref<4x128x1024xf32, #tpu.memory_space<vmem>>, vector<1x64x1024xf32>
      %get3A_339 = vector.shape_cast %get3A_338 : vector<1x64x1024xf32> to vector<64x1024xf32>
      %dot_general3A_340 = arith.constant dense<0.000000e+00> : vector<512x1024xf32>
      %dot_general3A_341 = tpu.matmul %mul3A_334, %get3A_339, %dot_general3A_340 {dimension_numbers = #tpu.dot_dimension_numbers<[1], [0], [0], [1], [0, 0, 1, 1], [], []>, transpose_lhs_hint = false} : vector<512x64xf32>, vector<64x1024xf32>, vector<512x1024xf32> -> vector<512x1024xf32>
      %add3A_342 = arith.addf %dot_general3A_341, %select_n3A_330 : vector<512x1024xf32>
      %get3A_343 = arith.constant 0 : index
      %get3A_344 = arith.constant 0 : index
      %get3A_345 = vector.load %arg22[%get3A_343, %get3A_344] : memref<512x2xf32, #tpu.memory_space<vmem>>, vector<512x1xf32>
      %reduce_max3A_346 = arith.constant dense<0xFF800000> : vector<512xf32>
      %reduce_max3A_347 = vector.multi_reduction <maximumf>, %add3A_342, %reduce_max3A_346 [1] : vector<512x1024xf32> to vector<512xf32>
      %broadcast_in_dim3A_348 = vector.shape_cast %reduce_max3A_347 : vector<512xf32> to vector<512x1xf32>
      %max3A = arith.maximumf %get3A_345, %broadcast_in_dim3A_348 : vector<512x1xf32>
      %sub3A_349 = vector.broadcast %max3A : vector<512x1xf32> to vector<512x1024xf32>
      %sub3A_350 = arith.subf %add3A_342, %sub3A_349 : vector<512x1024xf32>
      %exp23A_351 = math.exp2 %sub3A_350 : vector<512x1024xf32>
      %sub3A_352 = arith.subf %get3A_345, %max3A : vector<512x1xf32>
      %exp23A_353 = math.exp2 %sub3A_352 : vector<512x1xf32>
      %get3A_354 = arith.constant 0 : index
      %get3A_355 = arith.constant 2048 : index
      %get3A_356 = arith.constant 0 : index
      %get3A_357 = vector.load %arg10[%get3A_354, %get3A_355, %get3A_356] : memref<2x4096x72xf32, #tpu.memory_space<vmem>>, vector<1x1024x72xf32>
      %get3A_358 = vector.shape_cast %get3A_357 : vector<1x1024x72xf32> to vector<1024x72xf32>
      %dot_general3A_359 = arith.constant dense<0.000000e+00> : vector<512x72xf32>
      %dot_general3A_360 = tpu.matmul %exp23A_351, %get3A_358, %dot_general3A_359 {dimension_numbers = #tpu.dot_dimension_numbers<[1], [0], [0], [1], [0, 0, 1, 1], [], []>, transpose_lhs_hint = false} : vector<512x1024xf32>, vector<1024x72xf32>, vector<512x72xf32> -> vector<512x72xf32>
      %get3A_361 = arith.constant 0 : index
      %get3A_362 = arith.constant 0 : index
      %get3A_363 = vector.load %arg23[%get3A_361, %get3A_362] : memref<512x2xf32, #tpu.memory_space<vmem>>, vector<512x1xf32>
      %mul3A_364 = arith.mulf %get3A_363, %exp23A_353 : vector<512x1xf32>
      %slice3A_365 = vector.extract_strided_slice %dot_general3A_360 {offsets = [0, 64], sizes = [512, 1], strides = [1, 1]} : vector<512x72xf32> to vector<512x1xf32>
      %add3A_366 = arith.addf %mul3A_364, %slice3A_365 : vector<512x1xf32>
      %swap3A_367 = arith.constant 0 : index
      %swap3A_368 = arith.constant 0 : index
      %swap3A_369 = vector.load %arg23[%swap3A_367, %swap3A_368] : memref<512x2xf32, #tpu.memory_space<vmem>>, vector<512x1xf32>
      tpu.vector_store %arg23[%swap3A_367, %swap3A_368], %add3A_366 {strides = array<i32>} : memref<512x2xf32, #tpu.memory_space<vmem>>, vector<512x1xf32>,
      %get3A_370 = arith.constant 0 : index
      %get3A_371 = arith.constant 0 : index
      %get3A_372 = vector.load %arg21[%get3A_370, %get3A_371] : memref<512x128xf32, #tpu.memory_space<vmem>>, vector<512x64xf32>
      %mul3A_373 = vector.broadcast %exp23A_353 : vector<512x1xf32> to vector<512x64xf32>
      %mul3A_374 = arith.mulf %get3A_372, %mul3A_373 : vector<512x64xf32>
      %slice3A_375 = vector.extract_strided_slice %dot_general3A_360 {offsets = [0, 0], sizes = [512, 64], strides = [1, 1]} : vector<512x72xf32> to vector<512x64xf32>
      %add3A_376 = arith.addf %mul3A_374, %slice3A_375 : vector<512x64xf32>
      %swap3A_377 = arith.constant 0 : index
      %swap3A_378 = arith.constant 0 : index
      %swap3A_379 = vector.load %arg21[%swap3A_377, %swap3A_378] : memref<512x128xf32, #tpu.memory_space<vmem>>, vector<512x64xf32>
      tpu.vector_store %arg21[%swap3A_377, %swap3A_378], %add3A_376 {strides = array<i32>} : memref<512x128xf32, #tpu.memory_space<vmem>>, vector<512x64xf32>,
      %swap3A_380 = arith.constant 0 : index
      %swap3A_381 = arith.constant 0 : index
      %swap3A_382 = vector.load %arg22[%swap3A_380, %swap3A_381] : memref<512x2xf32, #tpu.memory_space<vmem>>, vector<512x1xf32>
      tpu.vector_store %arg22[%swap3A_380, %swap3A_381], %max3A {strides = array<i32>} : memref<512x2xf32, #tpu.memory_space<vmem>>, vector<512x1xf32>,
      %slice3A_383 = vector.extract_strided_slice %get3A_9 {offsets = [0, 64], sizes = [512, 64], strides = [1, 1]} : vector<512x128xf32> to vector<512x64xf32>
      %mul3A_384 = arith.constant 0.180336878 : f32
      %mul3A_385 = vector.broadcast %mul3A_384 : f32 to vector<512x64xf32>
      %mul3A_386 = arith.mulf %slice3A_383, %mul3A_385 : vector<512x64xf32>
      %get3A_387 = arith.constant 2 : index
      %get3A_388 = arith.constant 64 : index
      %get3A_389 = arith.constant 0 : index
      %get3A_390 = vector.load %arg9[%get3A_387, %get3A_388, %get3A_389] : memref<4x128x1024xf32, #tpu.memory_space<vmem>>, vector<1x64x1024xf32>
      %get3A_391 = vector.shape_cast %get3A_390 : vector<1x64x1024xf32> to vector<64x1024xf32>
      %dot_general3A_392 = arith.constant dense<0.000000e+00> : vector<512x1024xf32>
      %dot_general3A_393 = tpu.matmul %mul3A_386, %get3A_391, %dot_general3A_392 {dimension_numbers = #tpu.dot_dimension_numbers<[1], [0], [0], [1], [0, 0, 1, 1], [], []>, transpose_lhs_hint = false} : vector<512x64xf32>, vector<64x1024xf32>, vector<512x1024xf32> -> vector<512x1024xf32>
      %add3A_394 = arith.addf %dot_general3A_393, %select_n3A_330 : vector<512x1024xf32>
      %get3A_395 = arith.constant 0 : index
      %get3A_396 = arith.constant 1 : index
      %get3A_397 = vector.load %arg22[%get3A_395, %get3A_396] : memref<512x2xf32, #tpu.memory_space<vmem>>, vector<512x1xf32>
      %reduce_max3A_398 = arith.constant dense<0xFF800000> : vector<512xf32>
      %reduce_max3A_399 = vector.multi_reduction <maximumf>, %add3A_394, %reduce_max3A_398 [1] : vector<512x1024xf32> to vector<512xf32>
      %broadcast_in_dim3A_400 = vector.shape_cast %reduce_max3A_399 : vector<512xf32> to vector<512x1xf32>
      %max3A_401 = arith.maximumf %get3A_397, %broadcast_in_dim3A_400 : vector<512x1xf32>
      %sub3A_402 = vector.broadcast %max3A_401 : vector<512x1xf32> to vector<512x1024xf32>
      %sub3A_403 = arith.subf %add3A_394, %sub3A_402 : vector<512x1024xf32>
      %exp23A_404 = math.exp2 %sub3A_403 : vector<512x1024xf32>
      %sub3A_405 = arith.subf %get3A_397, %max3A_401 : vector<512x1xf32>
      %exp23A_406 = math.exp2 %sub3A_405 : vector<512x1xf32>
      %get3A_407 = arith.constant 1 : index
      %get3A_408 = arith.constant 2048 : index
      %get3A_409 = arith.constant 0 : index
      %get3A_410 = vector.load %arg10[%get3A_407, %get3A_408, %get3A_409] : memref<2x4096x72xf32, #tpu.memory_space<vmem>>, vector<1x1024x72xf32>
      %get3A_411 = vector.shape_cast %get3A_410 : vector<1x1024x72xf32> to vector<1024x72xf32>
      %dot_general3A_412 = arith.constant dense<0.000000e+00> : vector<512x72xf32>
      %dot_general3A_413 = tpu.matmul %exp23A_404, %get3A_411, %dot_general3A_412 {dimension_numbers = #tpu.dot_dimension_numbers<[1], [0], [0], [1], [0, 0, 1, 1], [], []>, transpose_lhs_hint = false} : vector<512x1024xf32>, vector<1024x72xf32>, vector<512x72xf32> -> vector<512x72xf32>
      %get3A_414 = arith.constant 0 : index
      %get3A_415 = arith.constant 1 : index
      %get3A_416 = vector.load %arg23[%get3A_414, %get3A_415] : memref<512x2xf32, #tpu.memory_space<vmem>>, vector<512x1xf32>
      %mul3A_417 = arith.mulf %get3A_416, %exp23A_406 : vector<512x1xf32>
      %slice3A_418 = vector.extract_strided_slice %dot_general3A_413 {offsets = [0, 64], sizes = [512, 1], strides = [1, 1]} : vector<512x72xf32> to vector<512x1xf32>
      %add3A_419 = arith.addf %mul3A_417, %slice3A_418 : vector<512x1xf32>
      %swap3A_420 = arith.constant 0 : index
      %swap3A_421 = arith.constant 1 : index
      %swap3A_422 = vector.load %arg23[%swap3A_420, %swap3A_421] : memref<512x2xf32, #tpu.memory_space<vmem>>, vector<512x1xf32>
      tpu.vector_store %arg23[%swap3A_420, %swap3A_421], %add3A_419 {strides = array<i32>} : memref<512x2xf32, #tpu.memory_space<vmem>>, vector<512x1xf32>,
      %get3A_423 = arith.constant 0 : index
      %get3A_424 = arith.constant 64 : index
      %get3A_425 = vector.load %arg21[%get3A_423, %get3A_424] : memref<512x128xf32, #tpu.memory_space<vmem>>, vector<512x64xf32>
      %mul3A_426 = vector.broadcast %exp23A_406 : vector<512x1xf32> to vector<512x64xf32>
      %mul3A_427 = arith.mulf %get3A_425, %mul3A_426 : vector<512x64xf32>
      %slice3A_428 = vector.extract_strided_slice %dot_general3A_413 {offsets = [0, 0], sizes = [512, 64], strides = [1, 1]} : vector<512x72xf32> to vector<512x64xf32>
      %add3A_429 = arith.addf %mul3A_427, %slice3A_428 : vector<512x64xf32>
      %swap3A_430 = arith.constant 0 : index
      %swap3A_431 = arith.constant 64 : index
      %swap3A_432 = vector.load %arg21[%swap3A_430, %swap3A_431] : memref<512x128xf32, #tpu.memory_space<vmem>>, vector<512x64xf32>
      tpu.vector_store %arg21[%swap3A_430, %swap3A_431], %add3A_429 {strides = array<i32>} : memref<512x128xf32, #tpu.memory_space<vmem>>, vector<512x64xf32>,
      %swap3A_433 = arith.constant 0 : index
      %swap3A_434 = arith.constant 1 : index
      %swap3A_435 = vector.load %arg22[%swap3A_433, %swap3A_434] : memref<512x2xf32, #tpu.memory_space<vmem>>, vector<512x1xf32>
      tpu.vector_store %arg22[%swap3A_433, %swap3A_434], %max3A_401 {strides = array<i32>} : memref<512x2xf32, #tpu.memory_space<vmem>>, vector<512x1xf32>,
    } else {
    }
    %le3A_135 = arith.constant 3 : i32
    %le3A_136 = arith.cmpi sle, %get3A_0, %le3A_135 : i32
    %ge3A_137 = arith.constant 3 : i32
    %ge3A_138 = arith.cmpi sge, %get3A_2, %ge3A_137 : i32
    %and3A_139 = arith.andi %le3A_136, %ge3A_138 : i1
    %ne3A_140 = arith.constant 3 : i32
    %ne3A_141 = arith.cmpi ne, %select_n3A, %ne3A_140 : i32
    %and3A_142 = arith.andi %and3A_139, %ne3A_141 : i1
    %convert_element_type3A_143 = arith.extui %and3A_142 : i1 to i32
    %cond3A_144 = arith.constant 0 : i32
    %cond3A_145 = arith.cmpi ne, %convert_element_type3A_143, %cond3A_144 : i32
    scf.if %cond3A_145 {
      %get3A_318 = arith.constant 3 : index
      %get3A_319 = arith.constant 0 : index
      %get3A_320 = arith.constant 0 : index
      %get3A_321 = vector.load %arg8[%get3A_318, %get3A_319, %get3A_320] : memref<4x1x1024xi32, #tpu.memory_space<vmem>>, vector<1x1x1024xi32>
      %get3A_322 = vector.shape_cast %get3A_321 : vector<1x1x1024xi32> to vector<1x1024xi32>
      %eq3A_323 = vector.broadcast %get3A_12 : vector<512x1xi32> to vector<512x1024xi32>
      %eq3A_324 = vector.broadcast %get3A_322 : vector<1x1024xi32> to vector<512x1024xi32>
      %eq3A_325 = arith.cmpi eq, %eq3A_323, %eq3A_324 : vector<512x1024xi32>
      %jit3A_326 = arith.constant 0.000000e+00 : f32
      %jit3A_327 = arith.constant -1.000000e+30 : f32
      %broadcast_in_dim3A_328 = vector.broadcast %jit3A_326 : f32 to vector<512x1024xf32>
      %broadcast_in_dim3A_329 = vector.broadcast %jit3A_327 : f32 to vector<512x1024xf32>
      %select_n3A_330 = arith.select %eq3A_325, %broadcast_in_dim3A_328, %broadcast_in_dim3A_329 : vector<512x1024xi1>, vector<512x1024xf32>
      %slice3A_331 = vector.extract_strided_slice %get3A_9 {offsets = [0, 0], sizes = [512, 64], strides = [1, 1]} : vector<512x128xf32> to vector<512x64xf32>
      %mul3A_332 = arith.constant 0.180336878 : f32
      %mul3A_333 = vector.broadcast %mul3A_332 : f32 to vector<512x64xf32>
      %mul3A_334 = arith.mulf %slice3A_331, %mul3A_333 : vector<512x64xf32>
      %get3A_335 = arith.constant 3 : index
      %get3A_336 = arith.constant 0 : index
      %get3A_337 = arith.constant 0 : index
      %get3A_338 = vector.load %arg9[%get3A_335, %get3A_336, %get3A_337] : memref<4x128x1024xf32, #tpu.memory_space<vmem>>, vector<1x64x1024xf32>
      %get3A_339 = vector.shape_cast %get3A_338 : vector<1x64x1024xf32> to vector<64x1024xf32>
      %dot_general3A_340 = arith.constant dense<0.000000e+00> : vector<512x1024xf32>
      %dot_general3A_341 = tpu.matmul %mul3A_334, %get3A_339, %dot_general3A_340 {dimension_numbers = #tpu.dot_dimension_numbers<[1], [0], [0], [1], [0, 0, 1, 1], [], []>, transpose_lhs_hint = false} : vector<512x64xf32>, vector<64x1024xf32>, vector<512x1024xf32> -> vector<512x1024xf32>
      %add3A_342 = arith.addf %dot_general3A_341, %select_n3A_330 : vector<512x1024xf32>
      %get3A_343 = arith.constant 0 : index
      %get3A_344 = arith.constant 0 : index
      %get3A_345 = vector.load %arg22[%get3A_343, %get3A_344] : memref<512x2xf32, #tpu.memory_space<vmem>>, vector<512x1xf32>
      %reduce_max3A_346 = arith.constant dense<0xFF800000> : vector<512xf32>
      %reduce_max3A_347 = vector.multi_reduction <maximumf>, %add3A_342, %reduce_max3A_346 [1] : vector<512x1024xf32> to vector<512xf32>
      %broadcast_in_dim3A_348 = vector.shape_cast %reduce_max3A_347 : vector<512xf32> to vector<512x1xf32>
      %max3A = arith.maximumf %get3A_345, %broadcast_in_dim3A_348 : vector<512x1xf32>
      %sub3A_349 = vector.broadcast %max3A : vector<512x1xf32> to vector<512x1024xf32>
      %sub3A_350 = arith.subf %add3A_342, %sub3A_349 : vector<512x1024xf32>
      %exp23A_351 = math.exp2 %sub3A_350 : vector<512x1024xf32>
      %sub3A_352 = arith.subf %get3A_345, %max3A : vector<512x1xf32>
      %exp23A_353 = math.exp2 %sub3A_352 : vector<512x1xf32>
      %get3A_354 = arith.constant 0 : index
      %get3A_355 = arith.constant 3072 : index
      %get3A_356 = arith.constant 0 : index
      %get3A_357 = vector.load %arg10[%get3A_354, %get3A_355, %get3A_356] : memref<2x4096x72xf32, #tpu.memory_space<vmem>>, vector<1x1024x72xf32>
      %get3A_358 = vector.shape_cast %get3A_357 : vector<1x1024x72xf32> to vector<1024x72xf32>
      %dot_general3A_359 = arith.constant dense<0.000000e+00> : vector<512x72xf32>
      %dot_general3A_360 = tpu.matmul %exp23A_351, %get3A_358, %dot_general3A_359 {dimension_numbers = #tpu.dot_dimension_numbers<[1], [0], [0], [1], [0, 0, 1, 1], [], []>, transpose_lhs_hint = false} : vector<512x1024xf32>, vector<1024x72xf32>, vector<512x72xf32> -> vector<512x72xf32>
      %get3A_361 = arith.constant 0 : index
      %get3A_362 = arith.constant 0 : index
      %get3A_363 = vector.load %arg23[%get3A_361, %get3A_362] : memref<512x2xf32, #tpu.memory_space<vmem>>, vector<512x1xf32>
      %mul3A_364 = arith.mulf %get3A_363, %exp23A_353 : vector<512x1xf32>
      %slice3A_365 = vector.extract_strided_slice %dot_general3A_360 {offsets = [0, 64], sizes = [512, 1], strides = [1, 1]} : vector<512x72xf32> to vector<512x1xf32>
      %add3A_366 = arith.addf %mul3A_364, %slice3A_365 : vector<512x1xf32>
      %swap3A_367 = arith.constant 0 : index
      %swap3A_368 = arith.constant 0 : index
      %swap3A_369 = vector.load %arg23[%swap3A_367, %swap3A_368] : memref<512x2xf32, #tpu.memory_space<vmem>>, vector<512x1xf32>
      tpu.vector_store %arg23[%swap3A_367, %swap3A_368], %add3A_366 {strides = array<i32>} : memref<512x2xf32, #tpu.memory_space<vmem>>, vector<512x1xf32>,
      %get3A_370 = arith.constant 0 : index
      %get3A_371 = arith.constant 0 : index
      %get3A_372 = vector.load %arg21[%get3A_370, %get3A_371] : memref<512x128xf32, #tpu.memory_space<vmem>>, vector<512x64xf32>
      %mul3A_373 = vector.broadcast %exp23A_353 : vector<512x1xf32> to vector<512x64xf32>
      %mul3A_374 = arith.mulf %get3A_372, %mul3A_373 : vector<512x64xf32>
      %slice3A_375 = vector.extract_strided_slice %dot_general3A_360 {offsets = [0, 0], sizes = [512, 64], strides = [1, 1]} : vector<512x72xf32> to vector<512x64xf32>
      %add3A_376 = arith.addf %mul3A_374, %slice3A_375 : vector<512x64xf32>
      %swap3A_377 = arith.constant 0 : index
      %swap3A_378 = arith.constant 0 : index
      %swap3A_379 = vector.load %arg21[%swap3A_377, %swap3A_378] : memref<512x128xf32, #tpu.memory_space<vmem>>, vector<512x64xf32>
      tpu.vector_store %arg21[%swap3A_377, %swap3A_378], %add3A_376 {strides = array<i32>} : memref<512x128xf32, #tpu.memory_space<vmem>>, vector<512x64xf32>,
      %swap3A_380 = arith.constant 0 : index
      %swap3A_381 = arith.constant 0 : index
      %swap3A_382 = vector.load %arg22[%swap3A_380, %swap3A_381] : memref<512x2xf32, #tpu.memory_space<vmem>>, vector<512x1xf32>
      tpu.vector_store %arg22[%swap3A_380, %swap3A_381], %max3A {strides = array<i32>} : memref<512x2xf32, #tpu.memory_space<vmem>>, vector<512x1xf32>,
      %slice3A_383 = vector.extract_strided_slice %get3A_9 {offsets = [0, 64], sizes = [512, 64], strides = [1, 1]} : vector<512x128xf32> to vector<512x64xf32>
      %mul3A_384 = arith.constant 0.180336878 : f32
      %mul3A_385 = vector.broadcast %mul3A_384 : f32 to vector<512x64xf32>
      %mul3A_386 = arith.mulf %slice3A_383, %mul3A_385 : vector<512x64xf32>
      %get3A_387 = arith.constant 3 : index
      %get3A_388 = arith.constant 64 : index
      %get3A_389 = arith.constant 0 : index
      %get3A_390 = vector.load %arg9[%get3A_387, %get3A_388, %get3A_389] : memref<4x128x1024xf32, #tpu.memory_space<vmem>>, vector<1x64x1024xf32>
      %get3A_391 = vector.shape_cast %get3A_390 : vector<1x64x1024xf32> to vector<64x1024xf32>
      %dot_general3A_392 = arith.constant dense<0.000000e+00> : vector<512x1024xf32>
      %dot_general3A_393 = tpu.matmul %mul3A_386, %get3A_391, %dot_general3A_392 {dimension_numbers = #tpu.dot_dimension_numbers<[1], [0], [0], [1], [0, 0, 1, 1], [], []>, transpose_lhs_hint = false} : vector<512x64xf32>, vector<64x1024xf32>, vector<512x1024xf32> -> vector<512x1024xf32>
      %add3A_394 = arith.addf %dot_general3A_393, %select_n3A_330 : vector<512x1024xf32>
      %get3A_395 = arith.constant 0 : index
      %get3A_396 = arith.constant 1 : index
      %get3A_397 = vector.load %arg22[%get3A_395, %get3A_396] : memref<512x2xf32, #tpu.memory_space<vmem>>, vector<512x1xf32>
      %reduce_max3A_398 = arith.constant dense<0xFF800000> : vector<512xf32>
      %reduce_max3A_399 = vector.multi_reduction <maximumf>, %add3A_394, %reduce_max3A_398 [1] : vector<512x1024xf32> to vector<512xf32>
      %broadcast_in_dim3A_400 = vector.shape_cast %reduce_max3A_399 : vector<512xf32> to vector<512x1xf32>
      %max3A_401 = arith.maximumf %get3A_397, %broadcast_in_dim3A_400 : vector<512x1xf32>
      %sub3A_402 = vector.broadcast %max3A_401 : vector<512x1xf32> to vector<512x1024xf32>
      %sub3A_403 = arith.subf %add3A_394, %sub3A_402 : vector<512x1024xf32>
      %exp23A_404 = math.exp2 %sub3A_403 : vector<512x1024xf32>
      %sub3A_405 = arith.subf %get3A_397, %max3A_401 : vector<512x1xf32>
      %exp23A_406 = math.exp2 %sub3A_405 : vector<512x1xf32>
      %get3A_407 = arith.constant 1 : index
      %get3A_408 = arith.constant 3072 : index
      %get3A_409 = arith.constant 0 : index
      %get3A_410 = vector.load %arg10[%get3A_407, %get3A_408, %get3A_409] : memref<2x4096x72xf32, #tpu.memory_space<vmem>>, vector<1x1024x72xf32>
      %get3A_411 = vector.shape_cast %get3A_410 : vector<1x1024x72xf32> to vector<1024x72xf32>
      %dot_general3A_412 = arith.constant dense<0.000000e+00> : vector<512x72xf32>
      %dot_general3A_413 = tpu.matmul %exp23A_404, %get3A_411, %dot_general3A_412 {dimension_numbers = #tpu.dot_dimension_numbers<[1], [0], [0], [1], [0, 0, 1, 1], [], []>, transpose_lhs_hint = false} : vector<512x1024xf32>, vector<1024x72xf32>, vector<512x72xf32> -> vector<512x72xf32>
      %get3A_414 = arith.constant 0 : index
      %get3A_415 = arith.constant 1 : index
      %get3A_416 = vector.load %arg23[%get3A_414, %get3A_415] : memref<512x2xf32, #tpu.memory_space<vmem>>, vector<512x1xf32>
      %mul3A_417 = arith.mulf %get3A_416, %exp23A_406 : vector<512x1xf32>
      %slice3A_418 = vector.extract_strided_slice %dot_general3A_413 {offsets = [0, 64], sizes = [512, 1], strides = [1, 1]} : vector<512x72xf32> to vector<512x1xf32>
      %add3A_419 = arith.addf %mul3A_417, %slice3A_418 : vector<512x1xf32>
      %swap3A_420 = arith.constant 0 : index
      %swap3A_421 = arith.constant 1 : index
      %swap3A_422 = vector.load %arg23[%swap3A_420, %swap3A_421] : memref<512x2xf32, #tpu.memory_space<vmem>>, vector<512x1xf32>
      tpu.vector_store %arg23[%swap3A_420, %swap3A_421], %add3A_419 {strides = array<i32>} : memref<512x2xf32, #tpu.memory_space<vmem>>, vector<512x1xf32>,
      %get3A_423 = arith.constant 0 : index
      %get3A_424 = arith.constant 64 : index
      %get3A_425 = vector.load %arg21[%get3A_423, %get3A_424] : memref<512x128xf32, #tpu.memory_space<vmem>>, vector<512x64xf32>
      %mul3A_426 = vector.broadcast %exp23A_406 : vector<512x1xf32> to vector<512x64xf32>
      %mul3A_427 = arith.mulf %get3A_425, %mul3A_426 : vector<512x64xf32>
      %slice3A_428 = vector.extract_strided_slice %dot_general3A_413 {offsets = [0, 0], sizes = [512, 64], strides = [1, 1]} : vector<512x72xf32> to vector<512x64xf32>
      %add3A_429 = arith.addf %mul3A_427, %slice3A_428 : vector<512x64xf32>
      %swap3A_430 = arith.constant 0 : index
      %swap3A_431 = arith.constant 64 : index
      %swap3A_432 = vector.load %arg21[%swap3A_430, %swap3A_431] : memref<512x128xf32, #tpu.memory_space<vmem>>, vector<512x64xf32>
      tpu.vector_store %arg21[%swap3A_430, %swap3A_431], %add3A_429 {strides = array<i32>} : memref<512x128xf32, #tpu.memory_space<vmem>>, vector<512x64xf32>,
      %swap3A_433 = arith.constant 0 : index
      %swap3A_434 = arith.constant 1 : index
      %swap3A_435 = vector.load %arg22[%swap3A_433, %swap3A_434] : memref<512x2xf32, #tpu.memory_space<vmem>>, vector<512x1xf32>
      tpu.vector_store %arg22[%swap3A_433, %swap3A_434], %max3A_401 {strides = array<i32>} : memref<512x2xf32, #tpu.memory_space<vmem>>, vector<512x1xf32>,
    } else {
    }
    %get3A_146 = arith.constant 0 : index
    %get3A_147 = arith.constant 0 : index
    %get3A_148 = vector.load %arg23[%get3A_146, %get3A_147] : memref<512x2xf32, #tpu.memory_space<vmem>>, vector<512x1xf32>
    %broadcast_in_dim3A_149 = vector.shape_cast %get3A_148 : vector<512x1xf32> to vector<512x1xf32>
    %broadcast_in_dim3A_150 = vector.broadcast %broadcast_in_dim3A_149 : vector<512x1xf32> to vector<512x64xf32>
    %get3A_151 = arith.constant 0 : index
    %get3A_152 = arith.constant 1 : index
    %get3A_153 = vector.load %arg23[%get3A_151, %get3A_152] : memref<512x2xf32, #tpu.memory_space<vmem>>, vector<512x1xf32>
    %broadcast_in_dim3A_154 = vector.shape_cast %get3A_153 : vector<512x1xf32> to vector<512x1xf32>
    %broadcast_in_dim3A_155 = vector.broadcast %broadcast_in_dim3A_154 : vector<512x1xf32> to vector<512x64xf32>
    %concatenate3A = tpu.concatenate %broadcast_in_dim3A_150, %broadcast_in_dim3A_155 in 1 : vector<512x64xf32>, vector<512x64xf32> -> vector<512x128xf32>
    %get3A_156 = arith.constant 0 : index
    %get3A_157 = arith.constant 0 : index
    %get3A_158 = vector.load %arg21[%get3A_156, %get3A_157] : memref<512x128xf32, #tpu.memory_space<vmem>>, vector<512x128xf32>
    %div3A_159 = arith.divf %get3A_158, %concatenate3A : vector<512x128xf32>
    %iota3A = tpu.iota {dimensions = array<i32: 1>} : vector<1x8xi32>
    %eq3A_160 = vector.broadcast %get3A_12 : vector<512x1xi32> to vector<512x8xi32>
    %eq3A_161 = vector.broadcast %iota3A : vector<1x8xi32> to vector<512x8xi32>
    %eq3A_162 = arith.cmpi eq, %eq3A_160, %eq3A_161 : vector<512x8xi32>
    %convert_element_type3A_163 = arith.extui %eq3A_162 : vector<512x8xi1> to vector<512x8xi32>
    %convert_element_type3A_164 = arith.sitofp %convert_element_type3A_163 : vector<512x8xi32> to vector<512x8xf32>
    %broadcast_in_dim3A_165 = arith.constant 0.000000e+00 : f32
    %broadcast_in_dim3A_166 = vector.broadcast %broadcast_in_dim3A_165 : f32 to vector<512x128xf32>
    %swap3A_167 = arith.constant 0 : index
    %swap3A_168 = arith.constant 0 : index
    %swap3A_169 = vector.load %arg24[%swap3A_167, %swap3A_168] : memref<512x128xf32, #tpu.memory_space<vmem>>, vector<512x128xf32>
    tpu.vector_store %arg24[%swap3A_167, %swap3A_168], %broadcast_in_dim3A_166 {strides = array<i32>} : memref<512x128xf32, #tpu.memory_space<vmem>>, vector<512x128xf32>,
    %le3A_170 = arith.constant 0 : i32
    %le3A_171 = arith.cmpi sle, %get3A_4, %le3A_170 : i32
    %ge3A_172 = arith.constant 0 : i32
    %ge3A_173 = arith.cmpi sge, %get3A_6, %ge3A_172 : i32
    %and3A_174 = arith.andi %le3A_171, %ge3A_173 : i1
    %convert_element_type3A_175 = arith.extui %and3A_174 : i1 to i32
    %cond3A_176 = arith.constant 0 : i32
    %cond3A_177 = arith.cmpi ne, %convert_element_type3A_175, %cond3A_176 : i32
    scf.if %cond3A_177 {
      %get3A_318 = arith.constant 0 : index
      %get3A_319 = arith.constant 0 : index
      %get3A_320 = vector.load %arg24[%get3A_318, %get3A_319] : memref<512x128xf32, #tpu.memory_space<vmem>>, vector<512x128xf32>
      %slice3A_321 = vector.extract_strided_slice %convert_element_type3A_164 {offsets = [0, 0], sizes = [512, 1], strides = [1, 1]} : vector<512x8xf32> to vector<512x1xf32>
      %get3A_322 = arith.constant 0 : index
      %get3A_323 = arith.constant 0 : index
      %get3A_324 = arith.constant 0 : index
      %get3A_325 = vector.load %arg11[%get3A_322, %get3A_323, %get3A_324] : memref<8x128x128xf32, #tpu.memory_space<vmem>>, vector<1x128x128xf32>
      %get3A_326 = vector.shape_cast %get3A_325 : vector<1x128x128xf32> to vector<128x128xf32>
      %dot_general3A_327 = arith.constant dense<0.000000e+00> : vector<512x128xf32>
      %dot_general3A_328 = tpu.matmul %div3A_159, %get3A_326, %dot_general3A_327 {dimension_numbers = #tpu.dot_dimension_numbers<[1], [0], [0], [1], [0, 0, 1, 1], [], []>, transpose_lhs_hint = false} : vector<512x128xf32>, vector<128x128xf32>, vector<512x128xf32> -> vector<512x128xf32>
      %mul3A_329 = vector.broadcast %slice3A_321 : vector<512x1xf32> to vector<512x128xf32>
      %mul3A_330 = arith.mulf %mul3A_329, %dot_general3A_328 : vector<512x128xf32>
      %add3A_331 = arith.addf %get3A_320, %mul3A_330 : vector<512x128xf32>
      %swap3A_332 = arith.constant 0 : index
      %swap3A_333 = arith.constant 0 : index
      %swap3A_334 = vector.load %arg24[%swap3A_332, %swap3A_333] : memref<512x128xf32, #tpu.memory_space<vmem>>, vector<512x128xf32>
      tpu.vector_store %arg24[%swap3A_332, %swap3A_333], %add3A_331 {strides = array<i32>} : memref<512x128xf32, #tpu.memory_space<vmem>>, vector<512x128xf32>,
    } else {
    }
    %le3A_178 = arith.constant 1 : i32
    %le3A_179 = arith.cmpi sle, %get3A_4, %le3A_178 : i32
    %ge3A_180 = arith.constant 1 : i32
    %ge3A_181 = arith.cmpi sge, %get3A_6, %ge3A_180 : i32
    %and3A_182 = arith.andi %le3A_179, %ge3A_181 : i1
    %convert_element_type3A_183 = arith.extui %and3A_182 : i1 to i32
    %cond3A_184 = arith.constant 0 : i32
    %cond3A_185 = arith.cmpi ne, %convert_element_type3A_183, %cond3A_184 : i32
    scf.if %cond3A_185 {
      %get3A_318 = arith.constant 0 : index
      %get3A_319 = arith.constant 0 : index
      %get3A_320 = vector.load %arg24[%get3A_318, %get3A_319] : memref<512x128xf32, #tpu.memory_space<vmem>>, vector<512x128xf32>
      %slice3A_321 = vector.extract_strided_slice %convert_element_type3A_164 {offsets = [0, 1], sizes = [512, 1], strides = [1, 1]} : vector<512x8xf32> to vector<512x1xf32>
      %get3A_322 = arith.constant 1 : index
      %get3A_323 = arith.constant 0 : index
      %get3A_324 = arith.constant 0 : index
      %get3A_325 = vector.load %arg11[%get3A_322, %get3A_323, %get3A_324] : memref<8x128x128xf32, #tpu.memory_space<vmem>>, vector<1x128x128xf32>
      %get3A_326 = vector.shape_cast %get3A_325 : vector<1x128x128xf32> to vector<128x128xf32>
      %dot_general3A_327 = arith.constant dense<0.000000e+00> : vector<512x128xf32>
      %dot_general3A_328 = tpu.matmul %div3A_159, %get3A_326, %dot_general3A_327 {dimension_numbers = #tpu.dot_dimension_numbers<[1], [0], [0], [1], [0, 0, 1, 1], [], []>, transpose_lhs_hint = false} : vector<512x128xf32>, vector<128x128xf32>, vector<512x128xf32> -> vector<512x128xf32>
      %mul3A_329 = vector.broadcast %slice3A_321 : vector<512x1xf32> to vector<512x128xf32>
      %mul3A_330 = arith.mulf %mul3A_329, %dot_general3A_328 : vector<512x128xf32>
      %add3A_331 = arith.addf %get3A_320, %mul3A_330 : vector<512x128xf32>
      %swap3A_332 = arith.constant 0 : index
      %swap3A_333 = arith.constant 0 : index
      %swap3A_334 = vector.load %arg24[%swap3A_332, %swap3A_333] : memref<512x128xf32, #tpu.memory_space<vmem>>, vector<512x128xf32>
      tpu.vector_store %arg24[%swap3A_332, %swap3A_333], %add3A_331 {strides = array<i32>} : memref<512x128xf32, #tpu.memory_space<vmem>>, vector<512x128xf32>,
    } else {
    }
    %le3A_186 = arith.constant 2 : i32
    %le3A_187 = arith.cmpi sle, %get3A_4, %le3A_186 : i32
    %ge3A_188 = arith.constant 2 : i32
    %ge3A_189 = arith.cmpi sge, %get3A_6, %ge3A_188 : i32
    %and3A_190 = arith.andi %le3A_187, %ge3A_189 : i1
    %convert_element_type3A_191 = arith.extui %and3A_190 : i1 to i32
    %cond3A_192 = arith.constant 0 : i32
    %cond3A_193 = arith.cmpi ne, %convert_element_type3A_191, %cond3A_192 : i32
    scf.if %cond3A_193 {
      %get3A_318 = arith.constant 0 : index
      %get3A_319 = arith.constant 0 : index
      %get3A_320 = vector.load %arg24[%get3A_318, %get3A_319] : memref<512x128xf32, #tpu.memory_space<vmem>>, vector<512x128xf32>
      %slice3A_321 = vector.extract_strided_slice %convert_element_type3A_164 {offsets = [0, 2], sizes = [512, 1], strides = [1, 1]} : vector<512x8xf32> to vector<512x1xf32>
      %get3A_322 = arith.constant 2 : index
      %get3A_323 = arith.constant 0 : index
      %get3A_324 = arith.constant 0 : index
      %get3A_325 = vector.load %arg11[%get3A_322, %get3A_323, %get3A_324] : memref<8x128x128xf32, #tpu.memory_space<vmem>>, vector<1x128x128xf32>
      %get3A_326 = vector.shape_cast %get3A_325 : vector<1x128x128xf32> to vector<128x128xf32>
      %dot_general3A_327 = arith.constant dense<0.000000e+00> : vector<512x128xf32>
      %dot_general3A_328 = tpu.matmul %div3A_159, %get3A_326, %dot_general3A_327 {dimension_numbers = #tpu.dot_dimension_numbers<[1], [0], [0], [1], [0, 0, 1, 1], [], []>, transpose_lhs_hint = false} : vector<512x128xf32>, vector<128x128xf32>, vector<512x128xf32> -> vector<512x128xf32>
      %mul3A_329 = vector.broadcast %slice3A_321 : vector<512x1xf32> to vector<512x128xf32>
      %mul3A_330 = arith.mulf %mul3A_329, %dot_general3A_328 : vector<512x128xf32>
      %add3A_331 = arith.addf %get3A_320, %mul3A_330 : vector<512x128xf32>
      %swap3A_332 = arith.constant 0 : index
      %swap3A_333 = arith.constant 0 : index
      %swap3A_334 = vector.load %arg24[%swap3A_332, %swap3A_333] : memref<512x128xf32, #tpu.memory_space<vmem>>, vector<512x128xf32>
      tpu.vector_store %arg24[%swap3A_332, %swap3A_333], %add3A_331 {strides = array<i32>} : memref<512x128xf32, #tpu.memory_space<vmem>>, vector<512x128xf32>,
    } else {
    }
    %le3A_194 = arith.constant 3 : i32
    %le3A_195 = arith.cmpi sle, %get3A_4, %le3A_194 : i32
    %ge3A_196 = arith.constant 3 : i32
    %ge3A_197 = arith.cmpi sge, %get3A_6, %ge3A_196 : i32
    %and3A_198 = arith.andi %le3A_195, %ge3A_197 : i1
    %convert_element_type3A_199 = arith.extui %and3A_198 : i1 to i32
    %cond3A_200 = arith.constant 0 : i32
    %cond3A_201 = arith.cmpi ne, %convert_element_type3A_199, %cond3A_200 : i32
    scf.if %cond3A_201 {
      %get3A_318 = arith.constant 0 : index
      %get3A_319 = arith.constant 0 : index
      %get3A_320 = vector.load %arg24[%get3A_318, %get3A_319] : memref<512x128xf32, #tpu.memory_space<vmem>>, vector<512x128xf32>
      %slice3A_321 = vector.extract_strided_slice %convert_element_type3A_164 {offsets = [0, 3], sizes = [512, 1], strides = [1, 1]} : vector<512x8xf32> to vector<512x1xf32>
      %get3A_322 = arith.constant 3 : index
      %get3A_323 = arith.constant 0 : index
      %get3A_324 = arith.constant 0 : index
      %get3A_325 = vector.load %arg11[%get3A_322, %get3A_323, %get3A_324] : memref<8x128x128xf32, #tpu.memory_space<vmem>>, vector<1x128x128xf32>
      %get3A_326 = vector.shape_cast %get3A_325 : vector<1x128x128xf32> to vector<128x128xf32>
      %dot_general3A_327 = arith.constant dense<0.000000e+00> : vector<512x128xf32>
      %dot_general3A_328 = tpu.matmul %div3A_159, %get3A_326, %dot_general3A_327 {dimension_numbers = #tpu.dot_dimension_numbers<[1], [0], [0], [1], [0, 0, 1, 1], [], []>, transpose_lhs_hint = false} : vector<512x128xf32>, vector<128x128xf32>, vector<512x128xf32> -> vector<512x128xf32>
      %mul3A_329 = vector.broadcast %slice3A_321 : vector<512x1xf32> to vector<512x128xf32>
      %mul3A_330 = arith.mulf %mul3A_329, %dot_general3A_328 : vector<512x128xf32>
      %add3A_331 = arith.addf %get3A_320, %mul3A_330 : vector<512x128xf32>
      %swap3A_332 = arith.constant 0 : index
      %swap3A_333 = arith.constant 0 : index
      %swap3A_334 = vector.load %arg24[%swap3A_332, %swap3A_333] : memref<512x128xf32, #tpu.memory_space<vmem>>, vector<512x128xf32>
      tpu.vector_store %arg24[%swap3A_332, %swap3A_333], %add3A_331 {strides = array<i32>} : memref<512x128xf32, #tpu.memory_space<vmem>>, vector<512x128xf32>,
    } else {
    }
    %le3A_202 = arith.constant 4 : i32
    %le3A_203 = arith.cmpi sle, %get3A_4, %le3A_202 : i32
    %ge3A_204 = arith.constant 4 : i32
    %ge3A_205 = arith.cmpi sge, %get3A_6, %ge3A_204 : i32
    %and3A_206 = arith.andi %le3A_203, %ge3A_205 : i1
    %convert_element_type3A_207 = arith.extui %and3A_206 : i1 to i32
    %cond3A_208 = arith.constant 0 : i32
    %cond3A_209 = arith.cmpi ne, %convert_element_type3A_207, %cond3A_208 : i32
    scf.if %cond3A_209 {
      %get3A_318 = arith.constant 0 : index
      %get3A_319 = arith.constant 0 : index
      %get3A_320 = vector.load %arg24[%get3A_318, %get3A_319] : memref<512x128xf32, #tpu.memory_space<vmem>>, vector<512x128xf32>
      %slice3A_321 = vector.extract_strided_slice %convert_element_type3A_164 {offsets = [0, 4], sizes = [512, 1], strides = [1, 1]} : vector<512x8xf32> to vector<512x1xf32>
      %get3A_322 = arith.constant 4 : index
      %get3A_323 = arith.constant 0 : index
      %get3A_324 = arith.constant 0 : index
      %get3A_325 = vector.load %arg11[%get3A_322, %get3A_323, %get3A_324] : memref<8x128x128xf32, #tpu.memory_space<vmem>>, vector<1x128x128xf32>
      %get3A_326 = vector.shape_cast %get3A_325 : vector<1x128x128xf32> to vector<128x128xf32>
      %dot_general3A_327 = arith.constant dense<0.000000e+00> : vector<512x128xf32>
      %dot_general3A_328 = tpu.matmul %div3A_159, %get3A_326, %dot_general3A_327 {dimension_numbers = #tpu.dot_dimension_numbers<[1], [0], [0], [1], [0, 0, 1, 1], [], []>, transpose_lhs_hint = false} : vector<512x128xf32>, vector<128x128xf32>, vector<512x128xf32> -> vector<512x128xf32>
      %mul3A_329 = vector.broadcast %slice3A_321 : vector<512x1xf32> to vector<512x128xf32>
      %mul3A_330 = arith.mulf %mul3A_329, %dot_general3A_328 : vector<512x128xf32>
      %add3A_331 = arith.addf %get3A_320, %mul3A_330 : vector<512x128xf32>
      %swap3A_332 = arith.constant 0 : index
      %swap3A_333 = arith.constant 0 : index
      %swap3A_334 = vector.load %arg24[%swap3A_332, %swap3A_333] : memref<512x128xf32, #tpu.memory_space<vmem>>, vector<512x128xf32>
      tpu.vector_store %arg24[%swap3A_332, %swap3A_333], %add3A_331 {strides = array<i32>} : memref<512x128xf32, #tpu.memory_space<vmem>>, vector<512x128xf32>,
    } else {
    }
    %le3A_210 = arith.constant 5 : i32
    %le3A_211 = arith.cmpi sle, %get3A_4, %le3A_210 : i32
    %ge3A_212 = arith.constant 5 : i32
    %ge3A_213 = arith.cmpi sge, %get3A_6, %ge3A_212 : i32
    %and3A_214 = arith.andi %le3A_211, %ge3A_213 : i1
    %convert_element_type3A_215 = arith.extui %and3A_214 : i1 to i32
    %cond3A_216 = arith.constant 0 : i32
    %cond3A_217 = arith.cmpi ne, %convert_element_type3A_215, %cond3A_216 : i32
    scf.if %cond3A_217 {
      %get3A_318 = arith.constant 0 : index
      %get3A_319 = arith.constant 0 : index
      %get3A_320 = vector.load %arg24[%get3A_318, %get3A_319] : memref<512x128xf32, #tpu.memory_space<vmem>>, vector<512x128xf32>
      %slice3A_321 = vector.extract_strided_slice %convert_element_type3A_164 {offsets = [0, 5], sizes = [512, 1], strides = [1, 1]} : vector<512x8xf32> to vector<512x1xf32>
      %get3A_322 = arith.constant 5 : index
      %get3A_323 = arith.constant 0 : index
      %get3A_324 = arith.constant 0 : index
      %get3A_325 = vector.load %arg11[%get3A_322, %get3A_323, %get3A_324] : memref<8x128x128xf32, #tpu.memory_space<vmem>>, vector<1x128x128xf32>
      %get3A_326 = vector.shape_cast %get3A_325 : vector<1x128x128xf32> to vector<128x128xf32>
      %dot_general3A_327 = arith.constant dense<0.000000e+00> : vector<512x128xf32>
      %dot_general3A_328 = tpu.matmul %div3A_159, %get3A_326, %dot_general3A_327 {dimension_numbers = #tpu.dot_dimension_numbers<[1], [0], [0], [1], [0, 0, 1, 1], [], []>, transpose_lhs_hint = false} : vector<512x128xf32>, vector<128x128xf32>, vector<512x128xf32> -> vector<512x128xf32>
      %mul3A_329 = vector.broadcast %slice3A_321 : vector<512x1xf32> to vector<512x128xf32>
      %mul3A_330 = arith.mulf %mul3A_329, %dot_general3A_328 : vector<512x128xf32>
      %add3A_331 = arith.addf %get3A_320, %mul3A_330 : vector<512x128xf32>
      %swap3A_332 = arith.constant 0 : index
      %swap3A_333 = arith.constant 0 : index
      %swap3A_334 = vector.load %arg24[%swap3A_332, %swap3A_333] : memref<512x128xf32, #tpu.memory_space<vmem>>, vector<512x128xf32>
      tpu.vector_store %arg24[%swap3A_332, %swap3A_333], %add3A_331 {strides = array<i32>} : memref<512x128xf32, #tpu.memory_space<vmem>>, vector<512x128xf32>,
    } else {
    }
    %le3A_218 = arith.constant 6 : i32
    %le3A_219 = arith.cmpi sle, %get3A_4, %le3A_218 : i32
    %ge3A_220 = arith.constant 6 : i32
    %ge3A_221 = arith.cmpi sge, %get3A_6, %ge3A_220 : i32
    %and3A_222 = arith.andi %le3A_219, %ge3A_221 : i1
    %convert_element_type3A_223 = arith.extui %and3A_222 : i1 to i32
    %cond3A_224 = arith.constant 0 : i32
    %cond3A_225 = arith.cmpi ne, %convert_element_type3A_223, %cond3A_224 : i32
    scf.if %cond3A_225 {
      %get3A_318 = arith.constant 0 : index
      %get3A_319 = arith.constant 0 : index
      %get3A_320 = vector.load %arg24[%get3A_318, %get3A_319] : memref<512x128xf32, #tpu.memory_space<vmem>>, vector<512x128xf32>
      %slice3A_321 = vector.extract_strided_slice %convert_element_type3A_164 {offsets = [0, 6], sizes = [512, 1], strides = [1, 1]} : vector<512x8xf32> to vector<512x1xf32>
      %get3A_322 = arith.constant 6 : index
      %get3A_323 = arith.constant 0 : index
      %get3A_324 = arith.constant 0 : index
      %get3A_325 = vector.load %arg11[%get3A_322, %get3A_323, %get3A_324] : memref<8x128x128xf32, #tpu.memory_space<vmem>>, vector<1x128x128xf32>
      %get3A_326 = vector.shape_cast %get3A_325 : vector<1x128x128xf32> to vector<128x128xf32>
      %dot_general3A_327 = arith.constant dense<0.000000e+00> : vector<512x128xf32>
      %dot_general3A_328 = tpu.matmul %div3A_159, %get3A_326, %dot_general3A_327 {dimension_numbers = #tpu.dot_dimension_numbers<[1], [0], [0], [1], [0, 0, 1, 1], [], []>, transpose_lhs_hint = false} : vector<512x128xf32>, vector<128x128xf32>, vector<512x128xf32> -> vector<512x128xf32>
      %mul3A_329 = vector.broadcast %slice3A_321 : vector<512x1xf32> to vector<512x128xf32>
      %mul3A_330 = arith.mulf %mul3A_329, %dot_general3A_328 : vector<512x128xf32>
      %add3A_331 = arith.addf %get3A_320, %mul3A_330 : vector<512x128xf32>
      %swap3A_332 = arith.constant 0 : index
      %swap3A_333 = arith.constant 0 : index
      %swap3A_334 = vector.load %arg24[%swap3A_332, %swap3A_333] : memref<512x128xf32, #tpu.memory_space<vmem>>, vector<512x128xf32>
      tpu.vector_store %arg24[%swap3A_332, %swap3A_333], %add3A_331 {strides = array<i32>} : memref<512x128xf32, #tpu.memory_space<vmem>>, vector<512x128xf32>,
    } else {
    }
    %le3A_226 = arith.constant 7 : i32
    %le3A_227 = arith.cmpi sle, %get3A_4, %le3A_226 : i32
    %ge3A_228 = arith.constant 7 : i32
    %ge3A_229 = arith.cmpi sge, %get3A_6, %ge3A_228 : i32
    %and3A_230 = arith.andi %le3A_227, %ge3A_229 : i1
    %convert_element_type3A_231 = arith.extui %and3A_230 : i1 to i32
    %cond3A_232 = arith.constant 0 : i32
    %cond3A_233 = arith.cmpi ne, %convert_element_type3A_231, %cond3A_232 : i32
    scf.if %cond3A_233 {
      %get3A_318 = arith.constant 0 : index
      %get3A_319 = arith.constant 0 : index
      %get3A_320 = vector.load %arg24[%get3A_318, %get3A_319] : memref<512x128xf32, #tpu.memory_space<vmem>>, vector<512x128xf32>
      %slice3A_321 = vector.extract_strided_slice %convert_element_type3A_164 {offsets = [0, 7], sizes = [512, 1], strides = [1, 1]} : vector<512x8xf32> to vector<512x1xf32>
      %get3A_322 = arith.constant 7 : index
      %get3A_323 = arith.constant 0 : index
      %get3A_324 = arith.constant 0 : index
      %get3A_325 = vector.load %arg11[%get3A_322, %get3A_323, %get3A_324] : memref<8x128x128xf32, #tpu.memory_space<vmem>>, vector<1x128x128xf32>
      %get3A_326 = vector.shape_cast %get3A_325 : vector<1x128x128xf32> to vector<128x128xf32>
      %dot_general3A_327 = arith.constant dense<0.000000e+00> : vector<512x128xf32>
      %dot_general3A_328 = tpu.matmul %div3A_159, %get3A_326, %dot_general3A_327 {dimension_numbers = #tpu.dot_dimension_numbers<[1], [0], [0], [1], [0, 0, 1, 1], [], []>, transpose_lhs_hint = false} : vector<512x128xf32>, vector<128x128xf32>, vector<512x128xf32> -> vector<512x128xf32>
      %mul3A_329 = vector.broadcast %slice3A_321 : vector<512x1xf32> to vector<512x128xf32>
      %mul3A_330 = arith.mulf %mul3A_329, %dot_general3A_328 : vector<512x128xf32>
      %add3A_331 = arith.addf %get3A_320, %mul3A_330 : vector<512x128xf32>
      %swap3A_332 = arith.constant 0 : index
      %swap3A_333 = arith.constant 0 : index
      %swap3A_334 = vector.load %arg24[%swap3A_332, %swap3A_333] : memref<512x128xf32, #tpu.memory_space<vmem>>, vector<512x128xf32>
      tpu.vector_store %arg24[%swap3A_332, %swap3A_333], %add3A_331 {strides = array<i32>} : memref<512x128xf32, #tpu.memory_space<vmem>>, vector<512x128xf32>,
    } else {
    }
    %get3A_234 = arith.constant 0 : index
    %get3A_235 = arith.constant 0 : index
    %get3A_236 = vector.load %arg12[%get3A_234, %get3A_235] : memref<8x128xf32, #tpu.memory_space<vmem>>, vector<8x128xf32>
    %dot_general3A_237 = arith.constant dense<0.000000e+00> : vector<512x128xf32>
    %dot_general3A_238 = tpu.matmul %convert_element_type3A_164, %get3A_236, %dot_general3A_237 {dimension_numbers = #tpu.dot_dimension_numbers<[1], [0], [0], [1], [0, 0, 1, 1], [], []>, transpose_lhs_hint = false} : vector<512x8xf32>, vector<8x128xf32>, vector<512x128xf32> -> vector<512x128xf32>
    %get3A_239 = arith.constant 0 : index
    %get3A_240 = arith.constant 0 : index
    %get3A_241 = vector.load %arg13[%get3A_239, %get3A_240] : memref<8x128xf32, #tpu.memory_space<vmem>>, vector<8x128xf32>
    %dot_general3A_242 = arith.constant dense<0.000000e+00> : vector<512x128xf32>
    %dot_general3A_243 = tpu.matmul %convert_element_type3A_164, %get3A_241, %dot_general3A_242 {dimension_numbers = #tpu.dot_dimension_numbers<[1], [0], [0], [1], [0, 0, 1, 1], [], []>, transpose_lhs_hint = false} : vector<512x8xf32>, vector<8x128xf32>, vector<512x128xf32> -> vector<512x128xf32>
    %get3A_244 = arith.constant 0 : index
    %get3A_245 = arith.constant 0 : index
    %get3A_246 = vector.load %arg5[%get3A_244, %get3A_245] : memref<512x128xf32, #tpu.memory_space<vmem>>, vector<512x128xf32>
    %get3A_247 = arith.constant 0 : index
    %get3A_248 = arith.constant 0 : index
    %get3A_249 = vector.load %arg24[%get3A_247, %get3A_248] : memref<512x128xf32, #tpu.memory_space<vmem>>, vector<512x128xf32>
    %add3A_250 = arith.addf %get3A_246, %get3A_249 : vector<512x128xf32>
    %reduce_sum3A = arith.constant dense<0.000000e+00> : vector<512xf32>
    %reduce_sum3A_251 = vector.multi_reduction <add>, %add3A_250, %reduce_sum3A [1] : vector<512x128xf32> to vector<512xf32>
    %broadcast_in_dim3A_252 = vector.shape_cast %reduce_sum3A_251 : vector<512xf32> to vector<512x1xf32>
    %div3A_253 = arith.constant 1.280000e+02 : f32
    %div3A_254 = vector.broadcast %div3A_253 : f32 to vector<512x1xf32>
    %div3A_255 = arith.divf %broadcast_in_dim3A_252, %div3A_254 : vector<512x1xf32>
    %sub3A_256 = vector.broadcast %div3A_255 : vector<512x1xf32> to vector<512x128xf32>
    %sub3A_257 = arith.subf %add3A_250, %sub3A_256 : vector<512x128xf32>
    %integer_pow3A = arith.mulf %sub3A_257, %sub3A_257 : vector<512x128xf32>
    %reduce_sum3A_258 = arith.constant dense<0.000000e+00> : vector<512xf32>
    %reduce_sum3A_259 = vector.multi_reduction <add>, %integer_pow3A, %reduce_sum3A_258 [1] : vector<512x128xf32> to vector<512xf32>
    %broadcast_in_dim3A_260 = vector.shape_cast %reduce_sum3A_259 : vector<512xf32> to vector<512x1xf32>
    %div3A_261 = arith.constant 1.280000e+02 : f32
    %div3A_262 = vector.broadcast %div3A_261 : f32 to vector<512x1xf32>
    %div3A_263 = arith.divf %broadcast_in_dim3A_260, %div3A_262 : vector<512x1xf32>
    %sub3A_264 = vector.broadcast %div3A_255 : vector<512x1xf32> to vector<512x128xf32>
    %sub3A_265 = arith.subf %add3A_250, %sub3A_264 : vector<512x128xf32>
    %add3A_266 = arith.constant 9.99999974E-6 : f32
    %add3A_267 = vector.broadcast %add3A_266 : f32 to vector<512x1xf32>
    %add3A_268 = arith.addf %div3A_263, %add3A_267 : vector<512x1xf32>
    %rsqrt3A = math.rsqrt %add3A_268 : vector<512x1xf32>
    %mul3A_269 = vector.broadcast %rsqrt3A : vector<512x1xf32> to vector<512x128xf32>
    %mul3A_270 = arith.mulf %sub3A_265, %mul3A_269 : vector<512x128xf32>
    %mul3A_271 = arith.mulf %mul3A_270, %dot_general3A_238 : vector<512x128xf32>
    %add3A_272 = arith.addf %mul3A_271, %dot_general3A_243 : vector<512x128xf32>
    %swap3A_273 = arith.constant 0 : index
    %swap3A_274 = arith.constant 0 : index
    %swap3A_275 = vector.load %arg17[%swap3A_273, %swap3A_274] : memref<512x128xf32, #tpu.memory_space<vmem>>, vector<512x128xf32>
    tpu.vector_store %arg17[%swap3A_273, %swap3A_274], %add3A_272 {strides = array<i32>} : memref<512x128xf32, #tpu.memory_space<vmem>>, vector<512x128xf32>,
    %get3A_276 = arith.constant 0 : index
    %get3A_277 = arith.constant 0 : index
    %get3A_278 = vector.load %arg17[%get3A_276, %get3A_277] : memref<512x128xf32, #tpu.memory_space<vmem>>, vector<512x128xf32>
    %get3A_279 = arith.constant 0 : index
    %get3A_280 = arith.constant 0 : index
    %get3A_281 = vector.load %arg14[%get3A_279, %get3A_280] : memref<128x128xf32, #tpu.memory_space<vmem>>, vector<128x128xf32>
    %dot_general3A_282 = arith.constant dense<0.000000e+00> : vector<512x128xf32>
    %dot_general3A_283 = tpu.matmul %get3A_278, %get3A_281, %dot_general3A_282 {dimension_numbers = #tpu.dot_dimension_numbers<[1], [0], [0], [1], [0, 0, 1, 1], [], []>, transpose_lhs_hint = false} : vector<512x128xf32>, vector<128x128xf32>, vector<512x128xf32> -> vector<512x128xf32>
    %swap3A_284 = arith.constant 0 : index
    %swap3A_285 = arith.constant 0 : index
    %swap3A_286 = vector.load %arg18[%swap3A_284, %swap3A_285] : memref<512x128xf32, #tpu.memory_space<vmem>>, vector<512x128xf32>
    tpu.vector_store %arg18[%swap3A_284, %swap3A_285], %dot_general3A_283 {strides = array<i32>} : memref<512x128xf32, #tpu.memory_space<vmem>>, vector<512x128xf32>,
    %get3A_287 = arith.constant 0 : index
    %get3A_288 = arith.constant 0 : index
    %get3A_289 = vector.load %arg15[%get3A_287, %get3A_288] : memref<128x128xf32, #tpu.memory_space<vmem>>, vector<128x128xf32>
    %dot_general3A_290 = arith.constant dense<0.000000e+00> : vector<512x128xf32>
    %dot_general3A_291 = tpu.matmul %get3A_278, %get3A_289, %dot_general3A_290 {dimension_numbers = #tpu.dot_dimension_numbers<[1], [0], [0], [1], [0, 0, 1, 1], [], []>, transpose_lhs_hint = false} : vector<512x128xf32>, vector<128x128xf32>, vector<512x128xf32> -> vector<512x128xf32>
    %transpose3A = tpu.transpose %dot_general3A_291, [1, 0] : vector<512x128xf32> -> vector<128x512xf32>
    %swap3A_292 = arith.constant 0 : index
    %swap3A_293 = arith.constant 0 : index
    %swap3A_294 = vector.load %arg19[%swap3A_292, %swap3A_293] : memref<128x512xf32, #tpu.memory_space<vmem>>, vector<128x512xf32>
    tpu.vector_store %arg19[%swap3A_292, %swap3A_293], %transpose3A {strides = array<i32>} : memref<128x512xf32, #tpu.memory_space<vmem>>, vector<128x512xf32>,
    %get3A_295 = arith.constant 0 : index
    %get3A_296 = arith.constant 0 : index
    %get3A_297 = vector.load %arg16[%get3A_295, %get3A_296] : memref<128x128xf32, #tpu.memory_space<vmem>>, vector<128x128xf32>
    %dot_general3A_298 = arith.constant dense<0.000000e+00> : vector<512x128xf32>
    %dot_general3A_299 = tpu.matmul %get3A_278, %get3A_297, %dot_general3A_298 {dimension_numbers = #tpu.dot_dimension_numbers<[1], [0], [0], [1], [0, 0, 1, 1], [], []>, transpose_lhs_hint = false} : vector<512x128xf32>, vector<128x128xf32>, vector<512x128xf32> -> vector<512x128xf32>
    %broadcast_in_dim3A_300 = arith.constant 1.000000e+00 : f32
    %broadcast_in_dim3A_301 = vector.broadcast %broadcast_in_dim3A_300 : f32 to vector<512x8xf32>
    %slice3A_302 = vector.extract_strided_slice %dot_general3A_299 {offsets = [0, 0], sizes = [512, 64], strides = [1, 1]} : vector<512x128xf32> to vector<512x64xf32>
    %concatenate3A_303 = tpu.concatenate %slice3A_302, %broadcast_in_dim3A_301 in 1 : vector<512x64xf32>, vector<512x8xf32> -> vector<512x72xf32>
    %swap3A_304 = arith.constant 0 : index
    %swap3A_305 = arith.constant 0 : index
    %swap3A_306 = arith.constant 0 : index
    %swap3A_307 = vector.load %arg20[%swap3A_304, %swap3A_305, %swap3A_306] : memref<2x512x72xf32, #tpu.memory_space<vmem>>, vector<1x512x72xf32>
    %swap3A_308 = vector.shape_cast %swap3A_307 : vector<1x512x72xf32> to vector<512x72xf32>
    %swap3A_309 = vector.shape_cast %concatenate3A_303 : vector<512x72xf32> to vector<1x512x72xf32>
    tpu.vector_store %arg20[%swap3A_304, %swap3A_305, %swap3A_306], %swap3A_309 {strides = array<i32>} : memref<2x512x72xf32, #tpu.memory_space<vmem>>, vector<1x512x72xf32>,
    %slice3A_310 = vector.extract_strided_slice %dot_general3A_299 {offsets = [0, 64], sizes = [512, 64], strides = [1, 1]} : vector<512x128xf32> to vector<512x64xf32>
    %concatenate3A_311 = tpu.concatenate %slice3A_310, %broadcast_in_dim3A_301 in 1 : vector<512x64xf32>, vector<512x8xf32> -> vector<512x72xf32>
    %swap3A_312 = arith.constant 1 : index
    %swap3A_313 = arith.constant 0 : index
    %swap3A_314 = arith.constant 0 : index
    %swap3A_315 = vector.load %arg20[%swap3A_312, %swap3A_313, %swap3A_314] : memref<2x512x72xf32, #tpu.memory_space<vmem>>, vector<1x512x72xf32>
    %swap3A_316 = vector.shape_cast %swap3A_315 : vector<1x512x72xf32> to vector<512x72xf32>
    %swap3A_317 = vector.shape_cast %concatenate3A_311 : vector<512x72xf32> to vector<1x512x72xf32>
    tpu.vector_store %arg20[%swap3A_312, %swap3A_313, %swap3A_314], %swap3A_317 {strides = array<i32>} : memref<2x512x72xf32, #tpu.memory_space<vmem>>, vector<1x512x72xf32>,
    return
  }
  func.func @transform_0(%arg0: i32) -> i32 {
    %c0_i32 = arith.constant 0 : i32
    %c0_i32_0 = arith.constant 0 : i32
    return %c0_i32 : i32
  }
  func.func @transform_1(%arg0: i32) -> i32 {
    %c0_i32 = arith.constant 0 : i32
    %c0_i32_0 = arith.constant 0 : i32
    return %c0_i32 : i32
  }
  func.func @transform_2(%arg0: i32) -> i32 {
    %c0_i32 = arith.constant 0 : i32
    %c0_i32_0 = arith.constant 0 : i32
    return %c0_i32 : i32
  }
  func.func @transform_3(%arg0: i32) -> i32 {
    %c0_i32 = arith.constant 0 : i32
    %c0_i32_0 = arith.constant 0 : i32
    return %c0_i32 : i32
  }
  func.func @transform_4(%arg0: i32) -> (i32, i32) {
    %c0_i32 = arith.constant 0 : i32
    %c0_i32_0 = arith.constant 0 : i32
    return %arg0, %c0_i32 : i32, i32
  }
  func.func @transform_5(%arg0: i32) -> (i32, i32) {
    %c0_i32 = arith.constant 0 : i32
    %c0_i32_0 = arith.constant 0 : i32
    return %arg0, %c0_i32 : i32, i32
  }
  func.func @transform_6(%arg0: i32) -> (i32, i32) {
    %c0_i32 = arith.constant 0 : i32
    %c0_i32_0 = arith.constant 0 : i32
    return %arg0, %c0_i32 : i32, i32
  }
  func.func @transform_7(%arg0: i32) -> (i32, i32, i32) {
    %c0_i32 = arith.constant 0 : i32
    %c0_i32_0 = arith.constant 0 : i32
    %c0_i32_1 = arith.constant 0 : i32
    %c0_i32_2 = arith.constant 0 : i32
    return %c0_i32, %c0_i32_0, %c0_i32_1 : i32, i32, i32
  }
  func.func @transform_8(%arg0: i32) -> (i32, i32, i32) {
    %c0_i32 = arith.constant 0 : i32
    %c0_i32_0 = arith.constant 0 : i32
    %c0_i32_1 = arith.constant 0 : i32
    %c0_i32_2 = arith.constant 0 : i32
    return %c0_i32, %c0_i32_0, %c0_i32_1 : i32, i32, i32
  }
  func.func @transform_9(%arg0: i32) -> (i32, i32, i32) {
    %c0_i32 = arith.constant 0 : i32
    %c0_i32_0 = arith.constant 0 : i32
    %c0_i32_1 = arith.constant 0 : i32
    %c0_i32_2 = arith.constant 0 : i32
    return %c0_i32, %c0_i32_0, %c0_i32_1 : i32, i32, i32
  }
  func.func @transform_10(%arg0: i32) -> (i32, i32, i32) {
    %c0_i32 = arith.constant 0 : i32
    %c0_i32_0 = arith.constant 0 : i32
    %c0_i32_1 = arith.constant 0 : i32
    %c0_i32_2 = arith.constant 0 : i32
    return %c0_i32, %c0_i32_0, %c0_i32_1 : i32, i32, i32
  }
  func.func @transform_11(%arg0: i32) -> (i32, i32) {
    %c0_i32 = arith.constant 0 : i32
    %c0_i32_0 = arith.constant 0 : i32
    %c0_i32_1 = arith.constant 0 : i32
    return %c0_i32, %c0_i32_0 : i32, i32
  }
  func.func @transform_12(%arg0: i32) -> (i32, i32) {
    %c0_i32 = arith.constant 0 : i32
    %c0_i32_0 = arith.constant 0 : i32
    %c0_i32_1 = arith.constant 0 : i32
    return %c0_i32, %c0_i32_0 : i32, i32
  }
  func.func @transform_13(%arg0: i32) -> (i32, i32) {
    %c0_i32 = arith.constant 0 : i32
    %c0_i32_0 = arith.constant 0 : i32
    %c0_i32_1 = arith.constant 0 : i32
    return %c0_i32, %c0_i32_0 : i32, i32
  }
  func.func @transform_14(%arg0: i32) -> (i32, i32) {
    %c0_i32 = arith.constant 0 : i32
    %c0_i32_0 = arith.constant 0 : i32
    %c0_i32_1 = arith.constant 0 : i32
    return %c0_i32, %c0_i32_0 : i32, i32
  }
  func.func @transform_15(%arg0: i32) -> (i32, i32) {
    %c0_i32 = arith.constant 0 : i32
    %c0_i32_0 = arith.constant 0 : i32
    %c0_i32_1 = arith.constant 0 : i32
    return %c0_i32, %c0_i32_0 : i32, i32
  }
  func.func @transform_16(%arg0: i32) -> (i32, i32) {
    %c0_i32 = arith.constant 0 : i32
    %c0_i32_0 = arith.constant 0 : i32
    return %arg0, %c0_i32 : i32, i32
  }
  func.func @transform_17(%arg0: i32) -> (i32, i32) {
    %c0_i32 = arith.constant 0 : i32
    %c0_i32_0 = arith.constant 0 : i32
    return %arg0, %c0_i32 : i32, i32
  }
  func.func @transform_18(%arg0: i32) -> (i32, i32) {
    %c0_i32 = arith.constant 0 : i32
    %c0_i32_0 = arith.constant 0 : i32
    return %c0_i32, %arg0 : i32, i32
  }
  func.func @transform_19(%arg0: i32) -> (i32, i32, i32) {
    %c0_i32 = arith.constant 0 : i32
    %c0_i32_0 = arith.constant 0 : i32
    %c0_i32_1 = arith.constant 0 : i32
    return %c0_i32, %arg0, %c0_i32_0 : i32, i32, i32
  }
}

module attributes {stable_mosaic.version = 14 : i64} {
  func.func @_pt_attn_body(%arg0: i32, %arg1: memref<8xi32, #tpu.memory_space<smem>>, %arg2: memref<8xi32, #tpu.memory_space<smem>>, %arg3: memref<8xi32, #tpu.memory_space<smem>>, %arg4: memref<8xi32, #tpu.memory_space<smem>>, %arg5: memref<512x128xf32, #tpu.memory_space<vmem>>, %arg6: memref<512x128xf32, #tpu.memory_space<vmem>>, %arg7: memref<512x1xi32, #tpu.memory_space<vmem>>, %arg8: memref<4x1x1024xi32, #tpu.memory_space<vmem>>, %arg9: memref<4x128x1024xf32, #tpu.memory_space<vmem>>, %arg10: memref<2x4096x72xf32, #tpu.memory_space<vmem>>, %arg11: memref<8x128x128xf32, #tpu.memory_space<vmem>>, %arg12: memref<8x128xf32, #tpu.memory_space<vmem>>, %arg13: memref<8x128xf32, #tpu.memory_space<vmem>>, %arg14: memref<512x128xf32, #tpu.memory_space<vmem>>, %arg15: memref<512x128xf32, #tpu.memory_space<vmem>>, %arg16: memref<512x2xf32, #tpu.memory_space<vmem>>, %arg17: memref<512x2xf32, #tpu.memory_space<vmem>>, %arg18: memref<512x128xf32, #tpu.memory_space<vmem>>) attributes {dimension_semantics = [#tpu.dimension_semantics<parallel>], iteration_bounds = array<i64: 8>, scalar_prefetch = 0 : i64, scratch_operands = 4 : i64, tpu.core_type = #tpu.core_type<tc>, window_params = [{transform_indices = @transform_0, window_bounds = array<i64: 8>}, {transform_indices = @transform_1, window_bounds = array<i64: 8>}, {transform_indices = @transform_2, window_bounds = array<i64: 8>}, {transform_indices = @transform_3, window_bounds = array<i64: 8>}, {transform_indices = @transform_4, window_bounds = array<i64: 512, 128>}, {transform_indices = @transform_5, window_bounds = array<i64: 512, 128>}, {transform_indices = @transform_6, window_bounds = array<i64: 512, 1>}, {pipeline_mode = #tpu.pipeline_mode<synchronous>, transform_indices = @transform_7, window_bounds = array<i64: 4, 1, 1024>}, {pipeline_mode = #tpu.pipeline_mode<synchronous>, transform_indices = @transform_8, window_bounds = array<i64: 4, 128, 1024>}, {pipeline_mode = #tpu.pipeline_mode<synchronous>, transform_indices = @transform_9, window_bounds = array<i64: 2, 4096, 72>}, {pipeline_mode = #tpu.pipeline_mode<synchronous>, transform_indices = @transform_10, window_bounds = array<i64: 8, 128, 128>}, {pipeline_mode = #tpu.pipeline_mode<synchronous>, transform_indices = @transform_11, window_bounds = array<i64: 8, 128>}, {pipeline_mode = #tpu.pipeline_mode<synchronous>, transform_indices = @transform_12, window_bounds = array<i64: 8, 128>}, {transform_indices = @transform_13, window_bounds = array<i64: 512, 128>}]} {
    %get3A = arith.index_cast %arg0 : i32 to index
    %get3A_0 = memref.load %arg3[%get3A] : memref<8xi32, #tpu.memory_space<smem>>
    %get3A_1 = arith.index_cast %arg0 : i32 to index
    %get3A_2 = memref.load %arg4[%get3A_1] : memref<8xi32, #tpu.memory_space<smem>>
    %get3A_3 = arith.index_cast %arg0 : i32 to index
    %get3A_4 = memref.load %arg1[%get3A_3] : memref<8xi32, #tpu.memory_space<smem>>
    %get3A_5 = arith.index_cast %arg0 : i32 to index
    %get3A_6 = memref.load %arg2[%get3A_5] : memref<8xi32, #tpu.memory_space<smem>>
    %get3A_7 = arith.constant 0 : index
    %get3A_8 = arith.constant 0 : index
    %get3A_9 = vector.load %arg6[%get3A_7, %get3A_8] : memref<512x128xf32, #tpu.memory_space<vmem>>, vector<512x128xf32>
    %get3A_10 = arith.constant 0 : index
    %get3A_11 = arith.constant 0 : index
    %get3A_12 = vector.load %arg7[%get3A_10, %get3A_11] : memref<512x1xi32, #tpu.memory_space<vmem>>, vector<512x1xi32>
    %jit3A = arith.constant 2 : i32
    %div3A = arith.divsi %arg0, %jit3A : i32
    %sign3A = arith.constant 0 : i32
    %sign3A_13 = arith.cmpi sgt, %arg0, %sign3A : i32
    %sign3A_14 = arith.extui %sign3A_13 : i1 to i32
    %sign3A_15 = arith.constant 0 : i32
    %sign3A_16 = arith.cmpi slt, %arg0, %sign3A_15 : i32
    %sign3A_17 = arith.extui %sign3A_16 : i1 to i32
    %sign3A_18 = arith.subi %sign3A_14, %sign3A_17 : i32
    %sign3A_19 = arith.constant 0 : i32
    %sign3A_20 = arith.cmpi sgt, %jit3A, %sign3A_19 : i32
    %sign3A_21 = arith.extui %sign3A_20 : i1 to i32
    %sign3A_22 = arith.constant 0 : i32
    %sign3A_23 = arith.cmpi slt, %jit3A, %sign3A_22 : i32
    %sign3A_24 = arith.extui %sign3A_23 : i1 to i32
    %sign3A_25 = arith.subi %sign3A_21, %sign3A_24 : i32
    %ne3A = arith.cmpi ne, %sign3A_18, %sign3A_25 : i32
    %rem3A = arith.remsi %arg0, %jit3A : i32
    %ne3A_26 = arith.constant 0 : i32
    %ne3A_27 = arith.cmpi ne, %rem3A, %ne3A_26 : i32
    %and3A = arith.andi %ne3A, %ne3A_27 : i1
    %sub3A = arith.constant 1 : i32
    %sub3A_28 = arith.subi %div3A, %sub3A : i32
    %select_n3A = arith.select %and3A, %sub3A_28, %div3A : i32
    %get3A_29 = arith.index_cast %select_n3A : i32 to index
    %get3A_30 = arith.constant 0 : index
    %get3A_31 = arith.constant 0 : index
    %get3A_32 = vector.load %arg8[%get3A_29, %get3A_30, %get3A_31] : memref<4x1x1024xi32, #tpu.memory_space<vmem>>, vector<1x1x1024xi32>
    %get3A_33 = vector.shape_cast %get3A_32 : vector<1x1x1024xi32> to vector<1x1024xi32>
    %eq3A = vector.broadcast %get3A_12 : vector<512x1xi32> to vector<512x1024xi32>
    %eq3A_34 = vector.broadcast %get3A_33 : vector<1x1024xi32> to vector<512x1024xi32>
    %eq3A_35 = arith.cmpi eq, %eq3A, %eq3A_34 : vector<512x1024xi32>
    %jit3A_36 = arith.constant 0.000000e+00 : f32
    %jit3A_37 = arith.constant -1.000000e+30 : f32
    %broadcast_in_dim3A = vector.broadcast %jit3A_36 : f32 to vector<512x1024xf32>
    %broadcast_in_dim3A_38 = vector.broadcast %jit3A_37 : f32 to vector<512x1024xf32>
    %select_n3A_39 = arith.select %eq3A_35, %broadcast_in_dim3A, %broadcast_in_dim3A_38 : vector<512x1024xi1>, vector<512x1024xf32>
    %get3A_40 = arith.index_cast %select_n3A : i32 to index
    %get3A_41 = arith.constant 0 : index
    %get3A_42 = arith.constant 0 : index
    %get3A_43 = vector.load %arg9[%get3A_40, %get3A_41, %get3A_42] : memref<4x128x1024xf32, #tpu.memory_space<vmem>>, vector<1x128x1024xf32>
    %get3A_44 = vector.shape_cast %get3A_43 : vector<1x128x1024xf32> to vector<128x1024xf32>
    %slice3A = vector.extract_strided_slice %get3A_9 {offsets = [0, 0], sizes = [512, 64], strides = [1, 1]} : vector<512x128xf32> to vector<512x64xf32>
    %mul3A = arith.constant 0.180336878 : f32
    %mul3A_45 = vector.broadcast %mul3A : f32 to vector<512x64xf32>
    %mul3A_46 = arith.mulf %slice3A, %mul3A_45 : vector<512x64xf32>
    %slice3A_47 = vector.extract_strided_slice %get3A_44 {offsets = [0, 0], sizes = [64, 1024], strides = [1, 1]} : vector<128x1024xf32> to vector<64x1024xf32>
    %dot_general3A = arith.constant dense<0.000000e+00> : vector<512x1024xf32>
    %dot_general3A_48 = tpu.matmul %mul3A_46, %slice3A_47, %dot_general3A {dimension_numbers = #tpu.dot_dimension_numbers<[1], [0], [0], [1], [0, 0, 1, 1], [], []>, transpose_lhs_hint = false} : vector<512x64xf32>, vector<64x1024xf32>, vector<512x1024xf32> -> vector<512x1024xf32>
    %add3A = arith.addf %dot_general3A_48, %select_n3A_39 : vector<512x1024xf32>
    %reduce_max3A = arith.constant dense<0xFF800000> : vector<512xf32>
    %reduce_max3A_49 = vector.multi_reduction <maximumf>, %add3A, %reduce_max3A [1] : vector<512x1024xf32> to vector<512xf32>
    %broadcast_in_dim3A_50 = vector.shape_cast %reduce_max3A_49 : vector<512xf32> to vector<512x1xf32>
    %sub3A_51 = vector.broadcast %broadcast_in_dim3A_50 : vector<512x1xf32> to vector<512x1024xf32>
    %sub3A_52 = arith.subf %add3A, %sub3A_51 : vector<512x1024xf32>
    %exp23A = math.exp2 %sub3A_52 : vector<512x1024xf32>
    %swap3A = arith.constant 0 : index
    %swap3A_53 = arith.constant 0 : index
    %swap3A_54 = vector.load %arg16[%swap3A, %swap3A_53] : memref<512x2xf32, #tpu.memory_space<vmem>>, vector<512x1xf32>
    tpu.vector_store %arg16[%swap3A, %swap3A_53], %broadcast_in_dim3A_50 {strides = array<i32>} : memref<512x2xf32, #tpu.memory_space<vmem>>, vector<512x1xf32>,
    %mul3A_55 = arith.constant 1024 : i32
    %mul3A_56 = arith.muli %select_n3A, %mul3A_55 : i32
    %get3A_57 = arith.constant 0 : index
    %get3A_58 = arith.index_cast %mul3A_56 : i32 to index
    %get3A_59 = arith.constant 0 : index
    %get3A_60 = vector.load %arg10[%get3A_57, %get3A_58, %get3A_59] : memref<2x4096x72xf32, #tpu.memory_space<vmem>>, vector<1x1024x72xf32>
    %get3A_61 = vector.shape_cast %get3A_60 : vector<1x1024x72xf32> to vector<1024x72xf32>
    %dot_general3A_62 = arith.constant dense<0.000000e+00> : vector<512x72xf32>
    %dot_general3A_63 = tpu.matmul %exp23A, %get3A_61, %dot_general3A_62 {dimension_numbers = #tpu.dot_dimension_numbers<[1], [0], [0], [1], [0, 0, 1, 1], [], []>, transpose_lhs_hint = false} : vector<512x1024xf32>, vector<1024x72xf32>, vector<512x72xf32> -> vector<512x72xf32>
    %slice3A_64 = vector.extract_strided_slice %dot_general3A_63 {offsets = [0, 64], sizes = [512, 1], strides = [1, 1]} : vector<512x72xf32> to vector<512x1xf32>
    %swap3A_65 = arith.constant 0 : index
    %swap3A_66 = arith.constant 0 : index
    %swap3A_67 = vector.load %arg17[%swap3A_65, %swap3A_66] : memref<512x2xf32, #tpu.memory_space<vmem>>, vector<512x1xf32>
    tpu.vector_store %arg17[%swap3A_65, %swap3A_66], %slice3A_64 {strides = array<i32>} : memref<512x2xf32, #tpu.memory_space<vmem>>, vector<512x1xf32>,
    %slice3A_68 = vector.extract_strided_slice %dot_general3A_63 {offsets = [0, 0], sizes = [512, 64], strides = [1, 1]} : vector<512x72xf32> to vector<512x64xf32>
    %swap3A_69 = arith.constant 0 : index
    %swap3A_70 = arith.constant 0 : index
    %swap3A_71 = vector.load %arg15[%swap3A_69, %swap3A_70] : memref<512x128xf32, #tpu.memory_space<vmem>>, vector<512x64xf32>
    tpu.vector_store %arg15[%swap3A_69, %swap3A_70], %slice3A_68 {strides = array<i32>} : memref<512x128xf32, #tpu.memory_space<vmem>>, vector<512x64xf32>,
    %slice3A_72 = vector.extract_strided_slice %get3A_9 {offsets = [0, 64], sizes = [512, 64], strides = [1, 1]} : vector<512x128xf32> to vector<512x64xf32>
    %mul3A_73 = arith.constant 0.180336878 : f32
    %mul3A_74 = vector.broadcast %mul3A_73 : f32 to vector<512x64xf32>
    %mul3A_75 = arith.mulf %slice3A_72, %mul3A_74 : vector<512x64xf32>
    %slice3A_76 = vector.extract_strided_slice %get3A_44 {offsets = [64, 0], sizes = [64, 1024], strides = [1, 1]} : vector<128x1024xf32> to vector<64x1024xf32>
    %dot_general3A_77 = arith.constant dense<0.000000e+00> : vector<512x1024xf32>
    %dot_general3A_78 = tpu.matmul %mul3A_75, %slice3A_76, %dot_general3A_77 {dimension_numbers = #tpu.dot_dimension_numbers<[1], [0], [0], [1], [0, 0, 1, 1], [], []>, transpose_lhs_hint = false} : vector<512x64xf32>, vector<64x1024xf32>, vector<512x1024xf32> -> vector<512x1024xf32>
    %add3A_79 = arith.addf %dot_general3A_78, %select_n3A_39 : vector<512x1024xf32>
    %reduce_max3A_80 = arith.constant dense<0xFF800000> : vector<512xf32>
    %reduce_max3A_81 = vector.multi_reduction <maximumf>, %add3A_79, %reduce_max3A_80 [1] : vector<512x1024xf32> to vector<512xf32>
    %broadcast_in_dim3A_82 = vector.shape_cast %reduce_max3A_81 : vector<512xf32> to vector<512x1xf32>
    %sub3A_83 = vector.broadcast %broadcast_in_dim3A_82 : vector<512x1xf32> to vector<512x1024xf32>
    %sub3A_84 = arith.subf %add3A_79, %sub3A_83 : vector<512x1024xf32>
    %exp23A_85 = math.exp2 %sub3A_84 : vector<512x1024xf32>
    %swap3A_86 = arith.constant 0 : index
    %swap3A_87 = arith.constant 1 : index
    %swap3A_88 = vector.load %arg16[%swap3A_86, %swap3A_87] : memref<512x2xf32, #tpu.memory_space<vmem>>, vector<512x1xf32>
    tpu.vector_store %arg16[%swap3A_86, %swap3A_87], %broadcast_in_dim3A_82 {strides = array<i32>} : memref<512x2xf32, #tpu.memory_space<vmem>>, vector<512x1xf32>,
    %mul3A_89 = arith.constant 1024 : i32
    %mul3A_90 = arith.muli %select_n3A, %mul3A_89 : i32
    %get3A_91 = arith.constant 1 : index
    %get3A_92 = arith.index_cast %mul3A_90 : i32 to index
    %get3A_93 = arith.constant 0 : index
    %get3A_94 = vector.load %arg10[%get3A_91, %get3A_92, %get3A_93] : memref<2x4096x72xf32, #tpu.memory_space<vmem>>, vector<1x1024x72xf32>
    %get3A_95 = vector.shape_cast %get3A_94 : vector<1x1024x72xf32> to vector<1024x72xf32>
    %dot_general3A_96 = arith.constant dense<0.000000e+00> : vector<512x72xf32>
    %dot_general3A_97 = tpu.matmul %exp23A_85, %get3A_95, %dot_general3A_96 {dimension_numbers = #tpu.dot_dimension_numbers<[1], [0], [0], [1], [0, 0, 1, 1], [], []>, transpose_lhs_hint = false} : vector<512x1024xf32>, vector<1024x72xf32>, vector<512x72xf32> -> vector<512x72xf32>
    %slice3A_98 = vector.extract_strided_slice %dot_general3A_97 {offsets = [0, 64], sizes = [512, 1], strides = [1, 1]} : vector<512x72xf32> to vector<512x1xf32>
    %swap3A_99 = arith.constant 0 : index
    %swap3A_100 = arith.constant 1 : index
    %swap3A_101 = vector.load %arg17[%swap3A_99, %swap3A_100] : memref<512x2xf32, #tpu.memory_space<vmem>>, vector<512x1xf32>
    tpu.vector_store %arg17[%swap3A_99, %swap3A_100], %slice3A_98 {strides = array<i32>} : memref<512x2xf32, #tpu.memory_space<vmem>>, vector<512x1xf32>,
    %slice3A_102 = vector.extract_strided_slice %dot_general3A_97 {offsets = [0, 0], sizes = [512, 64], strides = [1, 1]} : vector<512x72xf32> to vector<512x64xf32>
    %swap3A_103 = arith.constant 0 : index
    %swap3A_104 = arith.constant 64 : index
    %swap3A_105 = vector.load %arg15[%swap3A_103, %swap3A_104] : memref<512x128xf32, #tpu.memory_space<vmem>>, vector<512x64xf32>
    tpu.vector_store %arg15[%swap3A_103, %swap3A_104], %slice3A_102 {strides = array<i32>} : memref<512x128xf32, #tpu.memory_space<vmem>>, vector<512x64xf32>,
    %le3A = arith.constant 0 : i32
    %le3A_106 = arith.cmpi sle, %get3A_0, %le3A : i32
    %ge3A = arith.constant 0 : i32
    %ge3A_107 = arith.cmpi sge, %get3A_2, %ge3A : i32
    %and3A_108 = arith.andi %le3A_106, %ge3A_107 : i1
    %ne3A_109 = arith.constant 0 : i32
    %ne3A_110 = arith.cmpi ne, %select_n3A, %ne3A_109 : i32
    %and3A_111 = arith.andi %and3A_108, %ne3A_110 : i1
    %convert_element_type3A = arith.extui %and3A_111 : i1 to i32
    %cond3A = arith.constant 0 : i32
    %cond3A_112 = arith.cmpi ne, %convert_element_type3A, %cond3A : i32
    scf.if %cond3A_112 {
      %get3A_276 = arith.constant 0 : index
      %get3A_277 = arith.constant 0 : index
      %get3A_278 = arith.constant 0 : index
      %get3A_279 = vector.load %arg8[%get3A_276, %get3A_277, %get3A_278] : memref<4x1x1024xi32, #tpu.memory_space<vmem>>, vector<1x1x1024xi32>
      %get3A_280 = vector.shape_cast %get3A_279 : vector<1x1x1024xi32> to vector<1x1024xi32>
      %eq3A_281 = vector.broadcast %get3A_12 : vector<512x1xi32> to vector<512x1024xi32>
      %eq3A_282 = vector.broadcast %get3A_280 : vector<1x1024xi32> to vector<512x1024xi32>
      %eq3A_283 = arith.cmpi eq, %eq3A_281, %eq3A_282 : vector<512x1024xi32>
      %jit3A_284 = arith.constant 0.000000e+00 : f32
      %jit3A_285 = arith.constant -1.000000e+30 : f32
      %broadcast_in_dim3A_286 = vector.broadcast %jit3A_284 : f32 to vector<512x1024xf32>
      %broadcast_in_dim3A_287 = vector.broadcast %jit3A_285 : f32 to vector<512x1024xf32>
      %select_n3A_288 = arith.select %eq3A_283, %broadcast_in_dim3A_286, %broadcast_in_dim3A_287 : vector<512x1024xi1>, vector<512x1024xf32>
      %slice3A_289 = vector.extract_strided_slice %get3A_9 {offsets = [0, 0], sizes = [512, 64], strides = [1, 1]} : vector<512x128xf32> to vector<512x64xf32>
      %mul3A_290 = arith.constant 0.180336878 : f32
      %mul3A_291 = vector.broadcast %mul3A_290 : f32 to vector<512x64xf32>
      %mul3A_292 = arith.mulf %slice3A_289, %mul3A_291 : vector<512x64xf32>
      %get3A_293 = arith.constant 0 : index
      %get3A_294 = arith.constant 0 : index
      %get3A_295 = arith.constant 0 : index
      %get3A_296 = vector.load %arg9[%get3A_293, %get3A_294, %get3A_295] : memref<4x128x1024xf32, #tpu.memory_space<vmem>>, vector<1x64x1024xf32>
      %get3A_297 = vector.shape_cast %get3A_296 : vector<1x64x1024xf32> to vector<64x1024xf32>
      %dot_general3A_298 = arith.constant dense<0.000000e+00> : vector<512x1024xf32>
      %dot_general3A_299 = tpu.matmul %mul3A_292, %get3A_297, %dot_general3A_298 {dimension_numbers = #tpu.dot_dimension_numbers<[1], [0], [0], [1], [0, 0, 1, 1], [], []>, transpose_lhs_hint = false} : vector<512x64xf32>, vector<64x1024xf32>, vector<512x1024xf32> -> vector<512x1024xf32>
      %add3A_300 = arith.addf %dot_general3A_299, %select_n3A_288 : vector<512x1024xf32>
      %get3A_301 = arith.constant 0 : index
      %get3A_302 = arith.constant 0 : index
      %get3A_303 = vector.load %arg16[%get3A_301, %get3A_302] : memref<512x2xf32, #tpu.memory_space<vmem>>, vector<512x1xf32>
      %reduce_max3A_304 = arith.constant dense<0xFF800000> : vector<512xf32>
      %reduce_max3A_305 = vector.multi_reduction <maximumf>, %add3A_300, %reduce_max3A_304 [1] : vector<512x1024xf32> to vector<512xf32>
      %broadcast_in_dim3A_306 = vector.shape_cast %reduce_max3A_305 : vector<512xf32> to vector<512x1xf32>
      %max3A = arith.maximumf %get3A_303, %broadcast_in_dim3A_306 : vector<512x1xf32>
      %sub3A_307 = vector.broadcast %max3A : vector<512x1xf32> to vector<512x1024xf32>
      %sub3A_308 = arith.subf %add3A_300, %sub3A_307 : vector<512x1024xf32>
      %exp23A_309 = math.exp2 %sub3A_308 : vector<512x1024xf32>
      %sub3A_310 = arith.subf %get3A_303, %max3A : vector<512x1xf32>
      %exp23A_311 = math.exp2 %sub3A_310 : vector<512x1xf32>
      %get3A_312 = arith.constant 0 : index
      %get3A_313 = arith.constant 0 : index
      %get3A_314 = arith.constant 0 : index
      %get3A_315 = vector.load %arg10[%get3A_312, %get3A_313, %get3A_314] : memref<2x4096x72xf32, #tpu.memory_space<vmem>>, vector<1x1024x72xf32>
      %get3A_316 = vector.shape_cast %get3A_315 : vector<1x1024x72xf32> to vector<1024x72xf32>
      %dot_general3A_317 = arith.constant dense<0.000000e+00> : vector<512x72xf32>
      %dot_general3A_318 = tpu.matmul %exp23A_309, %get3A_316, %dot_general3A_317 {dimension_numbers = #tpu.dot_dimension_numbers<[1], [0], [0], [1], [0, 0, 1, 1], [], []>, transpose_lhs_hint = false} : vector<512x1024xf32>, vector<1024x72xf32>, vector<512x72xf32> -> vector<512x72xf32>
      %get3A_319 = arith.constant 0 : index
      %get3A_320 = arith.constant 0 : index
      %get3A_321 = vector.load %arg17[%get3A_319, %get3A_320] : memref<512x2xf32, #tpu.memory_space<vmem>>, vector<512x1xf32>
      %mul3A_322 = arith.mulf %get3A_321, %exp23A_311 : vector<512x1xf32>
      %slice3A_323 = vector.extract_strided_slice %dot_general3A_318 {offsets = [0, 64], sizes = [512, 1], strides = [1, 1]} : vector<512x72xf32> to vector<512x1xf32>
      %add3A_324 = arith.addf %mul3A_322, %slice3A_323 : vector<512x1xf32>
      %swap3A_325 = arith.constant 0 : index
      %swap3A_326 = arith.constant 0 : index
      %swap3A_327 = vector.load %arg17[%swap3A_325, %swap3A_326] : memref<512x2xf32, #tpu.memory_space<vmem>>, vector<512x1xf32>
      tpu.vector_store %arg17[%swap3A_325, %swap3A_326], %add3A_324 {strides = array<i32>} : memref<512x2xf32, #tpu.memory_space<vmem>>, vector<512x1xf32>,
      %get3A_328 = arith.constant 0 : index
      %get3A_329 = arith.constant 0 : index
      %get3A_330 = vector.load %arg15[%get3A_328, %get3A_329] : memref<512x128xf32, #tpu.memory_space<vmem>>, vector<512x64xf32>
      %mul3A_331 = vector.broadcast %exp23A_311 : vector<512x1xf32> to vector<512x64xf32>
      %mul3A_332 = arith.mulf %get3A_330, %mul3A_331 : vector<512x64xf32>
      %slice3A_333 = vector.extract_strided_slice %dot_general3A_318 {offsets = [0, 0], sizes = [512, 64], strides = [1, 1]} : vector<512x72xf32> to vector<512x64xf32>
      %add3A_334 = arith.addf %mul3A_332, %slice3A_333 : vector<512x64xf32>
      %swap3A_335 = arith.constant 0 : index
      %swap3A_336 = arith.constant 0 : index
      %swap3A_337 = vector.load %arg15[%swap3A_335, %swap3A_336] : memref<512x128xf32, #tpu.memory_space<vmem>>, vector<512x64xf32>
      tpu.vector_store %arg15[%swap3A_335, %swap3A_336], %add3A_334 {strides = array<i32>} : memref<512x128xf32, #tpu.memory_space<vmem>>, vector<512x64xf32>,
      %swap3A_338 = arith.constant 0 : index
      %swap3A_339 = arith.constant 0 : index
      %swap3A_340 = vector.load %arg16[%swap3A_338, %swap3A_339] : memref<512x2xf32, #tpu.memory_space<vmem>>, vector<512x1xf32>
      tpu.vector_store %arg16[%swap3A_338, %swap3A_339], %max3A {strides = array<i32>} : memref<512x2xf32, #tpu.memory_space<vmem>>, vector<512x1xf32>,
      %slice3A_341 = vector.extract_strided_slice %get3A_9 {offsets = [0, 64], sizes = [512, 64], strides = [1, 1]} : vector<512x128xf32> to vector<512x64xf32>
      %mul3A_342 = arith.constant 0.180336878 : f32
      %mul3A_343 = vector.broadcast %mul3A_342 : f32 to vector<512x64xf32>
      %mul3A_344 = arith.mulf %slice3A_341, %mul3A_343 : vector<512x64xf32>
      %get3A_345 = arith.constant 0 : index
      %get3A_346 = arith.constant 64 : index
      %get3A_347 = arith.constant 0 : index
      %get3A_348 = vector.load %arg9[%get3A_345, %get3A_346, %get3A_347] : memref<4x128x1024xf32, #tpu.memory_space<vmem>>, vector<1x64x1024xf32>
      %get3A_349 = vector.shape_cast %get3A_348 : vector<1x64x1024xf32> to vector<64x1024xf32>
      %dot_general3A_350 = arith.constant dense<0.000000e+00> : vector<512x1024xf32>
      %dot_general3A_351 = tpu.matmul %mul3A_344, %get3A_349, %dot_general3A_350 {dimension_numbers = #tpu.dot_dimension_numbers<[1], [0], [0], [1], [0, 0, 1, 1], [], []>, transpose_lhs_hint = false} : vector<512x64xf32>, vector<64x1024xf32>, vector<512x1024xf32> -> vector<512x1024xf32>
      %add3A_352 = arith.addf %dot_general3A_351, %select_n3A_288 : vector<512x1024xf32>
      %get3A_353 = arith.constant 0 : index
      %get3A_354 = arith.constant 1 : index
      %get3A_355 = vector.load %arg16[%get3A_353, %get3A_354] : memref<512x2xf32, #tpu.memory_space<vmem>>, vector<512x1xf32>
      %reduce_max3A_356 = arith.constant dense<0xFF800000> : vector<512xf32>
      %reduce_max3A_357 = vector.multi_reduction <maximumf>, %add3A_352, %reduce_max3A_356 [1] : vector<512x1024xf32> to vector<512xf32>
      %broadcast_in_dim3A_358 = vector.shape_cast %reduce_max3A_357 : vector<512xf32> to vector<512x1xf32>
      %max3A_359 = arith.maximumf %get3A_355, %broadcast_in_dim3A_358 : vector<512x1xf32>
      %sub3A_360 = vector.broadcast %max3A_359 : vector<512x1xf32> to vector<512x1024xf32>
      %sub3A_361 = arith.subf %add3A_352, %sub3A_360 : vector<512x1024xf32>
      %exp23A_362 = math.exp2 %sub3A_361 : vector<512x1024xf32>
      %sub3A_363 = arith.subf %get3A_355, %max3A_359 : vector<512x1xf32>
      %exp23A_364 = math.exp2 %sub3A_363 : vector<512x1xf32>
      %get3A_365 = arith.constant 1 : index
      %get3A_366 = arith.constant 0 : index
      %get3A_367 = arith.constant 0 : index
      %get3A_368 = vector.load %arg10[%get3A_365, %get3A_366, %get3A_367] : memref<2x4096x72xf32, #tpu.memory_space<vmem>>, vector<1x1024x72xf32>
      %get3A_369 = vector.shape_cast %get3A_368 : vector<1x1024x72xf32> to vector<1024x72xf32>
      %dot_general3A_370 = arith.constant dense<0.000000e+00> : vector<512x72xf32>
      %dot_general3A_371 = tpu.matmul %exp23A_362, %get3A_369, %dot_general3A_370 {dimension_numbers = #tpu.dot_dimension_numbers<[1], [0], [0], [1], [0, 0, 1, 1], [], []>, transpose_lhs_hint = false} : vector<512x1024xf32>, vector<1024x72xf32>, vector<512x72xf32> -> vector<512x72xf32>
      %get3A_372 = arith.constant 0 : index
      %get3A_373 = arith.constant 1 : index
      %get3A_374 = vector.load %arg17[%get3A_372, %get3A_373] : memref<512x2xf32, #tpu.memory_space<vmem>>, vector<512x1xf32>
      %mul3A_375 = arith.mulf %get3A_374, %exp23A_364 : vector<512x1xf32>
      %slice3A_376 = vector.extract_strided_slice %dot_general3A_371 {offsets = [0, 64], sizes = [512, 1], strides = [1, 1]} : vector<512x72xf32> to vector<512x1xf32>
      %add3A_377 = arith.addf %mul3A_375, %slice3A_376 : vector<512x1xf32>
      %swap3A_378 = arith.constant 0 : index
      %swap3A_379 = arith.constant 1 : index
      %swap3A_380 = vector.load %arg17[%swap3A_378, %swap3A_379] : memref<512x2xf32, #tpu.memory_space<vmem>>, vector<512x1xf32>
      tpu.vector_store %arg17[%swap3A_378, %swap3A_379], %add3A_377 {strides = array<i32>} : memref<512x2xf32, #tpu.memory_space<vmem>>, vector<512x1xf32>,
      %get3A_381 = arith.constant 0 : index
      %get3A_382 = arith.constant 64 : index
      %get3A_383 = vector.load %arg15[%get3A_381, %get3A_382] : memref<512x128xf32, #tpu.memory_space<vmem>>, vector<512x64xf32>
      %mul3A_384 = vector.broadcast %exp23A_364 : vector<512x1xf32> to vector<512x64xf32>
      %mul3A_385 = arith.mulf %get3A_383, %mul3A_384 : vector<512x64xf32>
      %slice3A_386 = vector.extract_strided_slice %dot_general3A_371 {offsets = [0, 0], sizes = [512, 64], strides = [1, 1]} : vector<512x72xf32> to vector<512x64xf32>
      %add3A_387 = arith.addf %mul3A_385, %slice3A_386 : vector<512x64xf32>
      %swap3A_388 = arith.constant 0 : index
      %swap3A_389 = arith.constant 64 : index
      %swap3A_390 = vector.load %arg15[%swap3A_388, %swap3A_389] : memref<512x128xf32, #tpu.memory_space<vmem>>, vector<512x64xf32>
      tpu.vector_store %arg15[%swap3A_388, %swap3A_389], %add3A_387 {strides = array<i32>} : memref<512x128xf32, #tpu.memory_space<vmem>>, vector<512x64xf32>,
      %swap3A_391 = arith.constant 0 : index
      %swap3A_392 = arith.constant 1 : index
      %swap3A_393 = vector.load %arg16[%swap3A_391, %swap3A_392] : memref<512x2xf32, #tpu.memory_space<vmem>>, vector<512x1xf32>
      tpu.vector_store %arg16[%swap3A_391, %swap3A_392], %max3A_359 {strides = array<i32>} : memref<512x2xf32, #tpu.memory_space<vmem>>, vector<512x1xf32>,
    } else {
    }
    %le3A_113 = arith.constant 1 : i32
    %le3A_114 = arith.cmpi sle, %get3A_0, %le3A_113 : i32
    %ge3A_115 = arith.constant 1 : i32
    %ge3A_116 = arith.cmpi sge, %get3A_2, %ge3A_115 : i32
    %and3A_117 = arith.andi %le3A_114, %ge3A_116 : i1
    %ne3A_118 = arith.constant 1 : i32
    %ne3A_119 = arith.cmpi ne, %select_n3A, %ne3A_118 : i32
    %and3A_120 = arith.andi %and3A_117, %ne3A_119 : i1
    %convert_element_type3A_121 = arith.extui %and3A_120 : i1 to i32
    %cond3A_122 = arith.constant 0 : i32
    %cond3A_123 = arith.cmpi ne, %convert_element_type3A_121, %cond3A_122 : i32
    scf.if %cond3A_123 {
      %get3A_276 = arith.constant 1 : index
      %get3A_277 = arith.constant 0 : index
      %get3A_278 = arith.constant 0 : index
      %get3A_279 = vector.load %arg8[%get3A_276, %get3A_277, %get3A_278] : memref<4x1x1024xi32, #tpu.memory_space<vmem>>, vector<1x1x1024xi32>
      %get3A_280 = vector.shape_cast %get3A_279 : vector<1x1x1024xi32> to vector<1x1024xi32>
      %eq3A_281 = vector.broadcast %get3A_12 : vector<512x1xi32> to vector<512x1024xi32>
      %eq3A_282 = vector.broadcast %get3A_280 : vector<1x1024xi32> to vector<512x1024xi32>
      %eq3A_283 = arith.cmpi eq, %eq3A_281, %eq3A_282 : vector<512x1024xi32>
      %jit3A_284 = arith.constant 0.000000e+00 : f32
      %jit3A_285 = arith.constant -1.000000e+30 : f32
      %broadcast_in_dim3A_286 = vector.broadcast %jit3A_284 : f32 to vector<512x1024xf32>
      %broadcast_in_dim3A_287 = vector.broadcast %jit3A_285 : f32 to vector<512x1024xf32>
      %select_n3A_288 = arith.select %eq3A_283, %broadcast_in_dim3A_286, %broadcast_in_dim3A_287 : vector<512x1024xi1>, vector<512x1024xf32>
      %slice3A_289 = vector.extract_strided_slice %get3A_9 {offsets = [0, 0], sizes = [512, 64], strides = [1, 1]} : vector<512x128xf32> to vector<512x64xf32>
      %mul3A_290 = arith.constant 0.180336878 : f32
      %mul3A_291 = vector.broadcast %mul3A_290 : f32 to vector<512x64xf32>
      %mul3A_292 = arith.mulf %slice3A_289, %mul3A_291 : vector<512x64xf32>
      %get3A_293 = arith.constant 1 : index
      %get3A_294 = arith.constant 0 : index
      %get3A_295 = arith.constant 0 : index
      %get3A_296 = vector.load %arg9[%get3A_293, %get3A_294, %get3A_295] : memref<4x128x1024xf32, #tpu.memory_space<vmem>>, vector<1x64x1024xf32>
      %get3A_297 = vector.shape_cast %get3A_296 : vector<1x64x1024xf32> to vector<64x1024xf32>
      %dot_general3A_298 = arith.constant dense<0.000000e+00> : vector<512x1024xf32>
      %dot_general3A_299 = tpu.matmul %mul3A_292, %get3A_297, %dot_general3A_298 {dimension_numbers = #tpu.dot_dimension_numbers<[1], [0], [0], [1], [0, 0, 1, 1], [], []>, transpose_lhs_hint = false} : vector<512x64xf32>, vector<64x1024xf32>, vector<512x1024xf32> -> vector<512x1024xf32>
      %add3A_300 = arith.addf %dot_general3A_299, %select_n3A_288 : vector<512x1024xf32>
      %get3A_301 = arith.constant 0 : index
      %get3A_302 = arith.constant 0 : index
      %get3A_303 = vector.load %arg16[%get3A_301, %get3A_302] : memref<512x2xf32, #tpu.memory_space<vmem>>, vector<512x1xf32>
      %reduce_max3A_304 = arith.constant dense<0xFF800000> : vector<512xf32>
      %reduce_max3A_305 = vector.multi_reduction <maximumf>, %add3A_300, %reduce_max3A_304 [1] : vector<512x1024xf32> to vector<512xf32>
      %broadcast_in_dim3A_306 = vector.shape_cast %reduce_max3A_305 : vector<512xf32> to vector<512x1xf32>
      %max3A = arith.maximumf %get3A_303, %broadcast_in_dim3A_306 : vector<512x1xf32>
      %sub3A_307 = vector.broadcast %max3A : vector<512x1xf32> to vector<512x1024xf32>
      %sub3A_308 = arith.subf %add3A_300, %sub3A_307 : vector<512x1024xf32>
      %exp23A_309 = math.exp2 %sub3A_308 : vector<512x1024xf32>
      %sub3A_310 = arith.subf %get3A_303, %max3A : vector<512x1xf32>
      %exp23A_311 = math.exp2 %sub3A_310 : vector<512x1xf32>
      %get3A_312 = arith.constant 0 : index
      %get3A_313 = arith.constant 1024 : index
      %get3A_314 = arith.constant 0 : index
      %get3A_315 = vector.load %arg10[%get3A_312, %get3A_313, %get3A_314] : memref<2x4096x72xf32, #tpu.memory_space<vmem>>, vector<1x1024x72xf32>
      %get3A_316 = vector.shape_cast %get3A_315 : vector<1x1024x72xf32> to vector<1024x72xf32>
      %dot_general3A_317 = arith.constant dense<0.000000e+00> : vector<512x72xf32>
      %dot_general3A_318 = tpu.matmul %exp23A_309, %get3A_316, %dot_general3A_317 {dimension_numbers = #tpu.dot_dimension_numbers<[1], [0], [0], [1], [0, 0, 1, 1], [], []>, transpose_lhs_hint = false} : vector<512x1024xf32>, vector<1024x72xf32>, vector<512x72xf32> -> vector<512x72xf32>
      %get3A_319 = arith.constant 0 : index
      %get3A_320 = arith.constant 0 : index
      %get3A_321 = vector.load %arg17[%get3A_319, %get3A_320] : memref<512x2xf32, #tpu.memory_space<vmem>>, vector<512x1xf32>
      %mul3A_322 = arith.mulf %get3A_321, %exp23A_311 : vector<512x1xf32>
      %slice3A_323 = vector.extract_strided_slice %dot_general3A_318 {offsets = [0, 64], sizes = [512, 1], strides = [1, 1]} : vector<512x72xf32> to vector<512x1xf32>
      %add3A_324 = arith.addf %mul3A_322, %slice3A_323 : vector<512x1xf32>
      %swap3A_325 = arith.constant 0 : index
      %swap3A_326 = arith.constant 0 : index
      %swap3A_327 = vector.load %arg17[%swap3A_325, %swap3A_326] : memref<512x2xf32, #tpu.memory_space<vmem>>, vector<512x1xf32>
      tpu.vector_store %arg17[%swap3A_325, %swap3A_326], %add3A_324 {strides = array<i32>} : memref<512x2xf32, #tpu.memory_space<vmem>>, vector<512x1xf32>,
      %get3A_328 = arith.constant 0 : index
      %get3A_329 = arith.constant 0 : index
      %get3A_330 = vector.load %arg15[%get3A_328, %get3A_329] : memref<512x128xf32, #tpu.memory_space<vmem>>, vector<512x64xf32>
      %mul3A_331 = vector.broadcast %exp23A_311 : vector<512x1xf32> to vector<512x64xf32>
      %mul3A_332 = arith.mulf %get3A_330, %mul3A_331 : vector<512x64xf32>
      %slice3A_333 = vector.extract_strided_slice %dot_general3A_318 {offsets = [0, 0], sizes = [512, 64], strides = [1, 1]} : vector<512x72xf32> to vector<512x64xf32>
      %add3A_334 = arith.addf %mul3A_332, %slice3A_333 : vector<512x64xf32>
      %swap3A_335 = arith.constant 0 : index
      %swap3A_336 = arith.constant 0 : index
      %swap3A_337 = vector.load %arg15[%swap3A_335, %swap3A_336] : memref<512x128xf32, #tpu.memory_space<vmem>>, vector<512x64xf32>
      tpu.vector_store %arg15[%swap3A_335, %swap3A_336], %add3A_334 {strides = array<i32>} : memref<512x128xf32, #tpu.memory_space<vmem>>, vector<512x64xf32>,
      %swap3A_338 = arith.constant 0 : index
      %swap3A_339 = arith.constant 0 : index
      %swap3A_340 = vector.load %arg16[%swap3A_338, %swap3A_339] : memref<512x2xf32, #tpu.memory_space<vmem>>, vector<512x1xf32>
      tpu.vector_store %arg16[%swap3A_338, %swap3A_339], %max3A {strides = array<i32>} : memref<512x2xf32, #tpu.memory_space<vmem>>, vector<512x1xf32>,
      %slice3A_341 = vector.extract_strided_slice %get3A_9 {offsets = [0, 64], sizes = [512, 64], strides = [1, 1]} : vector<512x128xf32> to vector<512x64xf32>
      %mul3A_342 = arith.constant 0.180336878 : f32
      %mul3A_343 = vector.broadcast %mul3A_342 : f32 to vector<512x64xf32>
      %mul3A_344 = arith.mulf %slice3A_341, %mul3A_343 : vector<512x64xf32>
      %get3A_345 = arith.constant 1 : index
      %get3A_346 = arith.constant 64 : index
      %get3A_347 = arith.constant 0 : index
      %get3A_348 = vector.load %arg9[%get3A_345, %get3A_346, %get3A_347] : memref<4x128x1024xf32, #tpu.memory_space<vmem>>, vector<1x64x1024xf32>
      %get3A_349 = vector.shape_cast %get3A_348 : vector<1x64x1024xf32> to vector<64x1024xf32>
      %dot_general3A_350 = arith.constant dense<0.000000e+00> : vector<512x1024xf32>
      %dot_general3A_351 = tpu.matmul %mul3A_344, %get3A_349, %dot_general3A_350 {dimension_numbers = #tpu.dot_dimension_numbers<[1], [0], [0], [1], [0, 0, 1, 1], [], []>, transpose_lhs_hint = false} : vector<512x64xf32>, vector<64x1024xf32>, vector<512x1024xf32> -> vector<512x1024xf32>
      %add3A_352 = arith.addf %dot_general3A_351, %select_n3A_288 : vector<512x1024xf32>
      %get3A_353 = arith.constant 0 : index
      %get3A_354 = arith.constant 1 : index
      %get3A_355 = vector.load %arg16[%get3A_353, %get3A_354] : memref<512x2xf32, #tpu.memory_space<vmem>>, vector<512x1xf32>
      %reduce_max3A_356 = arith.constant dense<0xFF800000> : vector<512xf32>
      %reduce_max3A_357 = vector.multi_reduction <maximumf>, %add3A_352, %reduce_max3A_356 [1] : vector<512x1024xf32> to vector<512xf32>
      %broadcast_in_dim3A_358 = vector.shape_cast %reduce_max3A_357 : vector<512xf32> to vector<512x1xf32>
      %max3A_359 = arith.maximumf %get3A_355, %broadcast_in_dim3A_358 : vector<512x1xf32>
      %sub3A_360 = vector.broadcast %max3A_359 : vector<512x1xf32> to vector<512x1024xf32>
      %sub3A_361 = arith.subf %add3A_352, %sub3A_360 : vector<512x1024xf32>
      %exp23A_362 = math.exp2 %sub3A_361 : vector<512x1024xf32>
      %sub3A_363 = arith.subf %get3A_355, %max3A_359 : vector<512x1xf32>
      %exp23A_364 = math.exp2 %sub3A_363 : vector<512x1xf32>
      %get3A_365 = arith.constant 1 : index
      %get3A_366 = arith.constant 1024 : index
      %get3A_367 = arith.constant 0 : index
      %get3A_368 = vector.load %arg10[%get3A_365, %get3A_366, %get3A_367] : memref<2x4096x72xf32, #tpu.memory_space<vmem>>, vector<1x1024x72xf32>
      %get3A_369 = vector.shape_cast %get3A_368 : vector<1x1024x72xf32> to vector<1024x72xf32>
      %dot_general3A_370 = arith.constant dense<0.000000e+00> : vector<512x72xf32>
      %dot_general3A_371 = tpu.matmul %exp23A_362, %get3A_369, %dot_general3A_370 {dimension_numbers = #tpu.dot_dimension_numbers<[1], [0], [0], [1], [0, 0, 1, 1], [], []>, transpose_lhs_hint = false} : vector<512x1024xf32>, vector<1024x72xf32>, vector<512x72xf32> -> vector<512x72xf32>
      %get3A_372 = arith.constant 0 : index
      %get3A_373 = arith.constant 1 : index
      %get3A_374 = vector.load %arg17[%get3A_372, %get3A_373] : memref<512x2xf32, #tpu.memory_space<vmem>>, vector<512x1xf32>
      %mul3A_375 = arith.mulf %get3A_374, %exp23A_364 : vector<512x1xf32>
      %slice3A_376 = vector.extract_strided_slice %dot_general3A_371 {offsets = [0, 64], sizes = [512, 1], strides = [1, 1]} : vector<512x72xf32> to vector<512x1xf32>
      %add3A_377 = arith.addf %mul3A_375, %slice3A_376 : vector<512x1xf32>
      %swap3A_378 = arith.constant 0 : index
      %swap3A_379 = arith.constant 1 : index
      %swap3A_380 = vector.load %arg17[%swap3A_378, %swap3A_379] : memref<512x2xf32, #tpu.memory_space<vmem>>, vector<512x1xf32>
      tpu.vector_store %arg17[%swap3A_378, %swap3A_379], %add3A_377 {strides = array<i32>} : memref<512x2xf32, #tpu.memory_space<vmem>>, vector<512x1xf32>,
      %get3A_381 = arith.constant 0 : index
      %get3A_382 = arith.constant 64 : index
      %get3A_383 = vector.load %arg15[%get3A_381, %get3A_382] : memref<512x128xf32, #tpu.memory_space<vmem>>, vector<512x64xf32>
      %mul3A_384 = vector.broadcast %exp23A_364 : vector<512x1xf32> to vector<512x64xf32>
      %mul3A_385 = arith.mulf %get3A_383, %mul3A_384 : vector<512x64xf32>
      %slice3A_386 = vector.extract_strided_slice %dot_general3A_371 {offsets = [0, 0], sizes = [512, 64], strides = [1, 1]} : vector<512x72xf32> to vector<512x64xf32>
      %add3A_387 = arith.addf %mul3A_385, %slice3A_386 : vector<512x64xf32>
      %swap3A_388 = arith.constant 0 : index
      %swap3A_389 = arith.constant 64 : index
      %swap3A_390 = vector.load %arg15[%swap3A_388, %swap3A_389] : memref<512x128xf32, #tpu.memory_space<vmem>>, vector<512x64xf32>
      tpu.vector_store %arg15[%swap3A_388, %swap3A_389], %add3A_387 {strides = array<i32>} : memref<512x128xf32, #tpu.memory_space<vmem>>, vector<512x64xf32>,
      %swap3A_391 = arith.constant 0 : index
      %swap3A_392 = arith.constant 1 : index
      %swap3A_393 = vector.load %arg16[%swap3A_391, %swap3A_392] : memref<512x2xf32, #tpu.memory_space<vmem>>, vector<512x1xf32>
      tpu.vector_store %arg16[%swap3A_391, %swap3A_392], %max3A_359 {strides = array<i32>} : memref<512x2xf32, #tpu.memory_space<vmem>>, vector<512x1xf32>,
    } else {
    }
    %le3A_124 = arith.constant 2 : i32
    %le3A_125 = arith.cmpi sle, %get3A_0, %le3A_124 : i32
    %ge3A_126 = arith.constant 2 : i32
    %ge3A_127 = arith.cmpi sge, %get3A_2, %ge3A_126 : i32
    %and3A_128 = arith.andi %le3A_125, %ge3A_127 : i1
    %ne3A_129 = arith.constant 2 : i32
    %ne3A_130 = arith.cmpi ne, %select_n3A, %ne3A_129 : i32
    %and3A_131 = arith.andi %and3A_128, %ne3A_130 : i1
    %convert_element_type3A_132 = arith.extui %and3A_131 : i1 to i32
    %cond3A_133 = arith.constant 0 : i32
    %cond3A_134 = arith.cmpi ne, %convert_element_type3A_132, %cond3A_133 : i32
    scf.if %cond3A_134 {
      %get3A_276 = arith.constant 2 : index
      %get3A_277 = arith.constant 0 : index
      %get3A_278 = arith.constant 0 : index
      %get3A_279 = vector.load %arg8[%get3A_276, %get3A_277, %get3A_278] : memref<4x1x1024xi32, #tpu.memory_space<vmem>>, vector<1x1x1024xi32>
      %get3A_280 = vector.shape_cast %get3A_279 : vector<1x1x1024xi32> to vector<1x1024xi32>
      %eq3A_281 = vector.broadcast %get3A_12 : vector<512x1xi32> to vector<512x1024xi32>
      %eq3A_282 = vector.broadcast %get3A_280 : vector<1x1024xi32> to vector<512x1024xi32>
      %eq3A_283 = arith.cmpi eq, %eq3A_281, %eq3A_282 : vector<512x1024xi32>
      %jit3A_284 = arith.constant 0.000000e+00 : f32
      %jit3A_285 = arith.constant -1.000000e+30 : f32
      %broadcast_in_dim3A_286 = vector.broadcast %jit3A_284 : f32 to vector<512x1024xf32>
      %broadcast_in_dim3A_287 = vector.broadcast %jit3A_285 : f32 to vector<512x1024xf32>
      %select_n3A_288 = arith.select %eq3A_283, %broadcast_in_dim3A_286, %broadcast_in_dim3A_287 : vector<512x1024xi1>, vector<512x1024xf32>
      %slice3A_289 = vector.extract_strided_slice %get3A_9 {offsets = [0, 0], sizes = [512, 64], strides = [1, 1]} : vector<512x128xf32> to vector<512x64xf32>
      %mul3A_290 = arith.constant 0.180336878 : f32
      %mul3A_291 = vector.broadcast %mul3A_290 : f32 to vector<512x64xf32>
      %mul3A_292 = arith.mulf %slice3A_289, %mul3A_291 : vector<512x64xf32>
      %get3A_293 = arith.constant 2 : index
      %get3A_294 = arith.constant 0 : index
      %get3A_295 = arith.constant 0 : index
      %get3A_296 = vector.load %arg9[%get3A_293, %get3A_294, %get3A_295] : memref<4x128x1024xf32, #tpu.memory_space<vmem>>, vector<1x64x1024xf32>
      %get3A_297 = vector.shape_cast %get3A_296 : vector<1x64x1024xf32> to vector<64x1024xf32>
      %dot_general3A_298 = arith.constant dense<0.000000e+00> : vector<512x1024xf32>
      %dot_general3A_299 = tpu.matmul %mul3A_292, %get3A_297, %dot_general3A_298 {dimension_numbers = #tpu.dot_dimension_numbers<[1], [0], [0], [1], [0, 0, 1, 1], [], []>, transpose_lhs_hint = false} : vector<512x64xf32>, vector<64x1024xf32>, vector<512x1024xf32> -> vector<512x1024xf32>
      %add3A_300 = arith.addf %dot_general3A_299, %select_n3A_288 : vector<512x1024xf32>
      %get3A_301 = arith.constant 0 : index
      %get3A_302 = arith.constant 0 : index
      %get3A_303 = vector.load %arg16[%get3A_301, %get3A_302] : memref<512x2xf32, #tpu.memory_space<vmem>>, vector<512x1xf32>
      %reduce_max3A_304 = arith.constant dense<0xFF800000> : vector<512xf32>
      %reduce_max3A_305 = vector.multi_reduction <maximumf>, %add3A_300, %reduce_max3A_304 [1] : vector<512x1024xf32> to vector<512xf32>
      %broadcast_in_dim3A_306 = vector.shape_cast %reduce_max3A_305 : vector<512xf32> to vector<512x1xf32>
      %max3A = arith.maximumf %get3A_303, %broadcast_in_dim3A_306 : vector<512x1xf32>
      %sub3A_307 = vector.broadcast %max3A : vector<512x1xf32> to vector<512x1024xf32>
      %sub3A_308 = arith.subf %add3A_300, %sub3A_307 : vector<512x1024xf32>
      %exp23A_309 = math.exp2 %sub3A_308 : vector<512x1024xf32>
      %sub3A_310 = arith.subf %get3A_303, %max3A : vector<512x1xf32>
      %exp23A_311 = math.exp2 %sub3A_310 : vector<512x1xf32>
      %get3A_312 = arith.constant 0 : index
      %get3A_313 = arith.constant 2048 : index
      %get3A_314 = arith.constant 0 : index
      %get3A_315 = vector.load %arg10[%get3A_312, %get3A_313, %get3A_314] : memref<2x4096x72xf32, #tpu.memory_space<vmem>>, vector<1x1024x72xf32>
      %get3A_316 = vector.shape_cast %get3A_315 : vector<1x1024x72xf32> to vector<1024x72xf32>
      %dot_general3A_317 = arith.constant dense<0.000000e+00> : vector<512x72xf32>
      %dot_general3A_318 = tpu.matmul %exp23A_309, %get3A_316, %dot_general3A_317 {dimension_numbers = #tpu.dot_dimension_numbers<[1], [0], [0], [1], [0, 0, 1, 1], [], []>, transpose_lhs_hint = false} : vector<512x1024xf32>, vector<1024x72xf32>, vector<512x72xf32> -> vector<512x72xf32>
      %get3A_319 = arith.constant 0 : index
      %get3A_320 = arith.constant 0 : index
      %get3A_321 = vector.load %arg17[%get3A_319, %get3A_320] : memref<512x2xf32, #tpu.memory_space<vmem>>, vector<512x1xf32>
      %mul3A_322 = arith.mulf %get3A_321, %exp23A_311 : vector<512x1xf32>
      %slice3A_323 = vector.extract_strided_slice %dot_general3A_318 {offsets = [0, 64], sizes = [512, 1], strides = [1, 1]} : vector<512x72xf32> to vector<512x1xf32>
      %add3A_324 = arith.addf %mul3A_322, %slice3A_323 : vector<512x1xf32>
      %swap3A_325 = arith.constant 0 : index
      %swap3A_326 = arith.constant 0 : index
      %swap3A_327 = vector.load %arg17[%swap3A_325, %swap3A_326] : memref<512x2xf32, #tpu.memory_space<vmem>>, vector<512x1xf32>
      tpu.vector_store %arg17[%swap3A_325, %swap3A_326], %add3A_324 {strides = array<i32>} : memref<512x2xf32, #tpu.memory_space<vmem>>, vector<512x1xf32>,
      %get3A_328 = arith.constant 0 : index
      %get3A_329 = arith.constant 0 : index
      %get3A_330 = vector.load %arg15[%get3A_328, %get3A_329] : memref<512x128xf32, #tpu.memory_space<vmem>>, vector<512x64xf32>
      %mul3A_331 = vector.broadcast %exp23A_311 : vector<512x1xf32> to vector<512x64xf32>
      %mul3A_332 = arith.mulf %get3A_330, %mul3A_331 : vector<512x64xf32>
      %slice3A_333 = vector.extract_strided_slice %dot_general3A_318 {offsets = [0, 0], sizes = [512, 64], strides = [1, 1]} : vector<512x72xf32> to vector<512x64xf32>
      %add3A_334 = arith.addf %mul3A_332, %slice3A_333 : vector<512x64xf32>
      %swap3A_335 = arith.constant 0 : index
      %swap3A_336 = arith.constant 0 : index
      %swap3A_337 = vector.load %arg15[%swap3A_335, %swap3A_336] : memref<512x128xf32, #tpu.memory_space<vmem>>, vector<512x64xf32>
      tpu.vector_store %arg15[%swap3A_335, %swap3A_336], %add3A_334 {strides = array<i32>} : memref<512x128xf32, #tpu.memory_space<vmem>>, vector<512x64xf32>,
      %swap3A_338 = arith.constant 0 : index
      %swap3A_339 = arith.constant 0 : index
      %swap3A_340 = vector.load %arg16[%swap3A_338, %swap3A_339] : memref<512x2xf32, #tpu.memory_space<vmem>>, vector<512x1xf32>
      tpu.vector_store %arg16[%swap3A_338, %swap3A_339], %max3A {strides = array<i32>} : memref<512x2xf32, #tpu.memory_space<vmem>>, vector<512x1xf32>,
      %slice3A_341 = vector.extract_strided_slice %get3A_9 {offsets = [0, 64], sizes = [512, 64], strides = [1, 1]} : vector<512x128xf32> to vector<512x64xf32>
      %mul3A_342 = arith.constant 0.180336878 : f32
      %mul3A_343 = vector.broadcast %mul3A_342 : f32 to vector<512x64xf32>
      %mul3A_344 = arith.mulf %slice3A_341, %mul3A_343 : vector<512x64xf32>
      %get3A_345 = arith.constant 2 : index
      %get3A_346 = arith.constant 64 : index
      %get3A_347 = arith.constant 0 : index
      %get3A_348 = vector.load %arg9[%get3A_345, %get3A_346, %get3A_347] : memref<4x128x1024xf32, #tpu.memory_space<vmem>>, vector<1x64x1024xf32>
      %get3A_349 = vector.shape_cast %get3A_348 : vector<1x64x1024xf32> to vector<64x1024xf32>
      %dot_general3A_350 = arith.constant dense<0.000000e+00> : vector<512x1024xf32>
      %dot_general3A_351 = tpu.matmul %mul3A_344, %get3A_349, %dot_general3A_350 {dimension_numbers = #tpu.dot_dimension_numbers<[1], [0], [0], [1], [0, 0, 1, 1], [], []>, transpose_lhs_hint = false} : vector<512x64xf32>, vector<64x1024xf32>, vector<512x1024xf32> -> vector<512x1024xf32>
      %add3A_352 = arith.addf %dot_general3A_351, %select_n3A_288 : vector<512x1024xf32>
      %get3A_353 = arith.constant 0 : index
      %get3A_354 = arith.constant 1 : index
      %get3A_355 = vector.load %arg16[%get3A_353, %get3A_354] : memref<512x2xf32, #tpu.memory_space<vmem>>, vector<512x1xf32>
      %reduce_max3A_356 = arith.constant dense<0xFF800000> : vector<512xf32>
      %reduce_max3A_357 = vector.multi_reduction <maximumf>, %add3A_352, %reduce_max3A_356 [1] : vector<512x1024xf32> to vector<512xf32>
      %broadcast_in_dim3A_358 = vector.shape_cast %reduce_max3A_357 : vector<512xf32> to vector<512x1xf32>
      %max3A_359 = arith.maximumf %get3A_355, %broadcast_in_dim3A_358 : vector<512x1xf32>
      %sub3A_360 = vector.broadcast %max3A_359 : vector<512x1xf32> to vector<512x1024xf32>
      %sub3A_361 = arith.subf %add3A_352, %sub3A_360 : vector<512x1024xf32>
      %exp23A_362 = math.exp2 %sub3A_361 : vector<512x1024xf32>
      %sub3A_363 = arith.subf %get3A_355, %max3A_359 : vector<512x1xf32>
      %exp23A_364 = math.exp2 %sub3A_363 : vector<512x1xf32>
      %get3A_365 = arith.constant 1 : index
      %get3A_366 = arith.constant 2048 : index
      %get3A_367 = arith.constant 0 : index
      %get3A_368 = vector.load %arg10[%get3A_365, %get3A_366, %get3A_367] : memref<2x4096x72xf32, #tpu.memory_space<vmem>>, vector<1x1024x72xf32>
      %get3A_369 = vector.shape_cast %get3A_368 : vector<1x1024x72xf32> to vector<1024x72xf32>
      %dot_general3A_370 = arith.constant dense<0.000000e+00> : vector<512x72xf32>
      %dot_general3A_371 = tpu.matmul %exp23A_362, %get3A_369, %dot_general3A_370 {dimension_numbers = #tpu.dot_dimension_numbers<[1], [0], [0], [1], [0, 0, 1, 1], [], []>, transpose_lhs_hint = false} : vector<512x1024xf32>, vector<1024x72xf32>, vector<512x72xf32> -> vector<512x72xf32>
      %get3A_372 = arith.constant 0 : index
      %get3A_373 = arith.constant 1 : index
      %get3A_374 = vector.load %arg17[%get3A_372, %get3A_373] : memref<512x2xf32, #tpu.memory_space<vmem>>, vector<512x1xf32>
      %mul3A_375 = arith.mulf %get3A_374, %exp23A_364 : vector<512x1xf32>
      %slice3A_376 = vector.extract_strided_slice %dot_general3A_371 {offsets = [0, 64], sizes = [512, 1], strides = [1, 1]} : vector<512x72xf32> to vector<512x1xf32>
      %add3A_377 = arith.addf %mul3A_375, %slice3A_376 : vector<512x1xf32>
      %swap3A_378 = arith.constant 0 : index
      %swap3A_379 = arith.constant 1 : index
      %swap3A_380 = vector.load %arg17[%swap3A_378, %swap3A_379] : memref<512x2xf32, #tpu.memory_space<vmem>>, vector<512x1xf32>
      tpu.vector_store %arg17[%swap3A_378, %swap3A_379], %add3A_377 {strides = array<i32>} : memref<512x2xf32, #tpu.memory_space<vmem>>, vector<512x1xf32>,
      %get3A_381 = arith.constant 0 : index
      %get3A_382 = arith.constant 64 : index
      %get3A_383 = vector.load %arg15[%get3A_381, %get3A_382] : memref<512x128xf32, #tpu.memory_space<vmem>>, vector<512x64xf32>
      %mul3A_384 = vector.broadcast %exp23A_364 : vector<512x1xf32> to vector<512x64xf32>
      %mul3A_385 = arith.mulf %get3A_383, %mul3A_384 : vector<512x64xf32>
      %slice3A_386 = vector.extract_strided_slice %dot_general3A_371 {offsets = [0, 0], sizes = [512, 64], strides = [1, 1]} : vector<512x72xf32> to vector<512x64xf32>
      %add3A_387 = arith.addf %mul3A_385, %slice3A_386 : vector<512x64xf32>
      %swap3A_388 = arith.constant 0 : index
      %swap3A_389 = arith.constant 64 : index
      %swap3A_390 = vector.load %arg15[%swap3A_388, %swap3A_389] : memref<512x128xf32, #tpu.memory_space<vmem>>, vector<512x64xf32>
      tpu.vector_store %arg15[%swap3A_388, %swap3A_389], %add3A_387 {strides = array<i32>} : memref<512x128xf32, #tpu.memory_space<vmem>>, vector<512x64xf32>,
      %swap3A_391 = arith.constant 0 : index
      %swap3A_392 = arith.constant 1 : index
      %swap3A_393 = vector.load %arg16[%swap3A_391, %swap3A_392] : memref<512x2xf32, #tpu.memory_space<vmem>>, vector<512x1xf32>
      tpu.vector_store %arg16[%swap3A_391, %swap3A_392], %max3A_359 {strides = array<i32>} : memref<512x2xf32, #tpu.memory_space<vmem>>, vector<512x1xf32>,
    } else {
    }
    %le3A_135 = arith.constant 3 : i32
    %le3A_136 = arith.cmpi sle, %get3A_0, %le3A_135 : i32
    %ge3A_137 = arith.constant 3 : i32
    %ge3A_138 = arith.cmpi sge, %get3A_2, %ge3A_137 : i32
    %and3A_139 = arith.andi %le3A_136, %ge3A_138 : i1
    %ne3A_140 = arith.constant 3 : i32
    %ne3A_141 = arith.cmpi ne, %select_n3A, %ne3A_140 : i32
    %and3A_142 = arith.andi %and3A_139, %ne3A_141 : i1
    %convert_element_type3A_143 = arith.extui %and3A_142 : i1 to i32
    %cond3A_144 = arith.constant 0 : i32
    %cond3A_145 = arith.cmpi ne, %convert_element_type3A_143, %cond3A_144 : i32
    scf.if %cond3A_145 {
      %get3A_276 = arith.constant 3 : index
      %get3A_277 = arith.constant 0 : index
      %get3A_278 = arith.constant 0 : index
      %get3A_279 = vector.load %arg8[%get3A_276, %get3A_277, %get3A_278] : memref<4x1x1024xi32, #tpu.memory_space<vmem>>, vector<1x1x1024xi32>
      %get3A_280 = vector.shape_cast %get3A_279 : vector<1x1x1024xi32> to vector<1x1024xi32>
      %eq3A_281 = vector.broadcast %get3A_12 : vector<512x1xi32> to vector<512x1024xi32>
      %eq3A_282 = vector.broadcast %get3A_280 : vector<1x1024xi32> to vector<512x1024xi32>
      %eq3A_283 = arith.cmpi eq, %eq3A_281, %eq3A_282 : vector<512x1024xi32>
      %jit3A_284 = arith.constant 0.000000e+00 : f32
      %jit3A_285 = arith.constant -1.000000e+30 : f32
      %broadcast_in_dim3A_286 = vector.broadcast %jit3A_284 : f32 to vector<512x1024xf32>
      %broadcast_in_dim3A_287 = vector.broadcast %jit3A_285 : f32 to vector<512x1024xf32>
      %select_n3A_288 = arith.select %eq3A_283, %broadcast_in_dim3A_286, %broadcast_in_dim3A_287 : vector<512x1024xi1>, vector<512x1024xf32>
      %slice3A_289 = vector.extract_strided_slice %get3A_9 {offsets = [0, 0], sizes = [512, 64], strides = [1, 1]} : vector<512x128xf32> to vector<512x64xf32>
      %mul3A_290 = arith.constant 0.180336878 : f32
      %mul3A_291 = vector.broadcast %mul3A_290 : f32 to vector<512x64xf32>
      %mul3A_292 = arith.mulf %slice3A_289, %mul3A_291 : vector<512x64xf32>
      %get3A_293 = arith.constant 3 : index
      %get3A_294 = arith.constant 0 : index
      %get3A_295 = arith.constant 0 : index
      %get3A_296 = vector.load %arg9[%get3A_293, %get3A_294, %get3A_295] : memref<4x128x1024xf32, #tpu.memory_space<vmem>>, vector<1x64x1024xf32>
      %get3A_297 = vector.shape_cast %get3A_296 : vector<1x64x1024xf32> to vector<64x1024xf32>
      %dot_general3A_298 = arith.constant dense<0.000000e+00> : vector<512x1024xf32>
      %dot_general3A_299 = tpu.matmul %mul3A_292, %get3A_297, %dot_general3A_298 {dimension_numbers = #tpu.dot_dimension_numbers<[1], [0], [0], [1], [0, 0, 1, 1], [], []>, transpose_lhs_hint = false} : vector<512x64xf32>, vector<64x1024xf32>, vector<512x1024xf32> -> vector<512x1024xf32>
      %add3A_300 = arith.addf %dot_general3A_299, %select_n3A_288 : vector<512x1024xf32>
      %get3A_301 = arith.constant 0 : index
      %get3A_302 = arith.constant 0 : index
      %get3A_303 = vector.load %arg16[%get3A_301, %get3A_302] : memref<512x2xf32, #tpu.memory_space<vmem>>, vector<512x1xf32>
      %reduce_max3A_304 = arith.constant dense<0xFF800000> : vector<512xf32>
      %reduce_max3A_305 = vector.multi_reduction <maximumf>, %add3A_300, %reduce_max3A_304 [1] : vector<512x1024xf32> to vector<512xf32>
      %broadcast_in_dim3A_306 = vector.shape_cast %reduce_max3A_305 : vector<512xf32> to vector<512x1xf32>
      %max3A = arith.maximumf %get3A_303, %broadcast_in_dim3A_306 : vector<512x1xf32>
      %sub3A_307 = vector.broadcast %max3A : vector<512x1xf32> to vector<512x1024xf32>
      %sub3A_308 = arith.subf %add3A_300, %sub3A_307 : vector<512x1024xf32>
      %exp23A_309 = math.exp2 %sub3A_308 : vector<512x1024xf32>
      %sub3A_310 = arith.subf %get3A_303, %max3A : vector<512x1xf32>
      %exp23A_311 = math.exp2 %sub3A_310 : vector<512x1xf32>
      %get3A_312 = arith.constant 0 : index
      %get3A_313 = arith.constant 3072 : index
      %get3A_314 = arith.constant 0 : index
      %get3A_315 = vector.load %arg10[%get3A_312, %get3A_313, %get3A_314] : memref<2x4096x72xf32, #tpu.memory_space<vmem>>, vector<1x1024x72xf32>
      %get3A_316 = vector.shape_cast %get3A_315 : vector<1x1024x72xf32> to vector<1024x72xf32>
      %dot_general3A_317 = arith.constant dense<0.000000e+00> : vector<512x72xf32>
      %dot_general3A_318 = tpu.matmul %exp23A_309, %get3A_316, %dot_general3A_317 {dimension_numbers = #tpu.dot_dimension_numbers<[1], [0], [0], [1], [0, 0, 1, 1], [], []>, transpose_lhs_hint = false} : vector<512x1024xf32>, vector<1024x72xf32>, vector<512x72xf32> -> vector<512x72xf32>
      %get3A_319 = arith.constant 0 : index
      %get3A_320 = arith.constant 0 : index
      %get3A_321 = vector.load %arg17[%get3A_319, %get3A_320] : memref<512x2xf32, #tpu.memory_space<vmem>>, vector<512x1xf32>
      %mul3A_322 = arith.mulf %get3A_321, %exp23A_311 : vector<512x1xf32>
      %slice3A_323 = vector.extract_strided_slice %dot_general3A_318 {offsets = [0, 64], sizes = [512, 1], strides = [1, 1]} : vector<512x72xf32> to vector<512x1xf32>
      %add3A_324 = arith.addf %mul3A_322, %slice3A_323 : vector<512x1xf32>
      %swap3A_325 = arith.constant 0 : index
      %swap3A_326 = arith.constant 0 : index
      %swap3A_327 = vector.load %arg17[%swap3A_325, %swap3A_326] : memref<512x2xf32, #tpu.memory_space<vmem>>, vector<512x1xf32>
      tpu.vector_store %arg17[%swap3A_325, %swap3A_326], %add3A_324 {strides = array<i32>} : memref<512x2xf32, #tpu.memory_space<vmem>>, vector<512x1xf32>,
      %get3A_328 = arith.constant 0 : index
      %get3A_329 = arith.constant 0 : index
      %get3A_330 = vector.load %arg15[%get3A_328, %get3A_329] : memref<512x128xf32, #tpu.memory_space<vmem>>, vector<512x64xf32>
      %mul3A_331 = vector.broadcast %exp23A_311 : vector<512x1xf32> to vector<512x64xf32>
      %mul3A_332 = arith.mulf %get3A_330, %mul3A_331 : vector<512x64xf32>
      %slice3A_333 = vector.extract_strided_slice %dot_general3A_318 {offsets = [0, 0], sizes = [512, 64], strides = [1, 1]} : vector<512x72xf32> to vector<512x64xf32>
      %add3A_334 = arith.addf %mul3A_332, %slice3A_333 : vector<512x64xf32>
      %swap3A_335 = arith.constant 0 : index
      %swap3A_336 = arith.constant 0 : index
      %swap3A_337 = vector.load %arg15[%swap3A_335, %swap3A_336] : memref<512x128xf32, #tpu.memory_space<vmem>>, vector<512x64xf32>
      tpu.vector_store %arg15[%swap3A_335, %swap3A_336], %add3A_334 {strides = array<i32>} : memref<512x128xf32, #tpu.memory_space<vmem>>, vector<512x64xf32>,
      %swap3A_338 = arith.constant 0 : index
      %swap3A_339 = arith.constant 0 : index
      %swap3A_340 = vector.load %arg16[%swap3A_338, %swap3A_339] : memref<512x2xf32, #tpu.memory_space<vmem>>, vector<512x1xf32>
      tpu.vector_store %arg16[%swap3A_338, %swap3A_339], %max3A {strides = array<i32>} : memref<512x2xf32, #tpu.memory_space<vmem>>, vector<512x1xf32>,
      %slice3A_341 = vector.extract_strided_slice %get3A_9 {offsets = [0, 64], sizes = [512, 64], strides = [1, 1]} : vector<512x128xf32> to vector<512x64xf32>
      %mul3A_342 = arith.constant 0.180336878 : f32
      %mul3A_343 = vector.broadcast %mul3A_342 : f32 to vector<512x64xf32>
      %mul3A_344 = arith.mulf %slice3A_341, %mul3A_343 : vector<512x64xf32>
      %get3A_345 = arith.constant 3 : index
      %get3A_346 = arith.constant 64 : index
      %get3A_347 = arith.constant 0 : index
      %get3A_348 = vector.load %arg9[%get3A_345, %get3A_346, %get3A_347] : memref<4x128x1024xf32, #tpu.memory_space<vmem>>, vector<1x64x1024xf32>
      %get3A_349 = vector.shape_cast %get3A_348 : vector<1x64x1024xf32> to vector<64x1024xf32>
      %dot_general3A_350 = arith.constant dense<0.000000e+00> : vector<512x1024xf32>
      %dot_general3A_351 = tpu.matmul %mul3A_344, %get3A_349, %dot_general3A_350 {dimension_numbers = #tpu.dot_dimension_numbers<[1], [0], [0], [1], [0, 0, 1, 1], [], []>, transpose_lhs_hint = false} : vector<512x64xf32>, vector<64x1024xf32>, vector<512x1024xf32> -> vector<512x1024xf32>
      %add3A_352 = arith.addf %dot_general3A_351, %select_n3A_288 : vector<512x1024xf32>
      %get3A_353 = arith.constant 0 : index
      %get3A_354 = arith.constant 1 : index
      %get3A_355 = vector.load %arg16[%get3A_353, %get3A_354] : memref<512x2xf32, #tpu.memory_space<vmem>>, vector<512x1xf32>
      %reduce_max3A_356 = arith.constant dense<0xFF800000> : vector<512xf32>
      %reduce_max3A_357 = vector.multi_reduction <maximumf>, %add3A_352, %reduce_max3A_356 [1] : vector<512x1024xf32> to vector<512xf32>
      %broadcast_in_dim3A_358 = vector.shape_cast %reduce_max3A_357 : vector<512xf32> to vector<512x1xf32>
      %max3A_359 = arith.maximumf %get3A_355, %broadcast_in_dim3A_358 : vector<512x1xf32>
      %sub3A_360 = vector.broadcast %max3A_359 : vector<512x1xf32> to vector<512x1024xf32>
      %sub3A_361 = arith.subf %add3A_352, %sub3A_360 : vector<512x1024xf32>
      %exp23A_362 = math.exp2 %sub3A_361 : vector<512x1024xf32>
      %sub3A_363 = arith.subf %get3A_355, %max3A_359 : vector<512x1xf32>
      %exp23A_364 = math.exp2 %sub3A_363 : vector<512x1xf32>
      %get3A_365 = arith.constant 1 : index
      %get3A_366 = arith.constant 3072 : index
      %get3A_367 = arith.constant 0 : index
      %get3A_368 = vector.load %arg10[%get3A_365, %get3A_366, %get3A_367] : memref<2x4096x72xf32, #tpu.memory_space<vmem>>, vector<1x1024x72xf32>
      %get3A_369 = vector.shape_cast %get3A_368 : vector<1x1024x72xf32> to vector<1024x72xf32>
      %dot_general3A_370 = arith.constant dense<0.000000e+00> : vector<512x72xf32>
      %dot_general3A_371 = tpu.matmul %exp23A_362, %get3A_369, %dot_general3A_370 {dimension_numbers = #tpu.dot_dimension_numbers<[1], [0], [0], [1], [0, 0, 1, 1], [], []>, transpose_lhs_hint = false} : vector<512x1024xf32>, vector<1024x72xf32>, vector<512x72xf32> -> vector<512x72xf32>
      %get3A_372 = arith.constant 0 : index
      %get3A_373 = arith.constant 1 : index
      %get3A_374 = vector.load %arg17[%get3A_372, %get3A_373] : memref<512x2xf32, #tpu.memory_space<vmem>>, vector<512x1xf32>
      %mul3A_375 = arith.mulf %get3A_374, %exp23A_364 : vector<512x1xf32>
      %slice3A_376 = vector.extract_strided_slice %dot_general3A_371 {offsets = [0, 64], sizes = [512, 1], strides = [1, 1]} : vector<512x72xf32> to vector<512x1xf32>
      %add3A_377 = arith.addf %mul3A_375, %slice3A_376 : vector<512x1xf32>
      %swap3A_378 = arith.constant 0 : index
      %swap3A_379 = arith.constant 1 : index
      %swap3A_380 = vector.load %arg17[%swap3A_378, %swap3A_379] : memref<512x2xf32, #tpu.memory_space<vmem>>, vector<512x1xf32>
      tpu.vector_store %arg17[%swap3A_378, %swap3A_379], %add3A_377 {strides = array<i32>} : memref<512x2xf32, #tpu.memory_space<vmem>>, vector<512x1xf32>,
      %get3A_381 = arith.constant 0 : index
      %get3A_382 = arith.constant 64 : index
      %get3A_383 = vector.load %arg15[%get3A_381, %get3A_382] : memref<512x128xf32, #tpu.memory_space<vmem>>, vector<512x64xf32>
      %mul3A_384 = vector.broadcast %exp23A_364 : vector<512x1xf32> to vector<512x64xf32>
      %mul3A_385 = arith.mulf %get3A_383, %mul3A_384 : vector<512x64xf32>
      %slice3A_386 = vector.extract_strided_slice %dot_general3A_371 {offsets = [0, 0], sizes = [512, 64], strides = [1, 1]} : vector<512x72xf32> to vector<512x64xf32>
      %add3A_387 = arith.addf %mul3A_385, %slice3A_386 : vector<512x64xf32>
      %swap3A_388 = arith.constant 0 : index
      %swap3A_389 = arith.constant 64 : index
      %swap3A_390 = vector.load %arg15[%swap3A_388, %swap3A_389] : memref<512x128xf32, #tpu.memory_space<vmem>>, vector<512x64xf32>
      tpu.vector_store %arg15[%swap3A_388, %swap3A_389], %add3A_387 {strides = array<i32>} : memref<512x128xf32, #tpu.memory_space<vmem>>, vector<512x64xf32>,
      %swap3A_391 = arith.constant 0 : index
      %swap3A_392 = arith.constant 1 : index
      %swap3A_393 = vector.load %arg16[%swap3A_391, %swap3A_392] : memref<512x2xf32, #tpu.memory_space<vmem>>, vector<512x1xf32>
      tpu.vector_store %arg16[%swap3A_391, %swap3A_392], %max3A_359 {strides = array<i32>} : memref<512x2xf32, #tpu.memory_space<vmem>>, vector<512x1xf32>,
    } else {
    }
    %get3A_146 = arith.constant 0 : index
    %get3A_147 = arith.constant 0 : index
    %get3A_148 = vector.load %arg17[%get3A_146, %get3A_147] : memref<512x2xf32, #tpu.memory_space<vmem>>, vector<512x1xf32>
    %broadcast_in_dim3A_149 = vector.shape_cast %get3A_148 : vector<512x1xf32> to vector<512x1xf32>
    %broadcast_in_dim3A_150 = vector.broadcast %broadcast_in_dim3A_149 : vector<512x1xf32> to vector<512x64xf32>
    %get3A_151 = arith.constant 0 : index
    %get3A_152 = arith.constant 1 : index
    %get3A_153 = vector.load %arg17[%get3A_151, %get3A_152] : memref<512x2xf32, #tpu.memory_space<vmem>>, vector<512x1xf32>
    %broadcast_in_dim3A_154 = vector.shape_cast %get3A_153 : vector<512x1xf32> to vector<512x1xf32>
    %broadcast_in_dim3A_155 = vector.broadcast %broadcast_in_dim3A_154 : vector<512x1xf32> to vector<512x64xf32>
    %concatenate3A = tpu.concatenate %broadcast_in_dim3A_150, %broadcast_in_dim3A_155 in 1 : vector<512x64xf32>, vector<512x64xf32> -> vector<512x128xf32>
    %get3A_156 = arith.constant 0 : index
    %get3A_157 = arith.constant 0 : index
    %get3A_158 = vector.load %arg15[%get3A_156, %get3A_157] : memref<512x128xf32, #tpu.memory_space<vmem>>, vector<512x128xf32>
    %div3A_159 = arith.divf %get3A_158, %concatenate3A : vector<512x128xf32>
    %iota3A = tpu.iota {dimensions = array<i32: 1>} : vector<1x8xi32>
    %eq3A_160 = vector.broadcast %get3A_12 : vector<512x1xi32> to vector<512x8xi32>
    %eq3A_161 = vector.broadcast %iota3A : vector<1x8xi32> to vector<512x8xi32>
    %eq3A_162 = arith.cmpi eq, %eq3A_160, %eq3A_161 : vector<512x8xi32>
    %convert_element_type3A_163 = arith.extui %eq3A_162 : vector<512x8xi1> to vector<512x8xi32>
    %convert_element_type3A_164 = arith.sitofp %convert_element_type3A_163 : vector<512x8xi32> to vector<512x8xf32>
    %broadcast_in_dim3A_165 = arith.constant 0.000000e+00 : f32
    %broadcast_in_dim3A_166 = vector.broadcast %broadcast_in_dim3A_165 : f32 to vector<512x128xf32>
    %swap3A_167 = arith.constant 0 : index
    %swap3A_168 = arith.constant 0 : index
    %swap3A_169 = vector.load %arg18[%swap3A_167, %swap3A_168] : memref<512x128xf32, #tpu.memory_space<vmem>>, vector<512x128xf32>
    tpu.vector_store %arg18[%swap3A_167, %swap3A_168], %broadcast_in_dim3A_166 {strides = array<i32>} : memref<512x128xf32, #tpu.memory_space<vmem>>, vector<512x128xf32>,
    %le3A_170 = arith.constant 0 : i32
    %le3A_171 = arith.cmpi sle, %get3A_4, %le3A_170 : i32
    %ge3A_172 = arith.constant 0 : i32
    %ge3A_173 = arith.cmpi sge, %get3A_6, %ge3A_172 : i32
    %and3A_174 = arith.andi %le3A_171, %ge3A_173 : i1
    %convert_element_type3A_175 = arith.extui %and3A_174 : i1 to i32
    %cond3A_176 = arith.constant 0 : i32
    %cond3A_177 = arith.cmpi ne, %convert_element_type3A_175, %cond3A_176 : i32
    scf.if %cond3A_177 {
      %get3A_276 = arith.constant 0 : index
      %get3A_277 = arith.constant 0 : index
      %get3A_278 = vector.load %arg18[%get3A_276, %get3A_277] : memref<512x128xf32, #tpu.memory_space<vmem>>, vector<512x128xf32>
      %slice3A_279 = vector.extract_strided_slice %convert_element_type3A_164 {offsets = [0, 0], sizes = [512, 1], strides = [1, 1]} : vector<512x8xf32> to vector<512x1xf32>
      %get3A_280 = arith.constant 0 : index
      %get3A_281 = arith.constant 0 : index
      %get3A_282 = arith.constant 0 : index
      %get3A_283 = vector.load %arg11[%get3A_280, %get3A_281, %get3A_282] : memref<8x128x128xf32, #tpu.memory_space<vmem>>, vector<1x128x128xf32>
      %get3A_284 = vector.shape_cast %get3A_283 : vector<1x128x128xf32> to vector<128x128xf32>
      %dot_general3A_285 = arith.constant dense<0.000000e+00> : vector<512x128xf32>
      %dot_general3A_286 = tpu.matmul %div3A_159, %get3A_284, %dot_general3A_285 {dimension_numbers = #tpu.dot_dimension_numbers<[1], [0], [0], [1], [0, 0, 1, 1], [], []>, transpose_lhs_hint = false} : vector<512x128xf32>, vector<128x128xf32>, vector<512x128xf32> -> vector<512x128xf32>
      %mul3A_287 = vector.broadcast %slice3A_279 : vector<512x1xf32> to vector<512x128xf32>
      %mul3A_288 = arith.mulf %mul3A_287, %dot_general3A_286 : vector<512x128xf32>
      %add3A_289 = arith.addf %get3A_278, %mul3A_288 : vector<512x128xf32>
      %swap3A_290 = arith.constant 0 : index
      %swap3A_291 = arith.constant 0 : index
      %swap3A_292 = vector.load %arg18[%swap3A_290, %swap3A_291] : memref<512x128xf32, #tpu.memory_space<vmem>>, vector<512x128xf32>
      tpu.vector_store %arg18[%swap3A_290, %swap3A_291], %add3A_289 {strides = array<i32>} : memref<512x128xf32, #tpu.memory_space<vmem>>, vector<512x128xf32>,
    } else {
    }
    %le3A_178 = arith.constant 1 : i32
    %le3A_179 = arith.cmpi sle, %get3A_4, %le3A_178 : i32
    %ge3A_180 = arith.constant 1 : i32
    %ge3A_181 = arith.cmpi sge, %get3A_6, %ge3A_180 : i32
    %and3A_182 = arith.andi %le3A_179, %ge3A_181 : i1
    %convert_element_type3A_183 = arith.extui %and3A_182 : i1 to i32
    %cond3A_184 = arith.constant 0 : i32
    %cond3A_185 = arith.cmpi ne, %convert_element_type3A_183, %cond3A_184 : i32
    scf.if %cond3A_185 {
      %get3A_276 = arith.constant 0 : index
      %get3A_277 = arith.constant 0 : index
      %get3A_278 = vector.load %arg18[%get3A_276, %get3A_277] : memref<512x128xf32, #tpu.memory_space<vmem>>, vector<512x128xf32>
      %slice3A_279 = vector.extract_strided_slice %convert_element_type3A_164 {offsets = [0, 1], sizes = [512, 1], strides = [1, 1]} : vector<512x8xf32> to vector<512x1xf32>
      %get3A_280 = arith.constant 1 : index
      %get3A_281 = arith.constant 0 : index
      %get3A_282 = arith.constant 0 : index
      %get3A_283 = vector.load %arg11[%get3A_280, %get3A_281, %get3A_282] : memref<8x128x128xf32, #tpu.memory_space<vmem>>, vector<1x128x128xf32>
      %get3A_284 = vector.shape_cast %get3A_283 : vector<1x128x128xf32> to vector<128x128xf32>
      %dot_general3A_285 = arith.constant dense<0.000000e+00> : vector<512x128xf32>
      %dot_general3A_286 = tpu.matmul %div3A_159, %get3A_284, %dot_general3A_285 {dimension_numbers = #tpu.dot_dimension_numbers<[1], [0], [0], [1], [0, 0, 1, 1], [], []>, transpose_lhs_hint = false} : vector<512x128xf32>, vector<128x128xf32>, vector<512x128xf32> -> vector<512x128xf32>
      %mul3A_287 = vector.broadcast %slice3A_279 : vector<512x1xf32> to vector<512x128xf32>
      %mul3A_288 = arith.mulf %mul3A_287, %dot_general3A_286 : vector<512x128xf32>
      %add3A_289 = arith.addf %get3A_278, %mul3A_288 : vector<512x128xf32>
      %swap3A_290 = arith.constant 0 : index
      %swap3A_291 = arith.constant 0 : index
      %swap3A_292 = vector.load %arg18[%swap3A_290, %swap3A_291] : memref<512x128xf32, #tpu.memory_space<vmem>>, vector<512x128xf32>
      tpu.vector_store %arg18[%swap3A_290, %swap3A_291], %add3A_289 {strides = array<i32>} : memref<512x128xf32, #tpu.memory_space<vmem>>, vector<512x128xf32>,
    } else {
    }
    %le3A_186 = arith.constant 2 : i32
    %le3A_187 = arith.cmpi sle, %get3A_4, %le3A_186 : i32
    %ge3A_188 = arith.constant 2 : i32
    %ge3A_189 = arith.cmpi sge, %get3A_6, %ge3A_188 : i32
    %and3A_190 = arith.andi %le3A_187, %ge3A_189 : i1
    %convert_element_type3A_191 = arith.extui %and3A_190 : i1 to i32
    %cond3A_192 = arith.constant 0 : i32
    %cond3A_193 = arith.cmpi ne, %convert_element_type3A_191, %cond3A_192 : i32
    scf.if %cond3A_193 {
      %get3A_276 = arith.constant 0 : index
      %get3A_277 = arith.constant 0 : index
      %get3A_278 = vector.load %arg18[%get3A_276, %get3A_277] : memref<512x128xf32, #tpu.memory_space<vmem>>, vector<512x128xf32>
      %slice3A_279 = vector.extract_strided_slice %convert_element_type3A_164 {offsets = [0, 2], sizes = [512, 1], strides = [1, 1]} : vector<512x8xf32> to vector<512x1xf32>
      %get3A_280 = arith.constant 2 : index
      %get3A_281 = arith.constant 0 : index
      %get3A_282 = arith.constant 0 : index
      %get3A_283 = vector.load %arg11[%get3A_280, %get3A_281, %get3A_282] : memref<8x128x128xf32, #tpu.memory_space<vmem>>, vector<1x128x128xf32>
      %get3A_284 = vector.shape_cast %get3A_283 : vector<1x128x128xf32> to vector<128x128xf32>
      %dot_general3A_285 = arith.constant dense<0.000000e+00> : vector<512x128xf32>
      %dot_general3A_286 = tpu.matmul %div3A_159, %get3A_284, %dot_general3A_285 {dimension_numbers = #tpu.dot_dimension_numbers<[1], [0], [0], [1], [0, 0, 1, 1], [], []>, transpose_lhs_hint = false} : vector<512x128xf32>, vector<128x128xf32>, vector<512x128xf32> -> vector<512x128xf32>
      %mul3A_287 = vector.broadcast %slice3A_279 : vector<512x1xf32> to vector<512x128xf32>
      %mul3A_288 = arith.mulf %mul3A_287, %dot_general3A_286 : vector<512x128xf32>
      %add3A_289 = arith.addf %get3A_278, %mul3A_288 : vector<512x128xf32>
      %swap3A_290 = arith.constant 0 : index
      %swap3A_291 = arith.constant 0 : index
      %swap3A_292 = vector.load %arg18[%swap3A_290, %swap3A_291] : memref<512x128xf32, #tpu.memory_space<vmem>>, vector<512x128xf32>
      tpu.vector_store %arg18[%swap3A_290, %swap3A_291], %add3A_289 {strides = array<i32>} : memref<512x128xf32, #tpu.memory_space<vmem>>, vector<512x128xf32>,
    } else {
    }
    %le3A_194 = arith.constant 3 : i32
    %le3A_195 = arith.cmpi sle, %get3A_4, %le3A_194 : i32
    %ge3A_196 = arith.constant 3 : i32
    %ge3A_197 = arith.cmpi sge, %get3A_6, %ge3A_196 : i32
    %and3A_198 = arith.andi %le3A_195, %ge3A_197 : i1
    %convert_element_type3A_199 = arith.extui %and3A_198 : i1 to i32
    %cond3A_200 = arith.constant 0 : i32
    %cond3A_201 = arith.cmpi ne, %convert_element_type3A_199, %cond3A_200 : i32
    scf.if %cond3A_201 {
      %get3A_276 = arith.constant 0 : index
      %get3A_277 = arith.constant 0 : index
      %get3A_278 = vector.load %arg18[%get3A_276, %get3A_277] : memref<512x128xf32, #tpu.memory_space<vmem>>, vector<512x128xf32>
      %slice3A_279 = vector.extract_strided_slice %convert_element_type3A_164 {offsets = [0, 3], sizes = [512, 1], strides = [1, 1]} : vector<512x8xf32> to vector<512x1xf32>
      %get3A_280 = arith.constant 3 : index
      %get3A_281 = arith.constant 0 : index
      %get3A_282 = arith.constant 0 : index
      %get3A_283 = vector.load %arg11[%get3A_280, %get3A_281, %get3A_282] : memref<8x128x128xf32, #tpu.memory_space<vmem>>, vector<1x128x128xf32>
      %get3A_284 = vector.shape_cast %get3A_283 : vector<1x128x128xf32> to vector<128x128xf32>
      %dot_general3A_285 = arith.constant dense<0.000000e+00> : vector<512x128xf32>
      %dot_general3A_286 = tpu.matmul %div3A_159, %get3A_284, %dot_general3A_285 {dimension_numbers = #tpu.dot_dimension_numbers<[1], [0], [0], [1], [0, 0, 1, 1], [], []>, transpose_lhs_hint = false} : vector<512x128xf32>, vector<128x128xf32>, vector<512x128xf32> -> vector<512x128xf32>
      %mul3A_287 = vector.broadcast %slice3A_279 : vector<512x1xf32> to vector<512x128xf32>
      %mul3A_288 = arith.mulf %mul3A_287, %dot_general3A_286 : vector<512x128xf32>
      %add3A_289 = arith.addf %get3A_278, %mul3A_288 : vector<512x128xf32>
      %swap3A_290 = arith.constant 0 : index
      %swap3A_291 = arith.constant 0 : index
      %swap3A_292 = vector.load %arg18[%swap3A_290, %swap3A_291] : memref<512x128xf32, #tpu.memory_space<vmem>>, vector<512x128xf32>
      tpu.vector_store %arg18[%swap3A_290, %swap3A_291], %add3A_289 {strides = array<i32>} : memref<512x128xf32, #tpu.memory_space<vmem>>, vector<512x128xf32>,
    } else {
    }
    %le3A_202 = arith.constant 4 : i32
    %le3A_203 = arith.cmpi sle, %get3A_4, %le3A_202 : i32
    %ge3A_204 = arith.constant 4 : i32
    %ge3A_205 = arith.cmpi sge, %get3A_6, %ge3A_204 : i32
    %and3A_206 = arith.andi %le3A_203, %ge3A_205 : i1
    %convert_element_type3A_207 = arith.extui %and3A_206 : i1 to i32
    %cond3A_208 = arith.constant 0 : i32
    %cond3A_209 = arith.cmpi ne, %convert_element_type3A_207, %cond3A_208 : i32
    scf.if %cond3A_209 {
      %get3A_276 = arith.constant 0 : index
      %get3A_277 = arith.constant 0 : index
      %get3A_278 = vector.load %arg18[%get3A_276, %get3A_277] : memref<512x128xf32, #tpu.memory_space<vmem>>, vector<512x128xf32>
      %slice3A_279 = vector.extract_strided_slice %convert_element_type3A_164 {offsets = [0, 4], sizes = [512, 1], strides = [1, 1]} : vector<512x8xf32> to vector<512x1xf32>
      %get3A_280 = arith.constant 4 : index
      %get3A_281 = arith.constant 0 : index
      %get3A_282 = arith.constant 0 : index
      %get3A_283 = vector.load %arg11[%get3A_280, %get3A_281, %get3A_282] : memref<8x128x128xf32, #tpu.memory_space<vmem>>, vector<1x128x128xf32>
      %get3A_284 = vector.shape_cast %get3A_283 : vector<1x128x128xf32> to vector<128x128xf32>
      %dot_general3A_285 = arith.constant dense<0.000000e+00> : vector<512x128xf32>
      %dot_general3A_286 = tpu.matmul %div3A_159, %get3A_284, %dot_general3A_285 {dimension_numbers = #tpu.dot_dimension_numbers<[1], [0], [0], [1], [0, 0, 1, 1], [], []>, transpose_lhs_hint = false} : vector<512x128xf32>, vector<128x128xf32>, vector<512x128xf32> -> vector<512x128xf32>
      %mul3A_287 = vector.broadcast %slice3A_279 : vector<512x1xf32> to vector<512x128xf32>
      %mul3A_288 = arith.mulf %mul3A_287, %dot_general3A_286 : vector<512x128xf32>
      %add3A_289 = arith.addf %get3A_278, %mul3A_288 : vector<512x128xf32>
      %swap3A_290 = arith.constant 0 : index
      %swap3A_291 = arith.constant 0 : index
      %swap3A_292 = vector.load %arg18[%swap3A_290, %swap3A_291] : memref<512x128xf32, #tpu.memory_space<vmem>>, vector<512x128xf32>
      tpu.vector_store %arg18[%swap3A_290, %swap3A_291], %add3A_289 {strides = array<i32>} : memref<512x128xf32, #tpu.memory_space<vmem>>, vector<512x128xf32>,
    } else {
    }
    %le3A_210 = arith.constant 5 : i32
    %le3A_211 = arith.cmpi sle, %get3A_4, %le3A_210 : i32
    %ge3A_212 = arith.constant 5 : i32
    %ge3A_213 = arith.cmpi sge, %get3A_6, %ge3A_212 : i32
    %and3A_214 = arith.andi %le3A_211, %ge3A_213 : i1
    %convert_element_type3A_215 = arith.extui %and3A_214 : i1 to i32
    %cond3A_216 = arith.constant 0 : i32
    %cond3A_217 = arith.cmpi ne, %convert_element_type3A_215, %cond3A_216 : i32
    scf.if %cond3A_217 {
      %get3A_276 = arith.constant 0 : index
      %get3A_277 = arith.constant 0 : index
      %get3A_278 = vector.load %arg18[%get3A_276, %get3A_277] : memref<512x128xf32, #tpu.memory_space<vmem>>, vector<512x128xf32>
      %slice3A_279 = vector.extract_strided_slice %convert_element_type3A_164 {offsets = [0, 5], sizes = [512, 1], strides = [1, 1]} : vector<512x8xf32> to vector<512x1xf32>
      %get3A_280 = arith.constant 5 : index
      %get3A_281 = arith.constant 0 : index
      %get3A_282 = arith.constant 0 : index
      %get3A_283 = vector.load %arg11[%get3A_280, %get3A_281, %get3A_282] : memref<8x128x128xf32, #tpu.memory_space<vmem>>, vector<1x128x128xf32>
      %get3A_284 = vector.shape_cast %get3A_283 : vector<1x128x128xf32> to vector<128x128xf32>
      %dot_general3A_285 = arith.constant dense<0.000000e+00> : vector<512x128xf32>
      %dot_general3A_286 = tpu.matmul %div3A_159, %get3A_284, %dot_general3A_285 {dimension_numbers = #tpu.dot_dimension_numbers<[1], [0], [0], [1], [0, 0, 1, 1], [], []>, transpose_lhs_hint = false} : vector<512x128xf32>, vector<128x128xf32>, vector<512x128xf32> -> vector<512x128xf32>
      %mul3A_287 = vector.broadcast %slice3A_279 : vector<512x1xf32> to vector<512x128xf32>
      %mul3A_288 = arith.mulf %mul3A_287, %dot_general3A_286 : vector<512x128xf32>
      %add3A_289 = arith.addf %get3A_278, %mul3A_288 : vector<512x128xf32>
      %swap3A_290 = arith.constant 0 : index
      %swap3A_291 = arith.constant 0 : index
      %swap3A_292 = vector.load %arg18[%swap3A_290, %swap3A_291] : memref<512x128xf32, #tpu.memory_space<vmem>>, vector<512x128xf32>
      tpu.vector_store %arg18[%swap3A_290, %swap3A_291], %add3A_289 {strides = array<i32>} : memref<512x128xf32, #tpu.memory_space<vmem>>, vector<512x128xf32>,
    } else {
    }
    %le3A_218 = arith.constant 6 : i32
    %le3A_219 = arith.cmpi sle, %get3A_4, %le3A_218 : i32
    %ge3A_220 = arith.constant 6 : i32
    %ge3A_221 = arith.cmpi sge, %get3A_6, %ge3A_220 : i32
    %and3A_222 = arith.andi %le3A_219, %ge3A_221 : i1
    %convert_element_type3A_223 = arith.extui %and3A_222 : i1 to i32
    %cond3A_224 = arith.constant 0 : i32
    %cond3A_225 = arith.cmpi ne, %convert_element_type3A_223, %cond3A_224 : i32
    scf.if %cond3A_225 {
      %get3A_276 = arith.constant 0 : index
      %get3A_277 = arith.constant 0 : index
      %get3A_278 = vector.load %arg18[%get3A_276, %get3A_277] : memref<512x128xf32, #tpu.memory_space<vmem>>, vector<512x128xf32>
      %slice3A_279 = vector.extract_strided_slice %convert_element_type3A_164 {offsets = [0, 6], sizes = [512, 1], strides = [1, 1]} : vector<512x8xf32> to vector<512x1xf32>
      %get3A_280 = arith.constant 6 : index
      %get3A_281 = arith.constant 0 : index
      %get3A_282 = arith.constant 0 : index
      %get3A_283 = vector.load %arg11[%get3A_280, %get3A_281, %get3A_282] : memref<8x128x128xf32, #tpu.memory_space<vmem>>, vector<1x128x128xf32>
      %get3A_284 = vector.shape_cast %get3A_283 : vector<1x128x128xf32> to vector<128x128xf32>
      %dot_general3A_285 = arith.constant dense<0.000000e+00> : vector<512x128xf32>
      %dot_general3A_286 = tpu.matmul %div3A_159, %get3A_284, %dot_general3A_285 {dimension_numbers = #tpu.dot_dimension_numbers<[1], [0], [0], [1], [0, 0, 1, 1], [], []>, transpose_lhs_hint = false} : vector<512x128xf32>, vector<128x128xf32>, vector<512x128xf32> -> vector<512x128xf32>
      %mul3A_287 = vector.broadcast %slice3A_279 : vector<512x1xf32> to vector<512x128xf32>
      %mul3A_288 = arith.mulf %mul3A_287, %dot_general3A_286 : vector<512x128xf32>
      %add3A_289 = arith.addf %get3A_278, %mul3A_288 : vector<512x128xf32>
      %swap3A_290 = arith.constant 0 : index
      %swap3A_291 = arith.constant 0 : index
      %swap3A_292 = vector.load %arg18[%swap3A_290, %swap3A_291] : memref<512x128xf32, #tpu.memory_space<vmem>>, vector<512x128xf32>
      tpu.vector_store %arg18[%swap3A_290, %swap3A_291], %add3A_289 {strides = array<i32>} : memref<512x128xf32, #tpu.memory_space<vmem>>, vector<512x128xf32>,
    } else {
    }
    %le3A_226 = arith.constant 7 : i32
    %le3A_227 = arith.cmpi sle, %get3A_4, %le3A_226 : i32
    %ge3A_228 = arith.constant 7 : i32
    %ge3A_229 = arith.cmpi sge, %get3A_6, %ge3A_228 : i32
    %and3A_230 = arith.andi %le3A_227, %ge3A_229 : i1
    %convert_element_type3A_231 = arith.extui %and3A_230 : i1 to i32
    %cond3A_232 = arith.constant 0 : i32
    %cond3A_233 = arith.cmpi ne, %convert_element_type3A_231, %cond3A_232 : i32
    scf.if %cond3A_233 {
      %get3A_276 = arith.constant 0 : index
      %get3A_277 = arith.constant 0 : index
      %get3A_278 = vector.load %arg18[%get3A_276, %get3A_277] : memref<512x128xf32, #tpu.memory_space<vmem>>, vector<512x128xf32>
      %slice3A_279 = vector.extract_strided_slice %convert_element_type3A_164 {offsets = [0, 7], sizes = [512, 1], strides = [1, 1]} : vector<512x8xf32> to vector<512x1xf32>
      %get3A_280 = arith.constant 7 : index
      %get3A_281 = arith.constant 0 : index
      %get3A_282 = arith.constant 0 : index
      %get3A_283 = vector.load %arg11[%get3A_280, %get3A_281, %get3A_282] : memref<8x128x128xf32, #tpu.memory_space<vmem>>, vector<1x128x128xf32>
      %get3A_284 = vector.shape_cast %get3A_283 : vector<1x128x128xf32> to vector<128x128xf32>
      %dot_general3A_285 = arith.constant dense<0.000000e+00> : vector<512x128xf32>
      %dot_general3A_286 = tpu.matmul %div3A_159, %get3A_284, %dot_general3A_285 {dimension_numbers = #tpu.dot_dimension_numbers<[1], [0], [0], [1], [0, 0, 1, 1], [], []>, transpose_lhs_hint = false} : vector<512x128xf32>, vector<128x128xf32>, vector<512x128xf32> -> vector<512x128xf32>
      %mul3A_287 = vector.broadcast %slice3A_279 : vector<512x1xf32> to vector<512x128xf32>
      %mul3A_288 = arith.mulf %mul3A_287, %dot_general3A_286 : vector<512x128xf32>
      %add3A_289 = arith.addf %get3A_278, %mul3A_288 : vector<512x128xf32>
      %swap3A_290 = arith.constant 0 : index
      %swap3A_291 = arith.constant 0 : index
      %swap3A_292 = vector.load %arg18[%swap3A_290, %swap3A_291] : memref<512x128xf32, #tpu.memory_space<vmem>>, vector<512x128xf32>
      tpu.vector_store %arg18[%swap3A_290, %swap3A_291], %add3A_289 {strides = array<i32>} : memref<512x128xf32, #tpu.memory_space<vmem>>, vector<512x128xf32>,
    } else {
    }
    %get3A_234 = arith.constant 0 : index
    %get3A_235 = arith.constant 0 : index
    %get3A_236 = vector.load %arg12[%get3A_234, %get3A_235] : memref<8x128xf32, #tpu.memory_space<vmem>>, vector<8x128xf32>
    %dot_general3A_237 = arith.constant dense<0.000000e+00> : vector<512x128xf32>
    %dot_general3A_238 = tpu.matmul %convert_element_type3A_164, %get3A_236, %dot_general3A_237 {dimension_numbers = #tpu.dot_dimension_numbers<[1], [0], [0], [1], [0, 0, 1, 1], [], []>, transpose_lhs_hint = false} : vector<512x8xf32>, vector<8x128xf32>, vector<512x128xf32> -> vector<512x128xf32>
    %get3A_239 = arith.constant 0 : index
    %get3A_240 = arith.constant 0 : index
    %get3A_241 = vector.load %arg13[%get3A_239, %get3A_240] : memref<8x128xf32, #tpu.memory_space<vmem>>, vector<8x128xf32>
    %dot_general3A_242 = arith.constant dense<0.000000e+00> : vector<512x128xf32>
    %dot_general3A_243 = tpu.matmul %convert_element_type3A_164, %get3A_241, %dot_general3A_242 {dimension_numbers = #tpu.dot_dimension_numbers<[1], [0], [0], [1], [0, 0, 1, 1], [], []>, transpose_lhs_hint = false} : vector<512x8xf32>, vector<8x128xf32>, vector<512x128xf32> -> vector<512x128xf32>
    %get3A_244 = arith.constant 0 : index
    %get3A_245 = arith.constant 0 : index
    %get3A_246 = vector.load %arg5[%get3A_244, %get3A_245] : memref<512x128xf32, #tpu.memory_space<vmem>>, vector<512x128xf32>
    %get3A_247 = arith.constant 0 : index
    %get3A_248 = arith.constant 0 : index
    %get3A_249 = vector.load %arg18[%get3A_247, %get3A_248] : memref<512x128xf32, #tpu.memory_space<vmem>>, vector<512x128xf32>
    %add3A_250 = arith.addf %get3A_246, %get3A_249 : vector<512x128xf32>
    %reduce_sum3A = arith.constant dense<0.000000e+00> : vector<512xf32>
    %reduce_sum3A_251 = vector.multi_reduction <add>, %add3A_250, %reduce_sum3A [1] : vector<512x128xf32> to vector<512xf32>
    %broadcast_in_dim3A_252 = vector.shape_cast %reduce_sum3A_251 : vector<512xf32> to vector<512x1xf32>
    %div3A_253 = arith.constant 1.280000e+02 : f32
    %div3A_254 = vector.broadcast %div3A_253 : f32 to vector<512x1xf32>
    %div3A_255 = arith.divf %broadcast_in_dim3A_252, %div3A_254 : vector<512x1xf32>
    %sub3A_256 = vector.broadcast %div3A_255 : vector<512x1xf32> to vector<512x128xf32>
    %sub3A_257 = arith.subf %add3A_250, %sub3A_256 : vector<512x128xf32>
    %integer_pow3A = arith.mulf %sub3A_257, %sub3A_257 : vector<512x128xf32>
    %reduce_sum3A_258 = arith.constant dense<0.000000e+00> : vector<512xf32>
    %reduce_sum3A_259 = vector.multi_reduction <add>, %integer_pow3A, %reduce_sum3A_258 [1] : vector<512x128xf32> to vector<512xf32>
    %broadcast_in_dim3A_260 = vector.shape_cast %reduce_sum3A_259 : vector<512xf32> to vector<512x1xf32>
    %div3A_261 = arith.constant 1.280000e+02 : f32
    %div3A_262 = vector.broadcast %div3A_261 : f32 to vector<512x1xf32>
    %div3A_263 = arith.divf %broadcast_in_dim3A_260, %div3A_262 : vector<512x1xf32>
    %sub3A_264 = vector.broadcast %div3A_255 : vector<512x1xf32> to vector<512x128xf32>
    %sub3A_265 = arith.subf %add3A_250, %sub3A_264 : vector<512x128xf32>
    %add3A_266 = arith.constant 9.99999974E-6 : f32
    %add3A_267 = vector.broadcast %add3A_266 : f32 to vector<512x1xf32>
    %add3A_268 = arith.addf %div3A_263, %add3A_267 : vector<512x1xf32>
    %rsqrt3A = math.rsqrt %add3A_268 : vector<512x1xf32>
    %mul3A_269 = vector.broadcast %rsqrt3A : vector<512x1xf32> to vector<512x128xf32>
    %mul3A_270 = arith.mulf %sub3A_265, %mul3A_269 : vector<512x128xf32>
    %mul3A_271 = arith.mulf %mul3A_270, %dot_general3A_238 : vector<512x128xf32>
    %add3A_272 = arith.addf %mul3A_271, %dot_general3A_243 : vector<512x128xf32>
    %swap3A_273 = arith.constant 0 : index
    %swap3A_274 = arith.constant 0 : index
    %swap3A_275 = vector.load %arg14[%swap3A_273, %swap3A_274] : memref<512x128xf32, #tpu.memory_space<vmem>>, vector<512x128xf32>
    tpu.vector_store %arg14[%swap3A_273, %swap3A_274], %add3A_272 {strides = array<i32>} : memref<512x128xf32, #tpu.memory_space<vmem>>, vector<512x128xf32>,
    return
  }
  func.func @transform_0(%arg0: i32) -> i32 {
    %c0_i32 = arith.constant 0 : i32
    %c0_i32_0 = arith.constant 0 : i32
    return %c0_i32 : i32
  }
  func.func @transform_1(%arg0: i32) -> i32 {
    %c0_i32 = arith.constant 0 : i32
    %c0_i32_0 = arith.constant 0 : i32
    return %c0_i32 : i32
  }
  func.func @transform_2(%arg0: i32) -> i32 {
    %c0_i32 = arith.constant 0 : i32
    %c0_i32_0 = arith.constant 0 : i32
    return %c0_i32 : i32
  }
  func.func @transform_3(%arg0: i32) -> i32 {
    %c0_i32 = arith.constant 0 : i32
    %c0_i32_0 = arith.constant 0 : i32
    return %c0_i32 : i32
  }
  func.func @transform_4(%arg0: i32) -> (i32, i32) {
    %c0_i32 = arith.constant 0 : i32
    %c0_i32_0 = arith.constant 0 : i32
    return %arg0, %c0_i32 : i32, i32
  }
  func.func @transform_5(%arg0: i32) -> (i32, i32) {
    %c0_i32 = arith.constant 0 : i32
    %c0_i32_0 = arith.constant 0 : i32
    return %arg0, %c0_i32 : i32, i32
  }
  func.func @transform_6(%arg0: i32) -> (i32, i32) {
    %c0_i32 = arith.constant 0 : i32
    %c0_i32_0 = arith.constant 0 : i32
    return %arg0, %c0_i32 : i32, i32
  }
  func.func @transform_7(%arg0: i32) -> (i32, i32, i32) {
    %c0_i32 = arith.constant 0 : i32
    %c0_i32_0 = arith.constant 0 : i32
    %c0_i32_1 = arith.constant 0 : i32
    %c0_i32_2 = arith.constant 0 : i32
    return %c0_i32, %c0_i32_0, %c0_i32_1 : i32, i32, i32
  }
  func.func @transform_8(%arg0: i32) -> (i32, i32, i32) {
    %c0_i32 = arith.constant 0 : i32
    %c0_i32_0 = arith.constant 0 : i32
    %c0_i32_1 = arith.constant 0 : i32
    %c0_i32_2 = arith.constant 0 : i32
    return %c0_i32, %c0_i32_0, %c0_i32_1 : i32, i32, i32
  }
  func.func @transform_9(%arg0: i32) -> (i32, i32, i32) {
    %c0_i32 = arith.constant 0 : i32
    %c0_i32_0 = arith.constant 0 : i32
    %c0_i32_1 = arith.constant 0 : i32
    %c0_i32_2 = arith.constant 0 : i32
    return %c0_i32, %c0_i32_0, %c0_i32_1 : i32, i32, i32
  }
  func.func @transform_10(%arg0: i32) -> (i32, i32, i32) {
    %c0_i32 = arith.constant 0 : i32
    %c0_i32_0 = arith.constant 0 : i32
    %c0_i32_1 = arith.constant 0 : i32
    %c0_i32_2 = arith.constant 0 : i32
    return %c0_i32, %c0_i32_0, %c0_i32_1 : i32, i32, i32
  }
  func.func @transform_11(%arg0: i32) -> (i32, i32) {
    %c0_i32 = arith.constant 0 : i32
    %c0_i32_0 = arith.constant 0 : i32
    %c0_i32_1 = arith.constant 0 : i32
    return %c0_i32, %c0_i32_0 : i32, i32
  }
  func.func @transform_12(%arg0: i32) -> (i32, i32) {
    %c0_i32 = arith.constant 0 : i32
    %c0_i32_0 = arith.constant 0 : i32
    %c0_i32_1 = arith.constant 0 : i32
    return %c0_i32, %c0_i32_0 : i32, i32
  }
  func.func @transform_13(%arg0: i32) -> (i32, i32) {
    %c0_i32 = arith.constant 0 : i32
    %c0_i32_0 = arith.constant 0 : i32
    return %arg0, %c0_i32 : i32, i32
  }
}

module attributes {stable_mosaic.version = 14 : i64} {
  func.func @_g_attn_body_fused(%arg0: i32, %arg1: memref<1024x128xf32, #tpu.memory_space<vmem>>, %arg2: memref<1024x128xf32, #tpu.memory_space<vmem>>, %arg3: memref<128x4096xf32, #tpu.memory_space<vmem>>, %arg4: memref<2x4096x72xf32, #tpu.memory_space<vmem>>, %arg5: memref<128x128xf32, #tpu.memory_space<vmem>>, %arg6: memref<1x128xf32, #tpu.memory_space<vmem>>, %arg7: memref<1x128xf32, #tpu.memory_space<vmem>>, %arg8: memref<128x128xf32, #tpu.memory_space<vmem>>, %arg9: memref<128x128xf32, #tpu.memory_space<vmem>>, %arg10: memref<128x128xf32, #tpu.memory_space<vmem>>, %arg11: memref<1024x128xf32, #tpu.memory_space<vmem>>, %arg12: memref<1024x128xf32, #tpu.memory_space<vmem>>, %arg13: memref<128x1024xf32, #tpu.memory_space<vmem>>, %arg14: memref<2x1024x72xf32, #tpu.memory_space<vmem>>) attributes {dimension_semantics = [#tpu.dimension_semantics<parallel>], iteration_bounds = array<i64: 4>, scalar_prefetch = 0 : i64, scratch_operands = 0 : i64, tpu.core_type = #tpu.core_type<tc>, window_params = [{transform_indices = @transform_0, window_bounds = array<i64: 1024, 128>}, {transform_indices = @transform_1, window_bounds = array<i64: 1024, 128>}, {pipeline_mode = #tpu.pipeline_mode<synchronous>, transform_indices = @transform_2, window_bounds = array<i64: 128, 4096>}, {pipeline_mode = #tpu.pipeline_mode<synchronous>, transform_indices = @transform_3, window_bounds = array<i64: 2, 4096, 72>}, {pipeline_mode = #tpu.pipeline_mode<synchronous>, transform_indices = @transform_4, window_bounds = array<i64: 128, 128>}, {pipeline_mode = #tpu.pipeline_mode<synchronous>, transform_indices = @transform_5, window_bounds = array<i64: 1, 128>}, {pipeline_mode = #tpu.pipeline_mode<synchronous>, transform_indices = @transform_6, window_bounds = array<i64: 1, 128>}, {pipeline_mode = #tpu.pipeline_mode<synchronous>, transform_indices = @transform_7, window_bounds = array<i64: 128, 128>}, {pipeline_mode = #tpu.pipeline_mode<synchronous>, transform_indices = @transform_8, window_bounds = array<i64: 128, 128>}, {pipeline_mode = #tpu.pipeline_mode<synchronous>, transform_indices = @transform_9, window_bounds = array<i64: 128, 128>}, {transform_indices = @transform_10, window_bounds = array<i64: 1024, 128>}, {transform_indices = @transform_11, window_bounds = array<i64: 1024, 128>}, {transform_indices = @transform_12, window_bounds = array<i64: 128, 1024>}, {transform_indices = @transform_13, window_bounds = array<i64: 2, 1024, 72>}]} {
    %get3A = arith.constant 0 : index
    %get3A_0 = arith.constant 0 : index
    %get3A_1 = vector.load %arg2[%get3A, %get3A_0] : memref<1024x128xf32, #tpu.memory_space<vmem>>, vector<1024x128xf32>
    %get3A_2 = arith.constant 0 : index
    %get3A_3 = arith.constant 0 : index
    %get3A_4 = vector.load %arg3[%get3A_2, %get3A_3] : memref<128x4096xf32, #tpu.memory_space<vmem>>, vector<128x4096xf32>
    %slice3A = vector.extract_strided_slice %get3A_1 {offsets = [0, 0], sizes = [1024, 64], strides = [1, 1]} : vector<1024x128xf32> to vector<1024x64xf32>
    %mul3A = arith.constant 0.180336878 : f32
    %mul3A_5 = vector.broadcast %mul3A : f32 to vector<1024x64xf32>
    %mul3A_6 = arith.mulf %slice3A, %mul3A_5 : vector<1024x64xf32>
    %slice3A_7 = vector.extract_strided_slice %get3A_4 {offsets = [0, 0], sizes = [64, 4096], strides = [1, 1]} : vector<128x4096xf32> to vector<64x4096xf32>
    %dot_general3A = arith.constant dense<0.000000e+00> : vector<1024x4096xf32>
    %dot_general3A_8 = tpu.matmul %mul3A_6, %slice3A_7, %dot_general3A {dimension_numbers = #tpu.dot_dimension_numbers<[1], [0], [0], [1], [0, 0, 1, 1], [], []>, transpose_lhs_hint = false} : vector<1024x64xf32>, vector<64x4096xf32>, vector<1024x4096xf32> -> vector<1024x4096xf32>
    %reduce_max3A = arith.constant dense<0xFF800000> : vector<1024xf32>
    %reduce_max3A_9 = vector.multi_reduction <maximumf>, %dot_general3A_8, %reduce_max3A [1] : vector<1024x4096xf32> to vector<1024xf32>
    %broadcast_in_dim3A = vector.shape_cast %reduce_max3A_9 : vector<1024xf32> to vector<1024x1xf32>
    %sub3A = vector.broadcast %broadcast_in_dim3A : vector<1024x1xf32> to vector<1024x4096xf32>
    %sub3A_10 = arith.subf %dot_general3A_8, %sub3A : vector<1024x4096xf32>
    %exp23A = math.exp2 %sub3A_10 : vector<1024x4096xf32>
    %get3A_11 = arith.constant 0 : index
    %get3A_12 = arith.constant 0 : index
    %get3A_13 = arith.constant 0 : index
    %get3A_14 = vector.load %arg4[%get3A_11, %get3A_12, %get3A_13] : memref<2x4096x72xf32, #tpu.memory_space<vmem>>, vector<1x4096x72xf32>
    %get3A_15 = vector.shape_cast %get3A_14 : vector<1x4096x72xf32> to vector<4096x72xf32>
    %dot_general3A_16 = arith.constant dense<0.000000e+00> : vector<1024x72xf32>
    %dot_general3A_17 = tpu.matmul %exp23A, %get3A_15, %dot_general3A_16 {dimension_numbers = #tpu.dot_dimension_numbers<[1], [0], [0], [1], [0, 0, 1, 1], [], []>, transpose_lhs_hint = false} : vector<1024x4096xf32>, vector<4096x72xf32>, vector<1024x72xf32> -> vector<1024x72xf32>
    %slice3A_18 = vector.extract_strided_slice %dot_general3A_17 {offsets = [0, 0], sizes = [1024, 64], strides = [1, 1]} : vector<1024x72xf32> to vector<1024x64xf32>
    %slice3A_19 = vector.extract_strided_slice %dot_general3A_17 {offsets = [0, 64], sizes = [1024, 1], strides = [1, 1]} : vector<1024x72xf32> to vector<1024x1xf32>
    %div3A = vector.broadcast %slice3A_19 : vector<1024x1xf32> to vector<1024x64xf32>
    %div3A_20 = arith.divf %slice3A_18, %div3A : vector<1024x64xf32>
    %slice3A_21 = vector.extract_strided_slice %get3A_1 {offsets = [0, 64], sizes = [1024, 64], strides = [1, 1]} : vector<1024x128xf32> to vector<1024x64xf32>
    %mul3A_22 = arith.constant 0.180336878 : f32
    %mul3A_23 = vector.broadcast %mul3A_22 : f32 to vector<1024x64xf32>
    %mul3A_24 = arith.mulf %slice3A_21, %mul3A_23 : vector<1024x64xf32>
    %slice3A_25 = vector.extract_strided_slice %get3A_4 {offsets = [64, 0], sizes = [64, 4096], strides = [1, 1]} : vector<128x4096xf32> to vector<64x4096xf32>
    %dot_general3A_26 = arith.constant dense<0.000000e+00> : vector<1024x4096xf32>
    %dot_general3A_27 = tpu.matmul %mul3A_24, %slice3A_25, %dot_general3A_26 {dimension_numbers = #tpu.dot_dimension_numbers<[1], [0], [0], [1], [0, 0, 1, 1], [], []>, transpose_lhs_hint = false} : vector<1024x64xf32>, vector<64x4096xf32>, vector<1024x4096xf32> -> vector<1024x4096xf32>
    %reduce_max3A_28 = arith.constant dense<0xFF800000> : vector<1024xf32>
    %reduce_max3A_29 = vector.multi_reduction <maximumf>, %dot_general3A_27, %reduce_max3A_28 [1] : vector<1024x4096xf32> to vector<1024xf32>
    %broadcast_in_dim3A_30 = vector.shape_cast %reduce_max3A_29 : vector<1024xf32> to vector<1024x1xf32>
    %sub3A_31 = vector.broadcast %broadcast_in_dim3A_30 : vector<1024x1xf32> to vector<1024x4096xf32>
    %sub3A_32 = arith.subf %dot_general3A_27, %sub3A_31 : vector<1024x4096xf32>
    %exp23A_33 = math.exp2 %sub3A_32 : vector<1024x4096xf32>
    %get3A_34 = arith.constant 1 : index
    %get3A_35 = arith.constant 0 : index
    %get3A_36 = arith.constant 0 : index
    %get3A_37 = vector.load %arg4[%get3A_34, %get3A_35, %get3A_36] : memref<2x4096x72xf32, #tpu.memory_space<vmem>>, vector<1x4096x72xf32>
    %get3A_38 = vector.shape_cast %get3A_37 : vector<1x4096x72xf32> to vector<4096x72xf32>
    %dot_general3A_39 = arith.constant dense<0.000000e+00> : vector<1024x72xf32>
    %dot_general3A_40 = tpu.matmul %exp23A_33, %get3A_38, %dot_general3A_39 {dimension_numbers = #tpu.dot_dimension_numbers<[1], [0], [0], [1], [0, 0, 1, 1], [], []>, transpose_lhs_hint = false} : vector<1024x4096xf32>, vector<4096x72xf32>, vector<1024x72xf32> -> vector<1024x72xf32>
    %slice3A_41 = vector.extract_strided_slice %dot_general3A_40 {offsets = [0, 0], sizes = [1024, 64], strides = [1, 1]} : vector<1024x72xf32> to vector<1024x64xf32>
    %slice3A_42 = vector.extract_strided_slice %dot_general3A_40 {offsets = [0, 64], sizes = [1024, 1], strides = [1, 1]} : vector<1024x72xf32> to vector<1024x1xf32>
    %div3A_43 = vector.broadcast %slice3A_42 : vector<1024x1xf32> to vector<1024x64xf32>
    %div3A_44 = arith.divf %slice3A_41, %div3A_43 : vector<1024x64xf32>
    %concatenate3A = tpu.concatenate %div3A_20, %div3A_44 in 1 : vector<1024x64xf32>, vector<1024x64xf32> -> vector<1024x128xf32>
    %get3A_45 = arith.constant 0 : index
    %get3A_46 = arith.constant 0 : index
    %get3A_47 = vector.load %arg5[%get3A_45, %get3A_46] : memref<128x128xf32, #tpu.memory_space<vmem>>, vector<128x128xf32>
    %dot_general3A_48 = arith.constant dense<0.000000e+00> : vector<1024x128xf32>
    %dot_general3A_49 = tpu.matmul %concatenate3A, %get3A_47, %dot_general3A_48 {dimension_numbers = #tpu.dot_dimension_numbers<[1], [0], [0], [1], [0, 0, 1, 1], [], []>, transpose_lhs_hint = false} : vector<1024x128xf32>, vector<128x128xf32>, vector<1024x128xf32> -> vector<1024x128xf32>
    %get3A_50 = arith.constant 0 : index
    %get3A_51 = arith.constant 0 : index
    %get3A_52 = vector.load %arg1[%get3A_50, %get3A_51] : memref<1024x128xf32, #tpu.memory_space<vmem>>, vector<1024x128xf32>
    %add3A = arith.addf %get3A_52, %dot_general3A_49 : vector<1024x128xf32>
    %reduce_sum3A = arith.constant dense<0.000000e+00> : vector<1024xf32>
    %reduce_sum3A_53 = vector.multi_reduction <add>, %add3A, %reduce_sum3A [1] : vector<1024x128xf32> to vector<1024xf32>
    %broadcast_in_dim3A_54 = vector.shape_cast %reduce_sum3A_53 : vector<1024xf32> to vector<1024x1xf32>
    %div3A_55 = arith.constant 1.280000e+02 : f32
    %div3A_56 = vector.broadcast %div3A_55 : f32 to vector<1024x1xf32>
    %div3A_57 = arith.divf %broadcast_in_dim3A_54, %div3A_56 : vector<1024x1xf32>
    %sub3A_58 = vector.broadcast %div3A_57 : vector<1024x1xf32> to vector<1024x128xf32>
    %sub3A_59 = arith.subf %add3A, %sub3A_58 : vector<1024x128xf32>
    %integer_pow3A = arith.mulf %sub3A_59, %sub3A_59 : vector<1024x128xf32>
    %reduce_sum3A_60 = arith.constant dense<0.000000e+00> : vector<1024xf32>
    %reduce_sum3A_61 = vector.multi_reduction <add>, %integer_pow3A, %reduce_sum3A_60 [1] : vector<1024x128xf32> to vector<1024xf32>
    %broadcast_in_dim3A_62 = vector.shape_cast %reduce_sum3A_61 : vector<1024xf32> to vector<1024x1xf32>
    %div3A_63 = arith.constant 1.280000e+02 : f32
    %div3A_64 = vector.broadcast %div3A_63 : f32 to vector<1024x1xf32>
    %div3A_65 = arith.divf %broadcast_in_dim3A_62, %div3A_64 : vector<1024x1xf32>
    %sub3A_66 = vector.broadcast %div3A_57 : vector<1024x1xf32> to vector<1024x128xf32>
    %sub3A_67 = arith.subf %add3A, %sub3A_66 : vector<1024x128xf32>
    %add3A_68 = arith.constant 9.99999974E-6 : f32
    %add3A_69 = vector.broadcast %add3A_68 : f32 to vector<1024x1xf32>
    %add3A_70 = arith.addf %div3A_65, %add3A_69 : vector<1024x1xf32>
    %rsqrt3A = math.rsqrt %add3A_70 : vector<1024x1xf32>
    %mul3A_71 = vector.broadcast %rsqrt3A : vector<1024x1xf32> to vector<1024x128xf32>
    %mul3A_72 = arith.mulf %sub3A_67, %mul3A_71 : vector<1024x128xf32>
    %get3A_73 = arith.constant 0 : index
    %get3A_74 = arith.constant 0 : index
    %get3A_75 = vector.load %arg6[%get3A_73, %get3A_74] : memref<1x128xf32, #tpu.memory_space<vmem>>, vector<1x128xf32>
    %mul3A_76 = vector.broadcast %get3A_75 : vector<1x128xf32> to vector<1024x128xf32>
    %mul3A_77 = arith.mulf %mul3A_72, %mul3A_76 : vector<1024x128xf32>
    %get3A_78 = arith.constant 0 : index
    %get3A_79 = arith.constant 0 : index
    %get3A_80 = vector.load %arg7[%get3A_78, %get3A_79] : memref<1x128xf32, #tpu.memory_space<vmem>>, vector<1x128xf32>
    %add3A_81 = vector.broadcast %get3A_80 : vector<1x128xf32> to vector<1024x128xf32>
    %add3A_82 = arith.addf %mul3A_77, %add3A_81 : vector<1024x128xf32>
    %swap3A = arith.constant 0 : index
    %swap3A_83 = arith.constant 0 : index
    %swap3A_84 = vector.load %arg11[%swap3A, %swap3A_83] : memref<1024x128xf32, #tpu.memory_space<vmem>>, vector<1024x128xf32>
    tpu.vector_store %arg11[%swap3A, %swap3A_83], %add3A_82 {strides = array<i32>} : memref<1024x128xf32, #tpu.memory_space<vmem>>, vector<1024x128xf32>,
    %get3A_85 = arith.constant 0 : index
    %get3A_86 = arith.constant 0 : index
    %get3A_87 = vector.load %arg11[%get3A_85, %get3A_86] : memref<1024x128xf32, #tpu.memory_space<vmem>>, vector<1024x128xf32>
    %get3A_88 = arith.constant 0 : index
    %get3A_89 = arith.constant 0 : index
    %get3A_90 = vector.load %arg8[%get3A_88, %get3A_89] : memref<128x128xf32, #tpu.memory_space<vmem>>, vector<128x128xf32>
    %dot_general3A_91 = arith.constant dense<0.000000e+00> : vector<1024x128xf32>
    %dot_general3A_92 = tpu.matmul %get3A_87, %get3A_90, %dot_general3A_91 {dimension_numbers = #tpu.dot_dimension_numbers<[1], [0], [0], [1], [0, 0, 1, 1], [], []>, transpose_lhs_hint = false} : vector<1024x128xf32>, vector<128x128xf32>, vector<1024x128xf32> -> vector<1024x128xf32>
    %swap3A_93 = arith.constant 0 : index
    %swap3A_94 = arith.constant 0 : index
    %swap3A_95 = vector.load %arg12[%swap3A_93, %swap3A_94] : memref<1024x128xf32, #tpu.memory_space<vmem>>, vector<1024x128xf32>
    tpu.vector_store %arg12[%swap3A_93, %swap3A_94], %dot_general3A_92 {strides = array<i32>} : memref<1024x128xf32, #tpu.memory_space<vmem>>, vector<1024x128xf32>,
    %get3A_96 = arith.constant 0 : index
    %get3A_97 = arith.constant 0 : index
    %get3A_98 = vector.load %arg9[%get3A_96, %get3A_97] : memref<128x128xf32, #tpu.memory_space<vmem>>, vector<128x128xf32>
    %dot_general3A_99 = arith.constant dense<0.000000e+00> : vector<1024x128xf32>
    %dot_general3A_100 = tpu.matmul %get3A_87, %get3A_98, %dot_general3A_99 {dimension_numbers = #tpu.dot_dimension_numbers<[1], [0], [0], [1], [0, 0, 1, 1], [], []>, transpose_lhs_hint = false} : vector<1024x128xf32>, vector<128x128xf32>, vector<1024x128xf32> -> vector<1024x128xf32>
    %transpose3A = tpu.transpose %dot_general3A_100, [1, 0] : vector<1024x128xf32> -> vector<128x1024xf32>
    %swap3A_101 = arith.constant 0 : index
    %swap3A_102 = arith.constant 0 : index
    %swap3A_103 = vector.load %arg13[%swap3A_101, %swap3A_102] : memref<128x1024xf32, #tpu.memory_space<vmem>>, vector<128x1024xf32>
    tpu.vector_store %arg13[%swap3A_101, %swap3A_102], %transpose3A {strides = array<i32>} : memref<128x1024xf32, #tpu.memory_space<vmem>>, vector<128x1024xf32>,
    %get3A_104 = arith.constant 0 : index
    %get3A_105 = arith.constant 0 : index
    %get3A_106 = vector.load %arg10[%get3A_104, %get3A_105] : memref<128x128xf32, #tpu.memory_space<vmem>>, vector<128x128xf32>
    %dot_general3A_107 = arith.constant dense<0.000000e+00> : vector<1024x128xf32>
    %dot_general3A_108 = tpu.matmul %get3A_87, %get3A_106, %dot_general3A_107 {dimension_numbers = #tpu.dot_dimension_numbers<[1], [0], [0], [1], [0, 0, 1, 1], [], []>, transpose_lhs_hint = false} : vector<1024x128xf32>, vector<128x128xf32>, vector<1024x128xf32> -> vector<1024x128xf32>
    %broadcast_in_dim3A_109 = arith.constant 1.000000e+00 : f32
    %broadcast_in_dim3A_110 = vector.broadcast %broadcast_in_dim3A_109 : f32 to vector<1024x8xf32>
    %slice3A_111 = vector.extract_strided_slice %dot_general3A_108 {offsets = [0, 0], sizes = [1024, 64], strides = [1, 1]} : vector<1024x128xf32> to vector<1024x64xf32>
    %concatenate3A_112 = tpu.concatenate %slice3A_111, %broadcast_in_dim3A_110 in 1 : vector<1024x64xf32>, vector<1024x8xf32> -> vector<1024x72xf32>
    %swap3A_113 = arith.constant 0 : index
    %swap3A_114 = arith.constant 0 : index
    %swap3A_115 = arith.constant 0 : index
    %swap3A_116 = vector.load %arg14[%swap3A_113, %swap3A_114, %swap3A_115] : memref<2x1024x72xf32, #tpu.memory_space<vmem>>, vector<1x1024x72xf32>
    %swap3A_117 = vector.shape_cast %swap3A_116 : vector<1x1024x72xf32> to vector<1024x72xf32>
    %swap3A_118 = vector.shape_cast %concatenate3A_112 : vector<1024x72xf32> to vector<1x1024x72xf32>
    tpu.vector_store %arg14[%swap3A_113, %swap3A_114, %swap3A_115], %swap3A_118 {strides = array<i32>} : memref<2x1024x72xf32, #tpu.memory_space<vmem>>, vector<1x1024x72xf32>,
    %slice3A_119 = vector.extract_strided_slice %dot_general3A_108 {offsets = [0, 64], sizes = [1024, 64], strides = [1, 1]} : vector<1024x128xf32> to vector<1024x64xf32>
    %concatenate3A_120 = tpu.concatenate %slice3A_119, %broadcast_in_dim3A_110 in 1 : vector<1024x64xf32>, vector<1024x8xf32> -> vector<1024x72xf32>
    %swap3A_121 = arith.constant 1 : index
    %swap3A_122 = arith.constant 0 : index
    %swap3A_123 = arith.constant 0 : index
    %swap3A_124 = vector.load %arg14[%swap3A_121, %swap3A_122, %swap3A_123] : memref<2x1024x72xf32, #tpu.memory_space<vmem>>, vector<1x1024x72xf32>
    %swap3A_125 = vector.shape_cast %swap3A_124 : vector<1x1024x72xf32> to vector<1024x72xf32>
    %swap3A_126 = vector.shape_cast %concatenate3A_120 : vector<1024x72xf32> to vector<1x1024x72xf32>
    tpu.vector_store %arg14[%swap3A_121, %swap3A_122, %swap3A_123], %swap3A_126 {strides = array<i32>} : memref<2x1024x72xf32, #tpu.memory_space<vmem>>, vector<1x1024x72xf32>,
    return
  }
  func.func @transform_0(%arg0: i32) -> (i32, i32) {
    %c0_i32 = arith.constant 0 : i32
    %c0_i32_0 = arith.constant 0 : i32
    return %arg0, %c0_i32 : i32, i32
  }
  func.func @transform_1(%arg0: i32) -> (i32, i32) {
    %c0_i32 = arith.constant 0 : i32
    %c0_i32_0 = arith.constant 0 : i32
    return %arg0, %c0_i32 : i32, i32
  }
  func.func @transform_2(%arg0: i32) -> (i32, i32) {
    %c0_i32 = arith.constant 0 : i32
    %c0_i32_0 = arith.constant 0 : i32
    %c0_i32_1 = arith.constant 0 : i32
    return %c0_i32, %c0_i32_0 : i32, i32
  }
  func.func @transform_3(%arg0: i32) -> (i32, i32, i32) {
    %c0_i32 = arith.constant 0 : i32
    %c0_i32_0 = arith.constant 0 : i32
    %c0_i32_1 = arith.constant 0 : i32
    %c0_i32_2 = arith.constant 0 : i32
    return %c0_i32, %c0_i32_0, %c0_i32_1 : i32, i32, i32
  }
  func.func @transform_4(%arg0: i32) -> (i32, i32) {
    %c0_i32 = arith.constant 0 : i32
    %c0_i32_0 = arith.constant 0 : i32
    %c0_i32_1 = arith.constant 0 : i32
    return %c0_i32, %c0_i32_0 : i32, i32
  }
  func.func @transform_5(%arg0: i32) -> (i32, i32) {
    %c0_i32 = arith.constant 0 : i32
    %c0_i32_0 = arith.constant 0 : i32
    %c0_i32_1 = arith.constant 0 : i32
    return %c0_i32, %c0_i32_0 : i32, i32
  }
  func.func @transform_6(%arg0: i32) -> (i32, i32) {
    %c0_i32 = arith.constant 0 : i32
    %c0_i32_0 = arith.constant 0 : i32
    %c0_i32_1 = arith.constant 0 : i32
    return %c0_i32, %c0_i32_0 : i32, i32
  }
  func.func @transform_7(%arg0: i32) -> (i32, i32) {
    %c0_i32 = arith.constant 0 : i32
    %c0_i32_0 = arith.constant 0 : i32
    %c0_i32_1 = arith.constant 0 : i32
    return %c0_i32, %c0_i32_0 : i32, i32
  }
  func.func @transform_8(%arg0: i32) -> (i32, i32) {
    %c0_i32 = arith.constant 0 : i32
    %c0_i32_0 = arith.constant 0 : i32
    %c0_i32_1 = arith.constant 0 : i32
    return %c0_i32, %c0_i32_0 : i32, i32
  }
  func.func @transform_9(%arg0: i32) -> (i32, i32) {
    %c0_i32 = arith.constant 0 : i32
    %c0_i32_0 = arith.constant 0 : i32
    %c0_i32_1 = arith.constant 0 : i32
    return %c0_i32, %c0_i32_0 : i32, i32
  }
  func.func @transform_10(%arg0: i32) -> (i32, i32) {
    %c0_i32 = arith.constant 0 : i32
    %c0_i32_0 = arith.constant 0 : i32
    return %arg0, %c0_i32 : i32, i32
  }
  func.func @transform_11(%arg0: i32) -> (i32, i32) {
    %c0_i32 = arith.constant 0 : i32
    %c0_i32_0 = arith.constant 0 : i32
    return %arg0, %c0_i32 : i32, i32
  }
  func.func @transform_12(%arg0: i32) -> (i32, i32) {
    %c0_i32 = arith.constant 0 : i32
    %c0_i32_0 = arith.constant 0 : i32
    return %c0_i32, %arg0 : i32, i32
  }
  func.func @transform_13(%arg0: i32) -> (i32, i32, i32) {
    %c0_i32 = arith.constant 0 : i32
    %c0_i32_0 = arith.constant 0 : i32
    %c0_i32_1 = arith.constant 0 : i32
    return %c0_i32, %arg0, %c0_i32_0 : i32, i32, i32
  }
}

module attributes {stable_mosaic.version = 14 : i64} {
  func.func @_g_attn_body(%arg0: i32, %arg1: memref<1024x128xf32, #tpu.memory_space<vmem>>, %arg2: memref<1024x128xf32, #tpu.memory_space<vmem>>, %arg3: memref<128x4096xf32, #tpu.memory_space<vmem>>, %arg4: memref<2x4096x72xf32, #tpu.memory_space<vmem>>, %arg5: memref<128x128xf32, #tpu.memory_space<vmem>>, %arg6: memref<1x128xf32, #tpu.memory_space<vmem>>, %arg7: memref<1x128xf32, #tpu.memory_space<vmem>>, %arg8: memref<1024x128xf32, #tpu.memory_space<vmem>>) attributes {dimension_semantics = [#tpu.dimension_semantics<parallel>], iteration_bounds = array<i64: 4>, scalar_prefetch = 0 : i64, scratch_operands = 0 : i64, tpu.core_type = #tpu.core_type<tc>, window_params = [{transform_indices = @transform_0, window_bounds = array<i64: 1024, 128>}, {transform_indices = @transform_1, window_bounds = array<i64: 1024, 128>}, {pipeline_mode = #tpu.pipeline_mode<synchronous>, transform_indices = @transform_2, window_bounds = array<i64: 128, 4096>}, {pipeline_mode = #tpu.pipeline_mode<synchronous>, transform_indices = @transform_3, window_bounds = array<i64: 2, 4096, 72>}, {pipeline_mode = #tpu.pipeline_mode<synchronous>, transform_indices = @transform_4, window_bounds = array<i64: 128, 128>}, {pipeline_mode = #tpu.pipeline_mode<synchronous>, transform_indices = @transform_5, window_bounds = array<i64: 1, 128>}, {pipeline_mode = #tpu.pipeline_mode<synchronous>, transform_indices = @transform_6, window_bounds = array<i64: 1, 128>}, {transform_indices = @transform_7, window_bounds = array<i64: 1024, 128>}]} {
    %get3A = arith.constant 0 : index
    %get3A_0 = arith.constant 0 : index
    %get3A_1 = vector.load %arg2[%get3A, %get3A_0] : memref<1024x128xf32, #tpu.memory_space<vmem>>, vector<1024x128xf32>
    %get3A_2 = arith.constant 0 : index
    %get3A_3 = arith.constant 0 : index
    %get3A_4 = vector.load %arg3[%get3A_2, %get3A_3] : memref<128x4096xf32, #tpu.memory_space<vmem>>, vector<128x4096xf32>
    %slice3A = vector.extract_strided_slice %get3A_1 {offsets = [0, 0], sizes = [1024, 64], strides = [1, 1]} : vector<1024x128xf32> to vector<1024x64xf32>
    %mul3A = arith.constant 0.180336878 : f32
    %mul3A_5 = vector.broadcast %mul3A : f32 to vector<1024x64xf32>
    %mul3A_6 = arith.mulf %slice3A, %mul3A_5 : vector<1024x64xf32>
    %slice3A_7 = vector.extract_strided_slice %get3A_4 {offsets = [0, 0], sizes = [64, 4096], strides = [1, 1]} : vector<128x4096xf32> to vector<64x4096xf32>
    %dot_general3A = arith.constant dense<0.000000e+00> : vector<1024x4096xf32>
    %dot_general3A_8 = tpu.matmul %mul3A_6, %slice3A_7, %dot_general3A {dimension_numbers = #tpu.dot_dimension_numbers<[1], [0], [0], [1], [0, 0, 1, 1], [], []>, transpose_lhs_hint = false} : vector<1024x64xf32>, vector<64x4096xf32>, vector<1024x4096xf32> -> vector<1024x4096xf32>
    %reduce_max3A = arith.constant dense<0xFF800000> : vector<1024xf32>
    %reduce_max3A_9 = vector.multi_reduction <maximumf>, %dot_general3A_8, %reduce_max3A [1] : vector<1024x4096xf32> to vector<1024xf32>
    %broadcast_in_dim3A = vector.shape_cast %reduce_max3A_9 : vector<1024xf32> to vector<1024x1xf32>
    %sub3A = vector.broadcast %broadcast_in_dim3A : vector<1024x1xf32> to vector<1024x4096xf32>
    %sub3A_10 = arith.subf %dot_general3A_8, %sub3A : vector<1024x4096xf32>
    %exp23A = math.exp2 %sub3A_10 : vector<1024x4096xf32>
    %get3A_11 = arith.constant 0 : index
    %get3A_12 = arith.constant 0 : index
    %get3A_13 = arith.constant 0 : index
    %get3A_14 = vector.load %arg4[%get3A_11, %get3A_12, %get3A_13] : memref<2x4096x72xf32, #tpu.memory_space<vmem>>, vector<1x4096x72xf32>
    %get3A_15 = vector.shape_cast %get3A_14 : vector<1x4096x72xf32> to vector<4096x72xf32>
    %dot_general3A_16 = arith.constant dense<0.000000e+00> : vector<1024x72xf32>
    %dot_general3A_17 = tpu.matmul %exp23A, %get3A_15, %dot_general3A_16 {dimension_numbers = #tpu.dot_dimension_numbers<[1], [0], [0], [1], [0, 0, 1, 1], [], []>, transpose_lhs_hint = false} : vector<1024x4096xf32>, vector<4096x72xf32>, vector<1024x72xf32> -> vector<1024x72xf32>
    %slice3A_18 = vector.extract_strided_slice %dot_general3A_17 {offsets = [0, 0], sizes = [1024, 64], strides = [1, 1]} : vector<1024x72xf32> to vector<1024x64xf32>
    %slice3A_19 = vector.extract_strided_slice %dot_general3A_17 {offsets = [0, 64], sizes = [1024, 1], strides = [1, 1]} : vector<1024x72xf32> to vector<1024x1xf32>
    %div3A = vector.broadcast %slice3A_19 : vector<1024x1xf32> to vector<1024x64xf32>
    %div3A_20 = arith.divf %slice3A_18, %div3A : vector<1024x64xf32>
    %slice3A_21 = vector.extract_strided_slice %get3A_1 {offsets = [0, 64], sizes = [1024, 64], strides = [1, 1]} : vector<1024x128xf32> to vector<1024x64xf32>
    %mul3A_22 = arith.constant 0.180336878 : f32
    %mul3A_23 = vector.broadcast %mul3A_22 : f32 to vector<1024x64xf32>
    %mul3A_24 = arith.mulf %slice3A_21, %mul3A_23 : vector<1024x64xf32>
    %slice3A_25 = vector.extract_strided_slice %get3A_4 {offsets = [64, 0], sizes = [64, 4096], strides = [1, 1]} : vector<128x4096xf32> to vector<64x4096xf32>
    %dot_general3A_26 = arith.constant dense<0.000000e+00> : vector<1024x4096xf32>
    %dot_general3A_27 = tpu.matmul %mul3A_24, %slice3A_25, %dot_general3A_26 {dimension_numbers = #tpu.dot_dimension_numbers<[1], [0], [0], [1], [0, 0, 1, 1], [], []>, transpose_lhs_hint = false} : vector<1024x64xf32>, vector<64x4096xf32>, vector<1024x4096xf32> -> vector<1024x4096xf32>
    %reduce_max3A_28 = arith.constant dense<0xFF800000> : vector<1024xf32>
    %reduce_max3A_29 = vector.multi_reduction <maximumf>, %dot_general3A_27, %reduce_max3A_28 [1] : vector<1024x4096xf32> to vector<1024xf32>
    %broadcast_in_dim3A_30 = vector.shape_cast %reduce_max3A_29 : vector<1024xf32> to vector<1024x1xf32>
    %sub3A_31 = vector.broadcast %broadcast_in_dim3A_30 : vector<1024x1xf32> to vector<1024x4096xf32>
    %sub3A_32 = arith.subf %dot_general3A_27, %sub3A_31 : vector<1024x4096xf32>
    %exp23A_33 = math.exp2 %sub3A_32 : vector<1024x4096xf32>
    %get3A_34 = arith.constant 1 : index
    %get3A_35 = arith.constant 0 : index
    %get3A_36 = arith.constant 0 : index
    %get3A_37 = vector.load %arg4[%get3A_34, %get3A_35, %get3A_36] : memref<2x4096x72xf32, #tpu.memory_space<vmem>>, vector<1x4096x72xf32>
    %get3A_38 = vector.shape_cast %get3A_37 : vector<1x4096x72xf32> to vector<4096x72xf32>
    %dot_general3A_39 = arith.constant dense<0.000000e+00> : vector<1024x72xf32>
    %dot_general3A_40 = tpu.matmul %exp23A_33, %get3A_38, %dot_general3A_39 {dimension_numbers = #tpu.dot_dimension_numbers<[1], [0], [0], [1], [0, 0, 1, 1], [], []>, transpose_lhs_hint = false} : vector<1024x4096xf32>, vector<4096x72xf32>, vector<1024x72xf32> -> vector<1024x72xf32>
    %slice3A_41 = vector.extract_strided_slice %dot_general3A_40 {offsets = [0, 0], sizes = [1024, 64], strides = [1, 1]} : vector<1024x72xf32> to vector<1024x64xf32>
    %slice3A_42 = vector.extract_strided_slice %dot_general3A_40 {offsets = [0, 64], sizes = [1024, 1], strides = [1, 1]} : vector<1024x72xf32> to vector<1024x1xf32>
    %div3A_43 = vector.broadcast %slice3A_42 : vector<1024x1xf32> to vector<1024x64xf32>
    %div3A_44 = arith.divf %slice3A_41, %div3A_43 : vector<1024x64xf32>
    %concatenate3A = tpu.concatenate %div3A_20, %div3A_44 in 1 : vector<1024x64xf32>, vector<1024x64xf32> -> vector<1024x128xf32>
    %get3A_45 = arith.constant 0 : index
    %get3A_46 = arith.constant 0 : index
    %get3A_47 = vector.load %arg5[%get3A_45, %get3A_46] : memref<128x128xf32, #tpu.memory_space<vmem>>, vector<128x128xf32>
    %dot_general3A_48 = arith.constant dense<0.000000e+00> : vector<1024x128xf32>
    %dot_general3A_49 = tpu.matmul %concatenate3A, %get3A_47, %dot_general3A_48 {dimension_numbers = #tpu.dot_dimension_numbers<[1], [0], [0], [1], [0, 0, 1, 1], [], []>, transpose_lhs_hint = false} : vector<1024x128xf32>, vector<128x128xf32>, vector<1024x128xf32> -> vector<1024x128xf32>
    %get3A_50 = arith.constant 0 : index
    %get3A_51 = arith.constant 0 : index
    %get3A_52 = vector.load %arg1[%get3A_50, %get3A_51] : memref<1024x128xf32, #tpu.memory_space<vmem>>, vector<1024x128xf32>
    %add3A = arith.addf %get3A_52, %dot_general3A_49 : vector<1024x128xf32>
    %reduce_sum3A = arith.constant dense<0.000000e+00> : vector<1024xf32>
    %reduce_sum3A_53 = vector.multi_reduction <add>, %add3A, %reduce_sum3A [1] : vector<1024x128xf32> to vector<1024xf32>
    %broadcast_in_dim3A_54 = vector.shape_cast %reduce_sum3A_53 : vector<1024xf32> to vector<1024x1xf32>
    %div3A_55 = arith.constant 1.280000e+02 : f32
    %div3A_56 = vector.broadcast %div3A_55 : f32 to vector<1024x1xf32>
    %div3A_57 = arith.divf %broadcast_in_dim3A_54, %div3A_56 : vector<1024x1xf32>
    %sub3A_58 = vector.broadcast %div3A_57 : vector<1024x1xf32> to vector<1024x128xf32>
    %sub3A_59 = arith.subf %add3A, %sub3A_58 : vector<1024x128xf32>
    %integer_pow3A = arith.mulf %sub3A_59, %sub3A_59 : vector<1024x128xf32>
    %reduce_sum3A_60 = arith.constant dense<0.000000e+00> : vector<1024xf32>
    %reduce_sum3A_61 = vector.multi_reduction <add>, %integer_pow3A, %reduce_sum3A_60 [1] : vector<1024x128xf32> to vector<1024xf32>
    %broadcast_in_dim3A_62 = vector.shape_cast %reduce_sum3A_61 : vector<1024xf32> to vector<1024x1xf32>
    %div3A_63 = arith.constant 1.280000e+02 : f32
    %div3A_64 = vector.broadcast %div3A_63 : f32 to vector<1024x1xf32>
    %div3A_65 = arith.divf %broadcast_in_dim3A_62, %div3A_64 : vector<1024x1xf32>
    %sub3A_66 = vector.broadcast %div3A_57 : vector<1024x1xf32> to vector<1024x128xf32>
    %sub3A_67 = arith.subf %add3A, %sub3A_66 : vector<1024x128xf32>
    %add3A_68 = arith.constant 9.99999974E-6 : f32
    %add3A_69 = vector.broadcast %add3A_68 : f32 to vector<1024x1xf32>
    %add3A_70 = arith.addf %div3A_65, %add3A_69 : vector<1024x1xf32>
    %rsqrt3A = math.rsqrt %add3A_70 : vector<1024x1xf32>
    %mul3A_71 = vector.broadcast %rsqrt3A : vector<1024x1xf32> to vector<1024x128xf32>
    %mul3A_72 = arith.mulf %sub3A_67, %mul3A_71 : vector<1024x128xf32>
    %get3A_73 = arith.constant 0 : index
    %get3A_74 = arith.constant 0 : index
    %get3A_75 = vector.load %arg6[%get3A_73, %get3A_74] : memref<1x128xf32, #tpu.memory_space<vmem>>, vector<1x128xf32>
    %mul3A_76 = vector.broadcast %get3A_75 : vector<1x128xf32> to vector<1024x128xf32>
    %mul3A_77 = arith.mulf %mul3A_72, %mul3A_76 : vector<1024x128xf32>
    %get3A_78 = arith.constant 0 : index
    %get3A_79 = arith.constant 0 : index
    %get3A_80 = vector.load %arg7[%get3A_78, %get3A_79] : memref<1x128xf32, #tpu.memory_space<vmem>>, vector<1x128xf32>
    %add3A_81 = vector.broadcast %get3A_80 : vector<1x128xf32> to vector<1024x128xf32>
    %add3A_82 = arith.addf %mul3A_77, %add3A_81 : vector<1024x128xf32>
    %swap3A = arith.constant 0 : index
    %swap3A_83 = arith.constant 0 : index
    %swap3A_84 = vector.load %arg8[%swap3A, %swap3A_83] : memref<1024x128xf32, #tpu.memory_space<vmem>>, vector<1024x128xf32>
    tpu.vector_store %arg8[%swap3A, %swap3A_83], %add3A_82 {strides = array<i32>} : memref<1024x128xf32, #tpu.memory_space<vmem>>, vector<1024x128xf32>,
    return
  }
  func.func @transform_0(%arg0: i32) -> (i32, i32) {
    %c0_i32 = arith.constant 0 : i32
    %c0_i32_0 = arith.constant 0 : i32
    return %arg0, %c0_i32 : i32, i32
  }
  func.func @transform_1(%arg0: i32) -> (i32, i32) {
    %c0_i32 = arith.constant 0 : i32
    %c0_i32_0 = arith.constant 0 : i32
    return %arg0, %c0_i32 : i32, i32
  }
  func.func @transform_2(%arg0: i32) -> (i32, i32) {
    %c0_i32 = arith.constant 0 : i32
    %c0_i32_0 = arith.constant 0 : i32
    %c0_i32_1 = arith.constant 0 : i32
    return %c0_i32, %c0_i32_0 : i32, i32
  }
  func.func @transform_3(%arg0: i32) -> (i32, i32, i32) {
    %c0_i32 = arith.constant 0 : i32
    %c0_i32_0 = arith.constant 0 : i32
    %c0_i32_1 = arith.constant 0 : i32
    %c0_i32_2 = arith.constant 0 : i32
    return %c0_i32, %c0_i32_0, %c0_i32_1 : i32, i32, i32
  }
  func.func @transform_4(%arg0: i32) -> (i32, i32) {
    %c0_i32 = arith.constant 0 : i32
    %c0_i32_0 = arith.constant 0 : i32
    %c0_i32_1 = arith.constant 0 : i32
    return %c0_i32, %c0_i32_0 : i32, i32
  }
  func.func @transform_5(%arg0: i32) -> (i32, i32) {
    %c0_i32 = arith.constant 0 : i32
    %c0_i32_0 = arith.constant 0 : i32
    %c0_i32_1 = arith.constant 0 : i32
    return %c0_i32, %c0_i32_0 : i32, i32
  }
  func.func @transform_6(%arg0: i32) -> (i32, i32) {
    %c0_i32 = arith.constant 0 : i32
    %c0_i32_0 = arith.constant 0 : i32
    %c0_i32_1 = arith.constant 0 : i32
    return %c0_i32, %c0_i32_0 : i32, i32
  }
  func.func @transform_7(%arg0: i32) -> (i32, i32) {
    %c0_i32 = arith.constant 0 : i32
    %c0_i32_0 = arith.constant 0 : i32
    return %arg0, %c0_i32 : i32, i32
  }
}

module attributes {stable_mosaic.version = 14 : i64} {
  func.func @_head_body(%arg0: i32, %arg1: memref<4096x128xf32, #tpu.memory_space<vmem>>, %arg2: memref<128x128xf32, #tpu.memory_space<vmem>>, %arg3: memref<1x128xf32, #tpu.memory_space<vmem>>, %arg4: memref<128x128xf32, #tpu.memory_space<vmem>>, %arg5: memref<1x128xf32, #tpu.memory_space<vmem>>, %arg6: memref<128x128xf32, #tpu.memory_space<vmem>>, %arg7: memref<1x128xf32, #tpu.memory_space<vmem>>, %arg8: memref<128x128xf32, #tpu.memory_space<vmem>>, %arg9: memref<1x128xf32, #tpu.memory_space<vmem>>, %arg10: memref<1x128xf32, #tpu.memory_space<vmem>>, %arg11: memref<1x128xf32, #tpu.memory_space<vmem>>) attributes {dimension_semantics = [#tpu.dimension_semantics<arbitrary>], iteration_bounds = array<i64: 1>, scalar_prefetch = 0 : i64, scratch_operands = 0 : i64, tpu.core_type = #tpu.core_type<tc>, window_params = [{pipeline_mode = #tpu.pipeline_mode<synchronous>, transform_indices = @transform_0, window_bounds = array<i64: 4096, 128>}, {pipeline_mode = #tpu.pipeline_mode<synchronous>, transform_indices = @transform_1, window_bounds = array<i64: 128, 128>}, {pipeline_mode = #tpu.pipeline_mode<synchronous>, transform_indices = @transform_2, window_bounds = array<i64: 1, 128>}, {pipeline_mode = #tpu.pipeline_mode<synchronous>, transform_indices = @transform_3, window_bounds = array<i64: 128, 128>}, {pipeline_mode = #tpu.pipeline_mode<synchronous>, transform_indices = @transform_4, window_bounds = array<i64: 1, 128>}, {pipeline_mode = #tpu.pipeline_mode<synchronous>, transform_indices = @transform_5, window_bounds = array<i64: 128, 128>}, {pipeline_mode = #tpu.pipeline_mode<synchronous>, transform_indices = @transform_6, window_bounds = array<i64: 1, 128>}, {pipeline_mode = #tpu.pipeline_mode<synchronous>, transform_indices = @transform_7, window_bounds = array<i64: 128, 128>}, {pipeline_mode = #tpu.pipeline_mode<synchronous>, transform_indices = @transform_8, window_bounds = array<i64: 1, 128>}, {pipeline_mode = #tpu.pipeline_mode<synchronous>, transform_indices = @transform_9, window_bounds = array<i64: 1, 128>}, {pipeline_mode = #tpu.pipeline_mode<synchronous>, transform_indices = @transform_10, window_bounds = array<i64: 1, 128>}]} {
    %get3A = arith.constant 0 : index
    %get3A_0 = arith.constant 0 : index
    %get3A_1 = vector.load %arg1[%get3A, %get3A_0] : memref<4096x128xf32, #tpu.memory_space<vmem>>, vector<4096x128xf32>
    %reduce_sum3A = arith.constant dense<0.000000e+00> : vector<128xf32>
    %reduce_sum3A_2 = vector.multi_reduction <add>, %get3A_1, %reduce_sum3A [0] : vector<4096x128xf32> to vector<128xf32>
    %broadcast_in_dim3A = vector.shape_cast %reduce_sum3A_2 : vector<128xf32> to vector<1x128xf32>
    %div3A = arith.constant 4.096000e+03 : f32
    %div3A_3 = vector.broadcast %div3A : f32 to vector<1x128xf32>
    %div3A_4 = arith.divf %broadcast_in_dim3A, %div3A_3 : vector<1x128xf32>
    %get3A_5 = arith.constant 0 : index
    %get3A_6 = arith.constant 0 : index
    %get3A_7 = vector.load %arg2[%get3A_5, %get3A_6] : memref<128x128xf32, #tpu.memory_space<vmem>>, vector<128x128xf32>
    %dot_general3A = arith.constant dense<0.000000e+00> : vector<1x128xf32>
    %dot_general3A_8 = tpu.matmul %div3A_4, %get3A_7, %dot_general3A {dimension_numbers = #tpu.dot_dimension_numbers<[1], [0], [0], [1], [0, 0, 1, 1], [], []>, transpose_lhs_hint = false} : vector<1x128xf32>, vector<128x128xf32>, vector<1x128xf32> -> vector<1x128xf32>
    %get3A_9 = arith.constant 0 : index
    %get3A_10 = arith.constant 0 : index
    %get3A_11 = vector.load %arg3[%get3A_9, %get3A_10] : memref<1x128xf32, #tpu.memory_space<vmem>>, vector<1x128xf32>
    %add3A = arith.addf %dot_general3A_8, %get3A_11 : vector<1x128xf32>
    %max3A = arith.constant 0.000000e+00 : f32
    %max3A_12 = vector.broadcast %max3A : f32 to vector<1x128xf32>
    %max3A_13 = arith.maximumf %add3A, %max3A_12 : vector<1x128xf32>
    %get3A_14 = arith.constant 0 : index
    %get3A_15 = arith.constant 0 : index
    %get3A_16 = vector.load %arg4[%get3A_14, %get3A_15] : memref<128x128xf32, #tpu.memory_space<vmem>>, vector<128x128xf32>
    %dot_general3A_17 = arith.constant dense<0.000000e+00> : vector<1x128xf32>
    %dot_general3A_18 = tpu.matmul %max3A_13, %get3A_16, %dot_general3A_17 {dimension_numbers = #tpu.dot_dimension_numbers<[1], [0], [0], [1], [0, 0, 1, 1], [], []>, transpose_lhs_hint = false} : vector<1x128xf32>, vector<128x128xf32>, vector<1x128xf32> -> vector<1x128xf32>
    %get3A_19 = arith.constant 0 : index
    %get3A_20 = arith.constant 0 : index
    %get3A_21 = vector.load %arg5[%get3A_19, %get3A_20] : memref<1x128xf32, #tpu.memory_space<vmem>>, vector<1x128xf32>
    %add3A_22 = arith.addf %dot_general3A_18, %get3A_21 : vector<1x128xf32>
    %get3A_23 = arith.constant 0 : index
    %get3A_24 = arith.constant 0 : index
    %get3A_25 = vector.load %arg6[%get3A_23, %get3A_24] : memref<128x128xf32, #tpu.memory_space<vmem>>, vector<128x128xf32>
    %dot_general3A_26 = arith.constant dense<0.000000e+00> : vector<1x128xf32>
    %dot_general3A_27 = tpu.matmul %add3A_22, %get3A_25, %dot_general3A_26 {dimension_numbers = #tpu.dot_dimension_numbers<[1], [0], [0], [1], [0, 0, 1, 1], [], []>, transpose_lhs_hint = false} : vector<1x128xf32>, vector<128x128xf32>, vector<1x128xf32> -> vector<1x128xf32>
    %get3A_28 = arith.constant 0 : index
    %get3A_29 = arith.constant 0 : index
    %get3A_30 = vector.load %arg7[%get3A_28, %get3A_29] : memref<1x128xf32, #tpu.memory_space<vmem>>, vector<1x128xf32>
    %add3A_31 = arith.addf %dot_general3A_27, %get3A_30 : vector<1x128xf32>
    %swap3A = arith.constant 0 : index
    %swap3A_32 = arith.constant 0 : index
    %swap3A_33 = vector.load %arg10[%swap3A, %swap3A_32] : memref<1x128xf32, #tpu.memory_space<vmem>>, vector<1x128xf32>
    tpu.vector_store %arg10[%swap3A, %swap3A_32], %add3A_31 {strides = array<i32>} : memref<1x128xf32, #tpu.memory_space<vmem>>, vector<1x128xf32>,
    %get3A_34 = arith.constant 0 : index
    %get3A_35 = arith.constant 0 : index
    %get3A_36 = vector.load %arg8[%get3A_34, %get3A_35] : memref<128x128xf32, #tpu.memory_space<vmem>>, vector<128x128xf32>
    %dot_general3A_37 = arith.constant dense<0.000000e+00> : vector<1x128xf32>
    %dot_general3A_38 = tpu.matmul %add3A_22, %get3A_36, %dot_general3A_37 {dimension_numbers = #tpu.dot_dimension_numbers<[1], [0], [0], [1], [0, 0, 1, 1], [], []>, transpose_lhs_hint = false} : vector<1x128xf32>, vector<128x128xf32>, vector<1x128xf32> -> vector<1x128xf32>
    %get3A_39 = arith.constant 0 : index
    %get3A_40 = arith.constant 0 : index
    %get3A_41 = vector.load %arg9[%get3A_39, %get3A_40] : memref<1x128xf32, #tpu.memory_space<vmem>>, vector<1x128xf32>
    %add3A_42 = arith.addf %dot_general3A_38, %get3A_41 : vector<1x128xf32>
    %logistic3A = arith.negf %add3A_42 : vector<1x128xf32>
    %logistic3A_43 = math.exp %logistic3A : vector<1x128xf32>
    %logistic3A_44 = arith.constant 1.000000e+00 : f32
    %logistic3A_45 = vector.broadcast %logistic3A_44 : f32 to vector<1x128xf32>
    %logistic3A_46 = arith.addf %logistic3A_45, %logistic3A_43 : vector<1x128xf32>
    %logistic3A_47 = arith.divf %logistic3A_45, %logistic3A_46 : vector<1x128xf32>
    %mul3A = arith.constant 0.899999976 : f32
    %mul3A_48 = vector.broadcast %mul3A : f32 to vector<1x128xf32>
    %mul3A_49 = arith.mulf %mul3A_48, %logistic3A_47 : vector<1x128xf32>
    %add3A_50 = arith.constant 1.000000e-01 : f32
    %add3A_51 = vector.broadcast %add3A_50 : f32 to vector<1x128xf32>
    %add3A_52 = arith.addf %add3A_51, %mul3A_49 : vector<1x128xf32>
    %swap3A_53 = arith.constant 0 : index
    %swap3A_54 = arith.constant 0 : index
    %swap3A_55 = vector.load %arg11[%swap3A_53, %swap3A_54] : memref<1x128xf32, #tpu.memory_space<vmem>>, vector<1x128xf32>
    tpu.vector_store %arg11[%swap3A_53, %swap3A_54], %add3A_52 {strides = array<i32>} : memref<1x128xf32, #tpu.memory_space<vmem>>, vector<1x128xf32>,
    return
  }
  func.func @transform_0(%arg0: i32) -> (i32, i32) {
    %c0_i32 = arith.constant 0 : i32
    %c0_i32_0 = arith.constant 0 : i32
    %c0_i32_1 = arith.constant 0 : i32
    return %c0_i32, %c0_i32_0 : i32, i32
  }
  func.func @transform_1(%arg0: i32) -> (i32, i32) {
    %c0_i32 = arith.constant 0 : i32
    %c0_i32_0 = arith.constant 0 : i32
    %c0_i32_1 = arith.constant 0 : i32
    return %c0_i32, %c0_i32_0 : i32, i32
  }
  func.func @transform_2(%arg0: i32) -> (i32, i32) {
    %c0_i32 = arith.constant 0 : i32
    %c0_i32_0 = arith.constant 0 : i32
    %c0_i32_1 = arith.constant 0 : i32
    return %c0_i32, %c0_i32_0 : i32, i32
  }
  func.func @transform_3(%arg0: i32) -> (i32, i32) {
    %c0_i32 = arith.constant 0 : i32
    %c0_i32_0 = arith.constant 0 : i32
    %c0_i32_1 = arith.constant 0 : i32
    return %c0_i32, %c0_i32_0 : i32, i32
  }
  func.func @transform_4(%arg0: i32) -> (i32, i32) {
    %c0_i32 = arith.constant 0 : i32
    %c0_i32_0 = arith.constant 0 : i32
    %c0_i32_1 = arith.constant 0 : i32
    return %c0_i32, %c0_i32_0 : i32, i32
  }
  func.func @transform_5(%arg0: i32) -> (i32, i32) {
    %c0_i32 = arith.constant 0 : i32
    %c0_i32_0 = arith.constant 0 : i32
    %c0_i32_1 = arith.constant 0 : i32
    return %c0_i32, %c0_i32_0 : i32, i32
  }
  func.func @transform_6(%arg0: i32) -> (i32, i32) {
    %c0_i32 = arith.constant 0 : i32
    %c0_i32_0 = arith.constant 0 : i32
    %c0_i32_1 = arith.constant 0 : i32
    return %c0_i32, %c0_i32_0 : i32, i32
  }
  func.func @transform_7(%arg0: i32) -> (i32, i32) {
    %c0_i32 = arith.constant 0 : i32
    %c0_i32_0 = arith.constant 0 : i32
    %c0_i32_1 = arith.constant 0 : i32
    return %c0_i32, %c0_i32_0 : i32, i32
  }
  func.func @transform_8(%arg0: i32) -> (i32, i32) {
    %c0_i32 = arith.constant 0 : i32
    %c0_i32_0 = arith.constant 0 : i32
    %c0_i32_1 = arith.constant 0 : i32
    return %c0_i32, %c0_i32_0 : i32, i32
  }
  func.func @transform_9(%arg0: i32) -> (i32, i32) {
    %c0_i32 = arith.constant 0 : i32
    %c0_i32_0 = arith.constant 0 : i32
    %c0_i32_1 = arith.constant 0 : i32
    return %c0_i32, %c0_i32_0 : i32, i32
  }
  func.func @transform_10(%arg0: i32) -> (i32, i32) {
    %c0_i32 = arith.constant 0 : i32
    %c0_i32_0 = arith.constant 0 : i32
    %c0_i32_1 = arith.constant 0 : i32
    return %c0_i32, %c0_i32_0 : i32, i32
  }
}

</mosaic_0001>

<sc_bundles>
// kernel: kernel.13.cloned.1.call-start
scs
__scs_entry_jumppad:
0x0: {  	(pc) =	sbr.rel $0x88, $3  }
0x1: {  	(tag) =	ssettag $0x0;
	lr =	simm.s32 $0x1  }
0x2: {  	[smem:$0x3F86] =	sst lr;
	_ =	strace $0xD0000000  }
0x3: {  	_ = 	snop  }
0x4: {  	_ = 	snop  }
0x5: {  	_ = 	snop  }
0x6: {  	_ = 	snop  }
0x7: {  	_ = 	snop  }
__scs_overlays_trampoline_lowered:
0x8: {  	[smem:$0x3F95] =	sst s0  }
0x9: {  	[smem:$0x3F96] =	sst s1  }
0xa: {  	[smem:$0x3F97] =	sst s2  }
0xb: {  	[smem:$0x3F98] =	sst s3  }
0xc: {  	[smem:$0x3F99] =	sst s4  }
0xd: {  	[smem:$0x3F9A] =	sst s5  }
0xe: {  	[smem:$0x3F9B] =	sst s6  }
0xf: {  	[smem:$0x3F9C] =	sst s7  }
0x10: {  	[smem:$0x3F9D] =	sst s8  }
0x11: {  	[smem:$0x3F9E] =	sst s9;
	s0 =	simm.s32 @!p0 $0x0  }
0x12: {  	s1 =	sld [smem:$0x3F84];
	s0 =	simm.s32 @p0 $0x1  }
0x13: {  	[smem:$0x3F9F] =	sst s0;
	s0 =	simm.s32 @!p1 $0x0  }
0x14: {  	s2 =	sld [smem:$0x3F83];
	s0 =	simm.s32 @p1 $0x1  }
0x15: {  	[smem:$0x3FA0] =	sst s0;
	s0 =	simm.s32 @!p2 $0x0  }
0x16: {  	s3 =	sld [smem:$0x3FDB];
	s0 =	simm.s32 @p2 $0x1  }
0x17: {  	s4 =	simm.s32 $0x1BF5;
	[smem:$0x3FA2] =	sst s0  }
0x18: {  	s0 =	sld [smem:$0x3F85];
	_ =	swait.ge [sflag:s4], $0x0  }
0x19: {  	s7 =	sld [smem:$0x3F86]  }
0x1a: {  	s8 =	sadd.s32 $0xFFFFE003, lr  }
0x1b: {  	s9 =	sadd.s32 $0xFFFFFEF7, lr;
	s5 =	simm.s32 $0xFFFFFFFF;
	p2 =	slt.u32 s8, $0xFFFFF086  }
0x1c: {  	p1 =	slt.u32 s9, $0xF7A;
	s5 =	simm.s32 @!p2 $0x0  }
0x1d: {  	s5 =	simm.s32 @p1 $0x1;
	p0 =	seq.s32 s7, s2  }
0x1e: {  	s7 =	smul.u32 @!p0 $0xF7A, s2;
	p2 =	seq.s32 @!p0 s5, $0x0  }
0x1f: {  	s9 =	smul.u32 $0xF7A, s1;
	s8 =	simm.s32 @!p0 $0x1BF5;
	p2 =	por !p2, p0  }
0x20: {  	[sflag:s8] =	ssyncset.s32 @!p0 $0xFFFFF086;
	s6 =	sadd.s32 @!p0 s3, s7;
	s7 =	simm.s32 @!p0 $0x108  }
0x21: {  	s3 =	sadd.s32 s3, s9;
	s6 =	sadd.s32 @!p0 $0x88, s6;
	s7 =	simm.s32 @p2 $0x1082  }
0x22: {  	[simem:s7], [sflag:s8] =	dma.local @!p0 [hbm:s6], $0xF7A  }
0x23: {  	s9 =	sor.u32 $0xD0000000, s2;
	s6 =	simm.s32 $0x108;
	_ =	swait.ge @!p0 [sflag:s8], $0x0  }
0x24: {  	s3 =	sadd.s32 $0x88, s3;
	s6 =	simm.s32 @!p1 $0x1082;
	[sflag:s4] =	ssyncset.s32 $0xFFFFF086  }
0x25: {  	[simem:s6], [sflag:s4] =	dma.local [hbm:s3], $0xF7A  }
0x26: {  	[smem:$0x3F86] =	sst s1;
	(tag) =	ssettag s2;
	_ =	strace s9  }
0x27: {  	s1 =	sld [smem:$0x3F96]  }
0x28: {  	s2 =	sld [smem:$0x3F97]  }
0x29: {  	s4 =	sld [smem:$0x3F99]  }
0x2a: {  	p0 =	seq.s32 s5, $0x0;
	s5 =	sld [smem:$0x3F9A]  }
0x2b: {  	s6 =	sld [smem:$0x3F9B]  }
0x2c: {  	s7 =	sld [smem:$0x3F9C]  }
0x2d: {  	s3 =	simm.s32 $0x108;
	s8 =	sld [smem:$0x3F9D]  }
0x2e: {  	s3 =	simm.s32 @!p0 $0x1082;
	s9 =	sld [smem:$0x3F9E]  }
0x2f: {  	lr =	sadd.s32 s0, s3;
	s0 =	sld [smem:$0x3F95]  }
0x30: {  	s3 =	sld [smem:$0x3F98]  }
0x31: {  	[smem:$0x3FA1] =	sst s10  }
0x32: {  	s10 =	sld [smem:$0x3F9F];
	_ =	sdelay $0x3  }
0x33: {  	p0 =	seq.s32 s10, $0x1;
	s10 =	sld [smem:$0x3FA1];
	_ =	sdelay $0x3  }
0x34: {  	[smem:$0x3FA1] =	sst s10  }
0x35: {  	s10 =	sld [smem:$0x3FA0];
	_ =	sdelay $0x3  }
0x36: {  	p1 =	seq.s32 s10, $0x1;
	s10 =	sld [smem:$0x3FA1];
	_ =	sdelay $0x3  }
0x37: {  	[smem:$0x3FA1] =	sst s10  }
0x38: {  	s10 =	sld [smem:$0x3FA2]  }
0x39: {  	_ = 	snop;
	(pc) =	sbr.ind lr, $3  }
0x3a: {  	_ = 	snop  }
0x3b: {  	_ = 	snop  }
0x3c: {  	p2 =	seq.s32 s10, $0x1;
	s10 =	sld [smem:$0x3FA1]  }
0x3d: {  	_ =	shalt  }
0x3e: {  	_ =	shalt  }
0x3f: {  	_ =	shalt  }
0x40: {  	_ =	shalt  }
0x41: {  	_ =	shalt  }
0x42: {  	_ =	shalt  }
0x43: {  	_ =	shalt  }
0x44: {  	_ =	shalt  }
0x45: {  	_ =	shalt  }
0x46: {  	_ =	shalt  }
0x47: {  	_ =	shalt  }
0x48: {  	_ =	shalt  }
0x49: {  	_ =	shalt  }
0x4a: {  	_ =	shalt  }
0x4b: {  	_ =	shalt  }
0x4c: {  	_ =	shalt  }
0x4d: {  	_ =	shalt  }
0x4e: {  	_ =	shalt  }
0x4f: {  	_ =	shalt  }
0x50: {  	_ =	shalt  }
0x51: {  	_ =	shalt  }
0x52: {  	_ =	shalt  }
0x53: {  	_ =	shalt  }
0x54: {  	_ =	shalt  }
0x55: {  	_ =	shalt  }
0x56: {  	_ =	shalt  }
0x57: {  	_ =	shalt  }
0x58: {  	_ =	shalt  }
0x59: {  	_ =	shalt  }
0x5a: {  	_ =	shalt  }
0x5b: {  	_ =	shalt  }
0x5c: {  	_ =	shalt  }
0x5d: {  	_ =	shalt  }
0x5e: {  	_ =	shalt  }
0x5f: {  	_ =	shalt  }
0x60: {  	_ =	shalt  }
0x61: {  	_ =	shalt  }
0x62: {  	_ =	shalt  }
0x63: {  	_ =	shalt  }
0x64: {  	_ =	shalt  }
0x65: {  	_ =	shalt  }
0x66: {  	_ =	shalt  }
0x67: {  	_ =	shalt  }
0x68: {  	_ =	shalt  }
0x69: {  	_ =	shalt  }
0x6a: {  	_ =	shalt  }
0x6b: {  	_ =	shalt  }
0x6c: {  	_ =	shalt  }
0x6d: {  	_ =	shalt  }
0x6e: {  	_ =	shalt  }
0x6f: {  	_ =	shalt  }
0x70: {  	_ =	shalt  }
0x71: {  	_ =	shalt  }
0x72: {  	_ =	shalt  }
0x73: {  	_ =	shalt  }
0x74: {  	_ =	shalt  }
0x75: {  	_ =	shalt  }
0x76: {  	_ =	shalt  }
0x77: {  	_ =	shalt  }
0x78: {  	_ =	shalt  }
0x79: {  	_ =	shalt  }
0x7a: {  	_ =	shalt  }
0x7b: {  	_ =	shalt  }
0x7c: {  	_ =	shalt  }
0x7d: {  	_ =	shalt  }
0x7e: {  	_ =	shalt  }
0x7f: {  	_ =	shalt  }
0x80: {  	_ =	shalt  }
0x81: {  	_ =	shalt  }
0x82: {  	_ =	shalt  }
0x83: {  	_ =	shalt  }
0x84: {  	_ =	shalt  }
0x85: {  	_ =	shalt  }
0x86: {  	_ =	shalt  }
0x87: {  	_ =	shalt  }
.Lfunc_end0:
.L_simem_size_0:
called_computation_lowered:
.L_overlay_start_0:
0x88: {  	s2 =	sld [smem:$0x3FD9]  }
0x89: {  	s3 =	sld [smem:$0x3FFE];
	_ =	sdelay $0x1  }
0x8a: {  	s1 =	srdreg.scid  }
0x8b: {  	s0 =	sand.u32 $0x1, s1  }
0x8c: {  	s14 =	sshll.u32 s0, $0xA;
	s2 =	sadd.s32 s3, s2  }
0x8d: {  	s2 =	sadd.s32 s2, s14  }
0x8e: {  	[smem:$0x3FAD] =	sst s2  }
0x8f: {  	_ = 	snop  }
0x90: {  	s2 =	sld [smem:$0x3FD0];
	_ =	sdelay $0x2  }
0x91: {  	s15 =	simm.s32 $0xB;
	s4 =	simm.s32 $0x10  }
0x92: {  	[smem:s4], [sflag:s15] =	dma.local [hbm:s2], $0x1  }
0x93: {  	_ =	swait.eq [sflag:s15], $0x1  }
0x94: {  	[sflag:s15] =	ssyncset.done $0x0  }
0x95: {  	s16 =	sld [smem:$0x12];
	[sflag:s15] =	ssyncadd.s32 $0xFFFFFFFF  }
0x96: {  	s17 =	sld [smem:$0x13];
	(tm) =	ssettm $0x1  }
0x97: {  	s18 =	sld [smem:$0x3FFB];
	_ =	sdelay $0x3  }
0x98: {  	_ =	strace s18  }
0x99: {  	s4 =	sld [smem:$0x3FFC];
	_ =	sdelay $0x3  }
0x9a: {  	_ =	strace s4  }
0x9b: {  	s4 =	sld [smem:$0x3FFD];
	_ =	sdelay $0x3  }
0x9c: {  	_ =	strace s4  }
0x9d: {  	_ =	strace $0x8FFFFFFF  }
0x9e: {  	s19 =	sld [smem:$0x3FDB];
	_ =	sdelay $0x1  }
0x9f: {  	s5 =	simm.s32 $_scs_section_size  }
0xa0: {  	s6 =	simm.s32 $_size__tile_overlayer_lowered;
	s7 =	simm.s32 $_tile_overlayer_lowered  }
0xa1: {  	s22 =	simm.s32 $0x1BFF;
	s21 =	sshll.u32 s7, $0x1;
	s4 =	sadd.s32 s5, s19  }
0xa2: {  	s8 =	simm.s32 $0x0;
	s20 =	sshll.u32 s6, $0x1;
	s6 =	sadd.s32 s21, s4  }
0xa3: {  	[timem:s8], [sflag:s22] =	dma.local [hbm:s6], s20  }
0xa4: {  	_ =	swait.ge [sflag:s22], s20  }
0xa5: {  	s5 =	ssub.s32 $0x0, s20;
	[sflag:s22] =	ssyncset.done $0x0  }
0xa6: {  	[sflag:s22] =	ssyncadd.s32 s5;
	_ =	sdelay $0x1  }
0xa7: {  	s23 =	simm.s32 $0x1B8B  }
0xa8: {  	_ =	swait.ge [sflag:s23], $0x1  }
0xa9: {  	[sflag:s23] =	ssyncset.done $0x0  }
0xaa: {  	s25 =	simm.s32 $0x1B8E;
	s24 =	sld [smem:$0x3FFE];
	[sflag:s23] =	ssyncadd.s32 $0xFFFFFFFF  }
0xab: {  	s26 =	simm.s32 $execute0_lowered;
	[smem:$0x3FD2] =	sst s25  }
0xac: {  	s6 =	sshll.u32 s26, $0x1;
	_ =	strace $0x80000046;
	[dreg:$0x1] =	wrdreg $0xFFFFFFFF  }
0xad: {  	s28 =	simm.s32 $_size_execute0_lowered;
	s4 =	sadd.s32 s4, s6;
	[dreg:$0x0] =	wrdreg $0x0  }
0xae: {  	s6 =	sshll.u32 s28, $0x1;
	[dreg:$0x2] =	wrdreg s4  }
0xaf: {  	[dreg:$0x3] =	wrdreg s6  }
0xb0: {  	[dreg:$0x4] =	wrdreg $0xC0  }
0xb1: {  	_ =	task [dreg:s8], $0x5FFFF  }
0xb2: {  	[dreg:$0x1] =	wrdreg $0xFFFFFFFF  }
0xb3: {  	[dreg:$0x0] =	wrdreg $0x60  }
0xb4: {  	[dreg:$0x2] =	wrdreg s17  }
0xb5: {  	[dreg:$0x3] =	wrdreg s24  }
0xb6: {  	[dreg:$0x4] =	wrdreg s16  }
0xb7: {  	[dreg:$0x5] =	wrdreg $0x9  }
0xb8: {  	_ =	task.clear_ibuf [dreg:s8], $0x6FFFF;
	_ =	strace $0x90000046  }
0xb9: {  	s29 =	simm.s32 $0x9;
	_ =	strace $0x80000048  }
0xba: {  	_ =	swait.ge [sflag:s29], $0x1  }
0xbb: {  	[sflag:s29] =	ssyncadd.s32 $0xFFFFFFFF  }
0xbc: {  	_ =	strace $0x90000048  }
0xbd: {  	_ =	sfence  }
0xbe: {  	s30 =	sld [smem:$0x0];
	_ =	sdelay $0x2  }
0xbf: {  	s31 =	sshll.u32 s1, $0xD;
	s1 =	sshrl.u32 s1, $0x2  }
0xc0: {  	s3 =	sand.u32 $0x4000, s31;
	s1 =	sadd.s32 s1, s30  }
0xc1: {  	s0 =	sor.u32 s3, s0;
	s1 =	sshll.u32 s1, $0x11  }
0xc2: {  	s0 =	sor.u32 s1, s0  }
0xc3: {  	s0 =	sadd.s32 $0x8F2B, s0  }
0xc4: {  	[sflag:s0] =	ssyncadd.remote.s32 $0x1  }
0xc5: {  	_ =	sfence.sel $0xFFFF  }
0xc6: {  	[dreg:$0x0] =	wrdreg $0xFFFFFFFF;
	(pc) =	sbr.abs _section_cstart, $3  }
0xc7: {  	[dreg:$0x1] =	wrdreg $0xFFFFFFFF  }
0xc8: {  	_ =	task.clear_ibuf [dreg:s8], $0x2FFFF;
	_ =	strace $0x9FFFFFFF  }
0xc9: {  	(tm) =	ssettm $0x7FFFFFFF  }
tec
execute0_lowered:
.L_overlay_start_1:
0x0: {  	(tag) =	ssettag $0x1  }
0x1: {  	s6 =	rddreg [dreg:$0x0]  }
0x2: {  	s1 =	srdreg.scid;
	s0 =	stileid.u32  }
0x3: {  	s4 =	rddreg [dreg:$0x1];
	s7 =	sand.u32 $0x1, s1;
	s29 =	sshll.u32 s0, $0x1  }
0x4: {  	s2 =	rddreg [dreg:$0x2];
	s3 =	simm.s32 $0x0;
	s8 =	sor.u32 s7, s29  }
0x5: {  	[smem:$0x7FF] =	sst s3;
	s5 =	sshll.u32 s8, $0x4  }
0x6: {  	s1 =	rddreg [dreg:$0x3];
	_ =	strace $0x80000047;
	s4 =	sadd.s32 s5, s4  }
0x7: {  	s9 =	ssub.s32 $0x2, s7;
	s5 =	simm.s32 $0x2;
	s4 =	sadd.s32 $0x2E00, s4  }
0x8: {  	[tilespmem:s3], [sflag:$0x2] =	stream.linear.gather [hbm4b:s4+s3], $0x80, $0x38;
	[tilespmem:$0x4080] =	vst v63  }
0x9: {  	s7 =	simm.s32 $0x80;
	s31 =	sshrl.u32 s9, $0x1;
	_ =	swait.ge [sflag:s5], $0x80  }
0xa: {  	s30 =	sshll.u32 s8, $0xB;
	s8 =	ssub.s32 s9, s31;
	[sflag:s5] =	ssyncset.done $0x0  }
0xb: {  	s6 =	sadd.s32 s6, s30;
	s9 =	smax.u32 s8, $0x1;
	[sflag:s5] =	ssyncadd.s32 $0xFFFFFF80  }
0xc: {  	[tilespmem:s7], [sflag:$0x2] =	stream.linear.gather [hbm4b:s6+s3], $0x4000, $0x38;
	[tilespmem:$0x4080] =	vst v63  }
0xd: {  	p0 =	sne.s32 s9, $0x1;
	_ =	swait.ge [sflag:s5], $0x4000  }
.Ltmp0:
0xe: {  	[sflag:s5] =	ssyncset.done $0x0;
	(pc) =	sbr.rel @!p0 .LBB2_2-.Ltmp0, $4  }
0xf: {  	s8 =	simm.s32 $0x1;
	[sflag:s5] =	ssyncadd.s32 $0xFFFFC000  }
0x10: {  	[hbm4b:s2+s7] =	stream.indirect.scatter [tilespmem:s7], [sflag:$0x1], $0x80, s3, s7, $0xb8;
	[tilespmem:$0x4080] =	vst v63  }
0x11: {  	_ =	swait.ge [sflag:s8], $0x4000  }
0x12: {  	s9 =	sadd.s32 $0xFFFFFFFF, s9;
	[sflag:s8] =	ssyncset.done $0x0  }
.LBB2_1:
0x13: {  	p0 =	sne.s32 s9, $0x1;
	s9 =	sadd.s32 $0xFFFFFFFF, s9;
	[sflag:s8] =	ssyncadd.s32 $0xFFFFC000  }
0x14: {  	[tilespmem:s3], [sflag:$0x2] =	stream.linear.gather [hbm4b:s4+s3], $0x80, $0x38;
	[tilespmem:$0x4080] =	vst v63  }
0x15: {  	_ =	swait.ge [sflag:s5], $0x80  }
0x16: {  	[sflag:s5] =	ssyncset.done $0x0  }
0x17: {  	[sflag:s5] =	ssyncadd.s32 $0xFFFFFF80  }
0x18: {  	[tilespmem:s7], [sflag:$0x2] =	stream.linear.gather [hbm4b:s6+s3], $0x4000, $0x38;
	[tilespmem:$0x4080] =	vst v63  }
0x19: {  	_ =	swait.ge [sflag:s5], $0x4000  }
.Ltmp1:
0x1a: {  	[sflag:s5] =	ssyncset.done $0x0;
	(pc) =	sbr.rel @p0 .LBB2_1-.Ltmp1, $4  }
0x1b: {  	[sflag:s5] =	ssyncadd.s32 $0xFFFFC000  }
0x1c: {  	[hbm4b:s2+s7] =	stream.indirect.scatter [tilespmem:s7], [sflag:$0x1], $0x80, s3, s7, $0xb8;
	[tilespmem:$0x4080] =	vst v63  }
0x1d: {  	_ =	swait.ge [sflag:s8], $0x4000  }
0x1e: {  	[sflag:s8] =	ssyncset.done $0x0  }
.LBB2_2:
0x1f: {  	[sflag:s8] =	ssyncadd.s32 $0xFFFFC000  }
0x20: {  	_ =	sfence.sel $0x180000  }
0x21: {  	[bflag:$0x0] =	sbarrier.arrive $0xFFFF  }
0x22: {  	p0 =	sne.s32 s0, $0x0;
	_ =	strace $0x90000047  }
0x23: {  	s0 =	sadd.s32 @!p0 $0x100000, s1;
	[bflag:$0x2] =	sbarrier.arrive $0xFFFF  }
0x24: {  	[sflag:s0] =	ssyncadd.tile.s32 @!p0 $0x1;
	_ =	shalt  }
.Lfunc_end2:
_tile_overlayer_lowered:
.L_overlay_start_2:
0x25: {  	(tag) =	ssettag $0x2  }
0x26: {  	s0 =	rddreg [dreg:$0x0];
	s2 =	stileid.u32  }
0x27: {  	s1 =	rddreg [dreg:$0x1];
	p0 =	sne.s32 s2, $0x0  }
0x28: {  	s3 =	rddreg [dreg:$0x2];
	[bflag:$0x3] =	sbarrier.arrive $0xFFFF;
	s2 =	simm.s32 @!p0 $0x1C02  }
0x29: {  	[timem:s3], [sflag:s2] =	dma.local @!p0 [hbm:s0], s1  }
0x2a: {  	s0 =	simm.s32 @!p0 $0x2  }
0x2b: {  	_ =	swait.ge @!p0 [sflag:s0], s1  }
0x2c: {  	s1 =	ssub.s32 @!p0 $0x0, s1;
	[sflag:s0] =	ssyncset.done @!p0 $0x0  }
0x2d: {  	[sflag:s0] =	ssyncadd.s32 @!p0 s1  }
0x2e: {  	[bflag:$0x3] =	sbarrier.arrive $0xFFFF  }
0x2f: {  	_ =	shalt  }

// kernel: kernel.16.cloned.1.call-start
scs
__scs_entry_jumppad:
0x0: {  	(pc) =	sbr.rel $0x88, $3  }
0x1: {  	(tag) =	ssettag $0x0;
	lr =	simm.s32 $0x1  }
0x2: {  	[smem:$0x3F86] =	sst lr;
	_ =	strace $0xD0000000  }
0x3: {  	_ = 	snop  }
0x4: {  	_ = 	snop  }
0x5: {  	_ = 	snop  }
0x6: {  	_ = 	snop  }
0x7: {  	_ = 	snop  }
__scs_overlays_trampoline_lowered:
0x8: {  	[smem:$0x3F95] =	sst s0  }
0x9: {  	[smem:$0x3F96] =	sst s1  }
0xa: {  	[smem:$0x3F97] =	sst s2  }
0xb: {  	[smem:$0x3F98] =	sst s3  }
0xc: {  	[smem:$0x3F99] =	sst s4  }
0xd: {  	[smem:$0x3F9A] =	sst s5  }
0xe: {  	[smem:$0x3F9B] =	sst s6  }
0xf: {  	[smem:$0x3F9C] =	sst s7  }
0x10: {  	[smem:$0x3F9D] =	sst s8  }
0x11: {  	[smem:$0x3F9E] =	sst s9;
	s0 =	simm.s32 @!p0 $0x0  }
0x12: {  	s1 =	sld [smem:$0x3F84];
	s0 =	simm.s32 @p0 $0x1  }
0x13: {  	[smem:$0x3F9F] =	sst s0;
	s0 =	simm.s32 @!p1 $0x0  }
0x14: {  	s2 =	sld [smem:$0x3F83];
	s0 =	simm.s32 @p1 $0x1  }
0x15: {  	[smem:$0x3FA0] =	sst s0;
	s0 =	simm.s32 @!p2 $0x0  }
0x16: {  	s3 =	sld [smem:$0x3FDB];
	s0 =	simm.s32 @p2 $0x1  }
0x17: {  	s4 =	simm.s32 $0x1BF5;
	[smem:$0x3FA2] =	sst s0  }
0x18: {  	s0 =	sld [smem:$0x3F85];
	_ =	swait.ge [sflag:s4], $0x0  }
0x19: {  	s7 =	sld [smem:$0x3F86]  }
0x1a: {  	s8 =	sadd.s32 $0xFFFFE003, lr  }
0x1b: {  	s9 =	sadd.s32 $0xFFFFFEF7, lr;
	s5 =	simm.s32 $0xFFFFFFFF;
	p2 =	slt.u32 s8, $0xFFFFF086  }
0x1c: {  	p1 =	slt.u32 s9, $0xF7A;
	s5 =	simm.s32 @!p2 $0x0  }
0x1d: {  	s5 =	simm.s32 @p1 $0x1;
	p0 =	seq.s32 s7, s2  }
0x1e: {  	s7 =	smul.u32 @!p0 $0xF7A, s2;
	p2 =	seq.s32 @!p0 s5, $0x0  }
0x1f: {  	s9 =	smul.u32 $0xF7A, s1;
	s8 =	simm.s32 @!p0 $0x1BF5;
	p2 =	por !p2, p0  }
0x20: {  	[sflag:s8] =	ssyncset.s32 @!p0 $0xFFFFF086;
	s6 =	sadd.s32 @!p0 s3, s7;
	s7 =	simm.s32 @!p0 $0x108  }
0x21: {  	s3 =	sadd.s32 s3, s9;
	s6 =	sadd.s32 @!p0 $0x88, s6;
	s7 =	simm.s32 @p2 $0x1082  }
0x22: {  	[simem:s7], [sflag:s8] =	dma.local @!p0 [hbm:s6], $0xF7A  }
0x23: {  	s9 =	sor.u32 $0xD0000000, s2;
	s6 =	simm.s32 $0x108;
	_ =	swait.ge @!p0 [sflag:s8], $0x0  }
0x24: {  	s3 =	sadd.s32 $0x88, s3;
	s6 =	simm.s32 @!p1 $0x1082;
	[sflag:s4] =	ssyncset.s32 $0xFFFFF086  }
0x25: {  	[simem:s6], [sflag:s4] =	dma.local [hbm:s3], $0xF7A  }
0x26: {  	[smem:$0x3F86] =	sst s1;
	(tag) =	ssettag s2;
	_ =	strace s9  }
0x27: {  	s1 =	sld [smem:$0x3F96]  }
0x28: {  	s2 =	sld [smem:$0x3F97]  }
0x29: {  	s4 =	sld [smem:$0x3F99]  }
0x2a: {  	p0 =	seq.s32 s5, $0x0;
	s5 =	sld [smem:$0x3F9A]  }
0x2b: {  	s6 =	sld [smem:$0x3F9B]  }
0x2c: {  	s7 =	sld [smem:$0x3F9C]  }
0x2d: {  	s3 =	simm.s32 $0x108;
	s8 =	sld [smem:$0x3F9D]  }
0x2e: {  	s3 =	simm.s32 @!p0 $0x1082;
	s9 =	sld [smem:$0x3F9E]  }
0x2f: {  	lr =	sadd.s32 s0, s3;
	s0 =	sld [smem:$0x3F95]  }
0x30: {  	s3 =	sld [smem:$0x3F98]  }
0x31: {  	[smem:$0x3FA1] =	sst s10  }
0x32: {  	s10 =	sld [smem:$0x3F9F];
	_ =	sdelay $0x3  }
0x33: {  	p0 =	seq.s32 s10, $0x1;
	s10 =	sld [smem:$0x3FA1];
	_ =	sdelay $0x3  }
0x34: {  	[smem:$0x3FA1] =	sst s10  }
0x35: {  	s10 =	sld [smem:$0x3FA0];
	_ =	sdelay $0x3  }
0x36: {  	p1 =	seq.s32 s10, $0x1;
	s10 =	sld [smem:$0x3FA1];
	_ =	sdelay $0x3  }
0x37: {  	[smem:$0x3FA1] =	sst s10  }
0x38: {  	s10 =	sld [smem:$0x3FA2]  }
0x39: {  	_ = 	snop;
	(pc) =	sbr.ind lr, $3  }
0x3a: {  	_ = 	snop  }
0x3b: {  	_ = 	snop  }
0x3c: {  	p2 =	seq.s32 s10, $0x1;
	s10 =	sld [smem:$0x3FA1]  }
0x3d: {  	_ =	shalt  }
0x3e: {  	_ =	shalt  }
0x3f: {  	_ =	shalt  }
0x40: {  	_ =	shalt  }
0x41: {  	_ =	shalt  }
0x42: {  	_ =	shalt  }
0x43: {  	_ =	shalt  }
0x44: {  	_ =	shalt  }
0x45: {  	_ =	shalt  }
0x46: {  	_ =	shalt  }
0x47: {  	_ =	shalt  }
0x48: {  	_ =	shalt  }
0x49: {  	_ =	shalt  }
0x4a: {  	_ =	shalt  }
0x4b: {  	_ =	shalt  }
0x4c: {  	_ =	shalt  }
0x4d: {  	_ =	shalt  }
0x4e: {  	_ =	shalt  }
0x4f: {  	_ =	shalt  }
0x50: {  	_ =	shalt  }
0x51: {  	_ =	shalt  }
0x52: {  	_ =	shalt  }
0x53: {  	_ =	shalt  }
0x54: {  	_ =	shalt  }
0x55: {  	_ =	shalt  }
0x56: {  	_ =	shalt  }
0x57: {  	_ =	shalt  }
0x58: {  	_ =	shalt  }
0x59: {  	_ =	shalt  }
0x5a: {  	_ =	shalt  }
0x5b: {  	_ =	shalt  }
0x5c: {  	_ =	shalt  }
0x5d: {  	_ =	shalt  }
0x5e: {  	_ =	shalt  }
0x5f: {  	_ =	shalt  }
0x60: {  	_ =	shalt  }
0x61: {  	_ =	shalt  }
0x62: {  	_ =	shalt  }
0x63: {  	_ =	shalt  }
0x64: {  	_ =	shalt  }
0x65: {  	_ =	shalt  }
0x66: {  	_ =	shalt  }
0x67: {  	_ =	shalt  }
0x68: {  	_ =	shalt  }
0x69: {  	_ =	shalt  }
0x6a: {  	_ =	shalt  }
0x6b: {  	_ =	shalt  }
0x6c: {  	_ =	shalt  }
0x6d: {  	_ =	shalt  }
0x6e: {  	_ =	shalt  }
0x6f: {  	_ =	shalt  }
0x70: {  	_ =	shalt  }
0x71: {  	_ =	shalt  }
0x72: {  	_ =	shalt  }
0x73: {  	_ =	shalt  }
0x74: {  	_ =	shalt  }
0x75: {  	_ =	shalt  }
0x76: {  	_ =	shalt  }
0x77: {  	_ =	shalt  }
0x78: {  	_ =	shalt  }
0x79: {  	_ =	shalt  }
0x7a: {  	_ =	shalt  }
0x7b: {  	_ =	shalt  }
0x7c: {  	_ =	shalt  }
0x7d: {  	_ =	shalt  }
0x7e: {  	_ =	shalt  }
0x7f: {  	_ =	shalt  }
0x80: {  	_ =	shalt  }
0x81: {  	_ =	shalt  }
0x82: {  	_ =	shalt  }
0x83: {  	_ =	shalt  }
0x84: {  	_ =	shalt  }
0x85: {  	_ =	shalt  }
0x86: {  	_ =	shalt  }
0x87: {  	_ =	shalt  }
.Lfunc_end0:
.L_simem_size_0:
called_computation.1_lowered:
.L_overlay_start_0:
0x88: {  	s2 =	sld [smem:$0x3FD9]  }
0x89: {  	s3 =	sld [smem:$0x3FFE];
	_ =	sdelay $0x1  }
0x8a: {  	s1 =	srdreg.scid  }
0x8b: {  	s0 =	sand.u32 $0x1, s1  }
0x8c: {  	s15 =	sshll.u32 s0, $0xA;
	s2 =	sadd.s32 s3, s2  }
0x8d: {  	s2 =	sadd.s32 s2, s15  }
0x8e: {  	[smem:$0x3FAD] =	sst s2  }
0x8f: {  	_ = 	snop  }
0x90: {  	s2 =	sld [smem:$0x3FD0];
	_ =	sdelay $0x2  }
0x91: {  	s16 =	simm.s32 $0xB;
	s4 =	simm.s32 $0x10  }
0x92: {  	[smem:s4], [sflag:s16] =	dma.local [hbm:s2], $0x1  }
0x93: {  	_ =	swait.eq [sflag:s16], $0x1  }
0x94: {  	[sflag:s16] =	ssyncset.done $0x0  }
0x95: {  	[sflag:s16] =	ssyncadd.s32 $0xFFFFFFFF  }
0x96: {  	s17 =	sld [smem:$0x12];
	(tm) =	ssettm $0x1  }
0x97: {  	s18 =	sld [smem:$0x3FFB];
	_ =	sdelay $0x3  }
0x98: {  	_ =	strace s18  }
0x99: {  	s2 =	sld [smem:$0x3FFC];
	_ =	sdelay $0x3  }
0x9a: {  	_ =	strace s2  }
0x9b: {  	s2 =	sld [smem:$0x3FFD];
	_ =	sdelay $0x3  }
0x9c: {  	_ =	strace s2  }
0x9d: {  	_ =	strace $0x8FFFFFFF  }
0x9e: {  	s19 =	sld [smem:$0x3FDB];
	_ =	sdelay $0x1  }
0x9f: {  	s20 =	simm.s32 $_scs_section_size  }
0xa0: {  	s5 =	simm.s32 $_size__tile_overlayer_lowered;
	s6 =	simm.s32 $_tile_overlayer_lowered  }
0xa1: {  	s7 =	simm.s32 $0x1BFF;
	s21 =	sshll.u32 s6, $0x1;
	s4 =	sadd.s32 s20, s19  }
0xa2: {  	s22 =	simm.s32 $0x0;
	s5 =	sshll.u32 s5, $0x1;
	s6 =	sadd.s32 s21, s4  }
0xa3: {  	[timem:s22], [sflag:s7] =	dma.local [hbm:s6], s5  }
0xa4: {  	_ =	swait.ge [sflag:s7], s5  }
0xa5: {  	s5 =	ssub.s32 $0x0, s5;
	[sflag:s7] =	ssyncset.done $0x0  }
0xa6: {  	[sflag:s7] =	ssyncadd.s32 s5;
	_ =	sdelay $0x1  }
0xa7: {  	s23 =	simm.s32 $0x1B8B  }
0xa8: {  	_ =	swait.ge [sflag:s23], $0x1  }
0xa9: {  	[sflag:s23] =	ssyncset.done $0x0  }
0xaa: {  	[sflag:s23] =	ssyncadd.s32 $0xFFFFFFFF  }
0xab: {  	s5 =	sld [smem:$0x0]  }
0xac: {  	s6 =	sand.u32 $0xFFFFFFFE, s1  }
0xad: {  	p0 =	sne.s32 s1, s6  }
0xae: {  	s6 =	sshll.u32 @p0 s6, $0xE  }
0xaf: {  	s6 =	sadd.s32 @p0 $0x11B8D, s6;
	s7 =	sshll.u32 @p0 s5, $0x11  }
0xb0: {  	s6 =	sor.u32 @p0 s7, s6  }
0xb1: {  	[sflag:s6] =	ssyncadd.remote.s32 @p0 $0x1;
	_ =	sdelay $0x1  }
0xb2: {  	s6 =	simm.s32 @p0 $0x1B8D  }
0xb3: {  	_ =	swait.eq @p0 [sflag:s6], $0x1  }
0xb4: {  	[sflag:s6] =	ssyncadd.s32 @p0 $0xFFFFFFFF  }
0xb5: {  	s7 =	sshll.u32 @!p0 s1, $0xE  }
0xb6: {  	s7 =	sor.u32 @!p0 $0x4000, s7;
	s6 =	simm.s32 @!p0 $0x1B8D  }
0xb7: {  	s5 =	sshll.u32 @!p0 s5, $0x11;
	s7 =	sadd.s32 @!p0 $0x11B8D, s7;
	_ =	swait.eq @!p0 [sflag:s6], $0x1  }
0xb8: {  	s5 =	sor.u32 @!p0 s5, s7;
	[sflag:s6] =	ssyncadd.s32 @!p0 $0xFFFFFFFF  }
0xb9: {  	s25 =	simm.s32 $0x1B8E;
	s24 =	sld [smem:$0x3FFE];
	[sflag:s5] =	ssyncadd.remote.s32 @!p0 $0x1  }
0xba: {  	s26 =	simm.s32 $execute0_lowered;
	[smem:$0x3FD2] =	sst s25  }
0xbb: {  	s6 =	sshll.u32 s26, $0x1;
	_ =	strace $0x8000004C;
	[dreg:$0x1] =	wrdreg $0xFFFFFFFF  }
0xbc: {  	s28 =	simm.s32 $_size_execute0_lowered;
	s4 =	sadd.s32 s4, s6;
	[dreg:$0x0] =	wrdreg $0x0  }
0xbd: {  	s6 =	sshll.u32 s28, $0x1;
	[dreg:$0x2] =	wrdreg s4  }
0xbe: {  	[dreg:$0x3] =	wrdreg s6  }
0xbf: {  	[dreg:$0x4] =	wrdreg $0xC0  }
0xc0: {  	_ =	task [dreg:s22], $0x5FFFF  }
0xc1: {  	[dreg:$0x1] =	wrdreg $0xFFFFFFFF  }
0xc2: {  	[dreg:$0x0] =	wrdreg $0x60  }
0xc3: {  	[dreg:$0x2] =	wrdreg s24  }
0xc4: {  	[dreg:$0x3] =	wrdreg s17  }
0xc5: {  	[dreg:$0x4] =	wrdreg $0x9  }
0xc6: {  	_ =	task.clear_ibuf [dreg:s22], $0x5FFFF;
	_ =	strace $0x9000004C  }
0xc7: {  	s29 =	simm.s32 $0x9;
	_ =	strace $0x8000004E  }
0xc8: {  	_ =	swait.ge [sflag:s29], $0x1  }
0xc9: {  	[sflag:s29] =	ssyncadd.s32 $0xFFFFFFFF  }
0xca: {  	_ =	strace $0x9000004E  }
0xcb: {  	_ =	sfence  }
0xcc: {  	s30 =	sld [smem:$0x0];
	_ =	sdelay $0x2  }
0xcd: {  	s31 =	sshll.u32 s1, $0xD;
	s1 =	sshrl.u32 s1, $0x2  }
0xce: {  	s4 =	sand.u32 $0x4000, s31;
	s1 =	sadd.s32 s1, s30  }
0xcf: {  	s0 =	sor.u32 s4, s0;
	s1 =	sshll.u32 s1, $0x11  }
0xd0: {  	s0 =	sor.u32 s1, s0  }
0xd1: {  	s0 =	sadd.s32 $0x8F2B, s0  }
0xd2: {  	[sflag:s0] =	ssyncadd.remote.s32 $0x1  }
0xd3: {  	_ =	sfence.sel $0xFFFF  }
0xd4: {  	[dreg:$0x0] =	wrdreg $0xFFFFFFFF;
	(pc) =	sbr.abs _section_cstart, $3  }
0xd5: {  	[dreg:$0x1] =	wrdreg $0xFFFFFFFF  }
0xd6: {  	_ =	task.clear_ibuf [dreg:s22], $0x2FFFF;
	_ =	strace $0x9FFFFFFF  }
0xd7: {  	(tm) =	ssettm $0x7FFFFFFF  }
tec
execute0_lowered:
.L_overlay_start_1:
0x0: {  	(tag) =	ssettag $0x1  }
0x1: {  	s1 =	srdreg.scid;
	s0 =	stileid.u32  }
0x2: {  	s5 =	rddreg [dreg:$0x0];
	s6 =	sand.u32 $0x1, s1;
	s30 =	sshll.u32 s0, $0x1  }
0x3: {  	s8 =	rddreg [dreg:$0x1];
	s2 =	simm.s32 $0x0;
	s9 =	sor.u32 s6, s30  }
0x4: {  	[smem:$0x7FF] =	sst s2;
	s3 =	sshll.u32 s9, $0x4  }
0x5: {  	s1 =	rddreg [dreg:$0x2];
	_ =	strace $0x8000004D;
	s3 =	sadd.s32 s3, s5  }
0x6: {  	s10 =	ssub.s32 $0x2, s6;
	s4 =	sadd.s32 $0x2E00, s3;
	s3 =	simm.s32 $0x2  }
0x7: {  	[tilespmem:s2], [sflag:$0x2] =	stream.linear.gather [hbm4b:s4+s2], $0x80, $0x38;
	[tilespmem:$0x4080] =	vst v63  }
0x8: {  	s7 =	simm.s32 $0x1;
	s11 =	sshrl.u32 s10, $0x1;
	_ =	swait.ge [sflag:s3], $0x80  }
0x9: {  	s6 =	simm.s32 $0x80;
	s10 =	ssub.s32 s10, s11;
	[sflag:s3] =	ssyncset.done $0x0  }
0xa: {  	s5 =	sadd.s32 $0x3000, s5;
	s31 =	smax.u32 s10, $0x1;
	[sflag:s3] =	ssyncadd.s32 $0xFFFFFF80  }
0xb: {  	[tilespmem:s6], [sflag:$0x1] =	stream.indirect.gather [hbm4b:s5+s6], $0x80, s2, s6, $0xb8;
	[tilespmem:$0x4080] =	vst v63  }
0xc: {  	p0 =	sne.s32 s31, $0x1;
	_ =	swait.ge [sflag:s7], $0x4000  }
.Ltmp0:
0xd: {  	s9 =	sshll.u32 s9, $0xB;
	[sflag:s7] =	ssyncset.done $0x0;
	(pc) =	sbr.rel @!p0 .LBB2_2-.Ltmp0, $4  }
0xe: {  	s8 =	sadd.s32 s8, s9;
	[sflag:s7] =	ssyncadd.s32 $0xFFFFC000  }
0xf: {  	[hbm4b:s8+s2] =	stream.linear.scatter [tilespmem:s6], [sflag:$0x2], $0x4000, $0x38;
	[tilespmem:$0x4080] =	vst v63  }
0x10: {  	_ =	swait.ge [sflag:s3], $0x4000  }
0x11: {  	s9 =	sadd.s32 $0xFFFFFFFF, s31;
	[sflag:s3] =	ssyncset.done $0x0  }
.LBB2_1:
0x12: {  	p0 =	sne.s32 s9, $0x1;
	s9 =	sadd.s32 $0xFFFFFFFF, s9;
	[sflag:s3] =	ssyncadd.s32 $0xFFFFC000  }
0x13: {  	[tilespmem:s2], [sflag:$0x2] =	stream.linear.gather [hbm4b:s4+s2], $0x80, $0x38;
	[tilespmem:$0x4080] =	vst v63  }
0x14: {  	_ =	swait.ge [sflag:s3], $0x80  }
0x15: {  	[sflag:s3] =	ssyncset.done $0x0  }
0x16: {  	[sflag:s3] =	ssyncadd.s32 $0xFFFFFF80  }
0x17: {  	[tilespmem:s6], [sflag:$0x1] =	stream.indirect.gather [hbm4b:s5+s6], $0x80, s2, s6, $0xb8;
	[tilespmem:$0x4080] =	vst v63  }
0x18: {  	_ =	swait.ge [sflag:s7], $0x4000  }
.Ltmp1:
0x19: {  	[sflag:s7] =	ssyncset.done $0x0;
	(pc) =	sbr.rel @p0 .LBB2_1-.Ltmp1, $4  }
0x1a: {  	[sflag:s7] =	ssyncadd.s32 $0xFFFFC000  }
0x1b: {  	[hbm4b:s8+s2] =	stream.linear.scatter [tilespmem:s6], [sflag:$0x2], $0x4000, $0x38;
	[tilespmem:$0x4080] =	vst v63  }
0x1c: {  	_ =	swait.ge [sflag:s3], $0x4000  }
0x1d: {  	[sflag:s3] =	ssyncset.done $0x0  }
.LBB2_2:
0x1e: {  	[sflag:s3] =	ssyncadd.s32 $0xFFFFC000  }
0x1f: {  	_ =	sfence.sel $0x180000  }
0x20: {  	[bflag:$0x0] =	sbarrier.arrive $0xFFFF  }
0x21: {  	p0 =	sne.s32 s0, $0x0;
	_ =	strace $0x9000004D  }
0x22: {  	s0 =	sadd.s32 @!p0 $0x100000, s1;
	[bflag:$0x2] =	sbarrier.arrive $0xFFFF  }
0x23: {  	[sflag:s0] =	ssyncadd.tile.s32 @!p0 $0x1;
	_ =	shalt  }
.Lfunc_end2:
_tile_overlayer_lowered:
.L_overlay_start_2:
0x24: {  	(tag) =	ssettag $0x2  }
0x25: {  	s0 =	rddreg [dreg:$0x0];
	s2 =	stileid.u32  }
0x26: {  	s1 =	rddreg [dreg:$0x1];
	p0 =	sne.s32 s2, $0x0  }
0x27: {  	s3 =	rddreg [dreg:$0x2];
	[bflag:$0x3] =	sbarrier.arrive $0xFFFF;
	s2 =	simm.s32 @!p0 $0x1C02  }
0x28: {  	[timem:s3], [sflag:s2] =	dma.local @!p0 [hbm:s0], s1  }
0x29: {  	s0 =	simm.s32 @!p0 $0x2  }
0x2a: {  	_ =	swait.ge @!p0 [sflag:s0], s1  }
0x2b: {  	s1 =	ssub.s32 @!p0 $0x0, s1;
	[sflag:s0] =	ssyncset.done @!p0 $0x0  }
0x2c: {  	[sflag:s0] =	ssyncadd.s32 @!p0 s1  }
0x2d: {  	[bflag:$0x3] =	sbarrier.arrive $0xFFFF  }
0x2e: {  	_ =	shalt  }

// kernel: kernel.19.cloned.1.call-start
scs
__scs_entry_jumppad:
0x0: {  	(pc) =	sbr.rel $0x88, $3  }
0x1: {  	(tag) =	ssettag $0x0;
	lr =	simm.s32 $0x1  }
0x2: {  	[smem:$0x3F86] =	sst lr;
	_ =	strace $0xD0000000  }
0x3: {  	_ = 	snop  }
0x4: {  	_ = 	snop  }
0x5: {  	_ = 	snop  }
0x6: {  	_ = 	snop  }
0x7: {  	_ = 	snop  }
__scs_overlays_trampoline_lowered:
0x8: {  	[smem:$0x3F95] =	sst s0  }
0x9: {  	[smem:$0x3F96] =	sst s1  }
0xa: {  	[smem:$0x3F97] =	sst s2  }
0xb: {  	[smem:$0x3F98] =	sst s3  }
0xc: {  	[smem:$0x3F99] =	sst s4  }
0xd: {  	[smem:$0x3F9A] =	sst s5  }
0xe: {  	[smem:$0x3F9B] =	sst s6  }
0xf: {  	[smem:$0x3F9C] =	sst s7  }
0x10: {  	[smem:$0x3F9D] =	sst s8  }
0x11: {  	[smem:$0x3F9E] =	sst s9;
	s0 =	simm.s32 @!p0 $0x0  }
0x12: {  	s1 =	sld [smem:$0x3F84];
	s0 =	simm.s32 @p0 $0x1  }
0x13: {  	[smem:$0x3F9F] =	sst s0;
	s0 =	simm.s32 @!p1 $0x0  }
0x14: {  	s2 =	sld [smem:$0x3F83];
	s0 =	simm.s32 @p1 $0x1  }
0x15: {  	[smem:$0x3FA0] =	sst s0;
	s0 =	simm.s32 @!p2 $0x0  }
0x16: {  	s3 =	sld [smem:$0x3FDB];
	s0 =	simm.s32 @p2 $0x1  }
0x17: {  	s4 =	simm.s32 $0x1BF5;
	[smem:$0x3FA2] =	sst s0  }
0x18: {  	s0 =	sld [smem:$0x3F85];
	_ =	swait.ge [sflag:s4], $0x0  }
0x19: {  	s7 =	sld [smem:$0x3F86]  }
0x1a: {  	s8 =	sadd.s32 $0xFFFFE003, lr  }
0x1b: {  	s9 =	sadd.s32 $0xFFFFFEF7, lr;
	s5 =	simm.s32 $0xFFFFFFFF;
	p2 =	slt.u32 s8, $0xFFFFF086  }
0x1c: {  	p1 =	slt.u32 s9, $0xF7A;
	s5 =	simm.s32 @!p2 $0x0  }
0x1d: {  	s5 =	simm.s32 @p1 $0x1;
	p0 =	seq.s32 s7, s2  }
0x1e: {  	s7 =	smul.u32 @!p0 $0xF7A, s2;
	p2 =	seq.s32 @!p0 s5, $0x0  }
0x1f: {  	s9 =	smul.u32 $0xF7A, s1;
	s8 =	simm.s32 @!p0 $0x1BF5;
	p2 =	por !p2, p0  }
0x20: {  	[sflag:s8] =	ssyncset.s32 @!p0 $0xFFFFF086;
	s6 =	sadd.s32 @!p0 s3, s7;
	s7 =	simm.s32 @!p0 $0x108  }
0x21: {  	s3 =	sadd.s32 s3, s9;
	s6 =	sadd.s32 @!p0 $0x88, s6;
	s7 =	simm.s32 @p2 $0x1082  }
0x22: {  	[simem:s7], [sflag:s8] =	dma.local @!p0 [hbm:s6], $0xF7A  }
0x23: {  	s9 =	sor.u32 $0xD0000000, s2;
	s6 =	simm.s32 $0x108;
	_ =	swait.ge @!p0 [sflag:s8], $0x0  }
0x24: {  	s3 =	sadd.s32 $0x88, s3;
	s6 =	simm.s32 @!p1 $0x1082;
	[sflag:s4] =	ssyncset.s32 $0xFFFFF086  }
0x25: {  	[simem:s6], [sflag:s4] =	dma.local [hbm:s3], $0xF7A  }
0x26: {  	[smem:$0x3F86] =	sst s1;
	(tag) =	ssettag s2;
	_ =	strace s9  }
0x27: {  	s1 =	sld [smem:$0x3F96]  }
0x28: {  	s2 =	sld [smem:$0x3F97]  }
0x29: {  	s4 =	sld [smem:$0x3F99]  }
0x2a: {  	p0 =	seq.s32 s5, $0x0;
	s5 =	sld [smem:$0x3F9A]  }
0x2b: {  	s6 =	sld [smem:$0x3F9B]  }
0x2c: {  	s7 =	sld [smem:$0x3F9C]  }
0x2d: {  	s3 =	simm.s32 $0x108;
	s8 =	sld [smem:$0x3F9D]  }
0x2e: {  	s3 =	simm.s32 @!p0 $0x1082;
	s9 =	sld [smem:$0x3F9E]  }
0x2f: {  	lr =	sadd.s32 s0, s3;
	s0 =	sld [smem:$0x3F95]  }
0x30: {  	s3 =	sld [smem:$0x3F98]  }
0x31: {  	[smem:$0x3FA1] =	sst s10  }
0x32: {  	s10 =	sld [smem:$0x3F9F];
	_ =	sdelay $0x3  }
0x33: {  	p0 =	seq.s32 s10, $0x1;
	s10 =	sld [smem:$0x3FA1];
	_ =	sdelay $0x3  }
0x34: {  	[smem:$0x3FA1] =	sst s10  }
0x35: {  	s10 =	sld [smem:$0x3FA0];
	_ =	sdelay $0x3  }
0x36: {  	p1 =	seq.s32 s10, $0x1;
	s10 =	sld [smem:$0x3FA1];
	_ =	sdelay $0x3  }
0x37: {  	[smem:$0x3FA1] =	sst s10  }
0x38: {  	s10 =	sld [smem:$0x3FA2]  }
0x39: {  	_ = 	snop;
	(pc) =	sbr.ind lr, $3  }
0x3a: {  	_ = 	snop  }
0x3b: {  	_ = 	snop  }
0x3c: {  	p2 =	seq.s32 s10, $0x1;
	s10 =	sld [smem:$0x3FA1]  }
0x3d: {  	_ =	shalt  }
0x3e: {  	_ =	shalt  }
0x3f: {  	_ =	shalt  }
0x40: {  	_ =	shalt  }
0x41: {  	_ =	shalt  }
0x42: {  	_ =	shalt  }
0x43: {  	_ =	shalt  }
0x44: {  	_ =	shalt  }
0x45: {  	_ =	shalt  }
0x46: {  	_ =	shalt  }
0x47: {  	_ =	shalt  }
0x48: {  	_ =	shalt  }
0x49: {  	_ =	shalt  }
0x4a: {  	_ =	shalt  }
0x4b: {  	_ =	shalt  }
0x4c: {  	_ =	shalt  }
0x4d: {  	_ =	shalt  }
0x4e: {  	_ =	shalt  }
0x4f: {  	_ =	shalt  }
0x50: {  	_ =	shalt  }
0x51: {  	_ =	shalt  }
0x52: {  	_ =	shalt  }
0x53: {  	_ =	shalt  }
0x54: {  	_ =	shalt  }
0x55: {  	_ =	shalt  }
0x56: {  	_ =	shalt  }
0x57: {  	_ =	shalt  }
0x58: {  	_ =	shalt  }
0x59: {  	_ =	shalt  }
0x5a: {  	_ =	shalt  }
0x5b: {  	_ =	shalt  }
0x5c: {  	_ =	shalt  }
0x5d: {  	_ =	shalt  }
0x5e: {  	_ =	shalt  }
0x5f: {  	_ =	shalt  }
0x60: {  	_ =	shalt  }
0x61: {  	_ =	shalt  }
0x62: {  	_ =	shalt  }
0x63: {  	_ =	shalt  }
0x64: {  	_ =	shalt  }
0x65: {  	_ =	shalt  }
0x66: {  	_ =	shalt  }
0x67: {  	_ =	shalt  }
0x68: {  	_ =	shalt  }
0x69: {  	_ =	shalt  }
0x6a: {  	_ =	shalt  }
0x6b: {  	_ =	shalt  }
0x6c: {  	_ =	shalt  }
0x6d: {  	_ =	shalt  }
0x6e: {  	_ =	shalt  }
0x6f: {  	_ =	shalt  }
0x70: {  	_ =	shalt  }
0x71: {  	_ =	shalt  }
0x72: {  	_ =	shalt  }
0x73: {  	_ =	shalt  }
0x74: {  	_ =	shalt  }
0x75: {  	_ =	shalt  }
0x76: {  	_ =	shalt  }
0x77: {  	_ =	shalt  }
0x78: {  	_ =	shalt  }
0x79: {  	_ =	shalt  }
0x7a: {  	_ =	shalt  }
0x7b: {  	_ =	shalt  }
0x7c: {  	_ =	shalt  }
0x7d: {  	_ =	shalt  }
0x7e: {  	_ =	shalt  }
0x7f: {  	_ =	shalt  }
0x80: {  	_ =	shalt  }
0x81: {  	_ =	shalt  }
0x82: {  	_ =	shalt  }
0x83: {  	_ =	shalt  }
0x84: {  	_ =	shalt  }
0x85: {  	_ =	shalt  }
0x86: {  	_ =	shalt  }
0x87: {  	_ =	shalt  }
.Lfunc_end0:
.L_simem_size_0:
called_computation.2_lowered:
.L_overlay_start_0:
0x88: {  	s2 =	sld [smem:$0x3FD9]  }
0x89: {  	s3 =	sld [smem:$0x3FFE];
	_ =	sdelay $0x1  }
0x8a: {  	s1 =	srdreg.scid  }
0x8b: {  	s0 =	sand.u32 $0x1, s1  }
0x8c: {  	s14 =	sshll.u32 s0, $0xA;
	s2 =	sadd.s32 s3, s2  }
0x8d: {  	s2 =	sadd.s32 s2, s14  }
0x8e: {  	[smem:$0x3FAD] =	sst s2  }
0x8f: {  	_ = 	snop  }
0x90: {  	s2 =	sld [smem:$0x3FD0];
	_ =	sdelay $0x2  }
0x91: {  	s15 =	simm.s32 $0xB;
	s4 =	simm.s32 $0x10  }
0x92: {  	[smem:s4], [sflag:s15] =	dma.local [hbm:s2], $0x1  }
0x93: {  	_ =	swait.eq [sflag:s15], $0x1  }
0x94: {  	[sflag:s15] =	ssyncset.done $0x0  }
0x95: {  	[sflag:s15] =	ssyncadd.s32 $0xFFFFFFFF  }
0x96: {  	s16 =	sld [smem:$0x13];
	(tm) =	ssettm $0x1  }
0x97: {  	s17 =	sld [smem:$0x3FFB];
	_ =	sdelay $0x3  }
0x98: {  	_ =	strace s17  }
0x99: {  	s3 =	sld [smem:$0x3FFC];
	_ =	sdelay $0x3  }
0x9a: {  	_ =	strace s3  }
0x9b: {  	s3 =	sld [smem:$0x3FFD];
	_ =	sdelay $0x3  }
0x9c: {  	_ =	strace s3  }
0x9d: {  	_ =	strace $0x8FFFFFFF  }
0x9e: {  	s18 =	sld [smem:$0x3FDB];
	_ =	sdelay $0x1  }
0x9f: {  	s19 =	simm.s32 $_scs_section_size  }
0xa0: {  	s5 =	simm.s32 $_size__tile_overlayer_lowered;
	s6 =	simm.s32 $_tile_overlayer_lowered  }
0xa1: {  	s22 =	simm.s32 $0x1BFF;
	s21 =	sshll.u32 s6, $0x1;
	s3 =	sadd.s32 s19, s18  }
0xa2: {  	s7 =	simm.s32 $0x0;
	s20 =	sshll.u32 s5, $0x1;
	s5 =	sadd.s32 s21, s3  }
0xa3: {  	[timem:s7], [sflag:s22] =	dma.local [hbm:s5], s20  }
0xa4: {  	_ =	swait.ge [sflag:s22], s20  }
0xa5: {  	s4 =	ssub.s32 $0x0, s20;
	[sflag:s22] =	ssyncset.done $0x0  }
0xa6: {  	[sflag:s22] =	ssyncadd.s32 s4;
	_ =	sdelay $0x1  }
0xa7: {  	s23 =	simm.s32 $0x1B8B  }
0xa8: {  	_ =	swait.ge [sflag:s23], $0x1  }
0xa9: {  	[sflag:s23] =	ssyncset.done $0x0  }
0xaa: {  	s25 =	simm.s32 $0x1B8E;
	s24 =	sld [smem:$0x3FFE];
	[sflag:s23] =	ssyncadd.s32 $0xFFFFFFFF  }
0xab: {  	s26 =	simm.s32 $execute0_lowered;
	[smem:$0x3FD2] =	sst s25  }
0xac: {  	s5 =	sshll.u32 s26, $0x1;
	_ =	strace $0x80000049;
	[dreg:$0x1] =	wrdreg $0xFFFFFFFF  }
0xad: {  	s28 =	simm.s32 $_size_execute0_lowered;
	s3 =	sadd.s32 s3, s5;
	[dreg:$0x0] =	wrdreg $0x0  }
0xae: {  	s5 =	sshll.u32 s28, $0x1;
	[dreg:$0x2] =	wrdreg s3  }
0xaf: {  	[dreg:$0x3] =	wrdreg s5  }
0xb0: {  	[dreg:$0x4] =	wrdreg $0xC0  }
0xb1: {  	_ =	task [dreg:s7], $0x5FFFF  }
0xb2: {  	[dreg:$0x1] =	wrdreg $0xFFFFFFFF  }
0xb3: {  	[dreg:$0x0] =	wrdreg $0x60  }
0xb4: {  	[dreg:$0x2] =	wrdreg s24  }
0xb5: {  	[dreg:$0x3] =	wrdreg s16  }
0xb6: {  	[dreg:$0x4] =	wrdreg $0xA  }
0xb7: {  	_ =	task.clear_ibuf [dreg:s7], $0x5FFFF;
	_ =	strace $0x90000049  }
0xb8: {  	s29 =	simm.s32 $0xA;
	_ =	strace $0x8000004B  }
0xb9: {  	_ =	swait.ge [sflag:s29], $0x1  }
0xba: {  	[sflag:s29] =	ssyncadd.s32 $0xFFFFFFFF  }
0xbb: {  	_ =	strace $0x9000004B  }
0xbc: {  	_ =	sfence  }
0xbd: {  	s30 =	sld [smem:$0x0];
	_ =	sdelay $0x2  }
0xbe: {  	s31 =	sshll.u32 s1, $0xD;
	s1 =	sshrl.u32 s1, $0x2  }
0xbf: {  	s3 =	sand.u32 $0x4000, s31;
	s1 =	sadd.s32 s1, s30  }
0xc0: {  	s0 =	sor.u32 s3, s0;
	s1 =	sshll.u32 s1, $0x11  }
0xc1: {  	s0 =	sor.u32 s1, s0  }
0xc2: {  	s0 =	sadd.s32 $0x8F2B, s0  }
0xc3: {  	[sflag:s0] =	ssyncadd.remote.s32 $0x1  }
0xc4: {  	_ =	sfence.sel $0xFFFF  }
0xc5: {  	[dreg:$0x0] =	wrdreg $0xFFFFFFFF;
	(pc) =	sbr.abs _section_cstart, $3  }
0xc6: {  	[dreg:$0x1] =	wrdreg $0xFFFFFFFF  }
0xc7: {  	_ =	task.clear_ibuf [dreg:s7], $0x2FFFF;
	_ =	strace $0x9FFFFFFF  }
0xc8: {  	(tm) =	ssettm $0x7FFFFFFF  }
0xc9: {  	_ =	shalt  }
tec
execute0_lowered:
.L_overlay_start_1:
0x0: {  	(tag) =	ssettag $0x1  }
0x1: {  	s1 =	srdreg.scid;
	s0 =	stileid.u32  }
0x2: {  	s5 =	rddreg [dreg:$0x0];
	s6 =	sand.u32 $0x1, s1;
	s30 =	sshll.u32 s0, $0x1  }
0x3: {  	s8 =	rddreg [dreg:$0x1];
	s2 =	simm.s32 $0x0;
	s9 =	sor.u32 s6, s30  }
0x4: {  	[smem:$0x7FF] =	sst s2;
	s3 =	sshll.u32 s9, $0x4  }
0x5: {  	s1 =	rddreg [dreg:$0x2];
	_ =	strace $0x8000004A;
	s3 =	sadd.s32 s3, s5  }
0x6: {  	s10 =	ssub.s32 $0x2, s6;
	s4 =	sadd.s32 $0x2E00, s3;
	s3 =	simm.s32 $0x2  }
0x7: {  	[tilespmem:s2], [sflag:$0x2] =	stream.linear.gather [hbm4b:s4+s2], $0x80, $0x38;
	[tilespmem:$0x4080] =	vst v63  }
0x8: {  	s7 =	simm.s32 $0x1;
	s11 =	sshrl.u32 s10, $0x1;
	_ =	swait.ge [sflag:s3], $0x80  }
0x9: {  	s6 =	simm.s32 $0x80;
	s10 =	ssub.s32 s10, s11;
	[sflag:s3] =	ssyncset.done $0x0  }
0xa: {  	s5 =	sadd.s32 $0x13000, s5;
	s31 =	smax.u32 s10, $0x1;
	[sflag:s3] =	ssyncadd.s32 $0xFFFFFF80  }
0xb: {  	[tilespmem:s6], [sflag:$0x1] =	stream.indirect.gather [hbm4b:s5+s6], $0x80, s2, s6, $0xb8;
	[tilespmem:$0x4080] =	vst v63  }
0xc: {  	p0 =	sne.s32 s31, $0x1;
	_ =	swait.ge [sflag:s7], $0x4000  }
.Ltmp0:
0xd: {  	s9 =	sshll.u32 s9, $0xB;
	[sflag:s7] =	ssyncset.done $0x0;
	(pc) =	sbr.rel @!p0 .LBB2_2-.Ltmp0, $4  }
0xe: {  	s8 =	sadd.s32 s8, s9;
	[sflag:s7] =	ssyncadd.s32 $0xFFFFC000  }
0xf: {  	[hbm4b:s8+s2] =	stream.linear.scatter [tilespmem:s6], [sflag:$0x2], $0x4000, $0x38;
	[tilespmem:$0x4080] =	vst v63  }
0x10: {  	_ =	swait.ge [sflag:s3], $0x4000  }
0x11: {  	s9 =	sadd.s32 $0xFFFFFFFF, s31;
	[sflag:s3] =	ssyncset.done $0x0  }
.LBB2_1:
0x12: {  	p0 =	sne.s32 s9, $0x1;
	s9 =	sadd.s32 $0xFFFFFFFF, s9;
	[sflag:s3] =	ssyncadd.s32 $0xFFFFC000  }
0x13: {  	[tilespmem:s2], [sflag:$0x2] =	stream.linear.gather [hbm4b:s4+s2], $0x80, $0x38;
	[tilespmem:$0x4080] =	vst v63  }
0x14: {  	_ =	swait.ge [sflag:s3], $0x80  }
0x15: {  	[sflag:s3] =	ssyncset.done $0x0  }
0x16: {  	[sflag:s3] =	ssyncadd.s32 $0xFFFFFF80  }
0x17: {  	[tilespmem:s6], [sflag:$0x1] =	stream.indirect.gather [hbm4b:s5+s6], $0x80, s2, s6, $0xb8;
	[tilespmem:$0x4080] =	vst v63  }
0x18: {  	_ =	swait.ge [sflag:s7], $0x4000  }
.Ltmp1:
0x19: {  	[sflag:s7] =	ssyncset.done $0x0;
	(pc) =	sbr.rel @p0 .LBB2_1-.Ltmp1, $4  }
0x1a: {  	[sflag:s7] =	ssyncadd.s32 $0xFFFFC000  }
0x1b: {  	[hbm4b:s8+s2] =	stream.linear.scatter [tilespmem:s6], [sflag:$0x2], $0x4000, $0x38;
	[tilespmem:$0x4080] =	vst v63  }
0x1c: {  	_ =	swait.ge [sflag:s3], $0x4000  }
0x1d: {  	[sflag:s3] =	ssyncset.done $0x0  }
.LBB2_2:
0x1e: {  	[sflag:s3] =	ssyncadd.s32 $0xFFFFC000  }
0x1f: {  	_ =	sfence.sel $0x180000  }
0x20: {  	[bflag:$0x0] =	sbarrier.arrive $0xFFFF  }
0x21: {  	p0 =	sne.s32 s0, $0x0;
	_ =	strace $0x9000004A  }
0x22: {  	s0 =	sadd.s32 @!p0 $0x100000, s1;
	[bflag:$0x2] =	sbarrier.arrive $0xFFFF  }
0x23: {  	[sflag:s0] =	ssyncadd.tile.s32 @!p0 $0x1;
	_ =	shalt  }
.Lfunc_end2:
_tile_overlayer_lowered:
.L_overlay_start_2:
0x24: {  	(tag) =	ssettag $0x2  }
0x25: {  	s0 =	rddreg [dreg:$0x0];
	s2 =	stileid.u32  }
0x26: {  	s1 =	rddreg [dreg:$0x1];
	p0 =	sne.s32 s2, $0x0  }
0x27: {  	s3 =	rddreg [dreg:$0x2];
	[bflag:$0x3] =	sbarrier.arrive $0xFFFF;
	s2 =	simm.s32 @!p0 $0x1C02  }
0x28: {  	[timem:s3], [sflag:s2] =	dma.local @!p0 [hbm:s0], s1  }
0x29: {  	s0 =	simm.s32 @!p0 $0x2  }
0x2a: {  	_ =	swait.ge @!p0 [sflag:s0], s1  }
0x2b: {  	s1 =	ssub.s32 @!p0 $0x0, s1;
	[sflag:s0] =	ssyncset.done @!p0 $0x0  }
0x2c: {  	[sflag:s0] =	ssyncadd.s32 @!p0 s1  }
0x2d: {  	[bflag:$0x3] =	sbarrier.arrive $0xFFFF  }
0x2e: {  	_ =	shalt  }

</sc_bundles>
